<compile_context>
chip_gen: v7x
topology: tpu7x:2x2x1
jax: 0.10.2.dev20260603
libtpu: 0.0.44.dev20260713+nightly
codegen_flags: <defaults>
</compile_context>

<pallas_src>
import functools

import jax
import jax.numpy as jnp
from jax import lax
from jax.experimental import pallas as pl
from jax.experimental.pallas import tpu as pltpu
from jax.experimental.pallas import tpu_sc as plsc

_B, _H, _W = 16384, 64, 64
_HW = _H * _W
_NC, _NS, _L = 2, 16, 16
_NW = _NC * _NS
_CPT = _B // _NW
_NCHUNK = _CPT // _L
_GCH = 128
_NG = _CPT // _GCH

_ENCODE_BLOCK = 1.0
_ENCODE_TARGET = 2.0
_ENCODE_START_STEP_IDX = 10.0

_RBS = 64


def _sc_body(fovT, aidx, py, px, dy, dx,
             cy_o, cx_o, sidx_o, mask_o,
             aidx_v, py_v, px_v, dy_v, dx_v, ny_v, nx_v, cidx_v, rows_v,
             cy_v, cx_v, sidx_v, mask_v, sem):
    wid = lax.axis_index("s") * _NC + lax.axis_index("c")
    base = wid * _CPT
    pltpu.sync_copy(aidx.at[pl.ds(base, _CPT)], aidx_v)
    pltpu.sync_copy(py.at[pl.ds(base, _CPT)], py_v)
    pltpu.sync_copy(px.at[pl.ds(base, _CPT)], px_v)
    pltpu.sync_copy(dy, dy_v)
    pltpu.sync_copy(dx, dx_v)
    lane = lax.iota(jnp.int32, _L)
    for i in range(_NCHUNK):
        sl = pl.ds(i * _L, _L)
        a = aidx_v[sl]
        ay = plsc.load_gather(dy_v, [a])
        ax = plsc.load_gather(dx_v, [a])
        ny = jnp.clip(py_v[sl] + ay, 0, _H - 1)
        nx = jnp.clip(px_v[sl] + ax, 0, _W - 1)
        cidx_v[sl] = ny * _W + nx
        ny_v[sl] = ny
        nx_v[sl] = nx
    descs = []
    for g in range(_NG):
        b0 = pl.multiple_of(base + g * _GCH, _GCH)
        descs.append(pltpu.async_copy(
            fovT.at[cidx_v.at[pl.ds(g * _GCH, _GCH)], pl.ds(b0, _GCH)],
            rows_v.at[g], sem))
    for d in descs:
        d.wait()
    for i in range(_NCHUNK):
        sl = pl.ds(i * _L, _L)
        g16 = jnp.full((_L,), i // 8, jnp.int32)
        r = (i % 8) * _L + lane
        vals = plsc.load_gather(rows_v, [g16, r, r])
        blocked = vals == jnp.float32(_ENCODE_BLOCK)
        target = vals == jnp.float32(_ENCODE_TARGET)
        cy = jnp.where(blocked, py_v[sl], ny_v[sl])
        cx = jnp.where(blocked, px_v[sl], nx_v[sl])
        cy_v[sl] = cy
        cx_v[sl] = cx
        sidx_v[sl] = cy * _W + cx
        mask_v[sl] = jnp.where(target, jnp.int32(1), jnp.int32(0))
    pltpu.sync_copy(cy_v, cy_o.at[pl.ds(base, _CPT)])
    pltpu.sync_copy(cx_v, cx_o.at[pl.ds(base, _CPT)])
    pltpu.sync_copy(sidx_v, sidx_o.at[pl.ds(base, _CPT)])
    pltpu.sync_copy(mask_v, mask_o.at[pl.ds(base, _CPT)])


@functools.cache
def _make_sc_call():
  return functools.partial(
    pl.kernel,
    mesh=plsc.VectorSubcoreMesh(core_axis_name="c", subcore_axis_name="s"),
    compiler_params=pltpu.CompilerParams(needs_layout_passes=False),
    out_type=[jax.ShapeDtypeStruct((_B,), jnp.int32) for _ in range(4)],
    scratch_types=[
        pltpu.VMEM((_CPT,), jnp.int32),
        pltpu.VMEM((_CPT,), jnp.int32),
        pltpu.VMEM((_CPT,), jnp.int32),
        pltpu.VMEM((_L,), jnp.int32),
        pltpu.VMEM((_L,), jnp.int32),
        pltpu.VMEM((_CPT,), jnp.int32),
        pltpu.VMEM((_CPT,), jnp.int32),
        pltpu.VMEM((_CPT,), jnp.int32),
        pltpu.VMEM((_NG, _GCH, _GCH), jnp.float32),
        pltpu.VMEM((_CPT,), jnp.int32),
        pltpu.VMEM((_CPT,), jnp.int32),
        pltpu.VMEM((_CPT,), jnp.int32),
        pltpu.VMEM((_CPT,), jnp.int32),
        pltpu.SemaphoreType.DMA,
    ],
  )(_sc_body)


def _tc_body(sidx_ref, marker_ref, fov_ref, out_ref):
    ids = sidx_ref[...]
    rowid = (lax.broadcasted_iota(jnp.int32, (_RBS, _B), 0)
             + pl.program_id(0) * _RBS)
    out_ref[...] = jnp.where(rowid == ids, marker_ref[0, 0], fov_ref[...])


def kernel(fov, batch_logit_prob, batch_top_k_prob, batch_action_idx,
           agent_current_pos, possible_actions, step):
    fovT = fov.transpose(1, 2, 0).reshape(_HW, _B)
    aidx = batch_action_idx.reshape(_B)
    py = agent_current_pos[:, 0]
    px = agent_current_pos[:, 1]
    dy16 = jnp.zeros((_L,), jnp.int32).at[:9].set(possible_actions[:, 0])
    dx16 = jnp.zeros((_L,), jnp.int32).at[:9].set(possible_actions[:, 1])

    cy, cx, sidx, mask_i32 = _make_sc_call()(fovT, aidx, py, px, dy16, dx16)

    marker = (jnp.float32(_ENCODE_START_STEP_IDX)
              + jnp.asarray(step, jnp.float32)).reshape(1, 1)
    outT = pl.pallas_call(
        _tc_body,
        grid=(_HW // _RBS,),
        in_specs=[
            pl.BlockSpec((1, _B), lambda i: (0, 0)),
            pl.BlockSpec(memory_space=pltpu.SMEM),
            pl.BlockSpec((_RBS, _B), lambda i: (i, 0)),
        ],
        out_specs=pl.BlockSpec((_RBS, _B), lambda i: (i, 0)),
        out_shape=jax.ShapeDtypeStruct((_HW, _B), jnp.float32),
    )(sidx.reshape(1, _B), marker, fovT)
    new_fov = outT.reshape(_H, _W, _B).transpose(2, 0, 1)

    new_cur_pos = jnp.stack([cy, cx], axis=1)
    at_target = mask_i32.astype(jnp.bool_)
    return (new_fov, new_cur_pos, at_target,
            batch_action_idx, batch_logit_prob, batch_top_k_prob)

# --- scband reference (transcript-rebuilt; emitter-appended) ---
"""Pipeline reference for scband-rldata-record-53841710022890 (READ-ONLY COPY).

The authoritative reference and input builder live on the scoring server;
editing this copy changes nothing except your own understanding.
"""

import jax, jax.numpy as jnp
import numpy as np

B = 16384
H = 64
W = 64
NUM_ACTIONS = 9
ENCODE_BLOCK = 1.0
ENCODE_TARGET_POS = 2.0
ENCODE_START_STEP_IDX = 10.0
WORLD_MIN_Y = 0
WORLD_MAX_Y = 64
WORLD_MIN_X = 0
WORLD_MAX_X = 64


def setup_inputs(seed: int = 0) -> dict:
    key = jax.random.key(seed)
    k1, k2, k3, k4, k5 = jax.random.split(key, 5)
    # fov grid encodes 0=free, 1=block, 2=target per cell
    fov = jax.random.randint(k1, (B, H, W), 0, 3).astype(jnp.float32)
    batch_action_idx = jax.random.randint(k2, (B, 1), 0, NUM_ACTIONS)
    batch_logit_prob = jax.random.uniform(k3, (B, 1), dtype=jnp.float32)
    batch_top_k_prob = jax.random.uniform(k4, (B, 1), dtype=jnp.float32)
    agent_current_pos = jax.random.randint(k5, (B, 2), 0, 64)
    acts = np.array([[dy, dx] for dy in (-1, 0, 1) for dx in (-1, 0, 1)], dtype=np.int32)
    possible_actions = jnp.asarray(acts)
    step = 3
    return {
        'fov': fov,
        'batch_logit_prob': batch_logit_prob,
        'batch_top_k_prob': batch_top_k_prob,
        'batch_action_idx': batch_action_idx,
        'agent_current_pos': agent_current_pos,
        'possible_actions': possible_actions,
        'step': step,
    }


def reference(fov, batch_logit_prob, batch_top_k_prob, batch_action_idx, agent_current_pos, possible_actions, step):
    # Faithful translation of RLDataRecord.update_step (one env step):
    # gather action vectors, propose next positions, gather fov values at
    # proposed positions, mask blocked moves, scatter step marker into fov.
    Bn = fov.shape[0]
    rows = jnp.arange(Bn)
    batch_actions = possible_actions[batch_action_idx[:, 0]]  # gather [B,2]
    next_pos = agent_current_pos + batch_actions
    ny = jnp.clip(next_pos[:, 0], WORLD_MIN_Y, WORLD_MAX_Y - 1)
    nx = jnp.clip(next_pos[:, 1], WORLD_MIN_X, WORLD_MAX_X - 1)
    vals = fov[rows, ny, nx]  # batched gather
    blocked_pos_mask = vals == ENCODE_BLOCK
    reach_target_pos_mask = vals == ENCODE_TARGET_POS
    batch_at_target_position_mask = reach_target_pos_mask  # first step: mask is None -> assigned
    moved = jnp.where(blocked_pos_mask[:, None], jnp.zeros_like(batch_actions), batch_actions)
    cur = agent_current_pos + moved
    cy = jnp.clip(cur[:, 0], WORLD_MIN_Y, WORLD_MAX_Y - 1)
    cx = jnp.clip(cur[:, 1], WORLD_MIN_X, WORLD_MAX_X - 1)
    new_cur_pos = jnp.stack([cy, cx], axis=1)
    # scatter-overwrite step marker into fov (fov.clone(); fov[arange(B),y,x] = ...)
    new_fov = fov.at[rows, cy, cx].set(ENCODE_START_STEP_IDX + step)
    # first step: histories are None -> become the incoming tensors
    batch_action_idx_history = batch_action_idx
    batch_logit_prob_history = batch_logit_prob
    batch_top_k_prob_history = batch_top_k_prob
    return (new_fov, new_cur_pos, batch_at_target_position_mask,
            batch_action_idx_history, batch_logit_prob_history, batch_top_k_prob_history)

if __name__ == "__main__":
    import jax
    _d = setup_inputs()
    print(jax.jit(kernel)(*tuple(_d.values())))

</pallas_src>

<mosaic_0001>
#map = affine_map<(d0, d1) -> (0, 0)>
#map1 = affine_map<(d0, d1) -> (0)>
module attributes {stable_mosaic.version = 14 : i64} {
  func.func @_sc_body(%arg0: i32, %arg1: i32, %arg2: memref<4096x16384xf32, #tpu.memory_space<hbm>>, %arg3: memref<16384xi32, #tpu.memory_space<hbm>>, %arg4: memref<16384xi32, #tpu.memory_space<hbm>>, %arg5: memref<16384xi32, #tpu.memory_space<hbm>>, %arg6: memref<16xi32, #tpu.memory_space<hbm>>, %arg7: memref<16xi32, #tpu.memory_space<hbm>>, %arg8: memref<16384xi32, #tpu.memory_space<hbm>>, %arg9: memref<16384xi32, #tpu.memory_space<hbm>>, %arg10: memref<16384xi32, #tpu.memory_space<hbm>>, %arg11: memref<16384xi32, #tpu.memory_space<hbm>>, %arg12: memref<512xi32, #tpu.memory_space<vmem>>, %arg13: memref<512xi32, #tpu.memory_space<vmem>>, %arg14: memref<512xi32, #tpu.memory_space<vmem>>, %arg15: memref<16xi32, #tpu.memory_space<vmem>>, %arg16: memref<16xi32, #tpu.memory_space<vmem>>, %arg17: memref<512xi32, #tpu.memory_space<vmem>>, %arg18: memref<512xi32, #tpu.memory_space<vmem>>, %arg19: memref<512xi32, #tpu.memory_space<vmem>>, %arg20: memref<4x128x128xf32, #tpu.memory_space<vmem>>, %arg21: memref<512xi32, #tpu.memory_space<vmem>>, %arg22: memref<512xi32, #tpu.memory_space<vmem>>, %arg23: memref<512xi32, #tpu.memory_space<vmem>>, %arg24: memref<512xi32, #tpu.memory_space<vmem>>, %arg25: memref<!tpu.dma_semaphore, #tpu.memory_space<semaphore_mem>>) attributes {dimension_semantics = [#tpu.dimension_semantics<core_parallel>, #tpu.dimension_semantics<subcore_parallel>], iteration_bounds = array<i64: 2, 16>, scalar_prefetch = 0 : i64, scratch_operands = 14 : i64, tpu.core_type = #tpu.core_type<sc_vector_subcore>, window_params = [{transform_indices = #map}, {transform_indices = #map1}, {transform_indices = #map1}, {transform_indices = #map1}, {transform_indices = #map1}, {transform_indices = #map1}, {transform_indices = #map1}, {transform_indices = #map1}, {transform_indices = #map1}, {transform_indices = #map1}]} {
    %mul3A = arith.constant 2 : i32
    %mul3A_0 = arith.muli %arg1, %mul3A : i32
    %add3A = arith.addi %mul3A_0, %arg0 : i32
    %mul3A_1 = arith.constant 512 : i32
    %mul3A_2 = arith.muli %add3A, %mul3A_1 : i32
    "tpu.region"() ({
      %run_scoped3A = tpu.sem_alloc : memref<!tpu.dma_semaphore, #tpu.memory_space<semaphore_mem>>
      %dma_start3A_2347 = tpu.memref_slice %arg3[%mul3A_2] : memref<16384xi32, #tpu.memory_space<hbm>> -> memref<512xi32, #tpu.memory_space<hbm>>
      %dma_start3A_2348 = tpu.memref_slice %arg3[%mul3A_2] : memref<16384xi32, #tpu.memory_space<hbm>> -> memref<512xi32, #tpu.memory_space<hbm>>
      tpu.enqueue_dma source(%dma_start3A_2348 : memref<512xi32, #tpu.memory_space<hbm>>) target(%arg12 : memref<512xi32, #tpu.memory_space<vmem>>) target_semaphore(%run_scoped3A : memref<!tpu.dma_semaphore, #tpu.memory_space<semaphore_mem>>)
      %dma_wait3A_2349 = tpu.memref_slice %arg3[%mul3A_2] : memref<16384xi32, #tpu.memory_space<hbm>> -> memref<512xi32, #tpu.memory_space<hbm>>
      %dma_wait3A_2350 = tpu.memref_slice %arg3[%mul3A_2] : memref<16384xi32, #tpu.memory_space<hbm>> -> memref<512xi32, #tpu.memory_space<hbm>>
      tpu.wait_dma2 semaphore(%run_scoped3A : memref<!tpu.dma_semaphore, #tpu.memory_space<semaphore_mem>>) src(%dma_wait3A_2350 : memref<512xi32, #tpu.memory_space<hbm>>) dst(%arg12 : memref<512xi32, #tpu.memory_space<vmem>>)
      tpu.yield
    }) : () -> ()
    "tpu.region"() ({
      %run_scoped3A = tpu.sem_alloc : memref<!tpu.dma_semaphore, #tpu.memory_space<semaphore_mem>>
      %dma_start3A_2347 = tpu.memref_slice %arg4[%mul3A_2] : memref<16384xi32, #tpu.memory_space<hbm>> -> memref<512xi32, #tpu.memory_space<hbm>>
      %dma_start3A_2348 = tpu.memref_slice %arg4[%mul3A_2] : memref<16384xi32, #tpu.memory_space<hbm>> -> memref<512xi32, #tpu.memory_space<hbm>>
      tpu.enqueue_dma source(%dma_start3A_2348 : memref<512xi32, #tpu.memory_space<hbm>>) target(%arg13 : memref<512xi32, #tpu.memory_space<vmem>>) target_semaphore(%run_scoped3A : memref<!tpu.dma_semaphore, #tpu.memory_space<semaphore_mem>>)
      %dma_wait3A_2349 = tpu.memref_slice %arg4[%mul3A_2] : memref<16384xi32, #tpu.memory_space<hbm>> -> memref<512xi32, #tpu.memory_space<hbm>>
      %dma_wait3A_2350 = tpu.memref_slice %arg4[%mul3A_2] : memref<16384xi32, #tpu.memory_space<hbm>> -> memref<512xi32, #tpu.memory_space<hbm>>
      tpu.wait_dma2 semaphore(%run_scoped3A : memref<!tpu.dma_semaphore, #tpu.memory_space<semaphore_mem>>) src(%dma_wait3A_2350 : memref<512xi32, #tpu.memory_space<hbm>>) dst(%arg13 : memref<512xi32, #tpu.memory_space<vmem>>)
      tpu.yield
    }) : () -> ()
    "tpu.region"() ({
      %run_scoped3A = tpu.sem_alloc : memref<!tpu.dma_semaphore, #tpu.memory_space<semaphore_mem>>
      %dma_start3A_2347 = tpu.memref_slice %arg5[%mul3A_2] : memref<16384xi32, #tpu.memory_space<hbm>> -> memref<512xi32, #tpu.memory_space<hbm>>
      %dma_start3A_2348 = tpu.memref_slice %arg5[%mul3A_2] : memref<16384xi32, #tpu.memory_space<hbm>> -> memref<512xi32, #tpu.memory_space<hbm>>
      tpu.enqueue_dma source(%dma_start3A_2348 : memref<512xi32, #tpu.memory_space<hbm>>) target(%arg14 : memref<512xi32, #tpu.memory_space<vmem>>) target_semaphore(%run_scoped3A : memref<!tpu.dma_semaphore, #tpu.memory_space<semaphore_mem>>)
      %dma_wait3A_2349 = tpu.memref_slice %arg5[%mul3A_2] : memref<16384xi32, #tpu.memory_space<hbm>> -> memref<512xi32, #tpu.memory_space<hbm>>
      %dma_wait3A_2350 = tpu.memref_slice %arg5[%mul3A_2] : memref<16384xi32, #tpu.memory_space<hbm>> -> memref<512xi32, #tpu.memory_space<hbm>>
      tpu.wait_dma2 semaphore(%run_scoped3A : memref<!tpu.dma_semaphore, #tpu.memory_space<semaphore_mem>>) src(%dma_wait3A_2350 : memref<512xi32, #tpu.memory_space<hbm>>) dst(%arg14 : memref<512xi32, #tpu.memory_space<vmem>>)
      tpu.yield
    }) : () -> ()
    "tpu.region"() ({
      %run_scoped3A = tpu.sem_alloc : memref<!tpu.dma_semaphore, #tpu.memory_space<semaphore_mem>>
      tpu.enqueue_dma source(%arg6 : memref<16xi32, #tpu.memory_space<hbm>>) target(%arg15 : memref<16xi32, #tpu.memory_space<vmem>>) target_semaphore(%run_scoped3A : memref<!tpu.dma_semaphore, #tpu.memory_space<semaphore_mem>>)
      tpu.wait_dma2 semaphore(%run_scoped3A : memref<!tpu.dma_semaphore, #tpu.memory_space<semaphore_mem>>) src(%arg6 : memref<16xi32, #tpu.memory_space<hbm>>) dst(%arg15 : memref<16xi32, #tpu.memory_space<vmem>>)
      tpu.yield
    }) : () -> ()
    "tpu.region"() ({
      %run_scoped3A = tpu.sem_alloc : memref<!tpu.dma_semaphore, #tpu.memory_space<semaphore_mem>>
      tpu.enqueue_dma source(%arg7 : memref<16xi32, #tpu.memory_space<hbm>>) target(%arg16 : memref<16xi32, #tpu.memory_space<vmem>>) target_semaphore(%run_scoped3A : memref<!tpu.dma_semaphore, #tpu.memory_space<semaphore_mem>>)
      tpu.wait_dma2 semaphore(%run_scoped3A : memref<!tpu.dma_semaphore, #tpu.memory_space<semaphore_mem>>) src(%arg7 : memref<16xi32, #tpu.memory_space<hbm>>) dst(%arg16 : memref<16xi32, #tpu.memory_space<vmem>>)
      tpu.yield
    }) : () -> ()
    %iota3A = tpu.iota {dimensions = array<i32: 0>} : vector<16xi32>
    %get3A = arith.constant 0 : index
    %get3A_3 = tpu.vector_load %arg12[%get3A] {strides = array<i32>} : memref<512xi32, #tpu.memory_space<vmem>>, vector<16xi32>,
    %gather3A = tpu.vector_load_idx %arg15[%get3A_3] : memref<16xi32, #tpu.memory_space<vmem>>[vector<16xi32>], vector<16xi32>,
    %gather3A_4 = tpu.vector_load_idx %arg16[%get3A_3] : memref<16xi32, #tpu.memory_space<vmem>>[vector<16xi32>], vector<16xi32>,
    %get3A_5 = arith.constant 0 : index
    %get3A_6 = tpu.vector_load %arg13[%get3A_5] {strides = array<i32>} : memref<512xi32, #tpu.memory_space<vmem>>, vector<16xi32>,
    %add3A_7 = arith.addi %get3A_6, %gather3A : vector<16xi32>
    %jit3A = arith.constant 0 : i32
    %jit3A_8 = arith.constant 63 : i32
    %max3A = vector.broadcast %jit3A : i32 to vector<16xi32>
    %max3A_9 = arith.maxsi %max3A, %add3A_7 : vector<16xi32>
    %min3A = vector.broadcast %jit3A_8 : i32 to vector<16xi32>
    %min3A_10 = arith.minsi %min3A, %max3A_9 : vector<16xi32>
    %get3A_11 = arith.constant 0 : index
    %get3A_12 = tpu.vector_load %arg14[%get3A_11] {strides = array<i32>} : memref<512xi32, #tpu.memory_space<vmem>>, vector<16xi32>,
    %add3A_13 = arith.addi %get3A_12, %gather3A_4 : vector<16xi32>
    %jit3A_14 = arith.constant 0 : i32
    %jit3A_15 = arith.constant 63 : i32
    %max3A_16 = vector.broadcast %jit3A_14 : i32 to vector<16xi32>
    %max3A_17 = arith.maxsi %max3A_16, %add3A_13 : vector<16xi32>
    %min3A_18 = vector.broadcast %jit3A_15 : i32 to vector<16xi32>
    %min3A_19 = arith.minsi %min3A_18, %max3A_17 : vector<16xi32>
    %mul3A_20 = arith.constant 64 : i32
    %mul3A_21 = vector.broadcast %mul3A_20 : i32 to vector<16xi32>
    %mul3A_22 = arith.muli %min3A_10, %mul3A_21 : vector<16xi32>
    %add3A_23 = arith.addi %mul3A_22, %min3A_19 : vector<16xi32>
    %swap3A = arith.constant 0 : index
    %swap3A_24 = tpu.vector_load %arg19[%swap3A] {strides = array<i32>} : memref<512xi32, #tpu.memory_space<vmem>>, vector<16xi32>,
    tpu.vector_store %arg19[%swap3A], %add3A_23 {strides = array<i32>} : memref<512xi32, #tpu.memory_space<vmem>>, vector<16xi32>,
    %swap3A_25 = arith.constant 0 : index
    %swap3A_26 = tpu.vector_load %arg17[%swap3A_25] {strides = array<i32>} : memref<512xi32, #tpu.memory_space<vmem>>, vector<16xi32>,
    tpu.vector_store %arg17[%swap3A_25], %min3A_10 {strides = array<i32>} : memref<512xi32, #tpu.memory_space<vmem>>, vector<16xi32>,
    %swap3A_27 = arith.constant 0 : index
    %swap3A_28 = tpu.vector_load %arg18[%swap3A_27] {strides = array<i32>} : memref<512xi32, #tpu.memory_space<vmem>>, vector<16xi32>,
    tpu.vector_store %arg18[%swap3A_27], %min3A_19 {strides = array<i32>} : memref<512xi32, #tpu.memory_space<vmem>>, vector<16xi32>,
    %get3A_29 = arith.constant 16 : index
    %get3A_30 = tpu.vector_load %arg12[%get3A_29] {strides = array<i32>} : memref<512xi32, #tpu.memory_space<vmem>>, vector<16xi32>,
    %gather3A_31 = tpu.vector_load_idx %arg15[%get3A_30] : memref<16xi32, #tpu.memory_space<vmem>>[vector<16xi32>], vector<16xi32>,
    %gather3A_32 = tpu.vector_load_idx %arg16[%get3A_30] : memref<16xi32, #tpu.memory_space<vmem>>[vector<16xi32>], vector<16xi32>,
    %get3A_33 = arith.constant 16 : index
    %get3A_34 = tpu.vector_load %arg13[%get3A_33] {strides = array<i32>} : memref<512xi32, #tpu.memory_space<vmem>>, vector<16xi32>,
    %add3A_35 = arith.addi %get3A_34, %gather3A_31 : vector<16xi32>
    %jit3A_36 = arith.constant 0 : i32
    %jit3A_37 = arith.constant 63 : i32
    %max3A_38 = vector.broadcast %jit3A_36 : i32 to vector<16xi32>
    %max3A_39 = arith.maxsi %max3A_38, %add3A_35 : vector<16xi32>
    %min3A_40 = vector.broadcast %jit3A_37 : i32 to vector<16xi32>
    %min3A_41 = arith.minsi %min3A_40, %max3A_39 : vector<16xi32>
    %get3A_42 = arith.constant 16 : index
    %get3A_43 = tpu.vector_load %arg14[%get3A_42] {strides = array<i32>} : memref<512xi32, #tpu.memory_space<vmem>>, vector<16xi32>,
    %add3A_44 = arith.addi %get3A_43, %gather3A_32 : vector<16xi32>
    %jit3A_45 = arith.constant 0 : i32
    %jit3A_46 = arith.constant 63 : i32
    %max3A_47 = vector.broadcast %jit3A_45 : i32 to vector<16xi32>
    %max3A_48 = arith.maxsi %max3A_47, %add3A_44 : vector<16xi32>
    %min3A_49 = vector.broadcast %jit3A_46 : i32 to vector<16xi32>
    %min3A_50 = arith.minsi %min3A_49, %max3A_48 : vector<16xi32>
    %mul3A_51 = arith.constant 64 : i32
    %mul3A_52 = vector.broadcast %mul3A_51 : i32 to vector<16xi32>
    %mul3A_53 = arith.muli %min3A_41, %mul3A_52 : vector<16xi32>
    %add3A_54 = arith.addi %mul3A_53, %min3A_50 : vector<16xi32>
    %swap3A_55 = arith.constant 16 : index
    %swap3A_56 = tpu.vector_load %arg19[%swap3A_55] {strides = array<i32>} : memref<512xi32, #tpu.memory_space<vmem>>, vector<16xi32>,
    tpu.vector_store %arg19[%swap3A_55], %add3A_54 {strides = array<i32>} : memref<512xi32, #tpu.memory_space<vmem>>, vector<16xi32>,
    %swap3A_57 = arith.constant 16 : index
    %swap3A_58 = tpu.vector_load %arg17[%swap3A_57] {strides = array<i32>} : memref<512xi32, #tpu.memory_space<vmem>>, vector<16xi32>,
    tpu.vector_store %arg17[%swap3A_57], %min3A_41 {strides = array<i32>} : memref<512xi32, #tpu.memory_space<vmem>>, vector<16xi32>,
    %swap3A_59 = arith.constant 16 : index
    %swap3A_60 = tpu.vector_load %arg18[%swap3A_59] {strides = array<i32>} : memref<512xi32, #tpu.memory_space<vmem>>, vector<16xi32>,
    tpu.vector_store %arg18[%swap3A_59], %min3A_50 {strides = array<i32>} : memref<512xi32, #tpu.memory_space<vmem>>, vector<16xi32>,
    %get3A_61 = arith.constant 32 : index
    %get3A_62 = tpu.vector_load %arg12[%get3A_61] {strides = array<i32>} : memref<512xi32, #tpu.memory_space<vmem>>, vector<16xi32>,
    %gather3A_63 = tpu.vector_load_idx %arg15[%get3A_62] : memref<16xi32, #tpu.memory_space<vmem>>[vector<16xi32>], vector<16xi32>,
    %gather3A_64 = tpu.vector_load_idx %arg16[%get3A_62] : memref<16xi32, #tpu.memory_space<vmem>>[vector<16xi32>], vector<16xi32>,
    %get3A_65 = arith.constant 32 : index
    %get3A_66 = tpu.vector_load %arg13[%get3A_65] {strides = array<i32>} : memref<512xi32, #tpu.memory_space<vmem>>, vector<16xi32>,
    %add3A_67 = arith.addi %get3A_66, %gather3A_63 : vector<16xi32>
    %jit3A_68 = arith.constant 0 : i32
    %jit3A_69 = arith.constant 63 : i32
    %max3A_70 = vector.broadcast %jit3A_68 : i32 to vector<16xi32>
    %max3A_71 = arith.maxsi %max3A_70, %add3A_67 : vector<16xi32>
    %min3A_72 = vector.broadcast %jit3A_69 : i32 to vector<16xi32>
    %min3A_73 = arith.minsi %min3A_72, %max3A_71 : vector<16xi32>
    %get3A_74 = arith.constant 32 : index
    %get3A_75 = tpu.vector_load %arg14[%get3A_74] {strides = array<i32>} : memref<512xi32, #tpu.memory_space<vmem>>, vector<16xi32>,
    %add3A_76 = arith.addi %get3A_75, %gather3A_64 : vector<16xi32>
    %jit3A_77 = arith.constant 0 : i32
    %jit3A_78 = arith.constant 63 : i32
    %max3A_79 = vector.broadcast %jit3A_77 : i32 to vector<16xi32>
    %max3A_80 = arith.maxsi %max3A_79, %add3A_76 : vector<16xi32>
    %min3A_81 = vector.broadcast %jit3A_78 : i32 to vector<16xi32>
    %min3A_82 = arith.minsi %min3A_81, %max3A_80 : vector<16xi32>
    %mul3A_83 = arith.constant 64 : i32
    %mul3A_84 = vector.broadcast %mul3A_83 : i32 to vector<16xi32>
    %mul3A_85 = arith.muli %min3A_73, %mul3A_84 : vector<16xi32>
    %add3A_86 = arith.addi %mul3A_85, %min3A_82 : vector<16xi32>
    %swap3A_87 = arith.constant 32 : index
    %swap3A_88 = tpu.vector_load %arg19[%swap3A_87] {strides = array<i32>} : memref<512xi32, #tpu.memory_space<vmem>>, vector<16xi32>,
    tpu.vector_store %arg19[%swap3A_87], %add3A_86 {strides = array<i32>} : memref<512xi32, #tpu.memory_space<vmem>>, vector<16xi32>,
    %swap3A_89 = arith.constant 32 : index
    %swap3A_90 = tpu.vector_load %arg17[%swap3A_89] {strides = array<i32>} : memref<512xi32, #tpu.memory_space<vmem>>, vector<16xi32>,
    tpu.vector_store %arg17[%swap3A_89], %min3A_73 {strides = array<i32>} : memref<512xi32, #tpu.memory_space<vmem>>, vector<16xi32>,
    %swap3A_91 = arith.constant 32 : index
    %swap3A_92 = tpu.vector_load %arg18[%swap3A_91] {strides = array<i32>} : memref<512xi32, #tpu.memory_space<vmem>>, vector<16xi32>,
    tpu.vector_store %arg18[%swap3A_91], %min3A_82 {strides = array<i32>} : memref<512xi32, #tpu.memory_space<vmem>>, vector<16xi32>,
    %get3A_93 = arith.constant 48 : index
    %get3A_94 = tpu.vector_load %arg12[%get3A_93] {strides = array<i32>} : memref<512xi32, #tpu.memory_space<vmem>>, vector<16xi32>,
    %gather3A_95 = tpu.vector_load_idx %arg15[%get3A_94] : memref<16xi32, #tpu.memory_space<vmem>>[vector<16xi32>], vector<16xi32>,
    %gather3A_96 = tpu.vector_load_idx %arg16[%get3A_94] : memref<16xi32, #tpu.memory_space<vmem>>[vector<16xi32>], vector<16xi32>,
    %get3A_97 = arith.constant 48 : index
    %get3A_98 = tpu.vector_load %arg13[%get3A_97] {strides = array<i32>} : memref<512xi32, #tpu.memory_space<vmem>>, vector<16xi32>,
    %add3A_99 = arith.addi %get3A_98, %gather3A_95 : vector<16xi32>
    %jit3A_100 = arith.constant 0 : i32
    %jit3A_101 = arith.constant 63 : i32
    %max3A_102 = vector.broadcast %jit3A_100 : i32 to vector<16xi32>
    %max3A_103 = arith.maxsi %max3A_102, %add3A_99 : vector<16xi32>
    %min3A_104 = vector.broadcast %jit3A_101 : i32 to vector<16xi32>
    %min3A_105 = arith.minsi %min3A_104, %max3A_103 : vector<16xi32>
    %get3A_106 = arith.constant 48 : index
    %get3A_107 = tpu.vector_load %arg14[%get3A_106] {strides = array<i32>} : memref<512xi32, #tpu.memory_space<vmem>>, vector<16xi32>,
    %add3A_108 = arith.addi %get3A_107, %gather3A_96 : vector<16xi32>
    %jit3A_109 = arith.constant 0 : i32
    %jit3A_110 = arith.constant 63 : i32
    %max3A_111 = vector.broadcast %jit3A_109 : i32 to vector<16xi32>
    %max3A_112 = arith.maxsi %max3A_111, %add3A_108 : vector<16xi32>
    %min3A_113 = vector.broadcast %jit3A_110 : i32 to vector<16xi32>
    %min3A_114 = arith.minsi %min3A_113, %max3A_112 : vector<16xi32>
    %mul3A_115 = arith.constant 64 : i32
    %mul3A_116 = vector.broadcast %mul3A_115 : i32 to vector<16xi32>
    %mul3A_117 = arith.muli %min3A_105, %mul3A_116 : vector<16xi32>
    %add3A_118 = arith.addi %mul3A_117, %min3A_114 : vector<16xi32>
    %swap3A_119 = arith.constant 48 : index
    %swap3A_120 = tpu.vector_load %arg19[%swap3A_119] {strides = array<i32>} : memref<512xi32, #tpu.memory_space<vmem>>, vector<16xi32>,
    tpu.vector_store %arg19[%swap3A_119], %add3A_118 {strides = array<i32>} : memref<512xi32, #tpu.memory_space<vmem>>, vector<16xi32>,
    %swap3A_121 = arith.constant 48 : index
    %swap3A_122 = tpu.vector_load %arg17[%swap3A_121] {strides = array<i32>} : memref<512xi32, #tpu.memory_space<vmem>>, vector<16xi32>,
    tpu.vector_store %arg17[%swap3A_121], %min3A_105 {strides = array<i32>} : memref<512xi32, #tpu.memory_space<vmem>>, vector<16xi32>,
    %swap3A_123 = arith.constant 48 : index
    %swap3A_124 = tpu.vector_load %arg18[%swap3A_123] {strides = array<i32>} : memref<512xi32, #tpu.memory_space<vmem>>, vector<16xi32>,
    tpu.vector_store %arg18[%swap3A_123], %min3A_114 {strides = array<i32>} : memref<512xi32, #tpu.memory_space<vmem>>, vector<16xi32>,
    %get3A_125 = arith.constant 64 : index
    %get3A_126 = tpu.vector_load %arg12[%get3A_125] {strides = array<i32>} : memref<512xi32, #tpu.memory_space<vmem>>, vector<16xi32>,
    %gather3A_127 = tpu.vector_load_idx %arg15[%get3A_126] : memref<16xi32, #tpu.memory_space<vmem>>[vector<16xi32>], vector<16xi32>,
    %gather3A_128 = tpu.vector_load_idx %arg16[%get3A_126] : memref<16xi32, #tpu.memory_space<vmem>>[vector<16xi32>], vector<16xi32>,
    %get3A_129 = arith.constant 64 : index
    %get3A_130 = tpu.vector_load %arg13[%get3A_129] {strides = array<i32>} : memref<512xi32, #tpu.memory_space<vmem>>, vector<16xi32>,
    %add3A_131 = arith.addi %get3A_130, %gather3A_127 : vector<16xi32>
    %jit3A_132 = arith.constant 0 : i32
    %jit3A_133 = arith.constant 63 : i32
    %max3A_134 = vector.broadcast %jit3A_132 : i32 to vector<16xi32>
    %max3A_135 = arith.maxsi %max3A_134, %add3A_131 : vector<16xi32>
    %min3A_136 = vector.broadcast %jit3A_133 : i32 to vector<16xi32>
    %min3A_137 = arith.minsi %min3A_136, %max3A_135 : vector<16xi32>
    %get3A_138 = arith.constant 64 : index
    %get3A_139 = tpu.vector_load %arg14[%get3A_138] {strides = array<i32>} : memref<512xi32, #tpu.memory_space<vmem>>, vector<16xi32>,
    %add3A_140 = arith.addi %get3A_139, %gather3A_128 : vector<16xi32>
    %jit3A_141 = arith.constant 0 : i32
    %jit3A_142 = arith.constant 63 : i32
    %max3A_143 = vector.broadcast %jit3A_141 : i32 to vector<16xi32>
    %max3A_144 = arith.maxsi %max3A_143, %add3A_140 : vector<16xi32>
    %min3A_145 = vector.broadcast %jit3A_142 : i32 to vector<16xi32>
    %min3A_146 = arith.minsi %min3A_145, %max3A_144 : vector<16xi32>
    %mul3A_147 = arith.constant 64 : i32
    %mul3A_148 = vector.broadcast %mul3A_147 : i32 to vector<16xi32>
    %mul3A_149 = arith.muli %min3A_137, %mul3A_148 : vector<16xi32>
    %add3A_150 = arith.addi %mul3A_149, %min3A_146 : vector<16xi32>
    %swap3A_151 = arith.constant 64 : index
    %swap3A_152 = tpu.vector_load %arg19[%swap3A_151] {strides = array<i32>} : memref<512xi32, #tpu.memory_space<vmem>>, vector<16xi32>,
    tpu.vector_store %arg19[%swap3A_151], %add3A_150 {strides = array<i32>} : memref<512xi32, #tpu.memory_space<vmem>>, vector<16xi32>,
    %swap3A_153 = arith.constant 64 : index
    %swap3A_154 = tpu.vector_load %arg17[%swap3A_153] {strides = array<i32>} : memref<512xi32, #tpu.memory_space<vmem>>, vector<16xi32>,
    tpu.vector_store %arg17[%swap3A_153], %min3A_137 {strides = array<i32>} : memref<512xi32, #tpu.memory_space<vmem>>, vector<16xi32>,
    %swap3A_155 = arith.constant 64 : index
    %swap3A_156 = tpu.vector_load %arg18[%swap3A_155] {strides = array<i32>} : memref<512xi32, #tpu.memory_space<vmem>>, vector<16xi32>,
    tpu.vector_store %arg18[%swap3A_155], %min3A_146 {strides = array<i32>} : memref<512xi32, #tpu.memory_space<vmem>>, vector<16xi32>,
    %get3A_157 = arith.constant 80 : index
    %get3A_158 = tpu.vector_load %arg12[%get3A_157] {strides = array<i32>} : memref<512xi32, #tpu.memory_space<vmem>>, vector<16xi32>,
    %gather3A_159 = tpu.vector_load_idx %arg15[%get3A_158] : memref<16xi32, #tpu.memory_space<vmem>>[vector<16xi32>], vector<16xi32>,
    %gather3A_160 = tpu.vector_load_idx %arg16[%get3A_158] : memref<16xi32, #tpu.memory_space<vmem>>[vector<16xi32>], vector<16xi32>,
    %get3A_161 = arith.constant 80 : index
    %get3A_162 = tpu.vector_load %arg13[%get3A_161] {strides = array<i32>} : memref<512xi32, #tpu.memory_space<vmem>>, vector<16xi32>,
    %add3A_163 = arith.addi %get3A_162, %gather3A_159 : vector<16xi32>
    %jit3A_164 = arith.constant 0 : i32
    %jit3A_165 = arith.constant 63 : i32
    %max3A_166 = vector.broadcast %jit3A_164 : i32 to vector<16xi32>
    %max3A_167 = arith.maxsi %max3A_166, %add3A_163 : vector<16xi32>
    %min3A_168 = vector.broadcast %jit3A_165 : i32 to vector<16xi32>
    %min3A_169 = arith.minsi %min3A_168, %max3A_167 : vector<16xi32>
    %get3A_170 = arith.constant 80 : index
    %get3A_171 = tpu.vector_load %arg14[%get3A_170] {strides = array<i32>} : memref<512xi32, #tpu.memory_space<vmem>>, vector<16xi32>,
    %add3A_172 = arith.addi %get3A_171, %gather3A_160 : vector<16xi32>
    %jit3A_173 = arith.constant 0 : i32
    %jit3A_174 = arith.constant 63 : i32
    %max3A_175 = vector.broadcast %jit3A_173 : i32 to vector<16xi32>
    %max3A_176 = arith.maxsi %max3A_175, %add3A_172 : vector<16xi32>
    %min3A_177 = vector.broadcast %jit3A_174 : i32 to vector<16xi32>
    %min3A_178 = arith.minsi %min3A_177, %max3A_176 : vector<16xi32>
    %mul3A_179 = arith.constant 64 : i32
    %mul3A_180 = vector.broadcast %mul3A_179 : i32 to vector<16xi32>
    %mul3A_181 = arith.muli %min3A_169, %mul3A_180 : vector<16xi32>
    %add3A_182 = arith.addi %mul3A_181, %min3A_178 : vector<16xi32>
    %swap3A_183 = arith.constant 80 : index
    %swap3A_184 = tpu.vector_load %arg19[%swap3A_183] {strides = array<i32>} : memref<512xi32, #tpu.memory_space<vmem>>, vector<16xi32>,
    tpu.vector_store %arg19[%swap3A_183], %add3A_182 {strides = array<i32>} : memref<512xi32, #tpu.memory_space<vmem>>, vector<16xi32>,
    %swap3A_185 = arith.constant 80 : index
    %swap3A_186 = tpu.vector_load %arg17[%swap3A_185] {strides = array<i32>} : memref<512xi32, #tpu.memory_space<vmem>>, vector<16xi32>,
    tpu.vector_store %arg17[%swap3A_185], %min3A_169 {strides = array<i32>} : memref<512xi32, #tpu.memory_space<vmem>>, vector<16xi32>,
    %swap3A_187 = arith.constant 80 : index
    %swap3A_188 = tpu.vector_load %arg18[%swap3A_187] {strides = array<i32>} : memref<512xi32, #tpu.memory_space<vmem>>, vector<16xi32>,
    tpu.vector_store %arg18[%swap3A_187], %min3A_178 {strides = array<i32>} : memref<512xi32, #tpu.memory_space<vmem>>, vector<16xi32>,
    %get3A_189 = arith.constant 96 : index
    %get3A_190 = tpu.vector_load %arg12[%get3A_189] {strides = array<i32>} : memref<512xi32, #tpu.memory_space<vmem>>, vector<16xi32>,
    %gather3A_191 = tpu.vector_load_idx %arg15[%get3A_190] : memref<16xi32, #tpu.memory_space<vmem>>[vector<16xi32>], vector<16xi32>,
    %gather3A_192 = tpu.vector_load_idx %arg16[%get3A_190] : memref<16xi32, #tpu.memory_space<vmem>>[vector<16xi32>], vector<16xi32>,
    %get3A_193 = arith.constant 96 : index
    %get3A_194 = tpu.vector_load %arg13[%get3A_193] {strides = array<i32>} : memref<512xi32, #tpu.memory_space<vmem>>, vector<16xi32>,
    %add3A_195 = arith.addi %get3A_194, %gather3A_191 : vector<16xi32>
    %jit3A_196 = arith.constant 0 : i32
    %jit3A_197 = arith.constant 63 : i32
    %max3A_198 = vector.broadcast %jit3A_196 : i32 to vector<16xi32>
    %max3A_199 = arith.maxsi %max3A_198, %add3A_195 : vector<16xi32>
    %min3A_200 = vector.broadcast %jit3A_197 : i32 to vector<16xi32>
    %min3A_201 = arith.minsi %min3A_200, %max3A_199 : vector<16xi32>
    %get3A_202 = arith.constant 96 : index
    %get3A_203 = tpu.vector_load %arg14[%get3A_202] {strides = array<i32>} : memref<512xi32, #tpu.memory_space<vmem>>, vector<16xi32>,
    %add3A_204 = arith.addi %get3A_203, %gather3A_192 : vector<16xi32>
    %jit3A_205 = arith.constant 0 : i32
    %jit3A_206 = arith.constant 63 : i32
    %max3A_207 = vector.broadcast %jit3A_205 : i32 to vector<16xi32>
    %max3A_208 = arith.maxsi %max3A_207, %add3A_204 : vector<16xi32>
    %min3A_209 = vector.broadcast %jit3A_206 : i32 to vector<16xi32>
    %min3A_210 = arith.minsi %min3A_209, %max3A_208 : vector<16xi32>
    %mul3A_211 = arith.constant 64 : i32
    %mul3A_212 = vector.broadcast %mul3A_211 : i32 to vector<16xi32>
    %mul3A_213 = arith.muli %min3A_201, %mul3A_212 : vector<16xi32>
    %add3A_214 = arith.addi %mul3A_213, %min3A_210 : vector<16xi32>
    %swap3A_215 = arith.constant 96 : index
    %swap3A_216 = tpu.vector_load %arg19[%swap3A_215] {strides = array<i32>} : memref<512xi32, #tpu.memory_space<vmem>>, vector<16xi32>,
    tpu.vector_store %arg19[%swap3A_215], %add3A_214 {strides = array<i32>} : memref<512xi32, #tpu.memory_space<vmem>>, vector<16xi32>,
    %swap3A_217 = arith.constant 96 : index
    %swap3A_218 = tpu.vector_load %arg17[%swap3A_217] {strides = array<i32>} : memref<512xi32, #tpu.memory_space<vmem>>, vector<16xi32>,
    tpu.vector_store %arg17[%swap3A_217], %min3A_201 {strides = array<i32>} : memref<512xi32, #tpu.memory_space<vmem>>, vector<16xi32>,
    %swap3A_219 = arith.constant 96 : index
    %swap3A_220 = tpu.vector_load %arg18[%swap3A_219] {strides = array<i32>} : memref<512xi32, #tpu.memory_space<vmem>>, vector<16xi32>,
    tpu.vector_store %arg18[%swap3A_219], %min3A_210 {strides = array<i32>} : memref<512xi32, #tpu.memory_space<vmem>>, vector<16xi32>,
    %get3A_221 = arith.constant 112 : index
    %get3A_222 = tpu.vector_load %arg12[%get3A_221] {strides = array<i32>} : memref<512xi32, #tpu.memory_space<vmem>>, vector<16xi32>,
    %gather3A_223 = tpu.vector_load_idx %arg15[%get3A_222] : memref<16xi32, #tpu.memory_space<vmem>>[vector<16xi32>], vector<16xi32>,
    %gather3A_224 = tpu.vector_load_idx %arg16[%get3A_222] : memref<16xi32, #tpu.memory_space<vmem>>[vector<16xi32>], vector<16xi32>,
    %get3A_225 = arith.constant 112 : index
    %get3A_226 = tpu.vector_load %arg13[%get3A_225] {strides = array<i32>} : memref<512xi32, #tpu.memory_space<vmem>>, vector<16xi32>,
    %add3A_227 = arith.addi %get3A_226, %gather3A_223 : vector<16xi32>
    %jit3A_228 = arith.constant 0 : i32
    %jit3A_229 = arith.constant 63 : i32
    %max3A_230 = vector.broadcast %jit3A_228 : i32 to vector<16xi32>
    %max3A_231 = arith.maxsi %max3A_230, %add3A_227 : vector<16xi32>
    %min3A_232 = vector.broadcast %jit3A_229 : i32 to vector<16xi32>
    %min3A_233 = arith.minsi %min3A_232, %max3A_231 : vector<16xi32>
    %get3A_234 = arith.constant 112 : index
    %get3A_235 = tpu.vector_load %arg14[%get3A_234] {strides = array<i32>} : memref<512xi32, #tpu.memory_space<vmem>>, vector<16xi32>,
    %add3A_236 = arith.addi %get3A_235, %gather3A_224 : vector<16xi32>
    %jit3A_237 = arith.constant 0 : i32
    %jit3A_238 = arith.constant 63 : i32
    %max3A_239 = vector.broadcast %jit3A_237 : i32 to vector<16xi32>
    %max3A_240 = arith.maxsi %max3A_239, %add3A_236 : vector<16xi32>
    %min3A_241 = vector.broadcast %jit3A_238 : i32 to vector<16xi32>
    %min3A_242 = arith.minsi %min3A_241, %max3A_240 : vector<16xi32>
    %mul3A_243 = arith.constant 64 : i32
    %mul3A_244 = vector.broadcast %mul3A_243 : i32 to vector<16xi32>
    %mul3A_245 = arith.muli %min3A_233, %mul3A_244 : vector<16xi32>
    %add3A_246 = arith.addi %mul3A_245, %min3A_242 : vector<16xi32>
    %swap3A_247 = arith.constant 112 : index
    %swap3A_248 = tpu.vector_load %arg19[%swap3A_247] {strides = array<i32>} : memref<512xi32, #tpu.memory_space<vmem>>, vector<16xi32>,
    tpu.vector_store %arg19[%swap3A_247], %add3A_246 {strides = array<i32>} : memref<512xi32, #tpu.memory_space<vmem>>, vector<16xi32>,
    %swap3A_249 = arith.constant 112 : index
    %swap3A_250 = tpu.vector_load %arg17[%swap3A_249] {strides = array<i32>} : memref<512xi32, #tpu.memory_space<vmem>>, vector<16xi32>,
    tpu.vector_store %arg17[%swap3A_249], %min3A_233 {strides = array<i32>} : memref<512xi32, #tpu.memory_space<vmem>>, vector<16xi32>,
    %swap3A_251 = arith.constant 112 : index
    %swap3A_252 = tpu.vector_load %arg18[%swap3A_251] {strides = array<i32>} : memref<512xi32, #tpu.memory_space<vmem>>, vector<16xi32>,
    tpu.vector_store %arg18[%swap3A_251], %min3A_242 {strides = array<i32>} : memref<512xi32, #tpu.memory_space<vmem>>, vector<16xi32>,
    %get3A_253 = arith.constant 128 : index
    %get3A_254 = tpu.vector_load %arg12[%get3A_253] {strides = array<i32>} : memref<512xi32, #tpu.memory_space<vmem>>, vector<16xi32>,
    %gather3A_255 = tpu.vector_load_idx %arg15[%get3A_254] : memref<16xi32, #tpu.memory_space<vmem>>[vector<16xi32>], vector<16xi32>,
    %gather3A_256 = tpu.vector_load_idx %arg16[%get3A_254] : memref<16xi32, #tpu.memory_space<vmem>>[vector<16xi32>], vector<16xi32>,
    %get3A_257 = arith.constant 128 : index
    %get3A_258 = tpu.vector_load %arg13[%get3A_257] {strides = array<i32>} : memref<512xi32, #tpu.memory_space<vmem>>, vector<16xi32>,
    %add3A_259 = arith.addi %get3A_258, %gather3A_255 : vector<16xi32>
    %jit3A_260 = arith.constant 0 : i32
    %jit3A_261 = arith.constant 63 : i32
    %max3A_262 = vector.broadcast %jit3A_260 : i32 to vector<16xi32>
    %max3A_263 = arith.maxsi %max3A_262, %add3A_259 : vector<16xi32>
    %min3A_264 = vector.broadcast %jit3A_261 : i32 to vector<16xi32>
    %min3A_265 = arith.minsi %min3A_264, %max3A_263 : vector<16xi32>
    %get3A_266 = arith.constant 128 : index
    %get3A_267 = tpu.vector_load %arg14[%get3A_266] {strides = array<i32>} : memref<512xi32, #tpu.memory_space<vmem>>, vector<16xi32>,
    %add3A_268 = arith.addi %get3A_267, %gather3A_256 : vector<16xi32>
    %jit3A_269 = arith.constant 0 : i32
    %jit3A_270 = arith.constant 63 : i32
    %max3A_271 = vector.broadcast %jit3A_269 : i32 to vector<16xi32>
    %max3A_272 = arith.maxsi %max3A_271, %add3A_268 : vector<16xi32>
    %min3A_273 = vector.broadcast %jit3A_270 : i32 to vector<16xi32>
    %min3A_274 = arith.minsi %min3A_273, %max3A_272 : vector<16xi32>
    %mul3A_275 = arith.constant 64 : i32
    %mul3A_276 = vector.broadcast %mul3A_275 : i32 to vector<16xi32>
    %mul3A_277 = arith.muli %min3A_265, %mul3A_276 : vector<16xi32>
    %add3A_278 = arith.addi %mul3A_277, %min3A_274 : vector<16xi32>
    %swap3A_279 = arith.constant 128 : index
    %swap3A_280 = tpu.vector_load %arg19[%swap3A_279] {strides = array<i32>} : memref<512xi32, #tpu.memory_space<vmem>>, vector<16xi32>,
    tpu.vector_store %arg19[%swap3A_279], %add3A_278 {strides = array<i32>} : memref<512xi32, #tpu.memory_space<vmem>>, vector<16xi32>,
    %swap3A_281 = arith.constant 128 : index
    %swap3A_282 = tpu.vector_load %arg17[%swap3A_281] {strides = array<i32>} : memref<512xi32, #tpu.memory_space<vmem>>, vector<16xi32>,
    tpu.vector_store %arg17[%swap3A_281], %min3A_265 {strides = array<i32>} : memref<512xi32, #tpu.memory_space<vmem>>, vector<16xi32>,
    %swap3A_283 = arith.constant 128 : index
    %swap3A_284 = tpu.vector_load %arg18[%swap3A_283] {strides = array<i32>} : memref<512xi32, #tpu.memory_space<vmem>>, vector<16xi32>,
    tpu.vector_store %arg18[%swap3A_283], %min3A_274 {strides = array<i32>} : memref<512xi32, #tpu.memory_space<vmem>>, vector<16xi32>,
    %get3A_285 = arith.constant 144 : index
    %get3A_286 = tpu.vector_load %arg12[%get3A_285] {strides = array<i32>} : memref<512xi32, #tpu.memory_space<vmem>>, vector<16xi32>,
    %gather3A_287 = tpu.vector_load_idx %arg15[%get3A_286] : memref<16xi32, #tpu.memory_space<vmem>>[vector<16xi32>], vector<16xi32>,
    %gather3A_288 = tpu.vector_load_idx %arg16[%get3A_286] : memref<16xi32, #tpu.memory_space<vmem>>[vector<16xi32>], vector<16xi32>,
    %get3A_289 = arith.constant 144 : index
    %get3A_290 = tpu.vector_load %arg13[%get3A_289] {strides = array<i32>} : memref<512xi32, #tpu.memory_space<vmem>>, vector<16xi32>,
    %add3A_291 = arith.addi %get3A_290, %gather3A_287 : vector<16xi32>
    %jit3A_292 = arith.constant 0 : i32
    %jit3A_293 = arith.constant 63 : i32
    %max3A_294 = vector.broadcast %jit3A_292 : i32 to vector<16xi32>
    %max3A_295 = arith.maxsi %max3A_294, %add3A_291 : vector<16xi32>
    %min3A_296 = vector.broadcast %jit3A_293 : i32 to vector<16xi32>
    %min3A_297 = arith.minsi %min3A_296, %max3A_295 : vector<16xi32>
    %get3A_298 = arith.constant 144 : index
    %get3A_299 = tpu.vector_load %arg14[%get3A_298] {strides = array<i32>} : memref<512xi32, #tpu.memory_space<vmem>>, vector<16xi32>,
    %add3A_300 = arith.addi %get3A_299, %gather3A_288 : vector<16xi32>
    %jit3A_301 = arith.constant 0 : i32
    %jit3A_302 = arith.constant 63 : i32
    %max3A_303 = vector.broadcast %jit3A_301 : i32 to vector<16xi32>
    %max3A_304 = arith.maxsi %max3A_303, %add3A_300 : vector<16xi32>
    %min3A_305 = vector.broadcast %jit3A_302 : i32 to vector<16xi32>
    %min3A_306 = arith.minsi %min3A_305, %max3A_304 : vector<16xi32>
    %mul3A_307 = arith.constant 64 : i32
    %mul3A_308 = vector.broadcast %mul3A_307 : i32 to vector<16xi32>
    %mul3A_309 = arith.muli %min3A_297, %mul3A_308 : vector<16xi32>
    %add3A_310 = arith.addi %mul3A_309, %min3A_306 : vector<16xi32>
    %swap3A_311 = arith.constant 144 : index
    %swap3A_312 = tpu.vector_load %arg19[%swap3A_311] {strides = array<i32>} : memref<512xi32, #tpu.memory_space<vmem>>, vector<16xi32>,
    tpu.vector_store %arg19[%swap3A_311], %add3A_310 {strides = array<i32>} : memref<512xi32, #tpu.memory_space<vmem>>, vector<16xi32>,
    %swap3A_313 = arith.constant 144 : index
    %swap3A_314 = tpu.vector_load %arg17[%swap3A_313] {strides = array<i32>} : memref<512xi32, #tpu.memory_space<vmem>>, vector<16xi32>,
    tpu.vector_store %arg17[%swap3A_313], %min3A_297 {strides = array<i32>} : memref<512xi32, #tpu.memory_space<vmem>>, vector<16xi32>,
    %swap3A_315 = arith.constant 144 : index
    %swap3A_316 = tpu.vector_load %arg18[%swap3A_315] {strides = array<i32>} : memref<512xi32, #tpu.memory_space<vmem>>, vector<16xi32>,
    tpu.vector_store %arg18[%swap3A_315], %min3A_306 {strides = array<i32>} : memref<512xi32, #tpu.memory_space<vmem>>, vector<16xi32>,
    %get3A_317 = arith.constant 160 : index
    %get3A_318 = tpu.vector_load %arg12[%get3A_317] {strides = array<i32>} : memref<512xi32, #tpu.memory_space<vmem>>, vector<16xi32>,
    %gather3A_319 = tpu.vector_load_idx %arg15[%get3A_318] : memref<16xi32, #tpu.memory_space<vmem>>[vector<16xi32>], vector<16xi32>,
    %gather3A_320 = tpu.vector_load_idx %arg16[%get3A_318] : memref<16xi32, #tpu.memory_space<vmem>>[vector<16xi32>], vector<16xi32>,
    %get3A_321 = arith.constant 160 : index
    %get3A_322 = tpu.vector_load %arg13[%get3A_321] {strides = array<i32>} : memref<512xi32, #tpu.memory_space<vmem>>, vector<16xi32>,
    %add3A_323 = arith.addi %get3A_322, %gather3A_319 : vector<16xi32>
    %jit3A_324 = arith.constant 0 : i32
    %jit3A_325 = arith.constant 63 : i32
    %max3A_326 = vector.broadcast %jit3A_324 : i32 to vector<16xi32>
    %max3A_327 = arith.maxsi %max3A_326, %add3A_323 : vector<16xi32>
    %min3A_328 = vector.broadcast %jit3A_325 : i32 to vector<16xi32>
    %min3A_329 = arith.minsi %min3A_328, %max3A_327 : vector<16xi32>
    %get3A_330 = arith.constant 160 : index
    %get3A_331 = tpu.vector_load %arg14[%get3A_330] {strides = array<i32>} : memref<512xi32, #tpu.memory_space<vmem>>, vector<16xi32>,
    %add3A_332 = arith.addi %get3A_331, %gather3A_320 : vector<16xi32>
    %jit3A_333 = arith.constant 0 : i32
    %jit3A_334 = arith.constant 63 : i32
    %max3A_335 = vector.broadcast %jit3A_333 : i32 to vector<16xi32>
    %max3A_336 = arith.maxsi %max3A_335, %add3A_332 : vector<16xi32>
    %min3A_337 = vector.broadcast %jit3A_334 : i32 to vector<16xi32>
    %min3A_338 = arith.minsi %min3A_337, %max3A_336 : vector<16xi32>
    %mul3A_339 = arith.constant 64 : i32
    %mul3A_340 = vector.broadcast %mul3A_339 : i32 to vector<16xi32>
    %mul3A_341 = arith.muli %min3A_329, %mul3A_340 : vector<16xi32>
    %add3A_342 = arith.addi %mul3A_341, %min3A_338 : vector<16xi32>
    %swap3A_343 = arith.constant 160 : index
    %swap3A_344 = tpu.vector_load %arg19[%swap3A_343] {strides = array<i32>} : memref<512xi32, #tpu.memory_space<vmem>>, vector<16xi32>,
    tpu.vector_store %arg19[%swap3A_343], %add3A_342 {strides = array<i32>} : memref<512xi32, #tpu.memory_space<vmem>>, vector<16xi32>,
    %swap3A_345 = arith.constant 160 : index
    %swap3A_346 = tpu.vector_load %arg17[%swap3A_345] {strides = array<i32>} : memref<512xi32, #tpu.memory_space<vmem>>, vector<16xi32>,
    tpu.vector_store %arg17[%swap3A_345], %min3A_329 {strides = array<i32>} : memref<512xi32, #tpu.memory_space<vmem>>, vector<16xi32>,
    %swap3A_347 = arith.constant 160 : index
    %swap3A_348 = tpu.vector_load %arg18[%swap3A_347] {strides = array<i32>} : memref<512xi32, #tpu.memory_space<vmem>>, vector<16xi32>,
    tpu.vector_store %arg18[%swap3A_347], %min3A_338 {strides = array<i32>} : memref<512xi32, #tpu.memory_space<vmem>>, vector<16xi32>,
    %get3A_349 = arith.constant 176 : index
    %get3A_350 = tpu.vector_load %arg12[%get3A_349] {strides = array<i32>} : memref<512xi32, #tpu.memory_space<vmem>>, vector<16xi32>,
    %gather3A_351 = tpu.vector_load_idx %arg15[%get3A_350] : memref<16xi32, #tpu.memory_space<vmem>>[vector<16xi32>], vector<16xi32>,
    %gather3A_352 = tpu.vector_load_idx %arg16[%get3A_350] : memref<16xi32, #tpu.memory_space<vmem>>[vector<16xi32>], vector<16xi32>,
    %get3A_353 = arith.constant 176 : index
    %get3A_354 = tpu.vector_load %arg13[%get3A_353] {strides = array<i32>} : memref<512xi32, #tpu.memory_space<vmem>>, vector<16xi32>,
    %add3A_355 = arith.addi %get3A_354, %gather3A_351 : vector<16xi32>
    %jit3A_356 = arith.constant 0 : i32
    %jit3A_357 = arith.constant 63 : i32
    %max3A_358 = vector.broadcast %jit3A_356 : i32 to vector<16xi32>
    %max3A_359 = arith.maxsi %max3A_358, %add3A_355 : vector<16xi32>
    %min3A_360 = vector.broadcast %jit3A_357 : i32 to vector<16xi32>
    %min3A_361 = arith.minsi %min3A_360, %max3A_359 : vector<16xi32>
    %get3A_362 = arith.constant 176 : index
    %get3A_363 = tpu.vector_load %arg14[%get3A_362] {strides = array<i32>} : memref<512xi32, #tpu.memory_space<vmem>>, vector<16xi32>,
    %add3A_364 = arith.addi %get3A_363, %gather3A_352 : vector<16xi32>
    %jit3A_365 = arith.constant 0 : i32
    %jit3A_366 = arith.constant 63 : i32
    %max3A_367 = vector.broadcast %jit3A_365 : i32 to vector<16xi32>
    %max3A_368 = arith.maxsi %max3A_367, %add3A_364 : vector<16xi32>
    %min3A_369 = vector.broadcast %jit3A_366 : i32 to vector<16xi32>
    %min3A_370 = arith.minsi %min3A_369, %max3A_368 : vector<16xi32>
    %mul3A_371 = arith.constant 64 : i32
    %mul3A_372 = vector.broadcast %mul3A_371 : i32 to vector<16xi32>
    %mul3A_373 = arith.muli %min3A_361, %mul3A_372 : vector<16xi32>
    %add3A_374 = arith.addi %mul3A_373, %min3A_370 : vector<16xi32>
    %swap3A_375 = arith.constant 176 : index
    %swap3A_376 = tpu.vector_load %arg19[%swap3A_375] {strides = array<i32>} : memref<512xi32, #tpu.memory_space<vmem>>, vector<16xi32>,
    tpu.vector_store %arg19[%swap3A_375], %add3A_374 {strides = array<i32>} : memref<512xi32, #tpu.memory_space<vmem>>, vector<16xi32>,
    %swap3A_377 = arith.constant 176 : index
    %swap3A_378 = tpu.vector_load %arg17[%swap3A_377] {strides = array<i32>} : memref<512xi32, #tpu.memory_space<vmem>>, vector<16xi32>,
    tpu.vector_store %arg17[%swap3A_377], %min3A_361 {strides = array<i32>} : memref<512xi32, #tpu.memory_space<vmem>>, vector<16xi32>,
    %swap3A_379 = arith.constant 176 : index
    %swap3A_380 = tpu.vector_load %arg18[%swap3A_379] {strides = array<i32>} : memref<512xi32, #tpu.memory_space<vmem>>, vector<16xi32>,
    tpu.vector_store %arg18[%swap3A_379], %min3A_370 {strides = array<i32>} : memref<512xi32, #tpu.memory_space<vmem>>, vector<16xi32>,
    %get3A_381 = arith.constant 192 : index
    %get3A_382 = tpu.vector_load %arg12[%get3A_381] {strides = array<i32>} : memref<512xi32, #tpu.memory_space<vmem>>, vector<16xi32>,
    %gather3A_383 = tpu.vector_load_idx %arg15[%get3A_382] : memref<16xi32, #tpu.memory_space<vmem>>[vector<16xi32>], vector<16xi32>,
    %gather3A_384 = tpu.vector_load_idx %arg16[%get3A_382] : memref<16xi32, #tpu.memory_space<vmem>>[vector<16xi32>], vector<16xi32>,
    %get3A_385 = arith.constant 192 : index
    %get3A_386 = tpu.vector_load %arg13[%get3A_385] {strides = array<i32>} : memref<512xi32, #tpu.memory_space<vmem>>, vector<16xi32>,
    %add3A_387 = arith.addi %get3A_386, %gather3A_383 : vector<16xi32>
    %jit3A_388 = arith.constant 0 : i32
    %jit3A_389 = arith.constant 63 : i32
    %max3A_390 = vector.broadcast %jit3A_388 : i32 to vector<16xi32>
    %max3A_391 = arith.maxsi %max3A_390, %add3A_387 : vector<16xi32>
    %min3A_392 = vector.broadcast %jit3A_389 : i32 to vector<16xi32>
    %min3A_393 = arith.minsi %min3A_392, %max3A_391 : vector<16xi32>
    %get3A_394 = arith.constant 192 : index
    %get3A_395 = tpu.vector_load %arg14[%get3A_394] {strides = array<i32>} : memref<512xi32, #tpu.memory_space<vmem>>, vector<16xi32>,
    %add3A_396 = arith.addi %get3A_395, %gather3A_384 : vector<16xi32>
    %jit3A_397 = arith.constant 0 : i32
    %jit3A_398 = arith.constant 63 : i32
    %max3A_399 = vector.broadcast %jit3A_397 : i32 to vector<16xi32>
    %max3A_400 = arith.maxsi %max3A_399, %add3A_396 : vector<16xi32>
    %min3A_401 = vector.broadcast %jit3A_398 : i32 to vector<16xi32>
    %min3A_402 = arith.minsi %min3A_401, %max3A_400 : vector<16xi32>
    %mul3A_403 = arith.constant 64 : i32
    %mul3A_404 = vector.broadcast %mul3A_403 : i32 to vector<16xi32>
    %mul3A_405 = arith.muli %min3A_393, %mul3A_404 : vector<16xi32>
    %add3A_406 = arith.addi %mul3A_405, %min3A_402 : vector<16xi32>
    %swap3A_407 = arith.constant 192 : index
    %swap3A_408 = tpu.vector_load %arg19[%swap3A_407] {strides = array<i32>} : memref<512xi32, #tpu.memory_space<vmem>>, vector<16xi32>,
    tpu.vector_store %arg19[%swap3A_407], %add3A_406 {strides = array<i32>} : memref<512xi32, #tpu.memory_space<vmem>>, vector<16xi32>,
    %swap3A_409 = arith.constant 192 : index
    %swap3A_410 = tpu.vector_load %arg17[%swap3A_409] {strides = array<i32>} : memref<512xi32, #tpu.memory_space<vmem>>, vector<16xi32>,
    tpu.vector_store %arg17[%swap3A_409], %min3A_393 {strides = array<i32>} : memref<512xi32, #tpu.memory_space<vmem>>, vector<16xi32>,
    %swap3A_411 = arith.constant 192 : index
    %swap3A_412 = tpu.vector_load %arg18[%swap3A_411] {strides = array<i32>} : memref<512xi32, #tpu.memory_space<vmem>>, vector<16xi32>,
    tpu.vector_store %arg18[%swap3A_411], %min3A_402 {strides = array<i32>} : memref<512xi32, #tpu.memory_space<vmem>>, vector<16xi32>,
    %get3A_413 = arith.constant 208 : index
    %get3A_414 = tpu.vector_load %arg12[%get3A_413] {strides = array<i32>} : memref<512xi32, #tpu.memory_space<vmem>>, vector<16xi32>,
    %gather3A_415 = tpu.vector_load_idx %arg15[%get3A_414] : memref<16xi32, #tpu.memory_space<vmem>>[vector<16xi32>], vector<16xi32>,
    %gather3A_416 = tpu.vector_load_idx %arg16[%get3A_414] : memref<16xi32, #tpu.memory_space<vmem>>[vector<16xi32>], vector<16xi32>,
    %get3A_417 = arith.constant 208 : index
    %get3A_418 = tpu.vector_load %arg13[%get3A_417] {strides = array<i32>} : memref<512xi32, #tpu.memory_space<vmem>>, vector<16xi32>,
    %add3A_419 = arith.addi %get3A_418, %gather3A_415 : vector<16xi32>
    %jit3A_420 = arith.constant 0 : i32
    %jit3A_421 = arith.constant 63 : i32
    %max3A_422 = vector.broadcast %jit3A_420 : i32 to vector<16xi32>
    %max3A_423 = arith.maxsi %max3A_422, %add3A_419 : vector<16xi32>
    %min3A_424 = vector.broadcast %jit3A_421 : i32 to vector<16xi32>
    %min3A_425 = arith.minsi %min3A_424, %max3A_423 : vector<16xi32>
    %get3A_426 = arith.constant 208 : index
    %get3A_427 = tpu.vector_load %arg14[%get3A_426] {strides = array<i32>} : memref<512xi32, #tpu.memory_space<vmem>>, vector<16xi32>,
    %add3A_428 = arith.addi %get3A_427, %gather3A_416 : vector<16xi32>
    %jit3A_429 = arith.constant 0 : i32
    %jit3A_430 = arith.constant 63 : i32
    %max3A_431 = vector.broadcast %jit3A_429 : i32 to vector<16xi32>
    %max3A_432 = arith.maxsi %max3A_431, %add3A_428 : vector<16xi32>
    %min3A_433 = vector.broadcast %jit3A_430 : i32 to vector<16xi32>
    %min3A_434 = arith.minsi %min3A_433, %max3A_432 : vector<16xi32>
    %mul3A_435 = arith.constant 64 : i32
    %mul3A_436 = vector.broadcast %mul3A_435 : i32 to vector<16xi32>
    %mul3A_437 = arith.muli %min3A_425, %mul3A_436 : vector<16xi32>
    %add3A_438 = arith.addi %mul3A_437, %min3A_434 : vector<16xi32>
    %swap3A_439 = arith.constant 208 : index
    %swap3A_440 = tpu.vector_load %arg19[%swap3A_439] {strides = array<i32>} : memref<512xi32, #tpu.memory_space<vmem>>, vector<16xi32>,
    tpu.vector_store %arg19[%swap3A_439], %add3A_438 {strides = array<i32>} : memref<512xi32, #tpu.memory_space<vmem>>, vector<16xi32>,
    %swap3A_441 = arith.constant 208 : index
    %swap3A_442 = tpu.vector_load %arg17[%swap3A_441] {strides = array<i32>} : memref<512xi32, #tpu.memory_space<vmem>>, vector<16xi32>,
    tpu.vector_store %arg17[%swap3A_441], %min3A_425 {strides = array<i32>} : memref<512xi32, #tpu.memory_space<vmem>>, vector<16xi32>,
    %swap3A_443 = arith.constant 208 : index
    %swap3A_444 = tpu.vector_load %arg18[%swap3A_443] {strides = array<i32>} : memref<512xi32, #tpu.memory_space<vmem>>, vector<16xi32>,
    tpu.vector_store %arg18[%swap3A_443], %min3A_434 {strides = array<i32>} : memref<512xi32, #tpu.memory_space<vmem>>, vector<16xi32>,
    %get3A_445 = arith.constant 224 : index
    %get3A_446 = tpu.vector_load %arg12[%get3A_445] {strides = array<i32>} : memref<512xi32, #tpu.memory_space<vmem>>, vector<16xi32>,
    %gather3A_447 = tpu.vector_load_idx %arg15[%get3A_446] : memref<16xi32, #tpu.memory_space<vmem>>[vector<16xi32>], vector<16xi32>,
    %gather3A_448 = tpu.vector_load_idx %arg16[%get3A_446] : memref<16xi32, #tpu.memory_space<vmem>>[vector<16xi32>], vector<16xi32>,
    %get3A_449 = arith.constant 224 : index
    %get3A_450 = tpu.vector_load %arg13[%get3A_449] {strides = array<i32>} : memref<512xi32, #tpu.memory_space<vmem>>, vector<16xi32>,
    %add3A_451 = arith.addi %get3A_450, %gather3A_447 : vector<16xi32>
    %jit3A_452 = arith.constant 0 : i32
    %jit3A_453 = arith.constant 63 : i32
    %max3A_454 = vector.broadcast %jit3A_452 : i32 to vector<16xi32>
    %max3A_455 = arith.maxsi %max3A_454, %add3A_451 : vector<16xi32>
    %min3A_456 = vector.broadcast %jit3A_453 : i32 to vector<16xi32>
    %min3A_457 = arith.minsi %min3A_456, %max3A_455 : vector<16xi32>
    %get3A_458 = arith.constant 224 : index
    %get3A_459 = tpu.vector_load %arg14[%get3A_458] {strides = array<i32>} : memref<512xi32, #tpu.memory_space<vmem>>, vector<16xi32>,
    %add3A_460 = arith.addi %get3A_459, %gather3A_448 : vector<16xi32>
    %jit3A_461 = arith.constant 0 : i32
    %jit3A_462 = arith.constant 63 : i32
    %max3A_463 = vector.broadcast %jit3A_461 : i32 to vector<16xi32>
    %max3A_464 = arith.maxsi %max3A_463, %add3A_460 : vector<16xi32>
    %min3A_465 = vector.broadcast %jit3A_462 : i32 to vector<16xi32>
    %min3A_466 = arith.minsi %min3A_465, %max3A_464 : vector<16xi32>
    %mul3A_467 = arith.constant 64 : i32
    %mul3A_468 = vector.broadcast %mul3A_467 : i32 to vector<16xi32>
    %mul3A_469 = arith.muli %min3A_457, %mul3A_468 : vector<16xi32>
    %add3A_470 = arith.addi %mul3A_469, %min3A_466 : vector<16xi32>
    %swap3A_471 = arith.constant 224 : index
    %swap3A_472 = tpu.vector_load %arg19[%swap3A_471] {strides = array<i32>} : memref<512xi32, #tpu.memory_space<vmem>>, vector<16xi32>,
    tpu.vector_store %arg19[%swap3A_471], %add3A_470 {strides = array<i32>} : memref<512xi32, #tpu.memory_space<vmem>>, vector<16xi32>,
    %swap3A_473 = arith.constant 224 : index
    %swap3A_474 = tpu.vector_load %arg17[%swap3A_473] {strides = array<i32>} : memref<512xi32, #tpu.memory_space<vmem>>, vector<16xi32>,
    tpu.vector_store %arg17[%swap3A_473], %min3A_457 {strides = array<i32>} : memref<512xi32, #tpu.memory_space<vmem>>, vector<16xi32>,
    %swap3A_475 = arith.constant 224 : index
    %swap3A_476 = tpu.vector_load %arg18[%swap3A_475] {strides = array<i32>} : memref<512xi32, #tpu.memory_space<vmem>>, vector<16xi32>,
    tpu.vector_store %arg18[%swap3A_475], %min3A_466 {strides = array<i32>} : memref<512xi32, #tpu.memory_space<vmem>>, vector<16xi32>,
    %get3A_477 = arith.constant 240 : index
    %get3A_478 = tpu.vector_load %arg12[%get3A_477] {strides = array<i32>} : memref<512xi32, #tpu.memory_space<vmem>>, vector<16xi32>,
    %gather3A_479 = tpu.vector_load_idx %arg15[%get3A_478] : memref<16xi32, #tpu.memory_space<vmem>>[vector<16xi32>], vector<16xi32>,
    %gather3A_480 = tpu.vector_load_idx %arg16[%get3A_478] : memref<16xi32, #tpu.memory_space<vmem>>[vector<16xi32>], vector<16xi32>,
    %get3A_481 = arith.constant 240 : index
    %get3A_482 = tpu.vector_load %arg13[%get3A_481] {strides = array<i32>} : memref<512xi32, #tpu.memory_space<vmem>>, vector<16xi32>,
    %add3A_483 = arith.addi %get3A_482, %gather3A_479 : vector<16xi32>
    %jit3A_484 = arith.constant 0 : i32
    %jit3A_485 = arith.constant 63 : i32
    %max3A_486 = vector.broadcast %jit3A_484 : i32 to vector<16xi32>
    %max3A_487 = arith.maxsi %max3A_486, %add3A_483 : vector<16xi32>
    %min3A_488 = vector.broadcast %jit3A_485 : i32 to vector<16xi32>
    %min3A_489 = arith.minsi %min3A_488, %max3A_487 : vector<16xi32>
    %get3A_490 = arith.constant 240 : index
    %get3A_491 = tpu.vector_load %arg14[%get3A_490] {strides = array<i32>} : memref<512xi32, #tpu.memory_space<vmem>>, vector<16xi32>,
    %add3A_492 = arith.addi %get3A_491, %gather3A_480 : vector<16xi32>
    %jit3A_493 = arith.constant 0 : i32
    %jit3A_494 = arith.constant 63 : i32
    %max3A_495 = vector.broadcast %jit3A_493 : i32 to vector<16xi32>
    %max3A_496 = arith.maxsi %max3A_495, %add3A_492 : vector<16xi32>
    %min3A_497 = vector.broadcast %jit3A_494 : i32 to vector<16xi32>
    %min3A_498 = arith.minsi %min3A_497, %max3A_496 : vector<16xi32>
    %mul3A_499 = arith.constant 64 : i32
    %mul3A_500 = vector.broadcast %mul3A_499 : i32 to vector<16xi32>
    %mul3A_501 = arith.muli %min3A_489, %mul3A_500 : vector<16xi32>
    %add3A_502 = arith.addi %mul3A_501, %min3A_498 : vector<16xi32>
    %swap3A_503 = arith.constant 240 : index
    %swap3A_504 = tpu.vector_load %arg19[%swap3A_503] {strides = array<i32>} : memref<512xi32, #tpu.memory_space<vmem>>, vector<16xi32>,
    tpu.vector_store %arg19[%swap3A_503], %add3A_502 {strides = array<i32>} : memref<512xi32, #tpu.memory_space<vmem>>, vector<16xi32>,
    %swap3A_505 = arith.constant 240 : index
    %swap3A_506 = tpu.vector_load %arg17[%swap3A_505] {strides = array<i32>} : memref<512xi32, #tpu.memory_space<vmem>>, vector<16xi32>,
    tpu.vector_store %arg17[%swap3A_505], %min3A_489 {strides = array<i32>} : memref<512xi32, #tpu.memory_space<vmem>>, vector<16xi32>,
    %swap3A_507 = arith.constant 240 : index
    %swap3A_508 = tpu.vector_load %arg18[%swap3A_507] {strides = array<i32>} : memref<512xi32, #tpu.memory_space<vmem>>, vector<16xi32>,
    tpu.vector_store %arg18[%swap3A_507], %min3A_498 {strides = array<i32>} : memref<512xi32, #tpu.memory_space<vmem>>, vector<16xi32>,
    %get3A_509 = arith.constant 256 : index
    %get3A_510 = tpu.vector_load %arg12[%get3A_509] {strides = array<i32>} : memref<512xi32, #tpu.memory_space<vmem>>, vector<16xi32>,
    %gather3A_511 = tpu.vector_load_idx %arg15[%get3A_510] : memref<16xi32, #tpu.memory_space<vmem>>[vector<16xi32>], vector<16xi32>,
    %gather3A_512 = tpu.vector_load_idx %arg16[%get3A_510] : memref<16xi32, #tpu.memory_space<vmem>>[vector<16xi32>], vector<16xi32>,
    %get3A_513 = arith.constant 256 : index
    %get3A_514 = tpu.vector_load %arg13[%get3A_513] {strides = array<i32>} : memref<512xi32, #tpu.memory_space<vmem>>, vector<16xi32>,
    %add3A_515 = arith.addi %get3A_514, %gather3A_511 : vector<16xi32>
    %jit3A_516 = arith.constant 0 : i32
    %jit3A_517 = arith.constant 63 : i32
    %max3A_518 = vector.broadcast %jit3A_516 : i32 to vector<16xi32>
    %max3A_519 = arith.maxsi %max3A_518, %add3A_515 : vector<16xi32>
    %min3A_520 = vector.broadcast %jit3A_517 : i32 to vector<16xi32>
    %min3A_521 = arith.minsi %min3A_520, %max3A_519 : vector<16xi32>
    %get3A_522 = arith.constant 256 : index
    %get3A_523 = tpu.vector_load %arg14[%get3A_522] {strides = array<i32>} : memref<512xi32, #tpu.memory_space<vmem>>, vector<16xi32>,
    %add3A_524 = arith.addi %get3A_523, %gather3A_512 : vector<16xi32>
    %jit3A_525 = arith.constant 0 : i32
    %jit3A_526 = arith.constant 63 : i32
    %max3A_527 = vector.broadcast %jit3A_525 : i32 to vector<16xi32>
    %max3A_528 = arith.maxsi %max3A_527, %add3A_524 : vector<16xi32>
    %min3A_529 = vector.broadcast %jit3A_526 : i32 to vector<16xi32>
    %min3A_530 = arith.minsi %min3A_529, %max3A_528 : vector<16xi32>
    %mul3A_531 = arith.constant 64 : i32
    %mul3A_532 = vector.broadcast %mul3A_531 : i32 to vector<16xi32>
    %mul3A_533 = arith.muli %min3A_521, %mul3A_532 : vector<16xi32>
    %add3A_534 = arith.addi %mul3A_533, %min3A_530 : vector<16xi32>
    %swap3A_535 = arith.constant 256 : index
    %swap3A_536 = tpu.vector_load %arg19[%swap3A_535] {strides = array<i32>} : memref<512xi32, #tpu.memory_space<vmem>>, vector<16xi32>,
    tpu.vector_store %arg19[%swap3A_535], %add3A_534 {strides = array<i32>} : memref<512xi32, #tpu.memory_space<vmem>>, vector<16xi32>,
    %swap3A_537 = arith.constant 256 : index
    %swap3A_538 = tpu.vector_load %arg17[%swap3A_537] {strides = array<i32>} : memref<512xi32, #tpu.memory_space<vmem>>, vector<16xi32>,
    tpu.vector_store %arg17[%swap3A_537], %min3A_521 {strides = array<i32>} : memref<512xi32, #tpu.memory_space<vmem>>, vector<16xi32>,
    %swap3A_539 = arith.constant 256 : index
    %swap3A_540 = tpu.vector_load %arg18[%swap3A_539] {strides = array<i32>} : memref<512xi32, #tpu.memory_space<vmem>>, vector<16xi32>,
    tpu.vector_store %arg18[%swap3A_539], %min3A_530 {strides = array<i32>} : memref<512xi32, #tpu.memory_space<vmem>>, vector<16xi32>,
    %get3A_541 = arith.constant 272 : index
    %get3A_542 = tpu.vector_load %arg12[%get3A_541] {strides = array<i32>} : memref<512xi32, #tpu.memory_space<vmem>>, vector<16xi32>,
    %gather3A_543 = tpu.vector_load_idx %arg15[%get3A_542] : memref<16xi32, #tpu.memory_space<vmem>>[vector<16xi32>], vector<16xi32>,
    %gather3A_544 = tpu.vector_load_idx %arg16[%get3A_542] : memref<16xi32, #tpu.memory_space<vmem>>[vector<16xi32>], vector<16xi32>,
    %get3A_545 = arith.constant 272 : index
    %get3A_546 = tpu.vector_load %arg13[%get3A_545] {strides = array<i32>} : memref<512xi32, #tpu.memory_space<vmem>>, vector<16xi32>,
    %add3A_547 = arith.addi %get3A_546, %gather3A_543 : vector<16xi32>
    %jit3A_548 = arith.constant 0 : i32
    %jit3A_549 = arith.constant 63 : i32
    %max3A_550 = vector.broadcast %jit3A_548 : i32 to vector<16xi32>
    %max3A_551 = arith.maxsi %max3A_550, %add3A_547 : vector<16xi32>
    %min3A_552 = vector.broadcast %jit3A_549 : i32 to vector<16xi32>
    %min3A_553 = arith.minsi %min3A_552, %max3A_551 : vector<16xi32>
    %get3A_554 = arith.constant 272 : index
    %get3A_555 = tpu.vector_load %arg14[%get3A_554] {strides = array<i32>} : memref<512xi32, #tpu.memory_space<vmem>>, vector<16xi32>,
    %add3A_556 = arith.addi %get3A_555, %gather3A_544 : vector<16xi32>
    %jit3A_557 = arith.constant 0 : i32
    %jit3A_558 = arith.constant 63 : i32
    %max3A_559 = vector.broadcast %jit3A_557 : i32 to vector<16xi32>
    %max3A_560 = arith.maxsi %max3A_559, %add3A_556 : vector<16xi32>
    %min3A_561 = vector.broadcast %jit3A_558 : i32 to vector<16xi32>
    %min3A_562 = arith.minsi %min3A_561, %max3A_560 : vector<16xi32>
    %mul3A_563 = arith.constant 64 : i32
    %mul3A_564 = vector.broadcast %mul3A_563 : i32 to vector<16xi32>
    %mul3A_565 = arith.muli %min3A_553, %mul3A_564 : vector<16xi32>
    %add3A_566 = arith.addi %mul3A_565, %min3A_562 : vector<16xi32>
    %swap3A_567 = arith.constant 272 : index
    %swap3A_568 = tpu.vector_load %arg19[%swap3A_567] {strides = array<i32>} : memref<512xi32, #tpu.memory_space<vmem>>, vector<16xi32>,
    tpu.vector_store %arg19[%swap3A_567], %add3A_566 {strides = array<i32>} : memref<512xi32, #tpu.memory_space<vmem>>, vector<16xi32>,
    %swap3A_569 = arith.constant 272 : index
    %swap3A_570 = tpu.vector_load %arg17[%swap3A_569] {strides = array<i32>} : memref<512xi32, #tpu.memory_space<vmem>>, vector<16xi32>,
    tpu.vector_store %arg17[%swap3A_569], %min3A_553 {strides = array<i32>} : memref<512xi32, #tpu.memory_space<vmem>>, vector<16xi32>,
    %swap3A_571 = arith.constant 272 : index
    %swap3A_572 = tpu.vector_load %arg18[%swap3A_571] {strides = array<i32>} : memref<512xi32, #tpu.memory_space<vmem>>, vector<16xi32>,
    tpu.vector_store %arg18[%swap3A_571], %min3A_562 {strides = array<i32>} : memref<512xi32, #tpu.memory_space<vmem>>, vector<16xi32>,
    %get3A_573 = arith.constant 288 : index
    %get3A_574 = tpu.vector_load %arg12[%get3A_573] {strides = array<i32>} : memref<512xi32, #tpu.memory_space<vmem>>, vector<16xi32>,
    %gather3A_575 = tpu.vector_load_idx %arg15[%get3A_574] : memref<16xi32, #tpu.memory_space<vmem>>[vector<16xi32>], vector<16xi32>,
    %gather3A_576 = tpu.vector_load_idx %arg16[%get3A_574] : memref<16xi32, #tpu.memory_space<vmem>>[vector<16xi32>], vector<16xi32>,
    %get3A_577 = arith.constant 288 : index
    %get3A_578 = tpu.vector_load %arg13[%get3A_577] {strides = array<i32>} : memref<512xi32, #tpu.memory_space<vmem>>, vector<16xi32>,
    %add3A_579 = arith.addi %get3A_578, %gather3A_575 : vector<16xi32>
    %jit3A_580 = arith.constant 0 : i32
    %jit3A_581 = arith.constant 63 : i32
    %max3A_582 = vector.broadcast %jit3A_580 : i32 to vector<16xi32>
    %max3A_583 = arith.maxsi %max3A_582, %add3A_579 : vector<16xi32>
    %min3A_584 = vector.broadcast %jit3A_581 : i32 to vector<16xi32>
    %min3A_585 = arith.minsi %min3A_584, %max3A_583 : vector<16xi32>
    %get3A_586 = arith.constant 288 : index
    %get3A_587 = tpu.vector_load %arg14[%get3A_586] {strides = array<i32>} : memref<512xi32, #tpu.memory_space<vmem>>, vector<16xi32>,
    %add3A_588 = arith.addi %get3A_587, %gather3A_576 : vector<16xi32>
    %jit3A_589 = arith.constant 0 : i32
    %jit3A_590 = arith.constant 63 : i32
    %max3A_591 = vector.broadcast %jit3A_589 : i32 to vector<16xi32>
    %max3A_592 = arith.maxsi %max3A_591, %add3A_588 : vector<16xi32>
    %min3A_593 = vector.broadcast %jit3A_590 : i32 to vector<16xi32>
    %min3A_594 = arith.minsi %min3A_593, %max3A_592 : vector<16xi32>
    %mul3A_595 = arith.constant 64 : i32
    %mul3A_596 = vector.broadcast %mul3A_595 : i32 to vector<16xi32>
    %mul3A_597 = arith.muli %min3A_585, %mul3A_596 : vector<16xi32>
    %add3A_598 = arith.addi %mul3A_597, %min3A_594 : vector<16xi32>
    %swap3A_599 = arith.constant 288 : index
    %swap3A_600 = tpu.vector_load %arg19[%swap3A_599] {strides = array<i32>} : memref<512xi32, #tpu.memory_space<vmem>>, vector<16xi32>,
    tpu.vector_store %arg19[%swap3A_599], %add3A_598 {strides = array<i32>} : memref<512xi32, #tpu.memory_space<vmem>>, vector<16xi32>,
    %swap3A_601 = arith.constant 288 : index
    %swap3A_602 = tpu.vector_load %arg17[%swap3A_601] {strides = array<i32>} : memref<512xi32, #tpu.memory_space<vmem>>, vector<16xi32>,
    tpu.vector_store %arg17[%swap3A_601], %min3A_585 {strides = array<i32>} : memref<512xi32, #tpu.memory_space<vmem>>, vector<16xi32>,
    %swap3A_603 = arith.constant 288 : index
    %swap3A_604 = tpu.vector_load %arg18[%swap3A_603] {strides = array<i32>} : memref<512xi32, #tpu.memory_space<vmem>>, vector<16xi32>,
    tpu.vector_store %arg18[%swap3A_603], %min3A_594 {strides = array<i32>} : memref<512xi32, #tpu.memory_space<vmem>>, vector<16xi32>,
    %get3A_605 = arith.constant 304 : index
    %get3A_606 = tpu.vector_load %arg12[%get3A_605] {strides = array<i32>} : memref<512xi32, #tpu.memory_space<vmem>>, vector<16xi32>,
    %gather3A_607 = tpu.vector_load_idx %arg15[%get3A_606] : memref<16xi32, #tpu.memory_space<vmem>>[vector<16xi32>], vector<16xi32>,
    %gather3A_608 = tpu.vector_load_idx %arg16[%get3A_606] : memref<16xi32, #tpu.memory_space<vmem>>[vector<16xi32>], vector<16xi32>,
    %get3A_609 = arith.constant 304 : index
    %get3A_610 = tpu.vector_load %arg13[%get3A_609] {strides = array<i32>} : memref<512xi32, #tpu.memory_space<vmem>>, vector<16xi32>,
    %add3A_611 = arith.addi %get3A_610, %gather3A_607 : vector<16xi32>
    %jit3A_612 = arith.constant 0 : i32
    %jit3A_613 = arith.constant 63 : i32
    %max3A_614 = vector.broadcast %jit3A_612 : i32 to vector<16xi32>
    %max3A_615 = arith.maxsi %max3A_614, %add3A_611 : vector<16xi32>
    %min3A_616 = vector.broadcast %jit3A_613 : i32 to vector<16xi32>
    %min3A_617 = arith.minsi %min3A_616, %max3A_615 : vector<16xi32>
    %get3A_618 = arith.constant 304 : index
    %get3A_619 = tpu.vector_load %arg14[%get3A_618] {strides = array<i32>} : memref<512xi32, #tpu.memory_space<vmem>>, vector<16xi32>,
    %add3A_620 = arith.addi %get3A_619, %gather3A_608 : vector<16xi32>
    %jit3A_621 = arith.constant 0 : i32
    %jit3A_622 = arith.constant 63 : i32
    %max3A_623 = vector.broadcast %jit3A_621 : i32 to vector<16xi32>
    %max3A_624 = arith.maxsi %max3A_623, %add3A_620 : vector<16xi32>
    %min3A_625 = vector.broadcast %jit3A_622 : i32 to vector<16xi32>
    %min3A_626 = arith.minsi %min3A_625, %max3A_624 : vector<16xi32>
    %mul3A_627 = arith.constant 64 : i32
    %mul3A_628 = vector.broadcast %mul3A_627 : i32 to vector<16xi32>
    %mul3A_629 = arith.muli %min3A_617, %mul3A_628 : vector<16xi32>
    %add3A_630 = arith.addi %mul3A_629, %min3A_626 : vector<16xi32>
    %swap3A_631 = arith.constant 304 : index
    %swap3A_632 = tpu.vector_load %arg19[%swap3A_631] {strides = array<i32>} : memref<512xi32, #tpu.memory_space<vmem>>, vector<16xi32>,
    tpu.vector_store %arg19[%swap3A_631], %add3A_630 {strides = array<i32>} : memref<512xi32, #tpu.memory_space<vmem>>, vector<16xi32>,
    %swap3A_633 = arith.constant 304 : index
    %swap3A_634 = tpu.vector_load %arg17[%swap3A_633] {strides = array<i32>} : memref<512xi32, #tpu.memory_space<vmem>>, vector<16xi32>,
    tpu.vector_store %arg17[%swap3A_633], %min3A_617 {strides = array<i32>} : memref<512xi32, #tpu.memory_space<vmem>>, vector<16xi32>,
    %swap3A_635 = arith.constant 304 : index
    %swap3A_636 = tpu.vector_load %arg18[%swap3A_635] {strides = array<i32>} : memref<512xi32, #tpu.memory_space<vmem>>, vector<16xi32>,
    tpu.vector_store %arg18[%swap3A_635], %min3A_626 {strides = array<i32>} : memref<512xi32, #tpu.memory_space<vmem>>, vector<16xi32>,
    %get3A_637 = arith.constant 320 : index
    %get3A_638 = tpu.vector_load %arg12[%get3A_637] {strides = array<i32>} : memref<512xi32, #tpu.memory_space<vmem>>, vector<16xi32>,
    %gather3A_639 = tpu.vector_load_idx %arg15[%get3A_638] : memref<16xi32, #tpu.memory_space<vmem>>[vector<16xi32>], vector<16xi32>,
    %gather3A_640 = tpu.vector_load_idx %arg16[%get3A_638] : memref<16xi32, #tpu.memory_space<vmem>>[vector<16xi32>], vector<16xi32>,
    %get3A_641 = arith.constant 320 : index
    %get3A_642 = tpu.vector_load %arg13[%get3A_641] {strides = array<i32>} : memref<512xi32, #tpu.memory_space<vmem>>, vector<16xi32>,
    %add3A_643 = arith.addi %get3A_642, %gather3A_639 : vector<16xi32>
    %jit3A_644 = arith.constant 0 : i32
    %jit3A_645 = arith.constant 63 : i32
    %max3A_646 = vector.broadcast %jit3A_644 : i32 to vector<16xi32>
    %max3A_647 = arith.maxsi %max3A_646, %add3A_643 : vector<16xi32>
    %min3A_648 = vector.broadcast %jit3A_645 : i32 to vector<16xi32>
    %min3A_649 = arith.minsi %min3A_648, %max3A_647 : vector<16xi32>
    %get3A_650 = arith.constant 320 : index
    %get3A_651 = tpu.vector_load %arg14[%get3A_650] {strides = array<i32>} : memref<512xi32, #tpu.memory_space<vmem>>, vector<16xi32>,
    %add3A_652 = arith.addi %get3A_651, %gather3A_640 : vector<16xi32>
    %jit3A_653 = arith.constant 0 : i32
    %jit3A_654 = arith.constant 63 : i32
    %max3A_655 = vector.broadcast %jit3A_653 : i32 to vector<16xi32>
    %max3A_656 = arith.maxsi %max3A_655, %add3A_652 : vector<16xi32>
    %min3A_657 = vector.broadcast %jit3A_654 : i32 to vector<16xi32>
    %min3A_658 = arith.minsi %min3A_657, %max3A_656 : vector<16xi32>
    %mul3A_659 = arith.constant 64 : i32
    %mul3A_660 = vector.broadcast %mul3A_659 : i32 to vector<16xi32>
    %mul3A_661 = arith.muli %min3A_649, %mul3A_660 : vector<16xi32>
    %add3A_662 = arith.addi %mul3A_661, %min3A_658 : vector<16xi32>
    %swap3A_663 = arith.constant 320 : index
    %swap3A_664 = tpu.vector_load %arg19[%swap3A_663] {strides = array<i32>} : memref<512xi32, #tpu.memory_space<vmem>>, vector<16xi32>,
    tpu.vector_store %arg19[%swap3A_663], %add3A_662 {strides = array<i32>} : memref<512xi32, #tpu.memory_space<vmem>>, vector<16xi32>,
    %swap3A_665 = arith.constant 320 : index
    %swap3A_666 = tpu.vector_load %arg17[%swap3A_665] {strides = array<i32>} : memref<512xi32, #tpu.memory_space<vmem>>, vector<16xi32>,
    tpu.vector_store %arg17[%swap3A_665], %min3A_649 {strides = array<i32>} : memref<512xi32, #tpu.memory_space<vmem>>, vector<16xi32>,
    %swap3A_667 = arith.constant 320 : index
    %swap3A_668 = tpu.vector_load %arg18[%swap3A_667] {strides = array<i32>} : memref<512xi32, #tpu.memory_space<vmem>>, vector<16xi32>,
    tpu.vector_store %arg18[%swap3A_667], %min3A_658 {strides = array<i32>} : memref<512xi32, #tpu.memory_space<vmem>>, vector<16xi32>,
    %get3A_669 = arith.constant 336 : index
    %get3A_670 = tpu.vector_load %arg12[%get3A_669] {strides = array<i32>} : memref<512xi32, #tpu.memory_space<vmem>>, vector<16xi32>,
    %gather3A_671 = tpu.vector_load_idx %arg15[%get3A_670] : memref<16xi32, #tpu.memory_space<vmem>>[vector<16xi32>], vector<16xi32>,
    %gather3A_672 = tpu.vector_load_idx %arg16[%get3A_670] : memref<16xi32, #tpu.memory_space<vmem>>[vector<16xi32>], vector<16xi32>,
    %get3A_673 = arith.constant 336 : index
    %get3A_674 = tpu.vector_load %arg13[%get3A_673] {strides = array<i32>} : memref<512xi32, #tpu.memory_space<vmem>>, vector<16xi32>,
    %add3A_675 = arith.addi %get3A_674, %gather3A_671 : vector<16xi32>
    %jit3A_676 = arith.constant 0 : i32
    %jit3A_677 = arith.constant 63 : i32
    %max3A_678 = vector.broadcast %jit3A_676 : i32 to vector<16xi32>
    %max3A_679 = arith.maxsi %max3A_678, %add3A_675 : vector<16xi32>
    %min3A_680 = vector.broadcast %jit3A_677 : i32 to vector<16xi32>
    %min3A_681 = arith.minsi %min3A_680, %max3A_679 : vector<16xi32>
    %get3A_682 = arith.constant 336 : index
    %get3A_683 = tpu.vector_load %arg14[%get3A_682] {strides = array<i32>} : memref<512xi32, #tpu.memory_space<vmem>>, vector<16xi32>,
    %add3A_684 = arith.addi %get3A_683, %gather3A_672 : vector<16xi32>
    %jit3A_685 = arith.constant 0 : i32
    %jit3A_686 = arith.constant 63 : i32
    %max3A_687 = vector.broadcast %jit3A_685 : i32 to vector<16xi32>
    %max3A_688 = arith.maxsi %max3A_687, %add3A_684 : vector<16xi32>
    %min3A_689 = vector.broadcast %jit3A_686 : i32 to vector<16xi32>
    %min3A_690 = arith.minsi %min3A_689, %max3A_688 : vector<16xi32>
    %mul3A_691 = arith.constant 64 : i32
    %mul3A_692 = vector.broadcast %mul3A_691 : i32 to vector<16xi32>
    %mul3A_693 = arith.muli %min3A_681, %mul3A_692 : vector<16xi32>
    %add3A_694 = arith.addi %mul3A_693, %min3A_690 : vector<16xi32>
    %swap3A_695 = arith.constant 336 : index
    %swap3A_696 = tpu.vector_load %arg19[%swap3A_695] {strides = array<i32>} : memref<512xi32, #tpu.memory_space<vmem>>, vector<16xi32>,
    tpu.vector_store %arg19[%swap3A_695], %add3A_694 {strides = array<i32>} : memref<512xi32, #tpu.memory_space<vmem>>, vector<16xi32>,
    %swap3A_697 = arith.constant 336 : index
    %swap3A_698 = tpu.vector_load %arg17[%swap3A_697] {strides = array<i32>} : memref<512xi32, #tpu.memory_space<vmem>>, vector<16xi32>,
    tpu.vector_store %arg17[%swap3A_697], %min3A_681 {strides = array<i32>} : memref<512xi32, #tpu.memory_space<vmem>>, vector<16xi32>,
    %swap3A_699 = arith.constant 336 : index
    %swap3A_700 = tpu.vector_load %arg18[%swap3A_699] {strides = array<i32>} : memref<512xi32, #tpu.memory_space<vmem>>, vector<16xi32>,
    tpu.vector_store %arg18[%swap3A_699], %min3A_690 {strides = array<i32>} : memref<512xi32, #tpu.memory_space<vmem>>, vector<16xi32>,
    %get3A_701 = arith.constant 352 : index
    %get3A_702 = tpu.vector_load %arg12[%get3A_701] {strides = array<i32>} : memref<512xi32, #tpu.memory_space<vmem>>, vector<16xi32>,
    %gather3A_703 = tpu.vector_load_idx %arg15[%get3A_702] : memref<16xi32, #tpu.memory_space<vmem>>[vector<16xi32>], vector<16xi32>,
    %gather3A_704 = tpu.vector_load_idx %arg16[%get3A_702] : memref<16xi32, #tpu.memory_space<vmem>>[vector<16xi32>], vector<16xi32>,
    %get3A_705 = arith.constant 352 : index
    %get3A_706 = tpu.vector_load %arg13[%get3A_705] {strides = array<i32>} : memref<512xi32, #tpu.memory_space<vmem>>, vector<16xi32>,
    %add3A_707 = arith.addi %get3A_706, %gather3A_703 : vector<16xi32>
    %jit3A_708 = arith.constant 0 : i32
    %jit3A_709 = arith.constant 63 : i32
    %max3A_710 = vector.broadcast %jit3A_708 : i32 to vector<16xi32>
    %max3A_711 = arith.maxsi %max3A_710, %add3A_707 : vector<16xi32>
    %min3A_712 = vector.broadcast %jit3A_709 : i32 to vector<16xi32>
    %min3A_713 = arith.minsi %min3A_712, %max3A_711 : vector<16xi32>
    %get3A_714 = arith.constant 352 : index
    %get3A_715 = tpu.vector_load %arg14[%get3A_714] {strides = array<i32>} : memref<512xi32, #tpu.memory_space<vmem>>, vector<16xi32>,
    %add3A_716 = arith.addi %get3A_715, %gather3A_704 : vector<16xi32>
    %jit3A_717 = arith.constant 0 : i32
    %jit3A_718 = arith.constant 63 : i32
    %max3A_719 = vector.broadcast %jit3A_717 : i32 to vector<16xi32>
    %max3A_720 = arith.maxsi %max3A_719, %add3A_716 : vector<16xi32>
    %min3A_721 = vector.broadcast %jit3A_718 : i32 to vector<16xi32>
    %min3A_722 = arith.minsi %min3A_721, %max3A_720 : vector<16xi32>
    %mul3A_723 = arith.constant 64 : i32
    %mul3A_724 = vector.broadcast %mul3A_723 : i32 to vector<16xi32>
    %mul3A_725 = arith.muli %min3A_713, %mul3A_724 : vector<16xi32>
    %add3A_726 = arith.addi %mul3A_725, %min3A_722 : vector<16xi32>
    %swap3A_727 = arith.constant 352 : index
    %swap3A_728 = tpu.vector_load %arg19[%swap3A_727] {strides = array<i32>} : memref<512xi32, #tpu.memory_space<vmem>>, vector<16xi32>,
    tpu.vector_store %arg19[%swap3A_727], %add3A_726 {strides = array<i32>} : memref<512xi32, #tpu.memory_space<vmem>>, vector<16xi32>,
    %swap3A_729 = arith.constant 352 : index
    %swap3A_730 = tpu.vector_load %arg17[%swap3A_729] {strides = array<i32>} : memref<512xi32, #tpu.memory_space<vmem>>, vector<16xi32>,
    tpu.vector_store %arg17[%swap3A_729], %min3A_713 {strides = array<i32>} : memref<512xi32, #tpu.memory_space<vmem>>, vector<16xi32>,
    %swap3A_731 = arith.constant 352 : index
    %swap3A_732 = tpu.vector_load %arg18[%swap3A_731] {strides = array<i32>} : memref<512xi32, #tpu.memory_space<vmem>>, vector<16xi32>,
    tpu.vector_store %arg18[%swap3A_731], %min3A_722 {strides = array<i32>} : memref<512xi32, #tpu.memory_space<vmem>>, vector<16xi32>,
    %get3A_733 = arith.constant 368 : index
    %get3A_734 = tpu.vector_load %arg12[%get3A_733] {strides = array<i32>} : memref<512xi32, #tpu.memory_space<vmem>>, vector<16xi32>,
    %gather3A_735 = tpu.vector_load_idx %arg15[%get3A_734] : memref<16xi32, #tpu.memory_space<vmem>>[vector<16xi32>], vector<16xi32>,
    %gather3A_736 = tpu.vector_load_idx %arg16[%get3A_734] : memref<16xi32, #tpu.memory_space<vmem>>[vector<16xi32>], vector<16xi32>,
    %get3A_737 = arith.constant 368 : index
    %get3A_738 = tpu.vector_load %arg13[%get3A_737] {strides = array<i32>} : memref<512xi32, #tpu.memory_space<vmem>>, vector<16xi32>,
    %add3A_739 = arith.addi %get3A_738, %gather3A_735 : vector<16xi32>
    %jit3A_740 = arith.constant 0 : i32
    %jit3A_741 = arith.constant 63 : i32
    %max3A_742 = vector.broadcast %jit3A_740 : i32 to vector<16xi32>
    %max3A_743 = arith.maxsi %max3A_742, %add3A_739 : vector<16xi32>
    %min3A_744 = vector.broadcast %jit3A_741 : i32 to vector<16xi32>
    %min3A_745 = arith.minsi %min3A_744, %max3A_743 : vector<16xi32>
    %get3A_746 = arith.constant 368 : index
    %get3A_747 = tpu.vector_load %arg14[%get3A_746] {strides = array<i32>} : memref<512xi32, #tpu.memory_space<vmem>>, vector<16xi32>,
    %add3A_748 = arith.addi %get3A_747, %gather3A_736 : vector<16xi32>
    %jit3A_749 = arith.constant 0 : i32
    %jit3A_750 = arith.constant 63 : i32
    %max3A_751 = vector.broadcast %jit3A_749 : i32 to vector<16xi32>
    %max3A_752 = arith.maxsi %max3A_751, %add3A_748 : vector<16xi32>
    %min3A_753 = vector.broadcast %jit3A_750 : i32 to vector<16xi32>
    %min3A_754 = arith.minsi %min3A_753, %max3A_752 : vector<16xi32>
    %mul3A_755 = arith.constant 64 : i32
    %mul3A_756 = vector.broadcast %mul3A_755 : i32 to vector<16xi32>
    %mul3A_757 = arith.muli %min3A_745, %mul3A_756 : vector<16xi32>
    %add3A_758 = arith.addi %mul3A_757, %min3A_754 : vector<16xi32>
    %swap3A_759 = arith.constant 368 : index
    %swap3A_760 = tpu.vector_load %arg19[%swap3A_759] {strides = array<i32>} : memref<512xi32, #tpu.memory_space<vmem>>, vector<16xi32>,
    tpu.vector_store %arg19[%swap3A_759], %add3A_758 {strides = array<i32>} : memref<512xi32, #tpu.memory_space<vmem>>, vector<16xi32>,
    %swap3A_761 = arith.constant 368 : index
    %swap3A_762 = tpu.vector_load %arg17[%swap3A_761] {strides = array<i32>} : memref<512xi32, #tpu.memory_space<vmem>>, vector<16xi32>,
    tpu.vector_store %arg17[%swap3A_761], %min3A_745 {strides = array<i32>} : memref<512xi32, #tpu.memory_space<vmem>>, vector<16xi32>,
    %swap3A_763 = arith.constant 368 : index
    %swap3A_764 = tpu.vector_load %arg18[%swap3A_763] {strides = array<i32>} : memref<512xi32, #tpu.memory_space<vmem>>, vector<16xi32>,
    tpu.vector_store %arg18[%swap3A_763], %min3A_754 {strides = array<i32>} : memref<512xi32, #tpu.memory_space<vmem>>, vector<16xi32>,
    %get3A_765 = arith.constant 384 : index
    %get3A_766 = tpu.vector_load %arg12[%get3A_765] {strides = array<i32>} : memref<512xi32, #tpu.memory_space<vmem>>, vector<16xi32>,
    %gather3A_767 = tpu.vector_load_idx %arg15[%get3A_766] : memref<16xi32, #tpu.memory_space<vmem>>[vector<16xi32>], vector<16xi32>,
    %gather3A_768 = tpu.vector_load_idx %arg16[%get3A_766] : memref<16xi32, #tpu.memory_space<vmem>>[vector<16xi32>], vector<16xi32>,
    %get3A_769 = arith.constant 384 : index
    %get3A_770 = tpu.vector_load %arg13[%get3A_769] {strides = array<i32>} : memref<512xi32, #tpu.memory_space<vmem>>, vector<16xi32>,
    %add3A_771 = arith.addi %get3A_770, %gather3A_767 : vector<16xi32>
    %jit3A_772 = arith.constant 0 : i32
    %jit3A_773 = arith.constant 63 : i32
    %max3A_774 = vector.broadcast %jit3A_772 : i32 to vector<16xi32>
    %max3A_775 = arith.maxsi %max3A_774, %add3A_771 : vector<16xi32>
    %min3A_776 = vector.broadcast %jit3A_773 : i32 to vector<16xi32>
    %min3A_777 = arith.minsi %min3A_776, %max3A_775 : vector<16xi32>
    %get3A_778 = arith.constant 384 : index
    %get3A_779 = tpu.vector_load %arg14[%get3A_778] {strides = array<i32>} : memref<512xi32, #tpu.memory_space<vmem>>, vector<16xi32>,
    %add3A_780 = arith.addi %get3A_779, %gather3A_768 : vector<16xi32>
    %jit3A_781 = arith.constant 0 : i32
    %jit3A_782 = arith.constant 63 : i32
    %max3A_783 = vector.broadcast %jit3A_781 : i32 to vector<16xi32>
    %max3A_784 = arith.maxsi %max3A_783, %add3A_780 : vector<16xi32>
    %min3A_785 = vector.broadcast %jit3A_782 : i32 to vector<16xi32>
    %min3A_786 = arith.minsi %min3A_785, %max3A_784 : vector<16xi32>
    %mul3A_787 = arith.constant 64 : i32
    %mul3A_788 = vector.broadcast %mul3A_787 : i32 to vector<16xi32>
    %mul3A_789 = arith.muli %min3A_777, %mul3A_788 : vector<16xi32>
    %add3A_790 = arith.addi %mul3A_789, %min3A_786 : vector<16xi32>
    %swap3A_791 = arith.constant 384 : index
    %swap3A_792 = tpu.vector_load %arg19[%swap3A_791] {strides = array<i32>} : memref<512xi32, #tpu.memory_space<vmem>>, vector<16xi32>,
    tpu.vector_store %arg19[%swap3A_791], %add3A_790 {strides = array<i32>} : memref<512xi32, #tpu.memory_space<vmem>>, vector<16xi32>,
    %swap3A_793 = arith.constant 384 : index
    %swap3A_794 = tpu.vector_load %arg17[%swap3A_793] {strides = array<i32>} : memref<512xi32, #tpu.memory_space<vmem>>, vector<16xi32>,
    tpu.vector_store %arg17[%swap3A_793], %min3A_777 {strides = array<i32>} : memref<512xi32, #tpu.memory_space<vmem>>, vector<16xi32>,
    %swap3A_795 = arith.constant 384 : index
    %swap3A_796 = tpu.vector_load %arg18[%swap3A_795] {strides = array<i32>} : memref<512xi32, #tpu.memory_space<vmem>>, vector<16xi32>,
    tpu.vector_store %arg18[%swap3A_795], %min3A_786 {strides = array<i32>} : memref<512xi32, #tpu.memory_space<vmem>>, vector<16xi32>,
    %get3A_797 = arith.constant 400 : index
    %get3A_798 = tpu.vector_load %arg12[%get3A_797] {strides = array<i32>} : memref<512xi32, #tpu.memory_space<vmem>>, vector<16xi32>,
    %gather3A_799 = tpu.vector_load_idx %arg15[%get3A_798] : memref<16xi32, #tpu.memory_space<vmem>>[vector<16xi32>], vector<16xi32>,
    %gather3A_800 = tpu.vector_load_idx %arg16[%get3A_798] : memref<16xi32, #tpu.memory_space<vmem>>[vector<16xi32>], vector<16xi32>,
    %get3A_801 = arith.constant 400 : index
    %get3A_802 = tpu.vector_load %arg13[%get3A_801] {strides = array<i32>} : memref<512xi32, #tpu.memory_space<vmem>>, vector<16xi32>,
    %add3A_803 = arith.addi %get3A_802, %gather3A_799 : vector<16xi32>
    %jit3A_804 = arith.constant 0 : i32
    %jit3A_805 = arith.constant 63 : i32
    %max3A_806 = vector.broadcast %jit3A_804 : i32 to vector<16xi32>
    %max3A_807 = arith.maxsi %max3A_806, %add3A_803 : vector<16xi32>
    %min3A_808 = vector.broadcast %jit3A_805 : i32 to vector<16xi32>
    %min3A_809 = arith.minsi %min3A_808, %max3A_807 : vector<16xi32>
    %get3A_810 = arith.constant 400 : index
    %get3A_811 = tpu.vector_load %arg14[%get3A_810] {strides = array<i32>} : memref<512xi32, #tpu.memory_space<vmem>>, vector<16xi32>,
    %add3A_812 = arith.addi %get3A_811, %gather3A_800 : vector<16xi32>
    %jit3A_813 = arith.constant 0 : i32
    %jit3A_814 = arith.constant 63 : i32
    %max3A_815 = vector.broadcast %jit3A_813 : i32 to vector<16xi32>
    %max3A_816 = arith.maxsi %max3A_815, %add3A_812 : vector<16xi32>
    %min3A_817 = vector.broadcast %jit3A_814 : i32 to vector<16xi32>
    %min3A_818 = arith.minsi %min3A_817, %max3A_816 : vector<16xi32>
    %mul3A_819 = arith.constant 64 : i32
    %mul3A_820 = vector.broadcast %mul3A_819 : i32 to vector<16xi32>
    %mul3A_821 = arith.muli %min3A_809, %mul3A_820 : vector<16xi32>
    %add3A_822 = arith.addi %mul3A_821, %min3A_818 : vector<16xi32>
    %swap3A_823 = arith.constant 400 : index
    %swap3A_824 = tpu.vector_load %arg19[%swap3A_823] {strides = array<i32>} : memref<512xi32, #tpu.memory_space<vmem>>, vector<16xi32>,
    tpu.vector_store %arg19[%swap3A_823], %add3A_822 {strides = array<i32>} : memref<512xi32, #tpu.memory_space<vmem>>, vector<16xi32>,
    %swap3A_825 = arith.constant 400 : index
    %swap3A_826 = tpu.vector_load %arg17[%swap3A_825] {strides = array<i32>} : memref<512xi32, #tpu.memory_space<vmem>>, vector<16xi32>,
    tpu.vector_store %arg17[%swap3A_825], %min3A_809 {strides = array<i32>} : memref<512xi32, #tpu.memory_space<vmem>>, vector<16xi32>,
    %swap3A_827 = arith.constant 400 : index
    %swap3A_828 = tpu.vector_load %arg18[%swap3A_827] {strides = array<i32>} : memref<512xi32, #tpu.memory_space<vmem>>, vector<16xi32>,
    tpu.vector_store %arg18[%swap3A_827], %min3A_818 {strides = array<i32>} : memref<512xi32, #tpu.memory_space<vmem>>, vector<16xi32>,
    %get3A_829 = arith.constant 416 : index
    %get3A_830 = tpu.vector_load %arg12[%get3A_829] {strides = array<i32>} : memref<512xi32, #tpu.memory_space<vmem>>, vector<16xi32>,
    %gather3A_831 = tpu.vector_load_idx %arg15[%get3A_830] : memref<16xi32, #tpu.memory_space<vmem>>[vector<16xi32>], vector<16xi32>,
    %gather3A_832 = tpu.vector_load_idx %arg16[%get3A_830] : memref<16xi32, #tpu.memory_space<vmem>>[vector<16xi32>], vector<16xi32>,
    %get3A_833 = arith.constant 416 : index
    %get3A_834 = tpu.vector_load %arg13[%get3A_833] {strides = array<i32>} : memref<512xi32, #tpu.memory_space<vmem>>, vector<16xi32>,
    %add3A_835 = arith.addi %get3A_834, %gather3A_831 : vector<16xi32>
    %jit3A_836 = arith.constant 0 : i32
    %jit3A_837 = arith.constant 63 : i32
    %max3A_838 = vector.broadcast %jit3A_836 : i32 to vector<16xi32>
    %max3A_839 = arith.maxsi %max3A_838, %add3A_835 : vector<16xi32>
    %min3A_840 = vector.broadcast %jit3A_837 : i32 to vector<16xi32>
    %min3A_841 = arith.minsi %min3A_840, %max3A_839 : vector<16xi32>
    %get3A_842 = arith.constant 416 : index
    %get3A_843 = tpu.vector_load %arg14[%get3A_842] {strides = array<i32>} : memref<512xi32, #tpu.memory_space<vmem>>, vector<16xi32>,
    %add3A_844 = arith.addi %get3A_843, %gather3A_832 : vector<16xi32>
    %jit3A_845 = arith.constant 0 : i32
    %jit3A_846 = arith.constant 63 : i32
    %max3A_847 = vector.broadcast %jit3A_845 : i32 to vector<16xi32>
    %max3A_848 = arith.maxsi %max3A_847, %add3A_844 : vector<16xi32>
    %min3A_849 = vector.broadcast %jit3A_846 : i32 to vector<16xi32>
    %min3A_850 = arith.minsi %min3A_849, %max3A_848 : vector<16xi32>
    %mul3A_851 = arith.constant 64 : i32
    %mul3A_852 = vector.broadcast %mul3A_851 : i32 to vector<16xi32>
    %mul3A_853 = arith.muli %min3A_841, %mul3A_852 : vector<16xi32>
    %add3A_854 = arith.addi %mul3A_853, %min3A_850 : vector<16xi32>
    %swap3A_855 = arith.constant 416 : index
    %swap3A_856 = tpu.vector_load %arg19[%swap3A_855] {strides = array<i32>} : memref<512xi32, #tpu.memory_space<vmem>>, vector<16xi32>,
    tpu.vector_store %arg19[%swap3A_855], %add3A_854 {strides = array<i32>} : memref<512xi32, #tpu.memory_space<vmem>>, vector<16xi32>,
    %swap3A_857 = arith.constant 416 : index
    %swap3A_858 = tpu.vector_load %arg17[%swap3A_857] {strides = array<i32>} : memref<512xi32, #tpu.memory_space<vmem>>, vector<16xi32>,
    tpu.vector_store %arg17[%swap3A_857], %min3A_841 {strides = array<i32>} : memref<512xi32, #tpu.memory_space<vmem>>, vector<16xi32>,
    %swap3A_859 = arith.constant 416 : index
    %swap3A_860 = tpu.vector_load %arg18[%swap3A_859] {strides = array<i32>} : memref<512xi32, #tpu.memory_space<vmem>>, vector<16xi32>,
    tpu.vector_store %arg18[%swap3A_859], %min3A_850 {strides = array<i32>} : memref<512xi32, #tpu.memory_space<vmem>>, vector<16xi32>,
    %get3A_861 = arith.constant 432 : index
    %get3A_862 = tpu.vector_load %arg12[%get3A_861] {strides = array<i32>} : memref<512xi32, #tpu.memory_space<vmem>>, vector<16xi32>,
    %gather3A_863 = tpu.vector_load_idx %arg15[%get3A_862] : memref<16xi32, #tpu.memory_space<vmem>>[vector<16xi32>], vector<16xi32>,
    %gather3A_864 = tpu.vector_load_idx %arg16[%get3A_862] : memref<16xi32, #tpu.memory_space<vmem>>[vector<16xi32>], vector<16xi32>,
    %get3A_865 = arith.constant 432 : index
    %get3A_866 = tpu.vector_load %arg13[%get3A_865] {strides = array<i32>} : memref<512xi32, #tpu.memory_space<vmem>>, vector<16xi32>,
    %add3A_867 = arith.addi %get3A_866, %gather3A_863 : vector<16xi32>
    %jit3A_868 = arith.constant 0 : i32
    %jit3A_869 = arith.constant 63 : i32
    %max3A_870 = vector.broadcast %jit3A_868 : i32 to vector<16xi32>
    %max3A_871 = arith.maxsi %max3A_870, %add3A_867 : vector<16xi32>
    %min3A_872 = vector.broadcast %jit3A_869 : i32 to vector<16xi32>
    %min3A_873 = arith.minsi %min3A_872, %max3A_871 : vector<16xi32>
    %get3A_874 = arith.constant 432 : index
    %get3A_875 = tpu.vector_load %arg14[%get3A_874] {strides = array<i32>} : memref<512xi32, #tpu.memory_space<vmem>>, vector<16xi32>,
    %add3A_876 = arith.addi %get3A_875, %gather3A_864 : vector<16xi32>
    %jit3A_877 = arith.constant 0 : i32
    %jit3A_878 = arith.constant 63 : i32
    %max3A_879 = vector.broadcast %jit3A_877 : i32 to vector<16xi32>
    %max3A_880 = arith.maxsi %max3A_879, %add3A_876 : vector<16xi32>
    %min3A_881 = vector.broadcast %jit3A_878 : i32 to vector<16xi32>
    %min3A_882 = arith.minsi %min3A_881, %max3A_880 : vector<16xi32>
    %mul3A_883 = arith.constant 64 : i32
    %mul3A_884 = vector.broadcast %mul3A_883 : i32 to vector<16xi32>
    %mul3A_885 = arith.muli %min3A_873, %mul3A_884 : vector<16xi32>
    %add3A_886 = arith.addi %mul3A_885, %min3A_882 : vector<16xi32>
    %swap3A_887 = arith.constant 432 : index
    %swap3A_888 = tpu.vector_load %arg19[%swap3A_887] {strides = array<i32>} : memref<512xi32, #tpu.memory_space<vmem>>, vector<16xi32>,
    tpu.vector_store %arg19[%swap3A_887], %add3A_886 {strides = array<i32>} : memref<512xi32, #tpu.memory_space<vmem>>, vector<16xi32>,
    %swap3A_889 = arith.constant 432 : index
    %swap3A_890 = tpu.vector_load %arg17[%swap3A_889] {strides = array<i32>} : memref<512xi32, #tpu.memory_space<vmem>>, vector<16xi32>,
    tpu.vector_store %arg17[%swap3A_889], %min3A_873 {strides = array<i32>} : memref<512xi32, #tpu.memory_space<vmem>>, vector<16xi32>,
    %swap3A_891 = arith.constant 432 : index
    %swap3A_892 = tpu.vector_load %arg18[%swap3A_891] {strides = array<i32>} : memref<512xi32, #tpu.memory_space<vmem>>, vector<16xi32>,
    tpu.vector_store %arg18[%swap3A_891], %min3A_882 {strides = array<i32>} : memref<512xi32, #tpu.memory_space<vmem>>, vector<16xi32>,
    %get3A_893 = arith.constant 448 : index
    %get3A_894 = tpu.vector_load %arg12[%get3A_893] {strides = array<i32>} : memref<512xi32, #tpu.memory_space<vmem>>, vector<16xi32>,
    %gather3A_895 = tpu.vector_load_idx %arg15[%get3A_894] : memref<16xi32, #tpu.memory_space<vmem>>[vector<16xi32>], vector<16xi32>,
    %gather3A_896 = tpu.vector_load_idx %arg16[%get3A_894] : memref<16xi32, #tpu.memory_space<vmem>>[vector<16xi32>], vector<16xi32>,
    %get3A_897 = arith.constant 448 : index
    %get3A_898 = tpu.vector_load %arg13[%get3A_897] {strides = array<i32>} : memref<512xi32, #tpu.memory_space<vmem>>, vector<16xi32>,
    %add3A_899 = arith.addi %get3A_898, %gather3A_895 : vector<16xi32>
    %jit3A_900 = arith.constant 0 : i32
    %jit3A_901 = arith.constant 63 : i32
    %max3A_902 = vector.broadcast %jit3A_900 : i32 to vector<16xi32>
    %max3A_903 = arith.maxsi %max3A_902, %add3A_899 : vector<16xi32>
    %min3A_904 = vector.broadcast %jit3A_901 : i32 to vector<16xi32>
    %min3A_905 = arith.minsi %min3A_904, %max3A_903 : vector<16xi32>
    %get3A_906 = arith.constant 448 : index
    %get3A_907 = tpu.vector_load %arg14[%get3A_906] {strides = array<i32>} : memref<512xi32, #tpu.memory_space<vmem>>, vector<16xi32>,
    %add3A_908 = arith.addi %get3A_907, %gather3A_896 : vector<16xi32>
    %jit3A_909 = arith.constant 0 : i32
    %jit3A_910 = arith.constant 63 : i32
    %max3A_911 = vector.broadcast %jit3A_909 : i32 to vector<16xi32>
    %max3A_912 = arith.maxsi %max3A_911, %add3A_908 : vector<16xi32>
    %min3A_913 = vector.broadcast %jit3A_910 : i32 to vector<16xi32>
    %min3A_914 = arith.minsi %min3A_913, %max3A_912 : vector<16xi32>
    %mul3A_915 = arith.constant 64 : i32
    %mul3A_916 = vector.broadcast %mul3A_915 : i32 to vector<16xi32>
    %mul3A_917 = arith.muli %min3A_905, %mul3A_916 : vector<16xi32>
    %add3A_918 = arith.addi %mul3A_917, %min3A_914 : vector<16xi32>
    %swap3A_919 = arith.constant 448 : index
    %swap3A_920 = tpu.vector_load %arg19[%swap3A_919] {strides = array<i32>} : memref<512xi32, #tpu.memory_space<vmem>>, vector<16xi32>,
    tpu.vector_store %arg19[%swap3A_919], %add3A_918 {strides = array<i32>} : memref<512xi32, #tpu.memory_space<vmem>>, vector<16xi32>,
    %swap3A_921 = arith.constant 448 : index
    %swap3A_922 = tpu.vector_load %arg17[%swap3A_921] {strides = array<i32>} : memref<512xi32, #tpu.memory_space<vmem>>, vector<16xi32>,
    tpu.vector_store %arg17[%swap3A_921], %min3A_905 {strides = array<i32>} : memref<512xi32, #tpu.memory_space<vmem>>, vector<16xi32>,
    %swap3A_923 = arith.constant 448 : index
    %swap3A_924 = tpu.vector_load %arg18[%swap3A_923] {strides = array<i32>} : memref<512xi32, #tpu.memory_space<vmem>>, vector<16xi32>,
    tpu.vector_store %arg18[%swap3A_923], %min3A_914 {strides = array<i32>} : memref<512xi32, #tpu.memory_space<vmem>>, vector<16xi32>,
    %get3A_925 = arith.constant 464 : index
    %get3A_926 = tpu.vector_load %arg12[%get3A_925] {strides = array<i32>} : memref<512xi32, #tpu.memory_space<vmem>>, vector<16xi32>,
    %gather3A_927 = tpu.vector_load_idx %arg15[%get3A_926] : memref<16xi32, #tpu.memory_space<vmem>>[vector<16xi32>], vector<16xi32>,
    %gather3A_928 = tpu.vector_load_idx %arg16[%get3A_926] : memref<16xi32, #tpu.memory_space<vmem>>[vector<16xi32>], vector<16xi32>,
    %get3A_929 = arith.constant 464 : index
    %get3A_930 = tpu.vector_load %arg13[%get3A_929] {strides = array<i32>} : memref<512xi32, #tpu.memory_space<vmem>>, vector<16xi32>,
    %add3A_931 = arith.addi %get3A_930, %gather3A_927 : vector<16xi32>
    %jit3A_932 = arith.constant 0 : i32
    %jit3A_933 = arith.constant 63 : i32
    %max3A_934 = vector.broadcast %jit3A_932 : i32 to vector<16xi32>
    %max3A_935 = arith.maxsi %max3A_934, %add3A_931 : vector<16xi32>
    %min3A_936 = vector.broadcast %jit3A_933 : i32 to vector<16xi32>
    %min3A_937 = arith.minsi %min3A_936, %max3A_935 : vector<16xi32>
    %get3A_938 = arith.constant 464 : index
    %get3A_939 = tpu.vector_load %arg14[%get3A_938] {strides = array<i32>} : memref<512xi32, #tpu.memory_space<vmem>>, vector<16xi32>,
    %add3A_940 = arith.addi %get3A_939, %gather3A_928 : vector<16xi32>
    %jit3A_941 = arith.constant 0 : i32
    %jit3A_942 = arith.constant 63 : i32
    %max3A_943 = vector.broadcast %jit3A_941 : i32 to vector<16xi32>
    %max3A_944 = arith.maxsi %max3A_943, %add3A_940 : vector<16xi32>
    %min3A_945 = vector.broadcast %jit3A_942 : i32 to vector<16xi32>
    %min3A_946 = arith.minsi %min3A_945, %max3A_944 : vector<16xi32>
    %mul3A_947 = arith.constant 64 : i32
    %mul3A_948 = vector.broadcast %mul3A_947 : i32 to vector<16xi32>
    %mul3A_949 = arith.muli %min3A_937, %mul3A_948 : vector<16xi32>
    %add3A_950 = arith.addi %mul3A_949, %min3A_946 : vector<16xi32>
    %swap3A_951 = arith.constant 464 : index
    %swap3A_952 = tpu.vector_load %arg19[%swap3A_951] {strides = array<i32>} : memref<512xi32, #tpu.memory_space<vmem>>, vector<16xi32>,
    tpu.vector_store %arg19[%swap3A_951], %add3A_950 {strides = array<i32>} : memref<512xi32, #tpu.memory_space<vmem>>, vector<16xi32>,
    %swap3A_953 = arith.constant 464 : index
    %swap3A_954 = tpu.vector_load %arg17[%swap3A_953] {strides = array<i32>} : memref<512xi32, #tpu.memory_space<vmem>>, vector<16xi32>,
    tpu.vector_store %arg17[%swap3A_953], %min3A_937 {strides = array<i32>} : memref<512xi32, #tpu.memory_space<vmem>>, vector<16xi32>,
    %swap3A_955 = arith.constant 464 : index
    %swap3A_956 = tpu.vector_load %arg18[%swap3A_955] {strides = array<i32>} : memref<512xi32, #tpu.memory_space<vmem>>, vector<16xi32>,
    tpu.vector_store %arg18[%swap3A_955], %min3A_946 {strides = array<i32>} : memref<512xi32, #tpu.memory_space<vmem>>, vector<16xi32>,
    %get3A_957 = arith.constant 480 : index
    %get3A_958 = tpu.vector_load %arg12[%get3A_957] {strides = array<i32>} : memref<512xi32, #tpu.memory_space<vmem>>, vector<16xi32>,
    %gather3A_959 = tpu.vector_load_idx %arg15[%get3A_958] : memref<16xi32, #tpu.memory_space<vmem>>[vector<16xi32>], vector<16xi32>,
    %gather3A_960 = tpu.vector_load_idx %arg16[%get3A_958] : memref<16xi32, #tpu.memory_space<vmem>>[vector<16xi32>], vector<16xi32>,
    %get3A_961 = arith.constant 480 : index
    %get3A_962 = tpu.vector_load %arg13[%get3A_961] {strides = array<i32>} : memref<512xi32, #tpu.memory_space<vmem>>, vector<16xi32>,
    %add3A_963 = arith.addi %get3A_962, %gather3A_959 : vector<16xi32>
    %jit3A_964 = arith.constant 0 : i32
    %jit3A_965 = arith.constant 63 : i32
    %max3A_966 = vector.broadcast %jit3A_964 : i32 to vector<16xi32>
    %max3A_967 = arith.maxsi %max3A_966, %add3A_963 : vector<16xi32>
    %min3A_968 = vector.broadcast %jit3A_965 : i32 to vector<16xi32>
    %min3A_969 = arith.minsi %min3A_968, %max3A_967 : vector<16xi32>
    %get3A_970 = arith.constant 480 : index
    %get3A_971 = tpu.vector_load %arg14[%get3A_970] {strides = array<i32>} : memref<512xi32, #tpu.memory_space<vmem>>, vector<16xi32>,
    %add3A_972 = arith.addi %get3A_971, %gather3A_960 : vector<16xi32>
    %jit3A_973 = arith.constant 0 : i32
    %jit3A_974 = arith.constant 63 : i32
    %max3A_975 = vector.broadcast %jit3A_973 : i32 to vector<16xi32>
    %max3A_976 = arith.maxsi %max3A_975, %add3A_972 : vector<16xi32>
    %min3A_977 = vector.broadcast %jit3A_974 : i32 to vector<16xi32>
    %min3A_978 = arith.minsi %min3A_977, %max3A_976 : vector<16xi32>
    %mul3A_979 = arith.constant 64 : i32
    %mul3A_980 = vector.broadcast %mul3A_979 : i32 to vector<16xi32>
    %mul3A_981 = arith.muli %min3A_969, %mul3A_980 : vector<16xi32>
    %add3A_982 = arith.addi %mul3A_981, %min3A_978 : vector<16xi32>
    %swap3A_983 = arith.constant 480 : index
    %swap3A_984 = tpu.vector_load %arg19[%swap3A_983] {strides = array<i32>} : memref<512xi32, #tpu.memory_space<vmem>>, vector<16xi32>,
    tpu.vector_store %arg19[%swap3A_983], %add3A_982 {strides = array<i32>} : memref<512xi32, #tpu.memory_space<vmem>>, vector<16xi32>,
    %swap3A_985 = arith.constant 480 : index
    %swap3A_986 = tpu.vector_load %arg17[%swap3A_985] {strides = array<i32>} : memref<512xi32, #tpu.memory_space<vmem>>, vector<16xi32>,
    tpu.vector_store %arg17[%swap3A_985], %min3A_969 {strides = array<i32>} : memref<512xi32, #tpu.memory_space<vmem>>, vector<16xi32>,
    %swap3A_987 = arith.constant 480 : index
    %swap3A_988 = tpu.vector_load %arg18[%swap3A_987] {strides = array<i32>} : memref<512xi32, #tpu.memory_space<vmem>>, vector<16xi32>,
    tpu.vector_store %arg18[%swap3A_987], %min3A_978 {strides = array<i32>} : memref<512xi32, #tpu.memory_space<vmem>>, vector<16xi32>,
    %get3A_989 = arith.constant 496 : index
    %get3A_990 = tpu.vector_load %arg12[%get3A_989] {strides = array<i32>} : memref<512xi32, #tpu.memory_space<vmem>>, vector<16xi32>,
    %gather3A_991 = tpu.vector_load_idx %arg15[%get3A_990] : memref<16xi32, #tpu.memory_space<vmem>>[vector<16xi32>], vector<16xi32>,
    %gather3A_992 = tpu.vector_load_idx %arg16[%get3A_990] : memref<16xi32, #tpu.memory_space<vmem>>[vector<16xi32>], vector<16xi32>,
    %get3A_993 = arith.constant 496 : index
    %get3A_994 = tpu.vector_load %arg13[%get3A_993] {strides = array<i32>} : memref<512xi32, #tpu.memory_space<vmem>>, vector<16xi32>,
    %add3A_995 = arith.addi %get3A_994, %gather3A_991 : vector<16xi32>
    %jit3A_996 = arith.constant 0 : i32
    %jit3A_997 = arith.constant 63 : i32
    %max3A_998 = vector.broadcast %jit3A_996 : i32 to vector<16xi32>
    %max3A_999 = arith.maxsi %max3A_998, %add3A_995 : vector<16xi32>
    %min3A_1000 = vector.broadcast %jit3A_997 : i32 to vector<16xi32>
    %min3A_1001 = arith.minsi %min3A_1000, %max3A_999 : vector<16xi32>
    %get3A_1002 = arith.constant 496 : index
    %get3A_1003 = tpu.vector_load %arg14[%get3A_1002] {strides = array<i32>} : memref<512xi32, #tpu.memory_space<vmem>>, vector<16xi32>,
    %add3A_1004 = arith.addi %get3A_1003, %gather3A_992 : vector<16xi32>
    %jit3A_1005 = arith.constant 0 : i32
    %jit3A_1006 = arith.constant 63 : i32
    %max3A_1007 = vector.broadcast %jit3A_1005 : i32 to vector<16xi32>
    %max3A_1008 = arith.maxsi %max3A_1007, %add3A_1004 : vector<16xi32>
    %min3A_1009 = vector.broadcast %jit3A_1006 : i32 to vector<16xi32>
    %min3A_1010 = arith.minsi %min3A_1009, %max3A_1008 : vector<16xi32>
    %mul3A_1011 = arith.constant 64 : i32
    %mul3A_1012 = vector.broadcast %mul3A_1011 : i32 to vector<16xi32>
    %mul3A_1013 = arith.muli %min3A_1001, %mul3A_1012 : vector<16xi32>
    %add3A_1014 = arith.addi %mul3A_1013, %min3A_1010 : vector<16xi32>
    %swap3A_1015 = arith.constant 496 : index
    %swap3A_1016 = tpu.vector_load %arg19[%swap3A_1015] {strides = array<i32>} : memref<512xi32, #tpu.memory_space<vmem>>, vector<16xi32>,
    tpu.vector_store %arg19[%swap3A_1015], %add3A_1014 {strides = array<i32>} : memref<512xi32, #tpu.memory_space<vmem>>, vector<16xi32>,
    %swap3A_1017 = arith.constant 496 : index
    %swap3A_1018 = tpu.vector_load %arg17[%swap3A_1017] {strides = array<i32>} : memref<512xi32, #tpu.memory_space<vmem>>, vector<16xi32>,
    tpu.vector_store %arg17[%swap3A_1017], %min3A_1001 {strides = array<i32>} : memref<512xi32, #tpu.memory_space<vmem>>, vector<16xi32>,
    %swap3A_1019 = arith.constant 496 : index
    %swap3A_1020 = tpu.vector_load %arg18[%swap3A_1019] {strides = array<i32>} : memref<512xi32, #tpu.memory_space<vmem>>, vector<16xi32>,
    tpu.vector_store %arg18[%swap3A_1019], %min3A_1010 {strides = array<i32>} : memref<512xi32, #tpu.memory_space<vmem>>, vector<16xi32>,
    %add3A_1021 = arith.constant 0 : i32
    %add3A_1022 = arith.addi %mul3A_2, %add3A_1021 : i32
    %multiple_of3A = tpu.assume_multiple %add3A_1022, 128 : i32
    %dma_start3A = arith.constant 0 : i32
    %dma_start3A_1023 = arith.constant 0 : i32
    %dma_start3A_1024 = arith.constant 0 : i32
    %dma_start3A_1025 = tpu.memref_slice %arg20[%dma_start3A, %dma_start3A_1023, %dma_start3A_1024] : memref<4x128x128xf32, #tpu.memory_space<vmem>> -> memref<1x128x128xf32, #tpu.memory_space<vmem>>
    %dma_start3A_1026 = tpu.memref_squeeze %dma_start3A_1025 : memref<1x128x128xf32, #tpu.memory_space<vmem>> -> memref<128x128xf32, #tpu.memory_space<vmem>>
    %dma_start3A_1027 = arith.constant 0 : i32
    %dma_start3A_1028 = tpu.memref_slice %arg19[%dma_start3A_1027] : memref<512xi32, #tpu.memory_space<vmem>> -> memref<128xi32, #tpu.memory_space<vmem>>
    %dma_start3A_1029 = arith.constant 0 : i32
    %dma_start3A_1030 = tpu.memref_slice %arg2[%dma_start3A_1029, %multiple_of3A] : memref<4096x16384xf32, #tpu.memory_space<hbm>> -> memref<4096x128xf32, #tpu.memory_space<hbm>>
    tpu.enqueue_indirect_dma source(%dma_start3A_1030 : memref<4096x128xf32, #tpu.memory_space<hbm>>) target(%dma_start3A_1026 : memref<128x128xf32, #tpu.memory_space<vmem>>) offsets(%dma_start3A_1028 : memref<128xi32, #tpu.memory_space<vmem>>) semaphore(%arg25 : memref<!tpu.dma_semaphore, #tpu.memory_space<semaphore_mem>>)
    %add3A_1031 = arith.constant 128 : i32
    %add3A_1032 = arith.addi %mul3A_2, %add3A_1031 : i32
    %multiple_of3A_1033 = tpu.assume_multiple %add3A_1032, 128 : i32
    %dma_start3A_1034 = arith.constant 1 : i32
    %dma_start3A_1035 = arith.constant 0 : i32
    %dma_start3A_1036 = arith.constant 0 : i32
    %dma_start3A_1037 = tpu.memref_slice %arg20[%dma_start3A_1034, %dma_start3A_1035, %dma_start3A_1036] : memref<4x128x128xf32, #tpu.memory_space<vmem>> -> memref<1x128x128xf32, #tpu.memory_space<vmem>>
    %dma_start3A_1038 = tpu.memref_squeeze %dma_start3A_1037 : memref<1x128x128xf32, #tpu.memory_space<vmem>> -> memref<128x128xf32, #tpu.memory_space<vmem>>
    %dma_start3A_1039 = arith.constant 128 : i32
    %dma_start3A_1040 = tpu.memref_slice %arg19[%dma_start3A_1039] : memref<512xi32, #tpu.memory_space<vmem>> -> memref<128xi32, #tpu.memory_space<vmem>>
    %dma_start3A_1041 = arith.constant 0 : i32
    %dma_start3A_1042 = tpu.memref_slice %arg2[%dma_start3A_1041, %multiple_of3A_1033] : memref<4096x16384xf32, #tpu.memory_space<hbm>> -> memref<4096x128xf32, #tpu.memory_space<hbm>>
    tpu.enqueue_indirect_dma source(%dma_start3A_1042 : memref<4096x128xf32, #tpu.memory_space<hbm>>) target(%dma_start3A_1038 : memref<128x128xf32, #tpu.memory_space<vmem>>) offsets(%dma_start3A_1040 : memref<128xi32, #tpu.memory_space<vmem>>) semaphore(%arg25 : memref<!tpu.dma_semaphore, #tpu.memory_space<semaphore_mem>>)
    %add3A_1043 = arith.constant 256 : i32
    %add3A_1044 = arith.addi %mul3A_2, %add3A_1043 : i32
    %multiple_of3A_1045 = tpu.assume_multiple %add3A_1044, 128 : i32
    %dma_start3A_1046 = arith.constant 2 : i32
    %dma_start3A_1047 = arith.constant 0 : i32
    %dma_start3A_1048 = arith.constant 0 : i32
    %dma_start3A_1049 = tpu.memref_slice %arg20[%dma_start3A_1046, %dma_start3A_1047, %dma_start3A_1048] : memref<4x128x128xf32, #tpu.memory_space<vmem>> -> memref<1x128x128xf32, #tpu.memory_space<vmem>>
    %dma_start3A_1050 = tpu.memref_squeeze %dma_start3A_1049 : memref<1x128x128xf32, #tpu.memory_space<vmem>> -> memref<128x128xf32, #tpu.memory_space<vmem>>
    %dma_start3A_1051 = arith.constant 256 : i32
    %dma_start3A_1052 = tpu.memref_slice %arg19[%dma_start3A_1051] : memref<512xi32, #tpu.memory_space<vmem>> -> memref<128xi32, #tpu.memory_space<vmem>>
    %dma_start3A_1053 = arith.constant 0 : i32
    %dma_start3A_1054 = tpu.memref_slice %arg2[%dma_start3A_1053, %multiple_of3A_1045] : memref<4096x16384xf32, #tpu.memory_space<hbm>> -> memref<4096x128xf32, #tpu.memory_space<hbm>>
    tpu.enqueue_indirect_dma source(%dma_start3A_1054 : memref<4096x128xf32, #tpu.memory_space<hbm>>) target(%dma_start3A_1050 : memref<128x128xf32, #tpu.memory_space<vmem>>) offsets(%dma_start3A_1052 : memref<128xi32, #tpu.memory_space<vmem>>) semaphore(%arg25 : memref<!tpu.dma_semaphore, #tpu.memory_space<semaphore_mem>>)
    %add3A_1055 = arith.constant 384 : i32
    %add3A_1056 = arith.addi %mul3A_2, %add3A_1055 : i32
    %multiple_of3A_1057 = tpu.assume_multiple %add3A_1056, 128 : i32
    %dma_start3A_1058 = arith.constant 3 : i32
    %dma_start3A_1059 = arith.constant 0 : i32
    %dma_start3A_1060 = arith.constant 0 : i32
    %dma_start3A_1061 = tpu.memref_slice %arg20[%dma_start3A_1058, %dma_start3A_1059, %dma_start3A_1060] : memref<4x128x128xf32, #tpu.memory_space<vmem>> -> memref<1x128x128xf32, #tpu.memory_space<vmem>>
    %dma_start3A_1062 = tpu.memref_squeeze %dma_start3A_1061 : memref<1x128x128xf32, #tpu.memory_space<vmem>> -> memref<128x128xf32, #tpu.memory_space<vmem>>
    %dma_start3A_1063 = arith.constant 384 : i32
    %dma_start3A_1064 = tpu.memref_slice %arg19[%dma_start3A_1063] : memref<512xi32, #tpu.memory_space<vmem>> -> memref<128xi32, #tpu.memory_space<vmem>>
    %dma_start3A_1065 = arith.constant 0 : i32
    %dma_start3A_1066 = tpu.memref_slice %arg2[%dma_start3A_1065, %multiple_of3A_1057] : memref<4096x16384xf32, #tpu.memory_space<hbm>> -> memref<4096x128xf32, #tpu.memory_space<hbm>>
    tpu.enqueue_indirect_dma source(%dma_start3A_1066 : memref<4096x128xf32, #tpu.memory_space<hbm>>) target(%dma_start3A_1062 : memref<128x128xf32, #tpu.memory_space<vmem>>) offsets(%dma_start3A_1064 : memref<128xi32, #tpu.memory_space<vmem>>) semaphore(%arg25 : memref<!tpu.dma_semaphore, #tpu.memory_space<semaphore_mem>>)
    %dma_wait3A = arith.constant 0 : i32
    %dma_wait3A_1067 = arith.constant 0 : i32
    %dma_wait3A_1068 = arith.constant 0 : i32
    %dma_wait3A_1069 = tpu.memref_slice %arg20[%dma_wait3A, %dma_wait3A_1067, %dma_wait3A_1068] : memref<4x128x128xf32, #tpu.memory_space<vmem>> -> memref<1x128x128xf32, #tpu.memory_space<vmem>>
    %dma_wait3A_1070 = tpu.memref_squeeze %dma_wait3A_1069 : memref<1x128x128xf32, #tpu.memory_space<vmem>> -> memref<128x128xf32, #tpu.memory_space<vmem>>
    %dma_wait3A_1071 = arith.constant 0 : i32
    %dma_wait3A_1072 = tpu.memref_slice %arg19[%dma_wait3A_1071] : memref<512xi32, #tpu.memory_space<vmem>> -> memref<128xi32, #tpu.memory_space<vmem>>
    %dma_wait3A_1073 = arith.constant 0 : i32
    %dma_wait3A_1074 = tpu.memref_slice %arg2[%dma_wait3A_1073, %multiple_of3A] : memref<4096x16384xf32, #tpu.memory_space<hbm>> -> memref<4096x128xf32, #tpu.memory_space<hbm>>
    tpu.wait_indirect_dma semaphore(%arg25 : memref<!tpu.dma_semaphore, #tpu.memory_space<semaphore_mem>>) src(%dma_wait3A_1074 : memref<4096x128xf32, #tpu.memory_space<hbm>>) dst(%dma_wait3A_1070 : memref<128x128xf32, #tpu.memory_space<vmem>>)
    %dma_wait3A_1075 = arith.constant 1 : i32
    %dma_wait3A_1076 = arith.constant 0 : i32
    %dma_wait3A_1077 = arith.constant 0 : i32
    %dma_wait3A_1078 = tpu.memref_slice %arg20[%dma_wait3A_1075, %dma_wait3A_1076, %dma_wait3A_1077] : memref<4x128x128xf32, #tpu.memory_space<vmem>> -> memref<1x128x128xf32, #tpu.memory_space<vmem>>
    %dma_wait3A_1079 = tpu.memref_squeeze %dma_wait3A_1078 : memref<1x128x128xf32, #tpu.memory_space<vmem>> -> memref<128x128xf32, #tpu.memory_space<vmem>>
    %dma_wait3A_1080 = arith.constant 128 : i32
    %dma_wait3A_1081 = tpu.memref_slice %arg19[%dma_wait3A_1080] : memref<512xi32, #tpu.memory_space<vmem>> -> memref<128xi32, #tpu.memory_space<vmem>>
    %dma_wait3A_1082 = arith.constant 0 : i32
    %dma_wait3A_1083 = tpu.memref_slice %arg2[%dma_wait3A_1082, %multiple_of3A_1033] : memref<4096x16384xf32, #tpu.memory_space<hbm>> -> memref<4096x128xf32, #tpu.memory_space<hbm>>
    tpu.wait_indirect_dma semaphore(%arg25 : memref<!tpu.dma_semaphore, #tpu.memory_space<semaphore_mem>>) src(%dma_wait3A_1083 : memref<4096x128xf32, #tpu.memory_space<hbm>>) dst(%dma_wait3A_1079 : memref<128x128xf32, #tpu.memory_space<vmem>>)
    %dma_wait3A_1084 = arith.constant 2 : i32
    %dma_wait3A_1085 = arith.constant 0 : i32
    %dma_wait3A_1086 = arith.constant 0 : i32
    %dma_wait3A_1087 = tpu.memref_slice %arg20[%dma_wait3A_1084, %dma_wait3A_1085, %dma_wait3A_1086] : memref<4x128x128xf32, #tpu.memory_space<vmem>> -> memref<1x128x128xf32, #tpu.memory_space<vmem>>
    %dma_wait3A_1088 = tpu.memref_squeeze %dma_wait3A_1087 : memref<1x128x128xf32, #tpu.memory_space<vmem>> -> memref<128x128xf32, #tpu.memory_space<vmem>>
    %dma_wait3A_1089 = arith.constant 256 : i32
    %dma_wait3A_1090 = tpu.memref_slice %arg19[%dma_wait3A_1089] : memref<512xi32, #tpu.memory_space<vmem>> -> memref<128xi32, #tpu.memory_space<vmem>>
    %dma_wait3A_1091 = arith.constant 0 : i32
    %dma_wait3A_1092 = tpu.memref_slice %arg2[%dma_wait3A_1091, %multiple_of3A_1045] : memref<4096x16384xf32, #tpu.memory_space<hbm>> -> memref<4096x128xf32, #tpu.memory_space<hbm>>
    tpu.wait_indirect_dma semaphore(%arg25 : memref<!tpu.dma_semaphore, #tpu.memory_space<semaphore_mem>>) src(%dma_wait3A_1092 : memref<4096x128xf32, #tpu.memory_space<hbm>>) dst(%dma_wait3A_1088 : memref<128x128xf32, #tpu.memory_space<vmem>>)
    %dma_wait3A_1093 = arith.constant 3 : i32
    %dma_wait3A_1094 = arith.constant 0 : i32
    %dma_wait3A_1095 = arith.constant 0 : i32
    %dma_wait3A_1096 = tpu.memref_slice %arg20[%dma_wait3A_1093, %dma_wait3A_1094, %dma_wait3A_1095] : memref<4x128x128xf32, #tpu.memory_space<vmem>> -> memref<1x128x128xf32, #tpu.memory_space<vmem>>
    %dma_wait3A_1097 = tpu.memref_squeeze %dma_wait3A_1096 : memref<1x128x128xf32, #tpu.memory_space<vmem>> -> memref<128x128xf32, #tpu.memory_space<vmem>>
    %dma_wait3A_1098 = arith.constant 384 : i32
    %dma_wait3A_1099 = tpu.memref_slice %arg19[%dma_wait3A_1098] : memref<512xi32, #tpu.memory_space<vmem>> -> memref<128xi32, #tpu.memory_space<vmem>>
    %dma_wait3A_1100 = arith.constant 0 : i32
    %dma_wait3A_1101 = tpu.memref_slice %arg2[%dma_wait3A_1100, %multiple_of3A_1057] : memref<4096x16384xf32, #tpu.memory_space<hbm>> -> memref<4096x128xf32, #tpu.memory_space<hbm>>
    tpu.wait_indirect_dma semaphore(%arg25 : memref<!tpu.dma_semaphore, #tpu.memory_space<semaphore_mem>>) src(%dma_wait3A_1101 : memref<4096x128xf32, #tpu.memory_space<hbm>>) dst(%dma_wait3A_1097 : memref<128x128xf32, #tpu.memory_space<vmem>>)
    %broadcast_in_dim3A = arith.constant 0 : i32
    %broadcast_in_dim3A_1102 = vector.broadcast %broadcast_in_dim3A : i32 to vector<16xi32>
    %add3A_1103 = arith.constant 0 : i32
    %add3A_1104 = vector.broadcast %add3A_1103 : i32 to vector<16xi32>
    %add3A_1105 = arith.addi %add3A_1104, %iota3A : vector<16xi32>
    %gather3A_1106 = tpu.vector_load_idx %arg20[%broadcast_in_dim3A_1102, %add3A_1105, %add3A_1105] : memref<4x128x128xf32, #tpu.memory_space<vmem>>[vector<16xi32>, vector<16xi32>, vector<16xi32>], vector<16xf32>,
    %eq3A = arith.constant 1.000000e+00 : f32
    %eq3A_1107 = vector.broadcast %eq3A : f32 to vector<16xf32>
    %eq3A_1108 = arith.cmpf oeq, %gather3A_1106, %eq3A_1107 : vector<16xf32>
    %eq3A_1109 = arith.constant 2.000000e+00 : f32
    %eq3A_1110 = vector.broadcast %eq3A_1109 : f32 to vector<16xf32>
    %eq3A_1111 = arith.cmpf oeq, %gather3A_1106, %eq3A_1110 : vector<16xf32>
    %get3A_1112 = arith.constant 0 : index
    %get3A_1113 = tpu.vector_load %arg13[%get3A_1112] {strides = array<i32>} : memref<512xi32, #tpu.memory_space<vmem>>, vector<16xi32>,
    %get3A_1114 = arith.constant 0 : index
    %get3A_1115 = tpu.vector_load %arg17[%get3A_1114] {strides = array<i32>} : memref<512xi32, #tpu.memory_space<vmem>>, vector<16xi32>,
    %select_n3A = arith.select %eq3A_1108, %get3A_1113, %get3A_1115 : vector<16xi1>, vector<16xi32>
    %get3A_1116 = arith.constant 0 : index
    %get3A_1117 = tpu.vector_load %arg14[%get3A_1116] {strides = array<i32>} : memref<512xi32, #tpu.memory_space<vmem>>, vector<16xi32>,
    %get3A_1118 = arith.constant 0 : index
    %get3A_1119 = tpu.vector_load %arg18[%get3A_1118] {strides = array<i32>} : memref<512xi32, #tpu.memory_space<vmem>>, vector<16xi32>,
    %select_n3A_1120 = arith.select %eq3A_1108, %get3A_1117, %get3A_1119 : vector<16xi1>, vector<16xi32>
    %swap3A_1121 = arith.constant 0 : index
    %swap3A_1122 = tpu.vector_load %arg21[%swap3A_1121] {strides = array<i32>} : memref<512xi32, #tpu.memory_space<vmem>>, vector<16xi32>,
    tpu.vector_store %arg21[%swap3A_1121], %select_n3A {strides = array<i32>} : memref<512xi32, #tpu.memory_space<vmem>>, vector<16xi32>,
    %swap3A_1123 = arith.constant 0 : index
    %swap3A_1124 = tpu.vector_load %arg22[%swap3A_1123] {strides = array<i32>} : memref<512xi32, #tpu.memory_space<vmem>>, vector<16xi32>,
    tpu.vector_store %arg22[%swap3A_1123], %select_n3A_1120 {strides = array<i32>} : memref<512xi32, #tpu.memory_space<vmem>>, vector<16xi32>,
    %mul3A_1125 = arith.constant 64 : i32
    %mul3A_1126 = vector.broadcast %mul3A_1125 : i32 to vector<16xi32>
    %mul3A_1127 = arith.muli %select_n3A, %mul3A_1126 : vector<16xi32>
    %add3A_1128 = arith.addi %mul3A_1127, %select_n3A_1120 : vector<16xi32>
    %swap3A_1129 = arith.constant 0 : index
    %swap3A_1130 = tpu.vector_load %arg23[%swap3A_1129] {strides = array<i32>} : memref<512xi32, #tpu.memory_space<vmem>>, vector<16xi32>,
    tpu.vector_store %arg23[%swap3A_1129], %add3A_1128 {strides = array<i32>} : memref<512xi32, #tpu.memory_space<vmem>>, vector<16xi32>,
    %jit3A_1131 = arith.constant 1 : i32
    %jit3A_1132 = arith.constant 0 : i32
    %broadcast_in_dim3A_1133 = vector.broadcast %jit3A_1131 : i32 to vector<16xi32>
    %broadcast_in_dim3A_1134 = vector.broadcast %jit3A_1132 : i32 to vector<16xi32>
    %select_n3A_1135 = arith.select %eq3A_1111, %broadcast_in_dim3A_1133, %broadcast_in_dim3A_1134 : vector<16xi1>, vector<16xi32>
    %swap3A_1136 = arith.constant 0 : index
    %swap3A_1137 = tpu.vector_load %arg24[%swap3A_1136] {strides = array<i32>} : memref<512xi32, #tpu.memory_space<vmem>>, vector<16xi32>,
    tpu.vector_store %arg24[%swap3A_1136], %select_n3A_1135 {strides = array<i32>} : memref<512xi32, #tpu.memory_space<vmem>>, vector<16xi32>,
    %broadcast_in_dim3A_1138 = arith.constant 0 : i32
    %broadcast_in_dim3A_1139 = vector.broadcast %broadcast_in_dim3A_1138 : i32 to vector<16xi32>
    %add3A_1140 = arith.constant 16 : i32
    %add3A_1141 = vector.broadcast %add3A_1140 : i32 to vector<16xi32>
    %add3A_1142 = arith.addi %add3A_1141, %iota3A : vector<16xi32>
    %gather3A_1143 = tpu.vector_load_idx %arg20[%broadcast_in_dim3A_1139, %add3A_1142, %add3A_1142] : memref<4x128x128xf32, #tpu.memory_space<vmem>>[vector<16xi32>, vector<16xi32>, vector<16xi32>], vector<16xf32>,
    %eq3A_1144 = arith.constant 1.000000e+00 : f32
    %eq3A_1145 = vector.broadcast %eq3A_1144 : f32 to vector<16xf32>
    %eq3A_1146 = arith.cmpf oeq, %gather3A_1143, %eq3A_1145 : vector<16xf32>
    %eq3A_1147 = arith.constant 2.000000e+00 : f32
    %eq3A_1148 = vector.broadcast %eq3A_1147 : f32 to vector<16xf32>
    %eq3A_1149 = arith.cmpf oeq, %gather3A_1143, %eq3A_1148 : vector<16xf32>
    %get3A_1150 = arith.constant 16 : index
    %get3A_1151 = tpu.vector_load %arg13[%get3A_1150] {strides = array<i32>} : memref<512xi32, #tpu.memory_space<vmem>>, vector<16xi32>,
    %get3A_1152 = arith.constant 16 : index
    %get3A_1153 = tpu.vector_load %arg17[%get3A_1152] {strides = array<i32>} : memref<512xi32, #tpu.memory_space<vmem>>, vector<16xi32>,
    %select_n3A_1154 = arith.select %eq3A_1146, %get3A_1151, %get3A_1153 : vector<16xi1>, vector<16xi32>
    %get3A_1155 = arith.constant 16 : index
    %get3A_1156 = tpu.vector_load %arg14[%get3A_1155] {strides = array<i32>} : memref<512xi32, #tpu.memory_space<vmem>>, vector<16xi32>,
    %get3A_1157 = arith.constant 16 : index
    %get3A_1158 = tpu.vector_load %arg18[%get3A_1157] {strides = array<i32>} : memref<512xi32, #tpu.memory_space<vmem>>, vector<16xi32>,
    %select_n3A_1159 = arith.select %eq3A_1146, %get3A_1156, %get3A_1158 : vector<16xi1>, vector<16xi32>
    %swap3A_1160 = arith.constant 16 : index
    %swap3A_1161 = tpu.vector_load %arg21[%swap3A_1160] {strides = array<i32>} : memref<512xi32, #tpu.memory_space<vmem>>, vector<16xi32>,
    tpu.vector_store %arg21[%swap3A_1160], %select_n3A_1154 {strides = array<i32>} : memref<512xi32, #tpu.memory_space<vmem>>, vector<16xi32>,
    %swap3A_1162 = arith.constant 16 : index
    %swap3A_1163 = tpu.vector_load %arg22[%swap3A_1162] {strides = array<i32>} : memref<512xi32, #tpu.memory_space<vmem>>, vector<16xi32>,
    tpu.vector_store %arg22[%swap3A_1162], %select_n3A_1159 {strides = array<i32>} : memref<512xi32, #tpu.memory_space<vmem>>, vector<16xi32>,
    %mul3A_1164 = arith.constant 64 : i32
    %mul3A_1165 = vector.broadcast %mul3A_1164 : i32 to vector<16xi32>
    %mul3A_1166 = arith.muli %select_n3A_1154, %mul3A_1165 : vector<16xi32>
    %add3A_1167 = arith.addi %mul3A_1166, %select_n3A_1159 : vector<16xi32>
    %swap3A_1168 = arith.constant 16 : index
    %swap3A_1169 = tpu.vector_load %arg23[%swap3A_1168] {strides = array<i32>} : memref<512xi32, #tpu.memory_space<vmem>>, vector<16xi32>,
    tpu.vector_store %arg23[%swap3A_1168], %add3A_1167 {strides = array<i32>} : memref<512xi32, #tpu.memory_space<vmem>>, vector<16xi32>,
    %jit3A_1170 = arith.constant 1 : i32
    %jit3A_1171 = arith.constant 0 : i32
    %broadcast_in_dim3A_1172 = vector.broadcast %jit3A_1170 : i32 to vector<16xi32>
    %broadcast_in_dim3A_1173 = vector.broadcast %jit3A_1171 : i32 to vector<16xi32>
    %select_n3A_1174 = arith.select %eq3A_1149, %broadcast_in_dim3A_1172, %broadcast_in_dim3A_1173 : vector<16xi1>, vector<16xi32>
    %swap3A_1175 = arith.constant 16 : index
    %swap3A_1176 = tpu.vector_load %arg24[%swap3A_1175] {strides = array<i32>} : memref<512xi32, #tpu.memory_space<vmem>>, vector<16xi32>,
    tpu.vector_store %arg24[%swap3A_1175], %select_n3A_1174 {strides = array<i32>} : memref<512xi32, #tpu.memory_space<vmem>>, vector<16xi32>,
    %broadcast_in_dim3A_1177 = arith.constant 0 : i32
    %broadcast_in_dim3A_1178 = vector.broadcast %broadcast_in_dim3A_1177 : i32 to vector<16xi32>
    %add3A_1179 = arith.constant 32 : i32
    %add3A_1180 = vector.broadcast %add3A_1179 : i32 to vector<16xi32>
    %add3A_1181 = arith.addi %add3A_1180, %iota3A : vector<16xi32>
    %gather3A_1182 = tpu.vector_load_idx %arg20[%broadcast_in_dim3A_1178, %add3A_1181, %add3A_1181] : memref<4x128x128xf32, #tpu.memory_space<vmem>>[vector<16xi32>, vector<16xi32>, vector<16xi32>], vector<16xf32>,
    %eq3A_1183 = arith.constant 1.000000e+00 : f32
    %eq3A_1184 = vector.broadcast %eq3A_1183 : f32 to vector<16xf32>
    %eq3A_1185 = arith.cmpf oeq, %gather3A_1182, %eq3A_1184 : vector<16xf32>
    %eq3A_1186 = arith.constant 2.000000e+00 : f32
    %eq3A_1187 = vector.broadcast %eq3A_1186 : f32 to vector<16xf32>
    %eq3A_1188 = arith.cmpf oeq, %gather3A_1182, %eq3A_1187 : vector<16xf32>
    %get3A_1189 = arith.constant 32 : index
    %get3A_1190 = tpu.vector_load %arg13[%get3A_1189] {strides = array<i32>} : memref<512xi32, #tpu.memory_space<vmem>>, vector<16xi32>,
    %get3A_1191 = arith.constant 32 : index
    %get3A_1192 = tpu.vector_load %arg17[%get3A_1191] {strides = array<i32>} : memref<512xi32, #tpu.memory_space<vmem>>, vector<16xi32>,
    %select_n3A_1193 = arith.select %eq3A_1185, %get3A_1190, %get3A_1192 : vector<16xi1>, vector<16xi32>
    %get3A_1194 = arith.constant 32 : index
    %get3A_1195 = tpu.vector_load %arg14[%get3A_1194] {strides = array<i32>} : memref<512xi32, #tpu.memory_space<vmem>>, vector<16xi32>,
    %get3A_1196 = arith.constant 32 : index
    %get3A_1197 = tpu.vector_load %arg18[%get3A_1196] {strides = array<i32>} : memref<512xi32, #tpu.memory_space<vmem>>, vector<16xi32>,
    %select_n3A_1198 = arith.select %eq3A_1185, %get3A_1195, %get3A_1197 : vector<16xi1>, vector<16xi32>
    %swap3A_1199 = arith.constant 32 : index
    %swap3A_1200 = tpu.vector_load %arg21[%swap3A_1199] {strides = array<i32>} : memref<512xi32, #tpu.memory_space<vmem>>, vector<16xi32>,
    tpu.vector_store %arg21[%swap3A_1199], %select_n3A_1193 {strides = array<i32>} : memref<512xi32, #tpu.memory_space<vmem>>, vector<16xi32>,
    %swap3A_1201 = arith.constant 32 : index
    %swap3A_1202 = tpu.vector_load %arg22[%swap3A_1201] {strides = array<i32>} : memref<512xi32, #tpu.memory_space<vmem>>, vector<16xi32>,
    tpu.vector_store %arg22[%swap3A_1201], %select_n3A_1198 {strides = array<i32>} : memref<512xi32, #tpu.memory_space<vmem>>, vector<16xi32>,
    %mul3A_1203 = arith.constant 64 : i32
    %mul3A_1204 = vector.broadcast %mul3A_1203 : i32 to vector<16xi32>
    %mul3A_1205 = arith.muli %select_n3A_1193, %mul3A_1204 : vector<16xi32>
    %add3A_1206 = arith.addi %mul3A_1205, %select_n3A_1198 : vector<16xi32>
    %swap3A_1207 = arith.constant 32 : index
    %swap3A_1208 = tpu.vector_load %arg23[%swap3A_1207] {strides = array<i32>} : memref<512xi32, #tpu.memory_space<vmem>>, vector<16xi32>,
    tpu.vector_store %arg23[%swap3A_1207], %add3A_1206 {strides = array<i32>} : memref<512xi32, #tpu.memory_space<vmem>>, vector<16xi32>,
    %jit3A_1209 = arith.constant 1 : i32
    %jit3A_1210 = arith.constant 0 : i32
    %broadcast_in_dim3A_1211 = vector.broadcast %jit3A_1209 : i32 to vector<16xi32>
    %broadcast_in_dim3A_1212 = vector.broadcast %jit3A_1210 : i32 to vector<16xi32>
    %select_n3A_1213 = arith.select %eq3A_1188, %broadcast_in_dim3A_1211, %broadcast_in_dim3A_1212 : vector<16xi1>, vector<16xi32>
    %swap3A_1214 = arith.constant 32 : index
    %swap3A_1215 = tpu.vector_load %arg24[%swap3A_1214] {strides = array<i32>} : memref<512xi32, #tpu.memory_space<vmem>>, vector<16xi32>,
    tpu.vector_store %arg24[%swap3A_1214], %select_n3A_1213 {strides = array<i32>} : memref<512xi32, #tpu.memory_space<vmem>>, vector<16xi32>,
    %broadcast_in_dim3A_1216 = arith.constant 0 : i32
    %broadcast_in_dim3A_1217 = vector.broadcast %broadcast_in_dim3A_1216 : i32 to vector<16xi32>
    %add3A_1218 = arith.constant 48 : i32
    %add3A_1219 = vector.broadcast %add3A_1218 : i32 to vector<16xi32>
    %add3A_1220 = arith.addi %add3A_1219, %iota3A : vector<16xi32>
    %gather3A_1221 = tpu.vector_load_idx %arg20[%broadcast_in_dim3A_1217, %add3A_1220, %add3A_1220] : memref<4x128x128xf32, #tpu.memory_space<vmem>>[vector<16xi32>, vector<16xi32>, vector<16xi32>], vector<16xf32>,
    %eq3A_1222 = arith.constant 1.000000e+00 : f32
    %eq3A_1223 = vector.broadcast %eq3A_1222 : f32 to vector<16xf32>
    %eq3A_1224 = arith.cmpf oeq, %gather3A_1221, %eq3A_1223 : vector<16xf32>
    %eq3A_1225 = arith.constant 2.000000e+00 : f32
    %eq3A_1226 = vector.broadcast %eq3A_1225 : f32 to vector<16xf32>
    %eq3A_1227 = arith.cmpf oeq, %gather3A_1221, %eq3A_1226 : vector<16xf32>
    %get3A_1228 = arith.constant 48 : index
    %get3A_1229 = tpu.vector_load %arg13[%get3A_1228] {strides = array<i32>} : memref<512xi32, #tpu.memory_space<vmem>>, vector<16xi32>,
    %get3A_1230 = arith.constant 48 : index
    %get3A_1231 = tpu.vector_load %arg17[%get3A_1230] {strides = array<i32>} : memref<512xi32, #tpu.memory_space<vmem>>, vector<16xi32>,
    %select_n3A_1232 = arith.select %eq3A_1224, %get3A_1229, %get3A_1231 : vector<16xi1>, vector<16xi32>
    %get3A_1233 = arith.constant 48 : index
    %get3A_1234 = tpu.vector_load %arg14[%get3A_1233] {strides = array<i32>} : memref<512xi32, #tpu.memory_space<vmem>>, vector<16xi32>,
    %get3A_1235 = arith.constant 48 : index
    %get3A_1236 = tpu.vector_load %arg18[%get3A_1235] {strides = array<i32>} : memref<512xi32, #tpu.memory_space<vmem>>, vector<16xi32>,
    %select_n3A_1237 = arith.select %eq3A_1224, %get3A_1234, %get3A_1236 : vector<16xi1>, vector<16xi32>
    %swap3A_1238 = arith.constant 48 : index
    %swap3A_1239 = tpu.vector_load %arg21[%swap3A_1238] {strides = array<i32>} : memref<512xi32, #tpu.memory_space<vmem>>, vector<16xi32>,
    tpu.vector_store %arg21[%swap3A_1238], %select_n3A_1232 {strides = array<i32>} : memref<512xi32, #tpu.memory_space<vmem>>, vector<16xi32>,
    %swap3A_1240 = arith.constant 48 : index
    %swap3A_1241 = tpu.vector_load %arg22[%swap3A_1240] {strides = array<i32>} : memref<512xi32, #tpu.memory_space<vmem>>, vector<16xi32>,
    tpu.vector_store %arg22[%swap3A_1240], %select_n3A_1237 {strides = array<i32>} : memref<512xi32, #tpu.memory_space<vmem>>, vector<16xi32>,
    %mul3A_1242 = arith.constant 64 : i32
    %mul3A_1243 = vector.broadcast %mul3A_1242 : i32 to vector<16xi32>
    %mul3A_1244 = arith.muli %select_n3A_1232, %mul3A_1243 : vector<16xi32>
    %add3A_1245 = arith.addi %mul3A_1244, %select_n3A_1237 : vector<16xi32>
    %swap3A_1246 = arith.constant 48 : index
    %swap3A_1247 = tpu.vector_load %arg23[%swap3A_1246] {strides = array<i32>} : memref<512xi32, #tpu.memory_space<vmem>>, vector<16xi32>,
    tpu.vector_store %arg23[%swap3A_1246], %add3A_1245 {strides = array<i32>} : memref<512xi32, #tpu.memory_space<vmem>>, vector<16xi32>,
    %jit3A_1248 = arith.constant 1 : i32
    %jit3A_1249 = arith.constant 0 : i32
    %broadcast_in_dim3A_1250 = vector.broadcast %jit3A_1248 : i32 to vector<16xi32>
    %broadcast_in_dim3A_1251 = vector.broadcast %jit3A_1249 : i32 to vector<16xi32>
    %select_n3A_1252 = arith.select %eq3A_1227, %broadcast_in_dim3A_1250, %broadcast_in_dim3A_1251 : vector<16xi1>, vector<16xi32>
    %swap3A_1253 = arith.constant 48 : index
    %swap3A_1254 = tpu.vector_load %arg24[%swap3A_1253] {strides = array<i32>} : memref<512xi32, #tpu.memory_space<vmem>>, vector<16xi32>,
    tpu.vector_store %arg24[%swap3A_1253], %select_n3A_1252 {strides = array<i32>} : memref<512xi32, #tpu.memory_space<vmem>>, vector<16xi32>,
    %broadcast_in_dim3A_1255 = arith.constant 0 : i32
    %broadcast_in_dim3A_1256 = vector.broadcast %broadcast_in_dim3A_1255 : i32 to vector<16xi32>
    %add3A_1257 = arith.constant 64 : i32
    %add3A_1258 = vector.broadcast %add3A_1257 : i32 to vector<16xi32>
    %add3A_1259 = arith.addi %add3A_1258, %iota3A : vector<16xi32>
    %gather3A_1260 = tpu.vector_load_idx %arg20[%broadcast_in_dim3A_1256, %add3A_1259, %add3A_1259] : memref<4x128x128xf32, #tpu.memory_space<vmem>>[vector<16xi32>, vector<16xi32>, vector<16xi32>], vector<16xf32>,
    %eq3A_1261 = arith.constant 1.000000e+00 : f32
    %eq3A_1262 = vector.broadcast %eq3A_1261 : f32 to vector<16xf32>
    %eq3A_1263 = arith.cmpf oeq, %gather3A_1260, %eq3A_1262 : vector<16xf32>
    %eq3A_1264 = arith.constant 2.000000e+00 : f32
    %eq3A_1265 = vector.broadcast %eq3A_1264 : f32 to vector<16xf32>
    %eq3A_1266 = arith.cmpf oeq, %gather3A_1260, %eq3A_1265 : vector<16xf32>
    %get3A_1267 = arith.constant 64 : index
    %get3A_1268 = tpu.vector_load %arg13[%get3A_1267] {strides = array<i32>} : memref<512xi32, #tpu.memory_space<vmem>>, vector<16xi32>,
    %get3A_1269 = arith.constant 64 : index
    %get3A_1270 = tpu.vector_load %arg17[%get3A_1269] {strides = array<i32>} : memref<512xi32, #tpu.memory_space<vmem>>, vector<16xi32>,
    %select_n3A_1271 = arith.select %eq3A_1263, %get3A_1268, %get3A_1270 : vector<16xi1>, vector<16xi32>
    %get3A_1272 = arith.constant 64 : index
    %get3A_1273 = tpu.vector_load %arg14[%get3A_1272] {strides = array<i32>} : memref<512xi32, #tpu.memory_space<vmem>>, vector<16xi32>,
    %get3A_1274 = arith.constant 64 : index
    %get3A_1275 = tpu.vector_load %arg18[%get3A_1274] {strides = array<i32>} : memref<512xi32, #tpu.memory_space<vmem>>, vector<16xi32>,
    %select_n3A_1276 = arith.select %eq3A_1263, %get3A_1273, %get3A_1275 : vector<16xi1>, vector<16xi32>
    %swap3A_1277 = arith.constant 64 : index
    %swap3A_1278 = tpu.vector_load %arg21[%swap3A_1277] {strides = array<i32>} : memref<512xi32, #tpu.memory_space<vmem>>, vector<16xi32>,
    tpu.vector_store %arg21[%swap3A_1277], %select_n3A_1271 {strides = array<i32>} : memref<512xi32, #tpu.memory_space<vmem>>, vector<16xi32>,
    %swap3A_1279 = arith.constant 64 : index
    %swap3A_1280 = tpu.vector_load %arg22[%swap3A_1279] {strides = array<i32>} : memref<512xi32, #tpu.memory_space<vmem>>, vector<16xi32>,
    tpu.vector_store %arg22[%swap3A_1279], %select_n3A_1276 {strides = array<i32>} : memref<512xi32, #tpu.memory_space<vmem>>, vector<16xi32>,
    %mul3A_1281 = arith.constant 64 : i32
    %mul3A_1282 = vector.broadcast %mul3A_1281 : i32 to vector<16xi32>
    %mul3A_1283 = arith.muli %select_n3A_1271, %mul3A_1282 : vector<16xi32>
    %add3A_1284 = arith.addi %mul3A_1283, %select_n3A_1276 : vector<16xi32>
    %swap3A_1285 = arith.constant 64 : index
    %swap3A_1286 = tpu.vector_load %arg23[%swap3A_1285] {strides = array<i32>} : memref<512xi32, #tpu.memory_space<vmem>>, vector<16xi32>,
    tpu.vector_store %arg23[%swap3A_1285], %add3A_1284 {strides = array<i32>} : memref<512xi32, #tpu.memory_space<vmem>>, vector<16xi32>,
    %jit3A_1287 = arith.constant 1 : i32
    %jit3A_1288 = arith.constant 0 : i32
    %broadcast_in_dim3A_1289 = vector.broadcast %jit3A_1287 : i32 to vector<16xi32>
    %broadcast_in_dim3A_1290 = vector.broadcast %jit3A_1288 : i32 to vector<16xi32>
    %select_n3A_1291 = arith.select %eq3A_1266, %broadcast_in_dim3A_1289, %broadcast_in_dim3A_1290 : vector<16xi1>, vector<16xi32>
    %swap3A_1292 = arith.constant 64 : index
    %swap3A_1293 = tpu.vector_load %arg24[%swap3A_1292] {strides = array<i32>} : memref<512xi32, #tpu.memory_space<vmem>>, vector<16xi32>,
    tpu.vector_store %arg24[%swap3A_1292], %select_n3A_1291 {strides = array<i32>} : memref<512xi32, #tpu.memory_space<vmem>>, vector<16xi32>,
    %broadcast_in_dim3A_1294 = arith.constant 0 : i32
    %broadcast_in_dim3A_1295 = vector.broadcast %broadcast_in_dim3A_1294 : i32 to vector<16xi32>
    %add3A_1296 = arith.constant 80 : i32
    %add3A_1297 = vector.broadcast %add3A_1296 : i32 to vector<16xi32>
    %add3A_1298 = arith.addi %add3A_1297, %iota3A : vector<16xi32>
    %gather3A_1299 = tpu.vector_load_idx %arg20[%broadcast_in_dim3A_1295, %add3A_1298, %add3A_1298] : memref<4x128x128xf32, #tpu.memory_space<vmem>>[vector<16xi32>, vector<16xi32>, vector<16xi32>], vector<16xf32>,
    %eq3A_1300 = arith.constant 1.000000e+00 : f32
    %eq3A_1301 = vector.broadcast %eq3A_1300 : f32 to vector<16xf32>
    %eq3A_1302 = arith.cmpf oeq, %gather3A_1299, %eq3A_1301 : vector<16xf32>
    %eq3A_1303 = arith.constant 2.000000e+00 : f32
    %eq3A_1304 = vector.broadcast %eq3A_1303 : f32 to vector<16xf32>
    %eq3A_1305 = arith.cmpf oeq, %gather3A_1299, %eq3A_1304 : vector<16xf32>
    %get3A_1306 = arith.constant 80 : index
    %get3A_1307 = tpu.vector_load %arg13[%get3A_1306] {strides = array<i32>} : memref<512xi32, #tpu.memory_space<vmem>>, vector<16xi32>,
    %get3A_1308 = arith.constant 80 : index
    %get3A_1309 = tpu.vector_load %arg17[%get3A_1308] {strides = array<i32>} : memref<512xi32, #tpu.memory_space<vmem>>, vector<16xi32>,
    %select_n3A_1310 = arith.select %eq3A_1302, %get3A_1307, %get3A_1309 : vector<16xi1>, vector<16xi32>
    %get3A_1311 = arith.constant 80 : index
    %get3A_1312 = tpu.vector_load %arg14[%get3A_1311] {strides = array<i32>} : memref<512xi32, #tpu.memory_space<vmem>>, vector<16xi32>,
    %get3A_1313 = arith.constant 80 : index
    %get3A_1314 = tpu.vector_load %arg18[%get3A_1313] {strides = array<i32>} : memref<512xi32, #tpu.memory_space<vmem>>, vector<16xi32>,
    %select_n3A_1315 = arith.select %eq3A_1302, %get3A_1312, %get3A_1314 : vector<16xi1>, vector<16xi32>
    %swap3A_1316 = arith.constant 80 : index
    %swap3A_1317 = tpu.vector_load %arg21[%swap3A_1316] {strides = array<i32>} : memref<512xi32, #tpu.memory_space<vmem>>, vector<16xi32>,
    tpu.vector_store %arg21[%swap3A_1316], %select_n3A_1310 {strides = array<i32>} : memref<512xi32, #tpu.memory_space<vmem>>, vector<16xi32>,
    %swap3A_1318 = arith.constant 80 : index
    %swap3A_1319 = tpu.vector_load %arg22[%swap3A_1318] {strides = array<i32>} : memref<512xi32, #tpu.memory_space<vmem>>, vector<16xi32>,
    tpu.vector_store %arg22[%swap3A_1318], %select_n3A_1315 {strides = array<i32>} : memref<512xi32, #tpu.memory_space<vmem>>, vector<16xi32>,
    %mul3A_1320 = arith.constant 64 : i32
    %mul3A_1321 = vector.broadcast %mul3A_1320 : i32 to vector<16xi32>
    %mul3A_1322 = arith.muli %select_n3A_1310, %mul3A_1321 : vector<16xi32>
    %add3A_1323 = arith.addi %mul3A_1322, %select_n3A_1315 : vector<16xi32>
    %swap3A_1324 = arith.constant 80 : index
    %swap3A_1325 = tpu.vector_load %arg23[%swap3A_1324] {strides = array<i32>} : memref<512xi32, #tpu.memory_space<vmem>>, vector<16xi32>,
    tpu.vector_store %arg23[%swap3A_1324], %add3A_1323 {strides = array<i32>} : memref<512xi32, #tpu.memory_space<vmem>>, vector<16xi32>,
    %jit3A_1326 = arith.constant 1 : i32
    %jit3A_1327 = arith.constant 0 : i32
    %broadcast_in_dim3A_1328 = vector.broadcast %jit3A_1326 : i32 to vector<16xi32>
    %broadcast_in_dim3A_1329 = vector.broadcast %jit3A_1327 : i32 to vector<16xi32>
    %select_n3A_1330 = arith.select %eq3A_1305, %broadcast_in_dim3A_1328, %broadcast_in_dim3A_1329 : vector<16xi1>, vector<16xi32>
    %swap3A_1331 = arith.constant 80 : index
    %swap3A_1332 = tpu.vector_load %arg24[%swap3A_1331] {strides = array<i32>} : memref<512xi32, #tpu.memory_space<vmem>>, vector<16xi32>,
    tpu.vector_store %arg24[%swap3A_1331], %select_n3A_1330 {strides = array<i32>} : memref<512xi32, #tpu.memory_space<vmem>>, vector<16xi32>,
    %broadcast_in_dim3A_1333 = arith.constant 0 : i32
    %broadcast_in_dim3A_1334 = vector.broadcast %broadcast_in_dim3A_1333 : i32 to vector<16xi32>
    %add3A_1335 = arith.constant 96 : i32
    %add3A_1336 = vector.broadcast %add3A_1335 : i32 to vector<16xi32>
    %add3A_1337 = arith.addi %add3A_1336, %iota3A : vector<16xi32>
    %gather3A_1338 = tpu.vector_load_idx %arg20[%broadcast_in_dim3A_1334, %add3A_1337, %add3A_1337] : memref<4x128x128xf32, #tpu.memory_space<vmem>>[vector<16xi32>, vector<16xi32>, vector<16xi32>], vector<16xf32>,
    %eq3A_1339 = arith.constant 1.000000e+00 : f32
    %eq3A_1340 = vector.broadcast %eq3A_1339 : f32 to vector<16xf32>
    %eq3A_1341 = arith.cmpf oeq, %gather3A_1338, %eq3A_1340 : vector<16xf32>
    %eq3A_1342 = arith.constant 2.000000e+00 : f32
    %eq3A_1343 = vector.broadcast %eq3A_1342 : f32 to vector<16xf32>
    %eq3A_1344 = arith.cmpf oeq, %gather3A_1338, %eq3A_1343 : vector<16xf32>
    %get3A_1345 = arith.constant 96 : index
    %get3A_1346 = tpu.vector_load %arg13[%get3A_1345] {strides = array<i32>} : memref<512xi32, #tpu.memory_space<vmem>>, vector<16xi32>,
    %get3A_1347 = arith.constant 96 : index
    %get3A_1348 = tpu.vector_load %arg17[%get3A_1347] {strides = array<i32>} : memref<512xi32, #tpu.memory_space<vmem>>, vector<16xi32>,
    %select_n3A_1349 = arith.select %eq3A_1341, %get3A_1346, %get3A_1348 : vector<16xi1>, vector<16xi32>
    %get3A_1350 = arith.constant 96 : index
    %get3A_1351 = tpu.vector_load %arg14[%get3A_1350] {strides = array<i32>} : memref<512xi32, #tpu.memory_space<vmem>>, vector<16xi32>,
    %get3A_1352 = arith.constant 96 : index
    %get3A_1353 = tpu.vector_load %arg18[%get3A_1352] {strides = array<i32>} : memref<512xi32, #tpu.memory_space<vmem>>, vector<16xi32>,
    %select_n3A_1354 = arith.select %eq3A_1341, %get3A_1351, %get3A_1353 : vector<16xi1>, vector<16xi32>
    %swap3A_1355 = arith.constant 96 : index
    %swap3A_1356 = tpu.vector_load %arg21[%swap3A_1355] {strides = array<i32>} : memref<512xi32, #tpu.memory_space<vmem>>, vector<16xi32>,
    tpu.vector_store %arg21[%swap3A_1355], %select_n3A_1349 {strides = array<i32>} : memref<512xi32, #tpu.memory_space<vmem>>, vector<16xi32>,
    %swap3A_1357 = arith.constant 96 : index
    %swap3A_1358 = tpu.vector_load %arg22[%swap3A_1357] {strides = array<i32>} : memref<512xi32, #tpu.memory_space<vmem>>, vector<16xi32>,
    tpu.vector_store %arg22[%swap3A_1357], %select_n3A_1354 {strides = array<i32>} : memref<512xi32, #tpu.memory_space<vmem>>, vector<16xi32>,
    %mul3A_1359 = arith.constant 64 : i32
    %mul3A_1360 = vector.broadcast %mul3A_1359 : i32 to vector<16xi32>
    %mul3A_1361 = arith.muli %select_n3A_1349, %mul3A_1360 : vector<16xi32>
    %add3A_1362 = arith.addi %mul3A_1361, %select_n3A_1354 : vector<16xi32>
    %swap3A_1363 = arith.constant 96 : index
    %swap3A_1364 = tpu.vector_load %arg23[%swap3A_1363] {strides = array<i32>} : memref<512xi32, #tpu.memory_space<vmem>>, vector<16xi32>,
    tpu.vector_store %arg23[%swap3A_1363], %add3A_1362 {strides = array<i32>} : memref<512xi32, #tpu.memory_space<vmem>>, vector<16xi32>,
    %jit3A_1365 = arith.constant 1 : i32
    %jit3A_1366 = arith.constant 0 : i32
    %broadcast_in_dim3A_1367 = vector.broadcast %jit3A_1365 : i32 to vector<16xi32>
    %broadcast_in_dim3A_1368 = vector.broadcast %jit3A_1366 : i32 to vector<16xi32>
    %select_n3A_1369 = arith.select %eq3A_1344, %broadcast_in_dim3A_1367, %broadcast_in_dim3A_1368 : vector<16xi1>, vector<16xi32>
    %swap3A_1370 = arith.constant 96 : index
    %swap3A_1371 = tpu.vector_load %arg24[%swap3A_1370] {strides = array<i32>} : memref<512xi32, #tpu.memory_space<vmem>>, vector<16xi32>,
    tpu.vector_store %arg24[%swap3A_1370], %select_n3A_1369 {strides = array<i32>} : memref<512xi32, #tpu.memory_space<vmem>>, vector<16xi32>,
    %broadcast_in_dim3A_1372 = arith.constant 0 : i32
    %broadcast_in_dim3A_1373 = vector.broadcast %broadcast_in_dim3A_1372 : i32 to vector<16xi32>
    %add3A_1374 = arith.constant 112 : i32
    %add3A_1375 = vector.broadcast %add3A_1374 : i32 to vector<16xi32>
    %add3A_1376 = arith.addi %add3A_1375, %iota3A : vector<16xi32>
    %gather3A_1377 = tpu.vector_load_idx %arg20[%broadcast_in_dim3A_1373, %add3A_1376, %add3A_1376] : memref<4x128x128xf32, #tpu.memory_space<vmem>>[vector<16xi32>, vector<16xi32>, vector<16xi32>], vector<16xf32>,
    %eq3A_1378 = arith.constant 1.000000e+00 : f32
    %eq3A_1379 = vector.broadcast %eq3A_1378 : f32 to vector<16xf32>
    %eq3A_1380 = arith.cmpf oeq, %gather3A_1377, %eq3A_1379 : vector<16xf32>
    %eq3A_1381 = arith.constant 2.000000e+00 : f32
    %eq3A_1382 = vector.broadcast %eq3A_1381 : f32 to vector<16xf32>
    %eq3A_1383 = arith.cmpf oeq, %gather3A_1377, %eq3A_1382 : vector<16xf32>
    %get3A_1384 = arith.constant 112 : index
    %get3A_1385 = tpu.vector_load %arg13[%get3A_1384] {strides = array<i32>} : memref<512xi32, #tpu.memory_space<vmem>>, vector<16xi32>,
    %get3A_1386 = arith.constant 112 : index
    %get3A_1387 = tpu.vector_load %arg17[%get3A_1386] {strides = array<i32>} : memref<512xi32, #tpu.memory_space<vmem>>, vector<16xi32>,
    %select_n3A_1388 = arith.select %eq3A_1380, %get3A_1385, %get3A_1387 : vector<16xi1>, vector<16xi32>
    %get3A_1389 = arith.constant 112 : index
    %get3A_1390 = tpu.vector_load %arg14[%get3A_1389] {strides = array<i32>} : memref<512xi32, #tpu.memory_space<vmem>>, vector<16xi32>,
    %get3A_1391 = arith.constant 112 : index
    %get3A_1392 = tpu.vector_load %arg18[%get3A_1391] {strides = array<i32>} : memref<512xi32, #tpu.memory_space<vmem>>, vector<16xi32>,
    %select_n3A_1393 = arith.select %eq3A_1380, %get3A_1390, %get3A_1392 : vector<16xi1>, vector<16xi32>
    %swap3A_1394 = arith.constant 112 : index
    %swap3A_1395 = tpu.vector_load %arg21[%swap3A_1394] {strides = array<i32>} : memref<512xi32, #tpu.memory_space<vmem>>, vector<16xi32>,
    tpu.vector_store %arg21[%swap3A_1394], %select_n3A_1388 {strides = array<i32>} : memref<512xi32, #tpu.memory_space<vmem>>, vector<16xi32>,
    %swap3A_1396 = arith.constant 112 : index
    %swap3A_1397 = tpu.vector_load %arg22[%swap3A_1396] {strides = array<i32>} : memref<512xi32, #tpu.memory_space<vmem>>, vector<16xi32>,
    tpu.vector_store %arg22[%swap3A_1396], %select_n3A_1393 {strides = array<i32>} : memref<512xi32, #tpu.memory_space<vmem>>, vector<16xi32>,
    %mul3A_1398 = arith.constant 64 : i32
    %mul3A_1399 = vector.broadcast %mul3A_1398 : i32 to vector<16xi32>
    %mul3A_1400 = arith.muli %select_n3A_1388, %mul3A_1399 : vector<16xi32>
    %add3A_1401 = arith.addi %mul3A_1400, %select_n3A_1393 : vector<16xi32>
    %swap3A_1402 = arith.constant 112 : index
    %swap3A_1403 = tpu.vector_load %arg23[%swap3A_1402] {strides = array<i32>} : memref<512xi32, #tpu.memory_space<vmem>>, vector<16xi32>,
    tpu.vector_store %arg23[%swap3A_1402], %add3A_1401 {strides = array<i32>} : memref<512xi32, #tpu.memory_space<vmem>>, vector<16xi32>,
    %jit3A_1404 = arith.constant 1 : i32
    %jit3A_1405 = arith.constant 0 : i32
    %broadcast_in_dim3A_1406 = vector.broadcast %jit3A_1404 : i32 to vector<16xi32>
    %broadcast_in_dim3A_1407 = vector.broadcast %jit3A_1405 : i32 to vector<16xi32>
    %select_n3A_1408 = arith.select %eq3A_1383, %broadcast_in_dim3A_1406, %broadcast_in_dim3A_1407 : vector<16xi1>, vector<16xi32>
    %swap3A_1409 = arith.constant 112 : index
    %swap3A_1410 = tpu.vector_load %arg24[%swap3A_1409] {strides = array<i32>} : memref<512xi32, #tpu.memory_space<vmem>>, vector<16xi32>,
    tpu.vector_store %arg24[%swap3A_1409], %select_n3A_1408 {strides = array<i32>} : memref<512xi32, #tpu.memory_space<vmem>>, vector<16xi32>,
    %broadcast_in_dim3A_1411 = arith.constant 1 : i32
    %broadcast_in_dim3A_1412 = vector.broadcast %broadcast_in_dim3A_1411 : i32 to vector<16xi32>
    %add3A_1413 = arith.constant 0 : i32
    %add3A_1414 = vector.broadcast %add3A_1413 : i32 to vector<16xi32>
    %add3A_1415 = arith.addi %add3A_1414, %iota3A : vector<16xi32>
    %gather3A_1416 = tpu.vector_load_idx %arg20[%broadcast_in_dim3A_1412, %add3A_1415, %add3A_1415] : memref<4x128x128xf32, #tpu.memory_space<vmem>>[vector<16xi32>, vector<16xi32>, vector<16xi32>], vector<16xf32>,
    %eq3A_1417 = arith.constant 1.000000e+00 : f32
    %eq3A_1418 = vector.broadcast %eq3A_1417 : f32 to vector<16xf32>
    %eq3A_1419 = arith.cmpf oeq, %gather3A_1416, %eq3A_1418 : vector<16xf32>
    %eq3A_1420 = arith.constant 2.000000e+00 : f32
    %eq3A_1421 = vector.broadcast %eq3A_1420 : f32 to vector<16xf32>
    %eq3A_1422 = arith.cmpf oeq, %gather3A_1416, %eq3A_1421 : vector<16xf32>
    %get3A_1423 = arith.constant 128 : index
    %get3A_1424 = tpu.vector_load %arg13[%get3A_1423] {strides = array<i32>} : memref<512xi32, #tpu.memory_space<vmem>>, vector<16xi32>,
    %get3A_1425 = arith.constant 128 : index
    %get3A_1426 = tpu.vector_load %arg17[%get3A_1425] {strides = array<i32>} : memref<512xi32, #tpu.memory_space<vmem>>, vector<16xi32>,
    %select_n3A_1427 = arith.select %eq3A_1419, %get3A_1424, %get3A_1426 : vector<16xi1>, vector<16xi32>
    %get3A_1428 = arith.constant 128 : index
    %get3A_1429 = tpu.vector_load %arg14[%get3A_1428] {strides = array<i32>} : memref<512xi32, #tpu.memory_space<vmem>>, vector<16xi32>,
    %get3A_1430 = arith.constant 128 : index
    %get3A_1431 = tpu.vector_load %arg18[%get3A_1430] {strides = array<i32>} : memref<512xi32, #tpu.memory_space<vmem>>, vector<16xi32>,
    %select_n3A_1432 = arith.select %eq3A_1419, %get3A_1429, %get3A_1431 : vector<16xi1>, vector<16xi32>
    %swap3A_1433 = arith.constant 128 : index
    %swap3A_1434 = tpu.vector_load %arg21[%swap3A_1433] {strides = array<i32>} : memref<512xi32, #tpu.memory_space<vmem>>, vector<16xi32>,
    tpu.vector_store %arg21[%swap3A_1433], %select_n3A_1427 {strides = array<i32>} : memref<512xi32, #tpu.memory_space<vmem>>, vector<16xi32>,
    %swap3A_1435 = arith.constant 128 : index
    %swap3A_1436 = tpu.vector_load %arg22[%swap3A_1435] {strides = array<i32>} : memref<512xi32, #tpu.memory_space<vmem>>, vector<16xi32>,
    tpu.vector_store %arg22[%swap3A_1435], %select_n3A_1432 {strides = array<i32>} : memref<512xi32, #tpu.memory_space<vmem>>, vector<16xi32>,
    %mul3A_1437 = arith.constant 64 : i32
    %mul3A_1438 = vector.broadcast %mul3A_1437 : i32 to vector<16xi32>
    %mul3A_1439 = arith.muli %select_n3A_1427, %mul3A_1438 : vector<16xi32>
    %add3A_1440 = arith.addi %mul3A_1439, %select_n3A_1432 : vector<16xi32>
    %swap3A_1441 = arith.constant 128 : index
    %swap3A_1442 = tpu.vector_load %arg23[%swap3A_1441] {strides = array<i32>} : memref<512xi32, #tpu.memory_space<vmem>>, vector<16xi32>,
    tpu.vector_store %arg23[%swap3A_1441], %add3A_1440 {strides = array<i32>} : memref<512xi32, #tpu.memory_space<vmem>>, vector<16xi32>,
    %jit3A_1443 = arith.constant 1 : i32
    %jit3A_1444 = arith.constant 0 : i32
    %broadcast_in_dim3A_1445 = vector.broadcast %jit3A_1443 : i32 to vector<16xi32>
    %broadcast_in_dim3A_1446 = vector.broadcast %jit3A_1444 : i32 to vector<16xi32>
    %select_n3A_1447 = arith.select %eq3A_1422, %broadcast_in_dim3A_1445, %broadcast_in_dim3A_1446 : vector<16xi1>, vector<16xi32>
    %swap3A_1448 = arith.constant 128 : index
    %swap3A_1449 = tpu.vector_load %arg24[%swap3A_1448] {strides = array<i32>} : memref<512xi32, #tpu.memory_space<vmem>>, vector<16xi32>,
    tpu.vector_store %arg24[%swap3A_1448], %select_n3A_1447 {strides = array<i32>} : memref<512xi32, #tpu.memory_space<vmem>>, vector<16xi32>,
    %broadcast_in_dim3A_1450 = arith.constant 1 : i32
    %broadcast_in_dim3A_1451 = vector.broadcast %broadcast_in_dim3A_1450 : i32 to vector<16xi32>
    %add3A_1452 = arith.constant 16 : i32
    %add3A_1453 = vector.broadcast %add3A_1452 : i32 to vector<16xi32>
    %add3A_1454 = arith.addi %add3A_1453, %iota3A : vector<16xi32>
    %gather3A_1455 = tpu.vector_load_idx %arg20[%broadcast_in_dim3A_1451, %add3A_1454, %add3A_1454] : memref<4x128x128xf32, #tpu.memory_space<vmem>>[vector<16xi32>, vector<16xi32>, vector<16xi32>], vector<16xf32>,
    %eq3A_1456 = arith.constant 1.000000e+00 : f32
    %eq3A_1457 = vector.broadcast %eq3A_1456 : f32 to vector<16xf32>
    %eq3A_1458 = arith.cmpf oeq, %gather3A_1455, %eq3A_1457 : vector<16xf32>
    %eq3A_1459 = arith.constant 2.000000e+00 : f32
    %eq3A_1460 = vector.broadcast %eq3A_1459 : f32 to vector<16xf32>
    %eq3A_1461 = arith.cmpf oeq, %gather3A_1455, %eq3A_1460 : vector<16xf32>
    %get3A_1462 = arith.constant 144 : index
    %get3A_1463 = tpu.vector_load %arg13[%get3A_1462] {strides = array<i32>} : memref<512xi32, #tpu.memory_space<vmem>>, vector<16xi32>,
    %get3A_1464 = arith.constant 144 : index
    %get3A_1465 = tpu.vector_load %arg17[%get3A_1464] {strides = array<i32>} : memref<512xi32, #tpu.memory_space<vmem>>, vector<16xi32>,
    %select_n3A_1466 = arith.select %eq3A_1458, %get3A_1463, %get3A_1465 : vector<16xi1>, vector<16xi32>
    %get3A_1467 = arith.constant 144 : index
    %get3A_1468 = tpu.vector_load %arg14[%get3A_1467] {strides = array<i32>} : memref<512xi32, #tpu.memory_space<vmem>>, vector<16xi32>,
    %get3A_1469 = arith.constant 144 : index
    %get3A_1470 = tpu.vector_load %arg18[%get3A_1469] {strides = array<i32>} : memref<512xi32, #tpu.memory_space<vmem>>, vector<16xi32>,
    %select_n3A_1471 = arith.select %eq3A_1458, %get3A_1468, %get3A_1470 : vector<16xi1>, vector<16xi32>
    %swap3A_1472 = arith.constant 144 : index
    %swap3A_1473 = tpu.vector_load %arg21[%swap3A_1472] {strides = array<i32>} : memref<512xi32, #tpu.memory_space<vmem>>, vector<16xi32>,
    tpu.vector_store %arg21[%swap3A_1472], %select_n3A_1466 {strides = array<i32>} : memref<512xi32, #tpu.memory_space<vmem>>, vector<16xi32>,
    %swap3A_1474 = arith.constant 144 : index
    %swap3A_1475 = tpu.vector_load %arg22[%swap3A_1474] {strides = array<i32>} : memref<512xi32, #tpu.memory_space<vmem>>, vector<16xi32>,
    tpu.vector_store %arg22[%swap3A_1474], %select_n3A_1471 {strides = array<i32>} : memref<512xi32, #tpu.memory_space<vmem>>, vector<16xi32>,
    %mul3A_1476 = arith.constant 64 : i32
    %mul3A_1477 = vector.broadcast %mul3A_1476 : i32 to vector<16xi32>
    %mul3A_1478 = arith.muli %select_n3A_1466, %mul3A_1477 : vector<16xi32>
    %add3A_1479 = arith.addi %mul3A_1478, %select_n3A_1471 : vector<16xi32>
    %swap3A_1480 = arith.constant 144 : index
    %swap3A_1481 = tpu.vector_load %arg23[%swap3A_1480] {strides = array<i32>} : memref<512xi32, #tpu.memory_space<vmem>>, vector<16xi32>,
    tpu.vector_store %arg23[%swap3A_1480], %add3A_1479 {strides = array<i32>} : memref<512xi32, #tpu.memory_space<vmem>>, vector<16xi32>,
    %jit3A_1482 = arith.constant 1 : i32
    %jit3A_1483 = arith.constant 0 : i32
    %broadcast_in_dim3A_1484 = vector.broadcast %jit3A_1482 : i32 to vector<16xi32>
    %broadcast_in_dim3A_1485 = vector.broadcast %jit3A_1483 : i32 to vector<16xi32>
    %select_n3A_1486 = arith.select %eq3A_1461, %broadcast_in_dim3A_1484, %broadcast_in_dim3A_1485 : vector<16xi1>, vector<16xi32>
    %swap3A_1487 = arith.constant 144 : index
    %swap3A_1488 = tpu.vector_load %arg24[%swap3A_1487] {strides = array<i32>} : memref<512xi32, #tpu.memory_space<vmem>>, vector<16xi32>,
    tpu.vector_store %arg24[%swap3A_1487], %select_n3A_1486 {strides = array<i32>} : memref<512xi32, #tpu.memory_space<vmem>>, vector<16xi32>,
    %broadcast_in_dim3A_1489 = arith.constant 1 : i32
    %broadcast_in_dim3A_1490 = vector.broadcast %broadcast_in_dim3A_1489 : i32 to vector<16xi32>
    %add3A_1491 = arith.constant 32 : i32
    %add3A_1492 = vector.broadcast %add3A_1491 : i32 to vector<16xi32>
    %add3A_1493 = arith.addi %add3A_1492, %iota3A : vector<16xi32>
    %gather3A_1494 = tpu.vector_load_idx %arg20[%broadcast_in_dim3A_1490, %add3A_1493, %add3A_1493] : memref<4x128x128xf32, #tpu.memory_space<vmem>>[vector<16xi32>, vector<16xi32>, vector<16xi32>], vector<16xf32>,
    %eq3A_1495 = arith.constant 1.000000e+00 : f32
    %eq3A_1496 = vector.broadcast %eq3A_1495 : f32 to vector<16xf32>
    %eq3A_1497 = arith.cmpf oeq, %gather3A_1494, %eq3A_1496 : vector<16xf32>
    %eq3A_1498 = arith.constant 2.000000e+00 : f32
    %eq3A_1499 = vector.broadcast %eq3A_1498 : f32 to vector<16xf32>
    %eq3A_1500 = arith.cmpf oeq, %gather3A_1494, %eq3A_1499 : vector<16xf32>
    %get3A_1501 = arith.constant 160 : index
    %get3A_1502 = tpu.vector_load %arg13[%get3A_1501] {strides = array<i32>} : memref<512xi32, #tpu.memory_space<vmem>>, vector<16xi32>,
    %get3A_1503 = arith.constant 160 : index
    %get3A_1504 = tpu.vector_load %arg17[%get3A_1503] {strides = array<i32>} : memref<512xi32, #tpu.memory_space<vmem>>, vector<16xi32>,
    %select_n3A_1505 = arith.select %eq3A_1497, %get3A_1502, %get3A_1504 : vector<16xi1>, vector<16xi32>
    %get3A_1506 = arith.constant 160 : index
    %get3A_1507 = tpu.vector_load %arg14[%get3A_1506] {strides = array<i32>} : memref<512xi32, #tpu.memory_space<vmem>>, vector<16xi32>,
    %get3A_1508 = arith.constant 160 : index
    %get3A_1509 = tpu.vector_load %arg18[%get3A_1508] {strides = array<i32>} : memref<512xi32, #tpu.memory_space<vmem>>, vector<16xi32>,
    %select_n3A_1510 = arith.select %eq3A_1497, %get3A_1507, %get3A_1509 : vector<16xi1>, vector<16xi32>
    %swap3A_1511 = arith.constant 160 : index
    %swap3A_1512 = tpu.vector_load %arg21[%swap3A_1511] {strides = array<i32>} : memref<512xi32, #tpu.memory_space<vmem>>, vector<16xi32>,
    tpu.vector_store %arg21[%swap3A_1511], %select_n3A_1505 {strides = array<i32>} : memref<512xi32, #tpu.memory_space<vmem>>, vector<16xi32>,
    %swap3A_1513 = arith.constant 160 : index
    %swap3A_1514 = tpu.vector_load %arg22[%swap3A_1513] {strides = array<i32>} : memref<512xi32, #tpu.memory_space<vmem>>, vector<16xi32>,
    tpu.vector_store %arg22[%swap3A_1513], %select_n3A_1510 {strides = array<i32>} : memref<512xi32, #tpu.memory_space<vmem>>, vector<16xi32>,
    %mul3A_1515 = arith.constant 64 : i32
    %mul3A_1516 = vector.broadcast %mul3A_1515 : i32 to vector<16xi32>
    %mul3A_1517 = arith.muli %select_n3A_1505, %mul3A_1516 : vector<16xi32>
    %add3A_1518 = arith.addi %mul3A_1517, %select_n3A_1510 : vector<16xi32>
    %swap3A_1519 = arith.constant 160 : index
    %swap3A_1520 = tpu.vector_load %arg23[%swap3A_1519] {strides = array<i32>} : memref<512xi32, #tpu.memory_space<vmem>>, vector<16xi32>,
    tpu.vector_store %arg23[%swap3A_1519], %add3A_1518 {strides = array<i32>} : memref<512xi32, #tpu.memory_space<vmem>>, vector<16xi32>,
    %jit3A_1521 = arith.constant 1 : i32
    %jit3A_1522 = arith.constant 0 : i32
    %broadcast_in_dim3A_1523 = vector.broadcast %jit3A_1521 : i32 to vector<16xi32>
    %broadcast_in_dim3A_1524 = vector.broadcast %jit3A_1522 : i32 to vector<16xi32>
    %select_n3A_1525 = arith.select %eq3A_1500, %broadcast_in_dim3A_1523, %broadcast_in_dim3A_1524 : vector<16xi1>, vector<16xi32>
    %swap3A_1526 = arith.constant 160 : index
    %swap3A_1527 = tpu.vector_load %arg24[%swap3A_1526] {strides = array<i32>} : memref<512xi32, #tpu.memory_space<vmem>>, vector<16xi32>,
    tpu.vector_store %arg24[%swap3A_1526], %select_n3A_1525 {strides = array<i32>} : memref<512xi32, #tpu.memory_space<vmem>>, vector<16xi32>,
    %broadcast_in_dim3A_1528 = arith.constant 1 : i32
    %broadcast_in_dim3A_1529 = vector.broadcast %broadcast_in_dim3A_1528 : i32 to vector<16xi32>
    %add3A_1530 = arith.constant 48 : i32
    %add3A_1531 = vector.broadcast %add3A_1530 : i32 to vector<16xi32>
    %add3A_1532 = arith.addi %add3A_1531, %iota3A : vector<16xi32>
    %gather3A_1533 = tpu.vector_load_idx %arg20[%broadcast_in_dim3A_1529, %add3A_1532, %add3A_1532] : memref<4x128x128xf32, #tpu.memory_space<vmem>>[vector<16xi32>, vector<16xi32>, vector<16xi32>], vector<16xf32>,
    %eq3A_1534 = arith.constant 1.000000e+00 : f32
    %eq3A_1535 = vector.broadcast %eq3A_1534 : f32 to vector<16xf32>
    %eq3A_1536 = arith.cmpf oeq, %gather3A_1533, %eq3A_1535 : vector<16xf32>
    %eq3A_1537 = arith.constant 2.000000e+00 : f32
    %eq3A_1538 = vector.broadcast %eq3A_1537 : f32 to vector<16xf32>
    %eq3A_1539 = arith.cmpf oeq, %gather3A_1533, %eq3A_1538 : vector<16xf32>
    %get3A_1540 = arith.constant 176 : index
    %get3A_1541 = tpu.vector_load %arg13[%get3A_1540] {strides = array<i32>} : memref<512xi32, #tpu.memory_space<vmem>>, vector<16xi32>,
    %get3A_1542 = arith.constant 176 : index
    %get3A_1543 = tpu.vector_load %arg17[%get3A_1542] {strides = array<i32>} : memref<512xi32, #tpu.memory_space<vmem>>, vector<16xi32>,
    %select_n3A_1544 = arith.select %eq3A_1536, %get3A_1541, %get3A_1543 : vector<16xi1>, vector<16xi32>
    %get3A_1545 = arith.constant 176 : index
    %get3A_1546 = tpu.vector_load %arg14[%get3A_1545] {strides = array<i32>} : memref<512xi32, #tpu.memory_space<vmem>>, vector<16xi32>,
    %get3A_1547 = arith.constant 176 : index
    %get3A_1548 = tpu.vector_load %arg18[%get3A_1547] {strides = array<i32>} : memref<512xi32, #tpu.memory_space<vmem>>, vector<16xi32>,
    %select_n3A_1549 = arith.select %eq3A_1536, %get3A_1546, %get3A_1548 : vector<16xi1>, vector<16xi32>
    %swap3A_1550 = arith.constant 176 : index
    %swap3A_1551 = tpu.vector_load %arg21[%swap3A_1550] {strides = array<i32>} : memref<512xi32, #tpu.memory_space<vmem>>, vector<16xi32>,
    tpu.vector_store %arg21[%swap3A_1550], %select_n3A_1544 {strides = array<i32>} : memref<512xi32, #tpu.memory_space<vmem>>, vector<16xi32>,
    %swap3A_1552 = arith.constant 176 : index
    %swap3A_1553 = tpu.vector_load %arg22[%swap3A_1552] {strides = array<i32>} : memref<512xi32, #tpu.memory_space<vmem>>, vector<16xi32>,
    tpu.vector_store %arg22[%swap3A_1552], %select_n3A_1549 {strides = array<i32>} : memref<512xi32, #tpu.memory_space<vmem>>, vector<16xi32>,
    %mul3A_1554 = arith.constant 64 : i32
    %mul3A_1555 = vector.broadcast %mul3A_1554 : i32 to vector<16xi32>
    %mul3A_1556 = arith.muli %select_n3A_1544, %mul3A_1555 : vector<16xi32>
    %add3A_1557 = arith.addi %mul3A_1556, %select_n3A_1549 : vector<16xi32>
    %swap3A_1558 = arith.constant 176 : index
    %swap3A_1559 = tpu.vector_load %arg23[%swap3A_1558] {strides = array<i32>} : memref<512xi32, #tpu.memory_space<vmem>>, vector<16xi32>,
    tpu.vector_store %arg23[%swap3A_1558], %add3A_1557 {strides = array<i32>} : memref<512xi32, #tpu.memory_space<vmem>>, vector<16xi32>,
    %jit3A_1560 = arith.constant 1 : i32
    %jit3A_1561 = arith.constant 0 : i32
    %broadcast_in_dim3A_1562 = vector.broadcast %jit3A_1560 : i32 to vector<16xi32>
    %broadcast_in_dim3A_1563 = vector.broadcast %jit3A_1561 : i32 to vector<16xi32>
    %select_n3A_1564 = arith.select %eq3A_1539, %broadcast_in_dim3A_1562, %broadcast_in_dim3A_1563 : vector<16xi1>, vector<16xi32>
    %swap3A_1565 = arith.constant 176 : index
    %swap3A_1566 = tpu.vector_load %arg24[%swap3A_1565] {strides = array<i32>} : memref<512xi32, #tpu.memory_space<vmem>>, vector<16xi32>,
    tpu.vector_store %arg24[%swap3A_1565], %select_n3A_1564 {strides = array<i32>} : memref<512xi32, #tpu.memory_space<vmem>>, vector<16xi32>,
    %broadcast_in_dim3A_1567 = arith.constant 1 : i32
    %broadcast_in_dim3A_1568 = vector.broadcast %broadcast_in_dim3A_1567 : i32 to vector<16xi32>
    %add3A_1569 = arith.constant 64 : i32
    %add3A_1570 = vector.broadcast %add3A_1569 : i32 to vector<16xi32>
    %add3A_1571 = arith.addi %add3A_1570, %iota3A : vector<16xi32>
    %gather3A_1572 = tpu.vector_load_idx %arg20[%broadcast_in_dim3A_1568, %add3A_1571, %add3A_1571] : memref<4x128x128xf32, #tpu.memory_space<vmem>>[vector<16xi32>, vector<16xi32>, vector<16xi32>], vector<16xf32>,
    %eq3A_1573 = arith.constant 1.000000e+00 : f32
    %eq3A_1574 = vector.broadcast %eq3A_1573 : f32 to vector<16xf32>
    %eq3A_1575 = arith.cmpf oeq, %gather3A_1572, %eq3A_1574 : vector<16xf32>
    %eq3A_1576 = arith.constant 2.000000e+00 : f32
    %eq3A_1577 = vector.broadcast %eq3A_1576 : f32 to vector<16xf32>
    %eq3A_1578 = arith.cmpf oeq, %gather3A_1572, %eq3A_1577 : vector<16xf32>
    %get3A_1579 = arith.constant 192 : index
    %get3A_1580 = tpu.vector_load %arg13[%get3A_1579] {strides = array<i32>} : memref<512xi32, #tpu.memory_space<vmem>>, vector<16xi32>,
    %get3A_1581 = arith.constant 192 : index
    %get3A_1582 = tpu.vector_load %arg17[%get3A_1581] {strides = array<i32>} : memref<512xi32, #tpu.memory_space<vmem>>, vector<16xi32>,
    %select_n3A_1583 = arith.select %eq3A_1575, %get3A_1580, %get3A_1582 : vector<16xi1>, vector<16xi32>
    %get3A_1584 = arith.constant 192 : index
    %get3A_1585 = tpu.vector_load %arg14[%get3A_1584] {strides = array<i32>} : memref<512xi32, #tpu.memory_space<vmem>>, vector<16xi32>,
    %get3A_1586 = arith.constant 192 : index
    %get3A_1587 = tpu.vector_load %arg18[%get3A_1586] {strides = array<i32>} : memref<512xi32, #tpu.memory_space<vmem>>, vector<16xi32>,
    %select_n3A_1588 = arith.select %eq3A_1575, %get3A_1585, %get3A_1587 : vector<16xi1>, vector<16xi32>
    %swap3A_1589 = arith.constant 192 : index
    %swap3A_1590 = tpu.vector_load %arg21[%swap3A_1589] {strides = array<i32>} : memref<512xi32, #tpu.memory_space<vmem>>, vector<16xi32>,
    tpu.vector_store %arg21[%swap3A_1589], %select_n3A_1583 {strides = array<i32>} : memref<512xi32, #tpu.memory_space<vmem>>, vector<16xi32>,
    %swap3A_1591 = arith.constant 192 : index
    %swap3A_1592 = tpu.vector_load %arg22[%swap3A_1591] {strides = array<i32>} : memref<512xi32, #tpu.memory_space<vmem>>, vector<16xi32>,
    tpu.vector_store %arg22[%swap3A_1591], %select_n3A_1588 {strides = array<i32>} : memref<512xi32, #tpu.memory_space<vmem>>, vector<16xi32>,
    %mul3A_1593 = arith.constant 64 : i32
    %mul3A_1594 = vector.broadcast %mul3A_1593 : i32 to vector<16xi32>
    %mul3A_1595 = arith.muli %select_n3A_1583, %mul3A_1594 : vector<16xi32>
    %add3A_1596 = arith.addi %mul3A_1595, %select_n3A_1588 : vector<16xi32>
    %swap3A_1597 = arith.constant 192 : index
    %swap3A_1598 = tpu.vector_load %arg23[%swap3A_1597] {strides = array<i32>} : memref<512xi32, #tpu.memory_space<vmem>>, vector<16xi32>,
    tpu.vector_store %arg23[%swap3A_1597], %add3A_1596 {strides = array<i32>} : memref<512xi32, #tpu.memory_space<vmem>>, vector<16xi32>,
    %jit3A_1599 = arith.constant 1 : i32
    %jit3A_1600 = arith.constant 0 : i32
    %broadcast_in_dim3A_1601 = vector.broadcast %jit3A_1599 : i32 to vector<16xi32>
    %broadcast_in_dim3A_1602 = vector.broadcast %jit3A_1600 : i32 to vector<16xi32>
    %select_n3A_1603 = arith.select %eq3A_1578, %broadcast_in_dim3A_1601, %broadcast_in_dim3A_1602 : vector<16xi1>, vector<16xi32>
    %swap3A_1604 = arith.constant 192 : index
    %swap3A_1605 = tpu.vector_load %arg24[%swap3A_1604] {strides = array<i32>} : memref<512xi32, #tpu.memory_space<vmem>>, vector<16xi32>,
    tpu.vector_store %arg24[%swap3A_1604], %select_n3A_1603 {strides = array<i32>} : memref<512xi32, #tpu.memory_space<vmem>>, vector<16xi32>,
    %broadcast_in_dim3A_1606 = arith.constant 1 : i32
    %broadcast_in_dim3A_1607 = vector.broadcast %broadcast_in_dim3A_1606 : i32 to vector<16xi32>
    %add3A_1608 = arith.constant 80 : i32
    %add3A_1609 = vector.broadcast %add3A_1608 : i32 to vector<16xi32>
    %add3A_1610 = arith.addi %add3A_1609, %iota3A : vector<16xi32>
    %gather3A_1611 = tpu.vector_load_idx %arg20[%broadcast_in_dim3A_1607, %add3A_1610, %add3A_1610] : memref<4x128x128xf32, #tpu.memory_space<vmem>>[vector<16xi32>, vector<16xi32>, vector<16xi32>], vector<16xf32>,
    %eq3A_1612 = arith.constant 1.000000e+00 : f32
    %eq3A_1613 = vector.broadcast %eq3A_1612 : f32 to vector<16xf32>
    %eq3A_1614 = arith.cmpf oeq, %gather3A_1611, %eq3A_1613 : vector<16xf32>
    %eq3A_1615 = arith.constant 2.000000e+00 : f32
    %eq3A_1616 = vector.broadcast %eq3A_1615 : f32 to vector<16xf32>
    %eq3A_1617 = arith.cmpf oeq, %gather3A_1611, %eq3A_1616 : vector<16xf32>
    %get3A_1618 = arith.constant 208 : index
    %get3A_1619 = tpu.vector_load %arg13[%get3A_1618] {strides = array<i32>} : memref<512xi32, #tpu.memory_space<vmem>>, vector<16xi32>,
    %get3A_1620 = arith.constant 208 : index
    %get3A_1621 = tpu.vector_load %arg17[%get3A_1620] {strides = array<i32>} : memref<512xi32, #tpu.memory_space<vmem>>, vector<16xi32>,
    %select_n3A_1622 = arith.select %eq3A_1614, %get3A_1619, %get3A_1621 : vector<16xi1>, vector<16xi32>
    %get3A_1623 = arith.constant 208 : index
    %get3A_1624 = tpu.vector_load %arg14[%get3A_1623] {strides = array<i32>} : memref<512xi32, #tpu.memory_space<vmem>>, vector<16xi32>,
    %get3A_1625 = arith.constant 208 : index
    %get3A_1626 = tpu.vector_load %arg18[%get3A_1625] {strides = array<i32>} : memref<512xi32, #tpu.memory_space<vmem>>, vector<16xi32>,
    %select_n3A_1627 = arith.select %eq3A_1614, %get3A_1624, %get3A_1626 : vector<16xi1>, vector<16xi32>
    %swap3A_1628 = arith.constant 208 : index
    %swap3A_1629 = tpu.vector_load %arg21[%swap3A_1628] {strides = array<i32>} : memref<512xi32, #tpu.memory_space<vmem>>, vector<16xi32>,
    tpu.vector_store %arg21[%swap3A_1628], %select_n3A_1622 {strides = array<i32>} : memref<512xi32, #tpu.memory_space<vmem>>, vector<16xi32>,
    %swap3A_1630 = arith.constant 208 : index
    %swap3A_1631 = tpu.vector_load %arg22[%swap3A_1630] {strides = array<i32>} : memref<512xi32, #tpu.memory_space<vmem>>, vector<16xi32>,
    tpu.vector_store %arg22[%swap3A_1630], %select_n3A_1627 {strides = array<i32>} : memref<512xi32, #tpu.memory_space<vmem>>, vector<16xi32>,
    %mul3A_1632 = arith.constant 64 : i32
    %mul3A_1633 = vector.broadcast %mul3A_1632 : i32 to vector<16xi32>
    %mul3A_1634 = arith.muli %select_n3A_1622, %mul3A_1633 : vector<16xi32>
    %add3A_1635 = arith.addi %mul3A_1634, %select_n3A_1627 : vector<16xi32>
    %swap3A_1636 = arith.constant 208 : index
    %swap3A_1637 = tpu.vector_load %arg23[%swap3A_1636] {strides = array<i32>} : memref<512xi32, #tpu.memory_space<vmem>>, vector<16xi32>,
    tpu.vector_store %arg23[%swap3A_1636], %add3A_1635 {strides = array<i32>} : memref<512xi32, #tpu.memory_space<vmem>>, vector<16xi32>,
    %jit3A_1638 = arith.constant 1 : i32
    %jit3A_1639 = arith.constant 0 : i32
    %broadcast_in_dim3A_1640 = vector.broadcast %jit3A_1638 : i32 to vector<16xi32>
    %broadcast_in_dim3A_1641 = vector.broadcast %jit3A_1639 : i32 to vector<16xi32>
    %select_n3A_1642 = arith.select %eq3A_1617, %broadcast_in_dim3A_1640, %broadcast_in_dim3A_1641 : vector<16xi1>, vector<16xi32>
    %swap3A_1643 = arith.constant 208 : index
    %swap3A_1644 = tpu.vector_load %arg24[%swap3A_1643] {strides = array<i32>} : memref<512xi32, #tpu.memory_space<vmem>>, vector<16xi32>,
    tpu.vector_store %arg24[%swap3A_1643], %select_n3A_1642 {strides = array<i32>} : memref<512xi32, #tpu.memory_space<vmem>>, vector<16xi32>,
    %broadcast_in_dim3A_1645 = arith.constant 1 : i32
    %broadcast_in_dim3A_1646 = vector.broadcast %broadcast_in_dim3A_1645 : i32 to vector<16xi32>
    %add3A_1647 = arith.constant 96 : i32
    %add3A_1648 = vector.broadcast %add3A_1647 : i32 to vector<16xi32>
    %add3A_1649 = arith.addi %add3A_1648, %iota3A : vector<16xi32>
    %gather3A_1650 = tpu.vector_load_idx %arg20[%broadcast_in_dim3A_1646, %add3A_1649, %add3A_1649] : memref<4x128x128xf32, #tpu.memory_space<vmem>>[vector<16xi32>, vector<16xi32>, vector<16xi32>], vector<16xf32>,
    %eq3A_1651 = arith.constant 1.000000e+00 : f32
    %eq3A_1652 = vector.broadcast %eq3A_1651 : f32 to vector<16xf32>
    %eq3A_1653 = arith.cmpf oeq, %gather3A_1650, %eq3A_1652 : vector<16xf32>
    %eq3A_1654 = arith.constant 2.000000e+00 : f32
    %eq3A_1655 = vector.broadcast %eq3A_1654 : f32 to vector<16xf32>
    %eq3A_1656 = arith.cmpf oeq, %gather3A_1650, %eq3A_1655 : vector<16xf32>
    %get3A_1657 = arith.constant 224 : index
    %get3A_1658 = tpu.vector_load %arg13[%get3A_1657] {strides = array<i32>} : memref<512xi32, #tpu.memory_space<vmem>>, vector<16xi32>,
    %get3A_1659 = arith.constant 224 : index
    %get3A_1660 = tpu.vector_load %arg17[%get3A_1659] {strides = array<i32>} : memref<512xi32, #tpu.memory_space<vmem>>, vector<16xi32>,
    %select_n3A_1661 = arith.select %eq3A_1653, %get3A_1658, %get3A_1660 : vector<16xi1>, vector<16xi32>
    %get3A_1662 = arith.constant 224 : index
    %get3A_1663 = tpu.vector_load %arg14[%get3A_1662] {strides = array<i32>} : memref<512xi32, #tpu.memory_space<vmem>>, vector<16xi32>,
    %get3A_1664 = arith.constant 224 : index
    %get3A_1665 = tpu.vector_load %arg18[%get3A_1664] {strides = array<i32>} : memref<512xi32, #tpu.memory_space<vmem>>, vector<16xi32>,
    %select_n3A_1666 = arith.select %eq3A_1653, %get3A_1663, %get3A_1665 : vector<16xi1>, vector<16xi32>
    %swap3A_1667 = arith.constant 224 : index
    %swap3A_1668 = tpu.vector_load %arg21[%swap3A_1667] {strides = array<i32>} : memref<512xi32, #tpu.memory_space<vmem>>, vector<16xi32>,
    tpu.vector_store %arg21[%swap3A_1667], %select_n3A_1661 {strides = array<i32>} : memref<512xi32, #tpu.memory_space<vmem>>, vector<16xi32>,
    %swap3A_1669 = arith.constant 224 : index
    %swap3A_1670 = tpu.vector_load %arg22[%swap3A_1669] {strides = array<i32>} : memref<512xi32, #tpu.memory_space<vmem>>, vector<16xi32>,
    tpu.vector_store %arg22[%swap3A_1669], %select_n3A_1666 {strides = array<i32>} : memref<512xi32, #tpu.memory_space<vmem>>, vector<16xi32>,
    %mul3A_1671 = arith.constant 64 : i32
    %mul3A_1672 = vector.broadcast %mul3A_1671 : i32 to vector<16xi32>
    %mul3A_1673 = arith.muli %select_n3A_1661, %mul3A_1672 : vector<16xi32>
    %add3A_1674 = arith.addi %mul3A_1673, %select_n3A_1666 : vector<16xi32>
    %swap3A_1675 = arith.constant 224 : index
    %swap3A_1676 = tpu.vector_load %arg23[%swap3A_1675] {strides = array<i32>} : memref<512xi32, #tpu.memory_space<vmem>>, vector<16xi32>,
    tpu.vector_store %arg23[%swap3A_1675], %add3A_1674 {strides = array<i32>} : memref<512xi32, #tpu.memory_space<vmem>>, vector<16xi32>,
    %jit3A_1677 = arith.constant 1 : i32
    %jit3A_1678 = arith.constant 0 : i32
    %broadcast_in_dim3A_1679 = vector.broadcast %jit3A_1677 : i32 to vector<16xi32>
    %broadcast_in_dim3A_1680 = vector.broadcast %jit3A_1678 : i32 to vector<16xi32>
    %select_n3A_1681 = arith.select %eq3A_1656, %broadcast_in_dim3A_1679, %broadcast_in_dim3A_1680 : vector<16xi1>, vector<16xi32>
    %swap3A_1682 = arith.constant 224 : index
    %swap3A_1683 = tpu.vector_load %arg24[%swap3A_1682] {strides = array<i32>} : memref<512xi32, #tpu.memory_space<vmem>>, vector<16xi32>,
    tpu.vector_store %arg24[%swap3A_1682], %select_n3A_1681 {strides = array<i32>} : memref<512xi32, #tpu.memory_space<vmem>>, vector<16xi32>,
    %broadcast_in_dim3A_1684 = arith.constant 1 : i32
    %broadcast_in_dim3A_1685 = vector.broadcast %broadcast_in_dim3A_1684 : i32 to vector<16xi32>
    %add3A_1686 = arith.constant 112 : i32
    %add3A_1687 = vector.broadcast %add3A_1686 : i32 to vector<16xi32>
    %add3A_1688 = arith.addi %add3A_1687, %iota3A : vector<16xi32>
    %gather3A_1689 = tpu.vector_load_idx %arg20[%broadcast_in_dim3A_1685, %add3A_1688, %add3A_1688] : memref<4x128x128xf32, #tpu.memory_space<vmem>>[vector<16xi32>, vector<16xi32>, vector<16xi32>], vector<16xf32>,
    %eq3A_1690 = arith.constant 1.000000e+00 : f32
    %eq3A_1691 = vector.broadcast %eq3A_1690 : f32 to vector<16xf32>
    %eq3A_1692 = arith.cmpf oeq, %gather3A_1689, %eq3A_1691 : vector<16xf32>
    %eq3A_1693 = arith.constant 2.000000e+00 : f32
    %eq3A_1694 = vector.broadcast %eq3A_1693 : f32 to vector<16xf32>
    %eq3A_1695 = arith.cmpf oeq, %gather3A_1689, %eq3A_1694 : vector<16xf32>
    %get3A_1696 = arith.constant 240 : index
    %get3A_1697 = tpu.vector_load %arg13[%get3A_1696] {strides = array<i32>} : memref<512xi32, #tpu.memory_space<vmem>>, vector<16xi32>,
    %get3A_1698 = arith.constant 240 : index
    %get3A_1699 = tpu.vector_load %arg17[%get3A_1698] {strides = array<i32>} : memref<512xi32, #tpu.memory_space<vmem>>, vector<16xi32>,
    %select_n3A_1700 = arith.select %eq3A_1692, %get3A_1697, %get3A_1699 : vector<16xi1>, vector<16xi32>
    %get3A_1701 = arith.constant 240 : index
    %get3A_1702 = tpu.vector_load %arg14[%get3A_1701] {strides = array<i32>} : memref<512xi32, #tpu.memory_space<vmem>>, vector<16xi32>,
    %get3A_1703 = arith.constant 240 : index
    %get3A_1704 = tpu.vector_load %arg18[%get3A_1703] {strides = array<i32>} : memref<512xi32, #tpu.memory_space<vmem>>, vector<16xi32>,
    %select_n3A_1705 = arith.select %eq3A_1692, %get3A_1702, %get3A_1704 : vector<16xi1>, vector<16xi32>
    %swap3A_1706 = arith.constant 240 : index
    %swap3A_1707 = tpu.vector_load %arg21[%swap3A_1706] {strides = array<i32>} : memref<512xi32, #tpu.memory_space<vmem>>, vector<16xi32>,
    tpu.vector_store %arg21[%swap3A_1706], %select_n3A_1700 {strides = array<i32>} : memref<512xi32, #tpu.memory_space<vmem>>, vector<16xi32>,
    %swap3A_1708 = arith.constant 240 : index
    %swap3A_1709 = tpu.vector_load %arg22[%swap3A_1708] {strides = array<i32>} : memref<512xi32, #tpu.memory_space<vmem>>, vector<16xi32>,
    tpu.vector_store %arg22[%swap3A_1708], %select_n3A_1705 {strides = array<i32>} : memref<512xi32, #tpu.memory_space<vmem>>, vector<16xi32>,
    %mul3A_1710 = arith.constant 64 : i32
    %mul3A_1711 = vector.broadcast %mul3A_1710 : i32 to vector<16xi32>
    %mul3A_1712 = arith.muli %select_n3A_1700, %mul3A_1711 : vector<16xi32>
    %add3A_1713 = arith.addi %mul3A_1712, %select_n3A_1705 : vector<16xi32>
    %swap3A_1714 = arith.constant 240 : index
    %swap3A_1715 = tpu.vector_load %arg23[%swap3A_1714] {strides = array<i32>} : memref<512xi32, #tpu.memory_space<vmem>>, vector<16xi32>,
    tpu.vector_store %arg23[%swap3A_1714], %add3A_1713 {strides = array<i32>} : memref<512xi32, #tpu.memory_space<vmem>>, vector<16xi32>,
    %jit3A_1716 = arith.constant 1 : i32
    %jit3A_1717 = arith.constant 0 : i32
    %broadcast_in_dim3A_1718 = vector.broadcast %jit3A_1716 : i32 to vector<16xi32>
    %broadcast_in_dim3A_1719 = vector.broadcast %jit3A_1717 : i32 to vector<16xi32>
    %select_n3A_1720 = arith.select %eq3A_1695, %broadcast_in_dim3A_1718, %broadcast_in_dim3A_1719 : vector<16xi1>, vector<16xi32>
    %swap3A_1721 = arith.constant 240 : index
    %swap3A_1722 = tpu.vector_load %arg24[%swap3A_1721] {strides = array<i32>} : memref<512xi32, #tpu.memory_space<vmem>>, vector<16xi32>,
    tpu.vector_store %arg24[%swap3A_1721], %select_n3A_1720 {strides = array<i32>} : memref<512xi32, #tpu.memory_space<vmem>>, vector<16xi32>,
    %broadcast_in_dim3A_1723 = arith.constant 2 : i32
    %broadcast_in_dim3A_1724 = vector.broadcast %broadcast_in_dim3A_1723 : i32 to vector<16xi32>
    %add3A_1725 = arith.constant 0 : i32
    %add3A_1726 = vector.broadcast %add3A_1725 : i32 to vector<16xi32>
    %add3A_1727 = arith.addi %add3A_1726, %iota3A : vector<16xi32>
    %gather3A_1728 = tpu.vector_load_idx %arg20[%broadcast_in_dim3A_1724, %add3A_1727, %add3A_1727] : memref<4x128x128xf32, #tpu.memory_space<vmem>>[vector<16xi32>, vector<16xi32>, vector<16xi32>], vector<16xf32>,
    %eq3A_1729 = arith.constant 1.000000e+00 : f32
    %eq3A_1730 = vector.broadcast %eq3A_1729 : f32 to vector<16xf32>
    %eq3A_1731 = arith.cmpf oeq, %gather3A_1728, %eq3A_1730 : vector<16xf32>
    %eq3A_1732 = arith.constant 2.000000e+00 : f32
    %eq3A_1733 = vector.broadcast %eq3A_1732 : f32 to vector<16xf32>
    %eq3A_1734 = arith.cmpf oeq, %gather3A_1728, %eq3A_1733 : vector<16xf32>
    %get3A_1735 = arith.constant 256 : index
    %get3A_1736 = tpu.vector_load %arg13[%get3A_1735] {strides = array<i32>} : memref<512xi32, #tpu.memory_space<vmem>>, vector<16xi32>,
    %get3A_1737 = arith.constant 256 : index
    %get3A_1738 = tpu.vector_load %arg17[%get3A_1737] {strides = array<i32>} : memref<512xi32, #tpu.memory_space<vmem>>, vector<16xi32>,
    %select_n3A_1739 = arith.select %eq3A_1731, %get3A_1736, %get3A_1738 : vector<16xi1>, vector<16xi32>
    %get3A_1740 = arith.constant 256 : index
    %get3A_1741 = tpu.vector_load %arg14[%get3A_1740] {strides = array<i32>} : memref<512xi32, #tpu.memory_space<vmem>>, vector<16xi32>,
    %get3A_1742 = arith.constant 256 : index
    %get3A_1743 = tpu.vector_load %arg18[%get3A_1742] {strides = array<i32>} : memref<512xi32, #tpu.memory_space<vmem>>, vector<16xi32>,
    %select_n3A_1744 = arith.select %eq3A_1731, %get3A_1741, %get3A_1743 : vector<16xi1>, vector<16xi32>
    %swap3A_1745 = arith.constant 256 : index
    %swap3A_1746 = tpu.vector_load %arg21[%swap3A_1745] {strides = array<i32>} : memref<512xi32, #tpu.memory_space<vmem>>, vector<16xi32>,
    tpu.vector_store %arg21[%swap3A_1745], %select_n3A_1739 {strides = array<i32>} : memref<512xi32, #tpu.memory_space<vmem>>, vector<16xi32>,
    %swap3A_1747 = arith.constant 256 : index
    %swap3A_1748 = tpu.vector_load %arg22[%swap3A_1747] {strides = array<i32>} : memref<512xi32, #tpu.memory_space<vmem>>, vector<16xi32>,
    tpu.vector_store %arg22[%swap3A_1747], %select_n3A_1744 {strides = array<i32>} : memref<512xi32, #tpu.memory_space<vmem>>, vector<16xi32>,
    %mul3A_1749 = arith.constant 64 : i32
    %mul3A_1750 = vector.broadcast %mul3A_1749 : i32 to vector<16xi32>
    %mul3A_1751 = arith.muli %select_n3A_1739, %mul3A_1750 : vector<16xi32>
    %add3A_1752 = arith.addi %mul3A_1751, %select_n3A_1744 : vector<16xi32>
    %swap3A_1753 = arith.constant 256 : index
    %swap3A_1754 = tpu.vector_load %arg23[%swap3A_1753] {strides = array<i32>} : memref<512xi32, #tpu.memory_space<vmem>>, vector<16xi32>,
    tpu.vector_store %arg23[%swap3A_1753], %add3A_1752 {strides = array<i32>} : memref<512xi32, #tpu.memory_space<vmem>>, vector<16xi32>,
    %jit3A_1755 = arith.constant 1 : i32
    %jit3A_1756 = arith.constant 0 : i32
    %broadcast_in_dim3A_1757 = vector.broadcast %jit3A_1755 : i32 to vector<16xi32>
    %broadcast_in_dim3A_1758 = vector.broadcast %jit3A_1756 : i32 to vector<16xi32>
    %select_n3A_1759 = arith.select %eq3A_1734, %broadcast_in_dim3A_1757, %broadcast_in_dim3A_1758 : vector<16xi1>, vector<16xi32>
    %swap3A_1760 = arith.constant 256 : index
    %swap3A_1761 = tpu.vector_load %arg24[%swap3A_1760] {strides = array<i32>} : memref<512xi32, #tpu.memory_space<vmem>>, vector<16xi32>,
    tpu.vector_store %arg24[%swap3A_1760], %select_n3A_1759 {strides = array<i32>} : memref<512xi32, #tpu.memory_space<vmem>>, vector<16xi32>,
    %broadcast_in_dim3A_1762 = arith.constant 2 : i32
    %broadcast_in_dim3A_1763 = vector.broadcast %broadcast_in_dim3A_1762 : i32 to vector<16xi32>
    %add3A_1764 = arith.constant 16 : i32
    %add3A_1765 = vector.broadcast %add3A_1764 : i32 to vector<16xi32>
    %add3A_1766 = arith.addi %add3A_1765, %iota3A : vector<16xi32>
    %gather3A_1767 = tpu.vector_load_idx %arg20[%broadcast_in_dim3A_1763, %add3A_1766, %add3A_1766] : memref<4x128x128xf32, #tpu.memory_space<vmem>>[vector<16xi32>, vector<16xi32>, vector<16xi32>], vector<16xf32>,
    %eq3A_1768 = arith.constant 1.000000e+00 : f32
    %eq3A_1769 = vector.broadcast %eq3A_1768 : f32 to vector<16xf32>
    %eq3A_1770 = arith.cmpf oeq, %gather3A_1767, %eq3A_1769 : vector<16xf32>
    %eq3A_1771 = arith.constant 2.000000e+00 : f32
    %eq3A_1772 = vector.broadcast %eq3A_1771 : f32 to vector<16xf32>
    %eq3A_1773 = arith.cmpf oeq, %gather3A_1767, %eq3A_1772 : vector<16xf32>
    %get3A_1774 = arith.constant 272 : index
    %get3A_1775 = tpu.vector_load %arg13[%get3A_1774] {strides = array<i32>} : memref<512xi32, #tpu.memory_space<vmem>>, vector<16xi32>,
    %get3A_1776 = arith.constant 272 : index
    %get3A_1777 = tpu.vector_load %arg17[%get3A_1776] {strides = array<i32>} : memref<512xi32, #tpu.memory_space<vmem>>, vector<16xi32>,
    %select_n3A_1778 = arith.select %eq3A_1770, %get3A_1775, %get3A_1777 : vector<16xi1>, vector<16xi32>
    %get3A_1779 = arith.constant 272 : index
    %get3A_1780 = tpu.vector_load %arg14[%get3A_1779] {strides = array<i32>} : memref<512xi32, #tpu.memory_space<vmem>>, vector<16xi32>,
    %get3A_1781 = arith.constant 272 : index
    %get3A_1782 = tpu.vector_load %arg18[%get3A_1781] {strides = array<i32>} : memref<512xi32, #tpu.memory_space<vmem>>, vector<16xi32>,
    %select_n3A_1783 = arith.select %eq3A_1770, %get3A_1780, %get3A_1782 : vector<16xi1>, vector<16xi32>
    %swap3A_1784 = arith.constant 272 : index
    %swap3A_1785 = tpu.vector_load %arg21[%swap3A_1784] {strides = array<i32>} : memref<512xi32, #tpu.memory_space<vmem>>, vector<16xi32>,
    tpu.vector_store %arg21[%swap3A_1784], %select_n3A_1778 {strides = array<i32>} : memref<512xi32, #tpu.memory_space<vmem>>, vector<16xi32>,
    %swap3A_1786 = arith.constant 272 : index
    %swap3A_1787 = tpu.vector_load %arg22[%swap3A_1786] {strides = array<i32>} : memref<512xi32, #tpu.memory_space<vmem>>, vector<16xi32>,
    tpu.vector_store %arg22[%swap3A_1786], %select_n3A_1783 {strides = array<i32>} : memref<512xi32, #tpu.memory_space<vmem>>, vector<16xi32>,
    %mul3A_1788 = arith.constant 64 : i32
    %mul3A_1789 = vector.broadcast %mul3A_1788 : i32 to vector<16xi32>
    %mul3A_1790 = arith.muli %select_n3A_1778, %mul3A_1789 : vector<16xi32>
    %add3A_1791 = arith.addi %mul3A_1790, %select_n3A_1783 : vector<16xi32>
    %swap3A_1792 = arith.constant 272 : index
    %swap3A_1793 = tpu.vector_load %arg23[%swap3A_1792] {strides = array<i32>} : memref<512xi32, #tpu.memory_space<vmem>>, vector<16xi32>,
    tpu.vector_store %arg23[%swap3A_1792], %add3A_1791 {strides = array<i32>} : memref<512xi32, #tpu.memory_space<vmem>>, vector<16xi32>,
    %jit3A_1794 = arith.constant 1 : i32
    %jit3A_1795 = arith.constant 0 : i32
    %broadcast_in_dim3A_1796 = vector.broadcast %jit3A_1794 : i32 to vector<16xi32>
    %broadcast_in_dim3A_1797 = vector.broadcast %jit3A_1795 : i32 to vector<16xi32>
    %select_n3A_1798 = arith.select %eq3A_1773, %broadcast_in_dim3A_1796, %broadcast_in_dim3A_1797 : vector<16xi1>, vector<16xi32>
    %swap3A_1799 = arith.constant 272 : index
    %swap3A_1800 = tpu.vector_load %arg24[%swap3A_1799] {strides = array<i32>} : memref<512xi32, #tpu.memory_space<vmem>>, vector<16xi32>,
    tpu.vector_store %arg24[%swap3A_1799], %select_n3A_1798 {strides = array<i32>} : memref<512xi32, #tpu.memory_space<vmem>>, vector<16xi32>,
    %broadcast_in_dim3A_1801 = arith.constant 2 : i32
    %broadcast_in_dim3A_1802 = vector.broadcast %broadcast_in_dim3A_1801 : i32 to vector<16xi32>
    %add3A_1803 = arith.constant 32 : i32
    %add3A_1804 = vector.broadcast %add3A_1803 : i32 to vector<16xi32>
    %add3A_1805 = arith.addi %add3A_1804, %iota3A : vector<16xi32>
    %gather3A_1806 = tpu.vector_load_idx %arg20[%broadcast_in_dim3A_1802, %add3A_1805, %add3A_1805] : memref<4x128x128xf32, #tpu.memory_space<vmem>>[vector<16xi32>, vector<16xi32>, vector<16xi32>], vector<16xf32>,
    %eq3A_1807 = arith.constant 1.000000e+00 : f32
    %eq3A_1808 = vector.broadcast %eq3A_1807 : f32 to vector<16xf32>
    %eq3A_1809 = arith.cmpf oeq, %gather3A_1806, %eq3A_1808 : vector<16xf32>
    %eq3A_1810 = arith.constant 2.000000e+00 : f32
    %eq3A_1811 = vector.broadcast %eq3A_1810 : f32 to vector<16xf32>
    %eq3A_1812 = arith.cmpf oeq, %gather3A_1806, %eq3A_1811 : vector<16xf32>
    %get3A_1813 = arith.constant 288 : index
    %get3A_1814 = tpu.vector_load %arg13[%get3A_1813] {strides = array<i32>} : memref<512xi32, #tpu.memory_space<vmem>>, vector<16xi32>,
    %get3A_1815 = arith.constant 288 : index
    %get3A_1816 = tpu.vector_load %arg17[%get3A_1815] {strides = array<i32>} : memref<512xi32, #tpu.memory_space<vmem>>, vector<16xi32>,
    %select_n3A_1817 = arith.select %eq3A_1809, %get3A_1814, %get3A_1816 : vector<16xi1>, vector<16xi32>
    %get3A_1818 = arith.constant 288 : index
    %get3A_1819 = tpu.vector_load %arg14[%get3A_1818] {strides = array<i32>} : memref<512xi32, #tpu.memory_space<vmem>>, vector<16xi32>,
    %get3A_1820 = arith.constant 288 : index
    %get3A_1821 = tpu.vector_load %arg18[%get3A_1820] {strides = array<i32>} : memref<512xi32, #tpu.memory_space<vmem>>, vector<16xi32>,
    %select_n3A_1822 = arith.select %eq3A_1809, %get3A_1819, %get3A_1821 : vector<16xi1>, vector<16xi32>
    %swap3A_1823 = arith.constant 288 : index
    %swap3A_1824 = tpu.vector_load %arg21[%swap3A_1823] {strides = array<i32>} : memref<512xi32, #tpu.memory_space<vmem>>, vector<16xi32>,
    tpu.vector_store %arg21[%swap3A_1823], %select_n3A_1817 {strides = array<i32>} : memref<512xi32, #tpu.memory_space<vmem>>, vector<16xi32>,
    %swap3A_1825 = arith.constant 288 : index
    %swap3A_1826 = tpu.vector_load %arg22[%swap3A_1825] {strides = array<i32>} : memref<512xi32, #tpu.memory_space<vmem>>, vector<16xi32>,
    tpu.vector_store %arg22[%swap3A_1825], %select_n3A_1822 {strides = array<i32>} : memref<512xi32, #tpu.memory_space<vmem>>, vector<16xi32>,
    %mul3A_1827 = arith.constant 64 : i32
    %mul3A_1828 = vector.broadcast %mul3A_1827 : i32 to vector<16xi32>
    %mul3A_1829 = arith.muli %select_n3A_1817, %mul3A_1828 : vector<16xi32>
    %add3A_1830 = arith.addi %mul3A_1829, %select_n3A_1822 : vector<16xi32>
    %swap3A_1831 = arith.constant 288 : index
    %swap3A_1832 = tpu.vector_load %arg23[%swap3A_1831] {strides = array<i32>} : memref<512xi32, #tpu.memory_space<vmem>>, vector<16xi32>,
    tpu.vector_store %arg23[%swap3A_1831], %add3A_1830 {strides = array<i32>} : memref<512xi32, #tpu.memory_space<vmem>>, vector<16xi32>,
    %jit3A_1833 = arith.constant 1 : i32
    %jit3A_1834 = arith.constant 0 : i32
    %broadcast_in_dim3A_1835 = vector.broadcast %jit3A_1833 : i32 to vector<16xi32>
    %broadcast_in_dim3A_1836 = vector.broadcast %jit3A_1834 : i32 to vector<16xi32>
    %select_n3A_1837 = arith.select %eq3A_1812, %broadcast_in_dim3A_1835, %broadcast_in_dim3A_1836 : vector<16xi1>, vector<16xi32>
    %swap3A_1838 = arith.constant 288 : index
    %swap3A_1839 = tpu.vector_load %arg24[%swap3A_1838] {strides = array<i32>} : memref<512xi32, #tpu.memory_space<vmem>>, vector<16xi32>,
    tpu.vector_store %arg24[%swap3A_1838], %select_n3A_1837 {strides = array<i32>} : memref<512xi32, #tpu.memory_space<vmem>>, vector<16xi32>,
    %broadcast_in_dim3A_1840 = arith.constant 2 : i32
    %broadcast_in_dim3A_1841 = vector.broadcast %broadcast_in_dim3A_1840 : i32 to vector<16xi32>
    %add3A_1842 = arith.constant 48 : i32
    %add3A_1843 = vector.broadcast %add3A_1842 : i32 to vector<16xi32>
    %add3A_1844 = arith.addi %add3A_1843, %iota3A : vector<16xi32>
    %gather3A_1845 = tpu.vector_load_idx %arg20[%broadcast_in_dim3A_1841, %add3A_1844, %add3A_1844] : memref<4x128x128xf32, #tpu.memory_space<vmem>>[vector<16xi32>, vector<16xi32>, vector<16xi32>], vector<16xf32>,
    %eq3A_1846 = arith.constant 1.000000e+00 : f32
    %eq3A_1847 = vector.broadcast %eq3A_1846 : f32 to vector<16xf32>
    %eq3A_1848 = arith.cmpf oeq, %gather3A_1845, %eq3A_1847 : vector<16xf32>
    %eq3A_1849 = arith.constant 2.000000e+00 : f32
    %eq3A_1850 = vector.broadcast %eq3A_1849 : f32 to vector<16xf32>
    %eq3A_1851 = arith.cmpf oeq, %gather3A_1845, %eq3A_1850 : vector<16xf32>
    %get3A_1852 = arith.constant 304 : index
    %get3A_1853 = tpu.vector_load %arg13[%get3A_1852] {strides = array<i32>} : memref<512xi32, #tpu.memory_space<vmem>>, vector<16xi32>,
    %get3A_1854 = arith.constant 304 : index
    %get3A_1855 = tpu.vector_load %arg17[%get3A_1854] {strides = array<i32>} : memref<512xi32, #tpu.memory_space<vmem>>, vector<16xi32>,
    %select_n3A_1856 = arith.select %eq3A_1848, %get3A_1853, %get3A_1855 : vector<16xi1>, vector<16xi32>
    %get3A_1857 = arith.constant 304 : index
    %get3A_1858 = tpu.vector_load %arg14[%get3A_1857] {strides = array<i32>} : memref<512xi32, #tpu.memory_space<vmem>>, vector<16xi32>,
    %get3A_1859 = arith.constant 304 : index
    %get3A_1860 = tpu.vector_load %arg18[%get3A_1859] {strides = array<i32>} : memref<512xi32, #tpu.memory_space<vmem>>, vector<16xi32>,
    %select_n3A_1861 = arith.select %eq3A_1848, %get3A_1858, %get3A_1860 : vector<16xi1>, vector<16xi32>
    %swap3A_1862 = arith.constant 304 : index
    %swap3A_1863 = tpu.vector_load %arg21[%swap3A_1862] {strides = array<i32>} : memref<512xi32, #tpu.memory_space<vmem>>, vector<16xi32>,
    tpu.vector_store %arg21[%swap3A_1862], %select_n3A_1856 {strides = array<i32>} : memref<512xi32, #tpu.memory_space<vmem>>, vector<16xi32>,
    %swap3A_1864 = arith.constant 304 : index
    %swap3A_1865 = tpu.vector_load %arg22[%swap3A_1864] {strides = array<i32>} : memref<512xi32, #tpu.memory_space<vmem>>, vector<16xi32>,
    tpu.vector_store %arg22[%swap3A_1864], %select_n3A_1861 {strides = array<i32>} : memref<512xi32, #tpu.memory_space<vmem>>, vector<16xi32>,
    %mul3A_1866 = arith.constant 64 : i32
    %mul3A_1867 = vector.broadcast %mul3A_1866 : i32 to vector<16xi32>
    %mul3A_1868 = arith.muli %select_n3A_1856, %mul3A_1867 : vector<16xi32>
    %add3A_1869 = arith.addi %mul3A_1868, %select_n3A_1861 : vector<16xi32>
    %swap3A_1870 = arith.constant 304 : index
    %swap3A_1871 = tpu.vector_load %arg23[%swap3A_1870] {strides = array<i32>} : memref<512xi32, #tpu.memory_space<vmem>>, vector<16xi32>,
    tpu.vector_store %arg23[%swap3A_1870], %add3A_1869 {strides = array<i32>} : memref<512xi32, #tpu.memory_space<vmem>>, vector<16xi32>,
    %jit3A_1872 = arith.constant 1 : i32
    %jit3A_1873 = arith.constant 0 : i32
    %broadcast_in_dim3A_1874 = vector.broadcast %jit3A_1872 : i32 to vector<16xi32>
    %broadcast_in_dim3A_1875 = vector.broadcast %jit3A_1873 : i32 to vector<16xi32>
    %select_n3A_1876 = arith.select %eq3A_1851, %broadcast_in_dim3A_1874, %broadcast_in_dim3A_1875 : vector<16xi1>, vector<16xi32>
    %swap3A_1877 = arith.constant 304 : index
    %swap3A_1878 = tpu.vector_load %arg24[%swap3A_1877] {strides = array<i32>} : memref<512xi32, #tpu.memory_space<vmem>>, vector<16xi32>,
    tpu.vector_store %arg24[%swap3A_1877], %select_n3A_1876 {strides = array<i32>} : memref<512xi32, #tpu.memory_space<vmem>>, vector<16xi32>,
    %broadcast_in_dim3A_1879 = arith.constant 2 : i32
    %broadcast_in_dim3A_1880 = vector.broadcast %broadcast_in_dim3A_1879 : i32 to vector<16xi32>
    %add3A_1881 = arith.constant 64 : i32
    %add3A_1882 = vector.broadcast %add3A_1881 : i32 to vector<16xi32>
    %add3A_1883 = arith.addi %add3A_1882, %iota3A : vector<16xi32>
    %gather3A_1884 = tpu.vector_load_idx %arg20[%broadcast_in_dim3A_1880, %add3A_1883, %add3A_1883] : memref<4x128x128xf32, #tpu.memory_space<vmem>>[vector<16xi32>, vector<16xi32>, vector<16xi32>], vector<16xf32>,
    %eq3A_1885 = arith.constant 1.000000e+00 : f32
    %eq3A_1886 = vector.broadcast %eq3A_1885 : f32 to vector<16xf32>
    %eq3A_1887 = arith.cmpf oeq, %gather3A_1884, %eq3A_1886 : vector<16xf32>
    %eq3A_1888 = arith.constant 2.000000e+00 : f32
    %eq3A_1889 = vector.broadcast %eq3A_1888 : f32 to vector<16xf32>
    %eq3A_1890 = arith.cmpf oeq, %gather3A_1884, %eq3A_1889 : vector<16xf32>
    %get3A_1891 = arith.constant 320 : index
    %get3A_1892 = tpu.vector_load %arg13[%get3A_1891] {strides = array<i32>} : memref<512xi32, #tpu.memory_space<vmem>>, vector<16xi32>,
    %get3A_1893 = arith.constant 320 : index
    %get3A_1894 = tpu.vector_load %arg17[%get3A_1893] {strides = array<i32>} : memref<512xi32, #tpu.memory_space<vmem>>, vector<16xi32>,
    %select_n3A_1895 = arith.select %eq3A_1887, %get3A_1892, %get3A_1894 : vector<16xi1>, vector<16xi32>
    %get3A_1896 = arith.constant 320 : index
    %get3A_1897 = tpu.vector_load %arg14[%get3A_1896] {strides = array<i32>} : memref<512xi32, #tpu.memory_space<vmem>>, vector<16xi32>,
    %get3A_1898 = arith.constant 320 : index
    %get3A_1899 = tpu.vector_load %arg18[%get3A_1898] {strides = array<i32>} : memref<512xi32, #tpu.memory_space<vmem>>, vector<16xi32>,
    %select_n3A_1900 = arith.select %eq3A_1887, %get3A_1897, %get3A_1899 : vector<16xi1>, vector<16xi32>
    %swap3A_1901 = arith.constant 320 : index
    %swap3A_1902 = tpu.vector_load %arg21[%swap3A_1901] {strides = array<i32>} : memref<512xi32, #tpu.memory_space<vmem>>, vector<16xi32>,
    tpu.vector_store %arg21[%swap3A_1901], %select_n3A_1895 {strides = array<i32>} : memref<512xi32, #tpu.memory_space<vmem>>, vector<16xi32>,
    %swap3A_1903 = arith.constant 320 : index
    %swap3A_1904 = tpu.vector_load %arg22[%swap3A_1903] {strides = array<i32>} : memref<512xi32, #tpu.memory_space<vmem>>, vector<16xi32>,
    tpu.vector_store %arg22[%swap3A_1903], %select_n3A_1900 {strides = array<i32>} : memref<512xi32, #tpu.memory_space<vmem>>, vector<16xi32>,
    %mul3A_1905 = arith.constant 64 : i32
    %mul3A_1906 = vector.broadcast %mul3A_1905 : i32 to vector<16xi32>
    %mul3A_1907 = arith.muli %select_n3A_1895, %mul3A_1906 : vector<16xi32>
    %add3A_1908 = arith.addi %mul3A_1907, %select_n3A_1900 : vector<16xi32>
    %swap3A_1909 = arith.constant 320 : index
    %swap3A_1910 = tpu.vector_load %arg23[%swap3A_1909] {strides = array<i32>} : memref<512xi32, #tpu.memory_space<vmem>>, vector<16xi32>,
    tpu.vector_store %arg23[%swap3A_1909], %add3A_1908 {strides = array<i32>} : memref<512xi32, #tpu.memory_space<vmem>>, vector<16xi32>,
    %jit3A_1911 = arith.constant 1 : i32
    %jit3A_1912 = arith.constant 0 : i32
    %broadcast_in_dim3A_1913 = vector.broadcast %jit3A_1911 : i32 to vector<16xi32>
    %broadcast_in_dim3A_1914 = vector.broadcast %jit3A_1912 : i32 to vector<16xi32>
    %select_n3A_1915 = arith.select %eq3A_1890, %broadcast_in_dim3A_1913, %broadcast_in_dim3A_1914 : vector<16xi1>, vector<16xi32>
    %swap3A_1916 = arith.constant 320 : index
    %swap3A_1917 = tpu.vector_load %arg24[%swap3A_1916] {strides = array<i32>} : memref<512xi32, #tpu.memory_space<vmem>>, vector<16xi32>,
    tpu.vector_store %arg24[%swap3A_1916], %select_n3A_1915 {strides = array<i32>} : memref<512xi32, #tpu.memory_space<vmem>>, vector<16xi32>,
    %broadcast_in_dim3A_1918 = arith.constant 2 : i32
    %broadcast_in_dim3A_1919 = vector.broadcast %broadcast_in_dim3A_1918 : i32 to vector<16xi32>
    %add3A_1920 = arith.constant 80 : i32
    %add3A_1921 = vector.broadcast %add3A_1920 : i32 to vector<16xi32>
    %add3A_1922 = arith.addi %add3A_1921, %iota3A : vector<16xi32>
    %gather3A_1923 = tpu.vector_load_idx %arg20[%broadcast_in_dim3A_1919, %add3A_1922, %add3A_1922] : memref<4x128x128xf32, #tpu.memory_space<vmem>>[vector<16xi32>, vector<16xi32>, vector<16xi32>], vector<16xf32>,
    %eq3A_1924 = arith.constant 1.000000e+00 : f32
    %eq3A_1925 = vector.broadcast %eq3A_1924 : f32 to vector<16xf32>
    %eq3A_1926 = arith.cmpf oeq, %gather3A_1923, %eq3A_1925 : vector<16xf32>
    %eq3A_1927 = arith.constant 2.000000e+00 : f32
    %eq3A_1928 = vector.broadcast %eq3A_1927 : f32 to vector<16xf32>
    %eq3A_1929 = arith.cmpf oeq, %gather3A_1923, %eq3A_1928 : vector<16xf32>
    %get3A_1930 = arith.constant 336 : index
    %get3A_1931 = tpu.vector_load %arg13[%get3A_1930] {strides = array<i32>} : memref<512xi32, #tpu.memory_space<vmem>>, vector<16xi32>,
    %get3A_1932 = arith.constant 336 : index
    %get3A_1933 = tpu.vector_load %arg17[%get3A_1932] {strides = array<i32>} : memref<512xi32, #tpu.memory_space<vmem>>, vector<16xi32>,
    %select_n3A_1934 = arith.select %eq3A_1926, %get3A_1931, %get3A_1933 : vector<16xi1>, vector<16xi32>
    %get3A_1935 = arith.constant 336 : index
    %get3A_1936 = tpu.vector_load %arg14[%get3A_1935] {strides = array<i32>} : memref<512xi32, #tpu.memory_space<vmem>>, vector<16xi32>,
    %get3A_1937 = arith.constant 336 : index
    %get3A_1938 = tpu.vector_load %arg18[%get3A_1937] {strides = array<i32>} : memref<512xi32, #tpu.memory_space<vmem>>, vector<16xi32>,
    %select_n3A_1939 = arith.select %eq3A_1926, %get3A_1936, %get3A_1938 : vector<16xi1>, vector<16xi32>
    %swap3A_1940 = arith.constant 336 : index
    %swap3A_1941 = tpu.vector_load %arg21[%swap3A_1940] {strides = array<i32>} : memref<512xi32, #tpu.memory_space<vmem>>, vector<16xi32>,
    tpu.vector_store %arg21[%swap3A_1940], %select_n3A_1934 {strides = array<i32>} : memref<512xi32, #tpu.memory_space<vmem>>, vector<16xi32>,
    %swap3A_1942 = arith.constant 336 : index
    %swap3A_1943 = tpu.vector_load %arg22[%swap3A_1942] {strides = array<i32>} : memref<512xi32, #tpu.memory_space<vmem>>, vector<16xi32>,
    tpu.vector_store %arg22[%swap3A_1942], %select_n3A_1939 {strides = array<i32>} : memref<512xi32, #tpu.memory_space<vmem>>, vector<16xi32>,
    %mul3A_1944 = arith.constant 64 : i32
    %mul3A_1945 = vector.broadcast %mul3A_1944 : i32 to vector<16xi32>
    %mul3A_1946 = arith.muli %select_n3A_1934, %mul3A_1945 : vector<16xi32>
    %add3A_1947 = arith.addi %mul3A_1946, %select_n3A_1939 : vector<16xi32>
    %swap3A_1948 = arith.constant 336 : index
    %swap3A_1949 = tpu.vector_load %arg23[%swap3A_1948] {strides = array<i32>} : memref<512xi32, #tpu.memory_space<vmem>>, vector<16xi32>,
    tpu.vector_store %arg23[%swap3A_1948], %add3A_1947 {strides = array<i32>} : memref<512xi32, #tpu.memory_space<vmem>>, vector<16xi32>,
    %jit3A_1950 = arith.constant 1 : i32
    %jit3A_1951 = arith.constant 0 : i32
    %broadcast_in_dim3A_1952 = vector.broadcast %jit3A_1950 : i32 to vector<16xi32>
    %broadcast_in_dim3A_1953 = vector.broadcast %jit3A_1951 : i32 to vector<16xi32>
    %select_n3A_1954 = arith.select %eq3A_1929, %broadcast_in_dim3A_1952, %broadcast_in_dim3A_1953 : vector<16xi1>, vector<16xi32>
    %swap3A_1955 = arith.constant 336 : index
    %swap3A_1956 = tpu.vector_load %arg24[%swap3A_1955] {strides = array<i32>} : memref<512xi32, #tpu.memory_space<vmem>>, vector<16xi32>,
    tpu.vector_store %arg24[%swap3A_1955], %select_n3A_1954 {strides = array<i32>} : memref<512xi32, #tpu.memory_space<vmem>>, vector<16xi32>,
    %broadcast_in_dim3A_1957 = arith.constant 2 : i32
    %broadcast_in_dim3A_1958 = vector.broadcast %broadcast_in_dim3A_1957 : i32 to vector<16xi32>
    %add3A_1959 = arith.constant 96 : i32
    %add3A_1960 = vector.broadcast %add3A_1959 : i32 to vector<16xi32>
    %add3A_1961 = arith.addi %add3A_1960, %iota3A : vector<16xi32>
    %gather3A_1962 = tpu.vector_load_idx %arg20[%broadcast_in_dim3A_1958, %add3A_1961, %add3A_1961] : memref<4x128x128xf32, #tpu.memory_space<vmem>>[vector<16xi32>, vector<16xi32>, vector<16xi32>], vector<16xf32>,
    %eq3A_1963 = arith.constant 1.000000e+00 : f32
    %eq3A_1964 = vector.broadcast %eq3A_1963 : f32 to vector<16xf32>
    %eq3A_1965 = arith.cmpf oeq, %gather3A_1962, %eq3A_1964 : vector<16xf32>
    %eq3A_1966 = arith.constant 2.000000e+00 : f32
    %eq3A_1967 = vector.broadcast %eq3A_1966 : f32 to vector<16xf32>
    %eq3A_1968 = arith.cmpf oeq, %gather3A_1962, %eq3A_1967 : vector<16xf32>
    %get3A_1969 = arith.constant 352 : index
    %get3A_1970 = tpu.vector_load %arg13[%get3A_1969] {strides = array<i32>} : memref<512xi32, #tpu.memory_space<vmem>>, vector<16xi32>,
    %get3A_1971 = arith.constant 352 : index
    %get3A_1972 = tpu.vector_load %arg17[%get3A_1971] {strides = array<i32>} : memref<512xi32, #tpu.memory_space<vmem>>, vector<16xi32>,
    %select_n3A_1973 = arith.select %eq3A_1965, %get3A_1970, %get3A_1972 : vector<16xi1>, vector<16xi32>
    %get3A_1974 = arith.constant 352 : index
    %get3A_1975 = tpu.vector_load %arg14[%get3A_1974] {strides = array<i32>} : memref<512xi32, #tpu.memory_space<vmem>>, vector<16xi32>,
    %get3A_1976 = arith.constant 352 : index
    %get3A_1977 = tpu.vector_load %arg18[%get3A_1976] {strides = array<i32>} : memref<512xi32, #tpu.memory_space<vmem>>, vector<16xi32>,
    %select_n3A_1978 = arith.select %eq3A_1965, %get3A_1975, %get3A_1977 : vector<16xi1>, vector<16xi32>
    %swap3A_1979 = arith.constant 352 : index
    %swap3A_1980 = tpu.vector_load %arg21[%swap3A_1979] {strides = array<i32>} : memref<512xi32, #tpu.memory_space<vmem>>, vector<16xi32>,
    tpu.vector_store %arg21[%swap3A_1979], %select_n3A_1973 {strides = array<i32>} : memref<512xi32, #tpu.memory_space<vmem>>, vector<16xi32>,
    %swap3A_1981 = arith.constant 352 : index
    %swap3A_1982 = tpu.vector_load %arg22[%swap3A_1981] {strides = array<i32>} : memref<512xi32, #tpu.memory_space<vmem>>, vector<16xi32>,
    tpu.vector_store %arg22[%swap3A_1981], %select_n3A_1978 {strides = array<i32>} : memref<512xi32, #tpu.memory_space<vmem>>, vector<16xi32>,
    %mul3A_1983 = arith.constant 64 : i32
    %mul3A_1984 = vector.broadcast %mul3A_1983 : i32 to vector<16xi32>
    %mul3A_1985 = arith.muli %select_n3A_1973, %mul3A_1984 : vector<16xi32>
    %add3A_1986 = arith.addi %mul3A_1985, %select_n3A_1978 : vector<16xi32>
    %swap3A_1987 = arith.constant 352 : index
    %swap3A_1988 = tpu.vector_load %arg23[%swap3A_1987] {strides = array<i32>} : memref<512xi32, #tpu.memory_space<vmem>>, vector<16xi32>,
    tpu.vector_store %arg23[%swap3A_1987], %add3A_1986 {strides = array<i32>} : memref<512xi32, #tpu.memory_space<vmem>>, vector<16xi32>,
    %jit3A_1989 = arith.constant 1 : i32
    %jit3A_1990 = arith.constant 0 : i32
    %broadcast_in_dim3A_1991 = vector.broadcast %jit3A_1989 : i32 to vector<16xi32>
    %broadcast_in_dim3A_1992 = vector.broadcast %jit3A_1990 : i32 to vector<16xi32>
    %select_n3A_1993 = arith.select %eq3A_1968, %broadcast_in_dim3A_1991, %broadcast_in_dim3A_1992 : vector<16xi1>, vector<16xi32>
    %swap3A_1994 = arith.constant 352 : index
    %swap3A_1995 = tpu.vector_load %arg24[%swap3A_1994] {strides = array<i32>} : memref<512xi32, #tpu.memory_space<vmem>>, vector<16xi32>,
    tpu.vector_store %arg24[%swap3A_1994], %select_n3A_1993 {strides = array<i32>} : memref<512xi32, #tpu.memory_space<vmem>>, vector<16xi32>,
    %broadcast_in_dim3A_1996 = arith.constant 2 : i32
    %broadcast_in_dim3A_1997 = vector.broadcast %broadcast_in_dim3A_1996 : i32 to vector<16xi32>
    %add3A_1998 = arith.constant 112 : i32
    %add3A_1999 = vector.broadcast %add3A_1998 : i32 to vector<16xi32>
    %add3A_2000 = arith.addi %add3A_1999, %iota3A : vector<16xi32>
    %gather3A_2001 = tpu.vector_load_idx %arg20[%broadcast_in_dim3A_1997, %add3A_2000, %add3A_2000] : memref<4x128x128xf32, #tpu.memory_space<vmem>>[vector<16xi32>, vector<16xi32>, vector<16xi32>], vector<16xf32>,
    %eq3A_2002 = arith.constant 1.000000e+00 : f32
    %eq3A_2003 = vector.broadcast %eq3A_2002 : f32 to vector<16xf32>
    %eq3A_2004 = arith.cmpf oeq, %gather3A_2001, %eq3A_2003 : vector<16xf32>
    %eq3A_2005 = arith.constant 2.000000e+00 : f32
    %eq3A_2006 = vector.broadcast %eq3A_2005 : f32 to vector<16xf32>
    %eq3A_2007 = arith.cmpf oeq, %gather3A_2001, %eq3A_2006 : vector<16xf32>
    %get3A_2008 = arith.constant 368 : index
    %get3A_2009 = tpu.vector_load %arg13[%get3A_2008] {strides = array<i32>} : memref<512xi32, #tpu.memory_space<vmem>>, vector<16xi32>,
    %get3A_2010 = arith.constant 368 : index
    %get3A_2011 = tpu.vector_load %arg17[%get3A_2010] {strides = array<i32>} : memref<512xi32, #tpu.memory_space<vmem>>, vector<16xi32>,
    %select_n3A_2012 = arith.select %eq3A_2004, %get3A_2009, %get3A_2011 : vector<16xi1>, vector<16xi32>
    %get3A_2013 = arith.constant 368 : index
    %get3A_2014 = tpu.vector_load %arg14[%get3A_2013] {strides = array<i32>} : memref<512xi32, #tpu.memory_space<vmem>>, vector<16xi32>,
    %get3A_2015 = arith.constant 368 : index
    %get3A_2016 = tpu.vector_load %arg18[%get3A_2015] {strides = array<i32>} : memref<512xi32, #tpu.memory_space<vmem>>, vector<16xi32>,
    %select_n3A_2017 = arith.select %eq3A_2004, %get3A_2014, %get3A_2016 : vector<16xi1>, vector<16xi32>
    %swap3A_2018 = arith.constant 368 : index
    %swap3A_2019 = tpu.vector_load %arg21[%swap3A_2018] {strides = array<i32>} : memref<512xi32, #tpu.memory_space<vmem>>, vector<16xi32>,
    tpu.vector_store %arg21[%swap3A_2018], %select_n3A_2012 {strides = array<i32>} : memref<512xi32, #tpu.memory_space<vmem>>, vector<16xi32>,
    %swap3A_2020 = arith.constant 368 : index
    %swap3A_2021 = tpu.vector_load %arg22[%swap3A_2020] {strides = array<i32>} : memref<512xi32, #tpu.memory_space<vmem>>, vector<16xi32>,
    tpu.vector_store %arg22[%swap3A_2020], %select_n3A_2017 {strides = array<i32>} : memref<512xi32, #tpu.memory_space<vmem>>, vector<16xi32>,
    %mul3A_2022 = arith.constant 64 : i32
    %mul3A_2023 = vector.broadcast %mul3A_2022 : i32 to vector<16xi32>
    %mul3A_2024 = arith.muli %select_n3A_2012, %mul3A_2023 : vector<16xi32>
    %add3A_2025 = arith.addi %mul3A_2024, %select_n3A_2017 : vector<16xi32>
    %swap3A_2026 = arith.constant 368 : index
    %swap3A_2027 = tpu.vector_load %arg23[%swap3A_2026] {strides = array<i32>} : memref<512xi32, #tpu.memory_space<vmem>>, vector<16xi32>,
    tpu.vector_store %arg23[%swap3A_2026], %add3A_2025 {strides = array<i32>} : memref<512xi32, #tpu.memory_space<vmem>>, vector<16xi32>,
    %jit3A_2028 = arith.constant 1 : i32
    %jit3A_2029 = arith.constant 0 : i32
    %broadcast_in_dim3A_2030 = vector.broadcast %jit3A_2028 : i32 to vector<16xi32>
    %broadcast_in_dim3A_2031 = vector.broadcast %jit3A_2029 : i32 to vector<16xi32>
    %select_n3A_2032 = arith.select %eq3A_2007, %broadcast_in_dim3A_2030, %broadcast_in_dim3A_2031 : vector<16xi1>, vector<16xi32>
    %swap3A_2033 = arith.constant 368 : index
    %swap3A_2034 = tpu.vector_load %arg24[%swap3A_2033] {strides = array<i32>} : memref<512xi32, #tpu.memory_space<vmem>>, vector<16xi32>,
    tpu.vector_store %arg24[%swap3A_2033], %select_n3A_2032 {strides = array<i32>} : memref<512xi32, #tpu.memory_space<vmem>>, vector<16xi32>,
    %broadcast_in_dim3A_2035 = arith.constant 3 : i32
    %broadcast_in_dim3A_2036 = vector.broadcast %broadcast_in_dim3A_2035 : i32 to vector<16xi32>
    %add3A_2037 = arith.constant 0 : i32
    %add3A_2038 = vector.broadcast %add3A_2037 : i32 to vector<16xi32>
    %add3A_2039 = arith.addi %add3A_2038, %iota3A : vector<16xi32>
    %gather3A_2040 = tpu.vector_load_idx %arg20[%broadcast_in_dim3A_2036, %add3A_2039, %add3A_2039] : memref<4x128x128xf32, #tpu.memory_space<vmem>>[vector<16xi32>, vector<16xi32>, vector<16xi32>], vector<16xf32>,
    %eq3A_2041 = arith.constant 1.000000e+00 : f32
    %eq3A_2042 = vector.broadcast %eq3A_2041 : f32 to vector<16xf32>
    %eq3A_2043 = arith.cmpf oeq, %gather3A_2040, %eq3A_2042 : vector<16xf32>
    %eq3A_2044 = arith.constant 2.000000e+00 : f32
    %eq3A_2045 = vector.broadcast %eq3A_2044 : f32 to vector<16xf32>
    %eq3A_2046 = arith.cmpf oeq, %gather3A_2040, %eq3A_2045 : vector<16xf32>
    %get3A_2047 = arith.constant 384 : index
    %get3A_2048 = tpu.vector_load %arg13[%get3A_2047] {strides = array<i32>} : memref<512xi32, #tpu.memory_space<vmem>>, vector<16xi32>,
    %get3A_2049 = arith.constant 384 : index
    %get3A_2050 = tpu.vector_load %arg17[%get3A_2049] {strides = array<i32>} : memref<512xi32, #tpu.memory_space<vmem>>, vector<16xi32>,
    %select_n3A_2051 = arith.select %eq3A_2043, %get3A_2048, %get3A_2050 : vector<16xi1>, vector<16xi32>
    %get3A_2052 = arith.constant 384 : index
    %get3A_2053 = tpu.vector_load %arg14[%get3A_2052] {strides = array<i32>} : memref<512xi32, #tpu.memory_space<vmem>>, vector<16xi32>,
    %get3A_2054 = arith.constant 384 : index
    %get3A_2055 = tpu.vector_load %arg18[%get3A_2054] {strides = array<i32>} : memref<512xi32, #tpu.memory_space<vmem>>, vector<16xi32>,
    %select_n3A_2056 = arith.select %eq3A_2043, %get3A_2053, %get3A_2055 : vector<16xi1>, vector<16xi32>
    %swap3A_2057 = arith.constant 384 : index
    %swap3A_2058 = tpu.vector_load %arg21[%swap3A_2057] {strides = array<i32>} : memref<512xi32, #tpu.memory_space<vmem>>, vector<16xi32>,
    tpu.vector_store %arg21[%swap3A_2057], %select_n3A_2051 {strides = array<i32>} : memref<512xi32, #tpu.memory_space<vmem>>, vector<16xi32>,
    %swap3A_2059 = arith.constant 384 : index
    %swap3A_2060 = tpu.vector_load %arg22[%swap3A_2059] {strides = array<i32>} : memref<512xi32, #tpu.memory_space<vmem>>, vector<16xi32>,
    tpu.vector_store %arg22[%swap3A_2059], %select_n3A_2056 {strides = array<i32>} : memref<512xi32, #tpu.memory_space<vmem>>, vector<16xi32>,
    %mul3A_2061 = arith.constant 64 : i32
    %mul3A_2062 = vector.broadcast %mul3A_2061 : i32 to vector<16xi32>
    %mul3A_2063 = arith.muli %select_n3A_2051, %mul3A_2062 : vector<16xi32>
    %add3A_2064 = arith.addi %mul3A_2063, %select_n3A_2056 : vector<16xi32>
    %swap3A_2065 = arith.constant 384 : index
    %swap3A_2066 = tpu.vector_load %arg23[%swap3A_2065] {strides = array<i32>} : memref<512xi32, #tpu.memory_space<vmem>>, vector<16xi32>,
    tpu.vector_store %arg23[%swap3A_2065], %add3A_2064 {strides = array<i32>} : memref<512xi32, #tpu.memory_space<vmem>>, vector<16xi32>,
    %jit3A_2067 = arith.constant 1 : i32
    %jit3A_2068 = arith.constant 0 : i32
    %broadcast_in_dim3A_2069 = vector.broadcast %jit3A_2067 : i32 to vector<16xi32>
    %broadcast_in_dim3A_2070 = vector.broadcast %jit3A_2068 : i32 to vector<16xi32>
    %select_n3A_2071 = arith.select %eq3A_2046, %broadcast_in_dim3A_2069, %broadcast_in_dim3A_2070 : vector<16xi1>, vector<16xi32>
    %swap3A_2072 = arith.constant 384 : index
    %swap3A_2073 = tpu.vector_load %arg24[%swap3A_2072] {strides = array<i32>} : memref<512xi32, #tpu.memory_space<vmem>>, vector<16xi32>,
    tpu.vector_store %arg24[%swap3A_2072], %select_n3A_2071 {strides = array<i32>} : memref<512xi32, #tpu.memory_space<vmem>>, vector<16xi32>,
    %broadcast_in_dim3A_2074 = arith.constant 3 : i32
    %broadcast_in_dim3A_2075 = vector.broadcast %broadcast_in_dim3A_2074 : i32 to vector<16xi32>
    %add3A_2076 = arith.constant 16 : i32
    %add3A_2077 = vector.broadcast %add3A_2076 : i32 to vector<16xi32>
    %add3A_2078 = arith.addi %add3A_2077, %iota3A : vector<16xi32>
    %gather3A_2079 = tpu.vector_load_idx %arg20[%broadcast_in_dim3A_2075, %add3A_2078, %add3A_2078] : memref<4x128x128xf32, #tpu.memory_space<vmem>>[vector<16xi32>, vector<16xi32>, vector<16xi32>], vector<16xf32>,
    %eq3A_2080 = arith.constant 1.000000e+00 : f32
    %eq3A_2081 = vector.broadcast %eq3A_2080 : f32 to vector<16xf32>
    %eq3A_2082 = arith.cmpf oeq, %gather3A_2079, %eq3A_2081 : vector<16xf32>
    %eq3A_2083 = arith.constant 2.000000e+00 : f32
    %eq3A_2084 = vector.broadcast %eq3A_2083 : f32 to vector<16xf32>
    %eq3A_2085 = arith.cmpf oeq, %gather3A_2079, %eq3A_2084 : vector<16xf32>
    %get3A_2086 = arith.constant 400 : index
    %get3A_2087 = tpu.vector_load %arg13[%get3A_2086] {strides = array<i32>} : memref<512xi32, #tpu.memory_space<vmem>>, vector<16xi32>,
    %get3A_2088 = arith.constant 400 : index
    %get3A_2089 = tpu.vector_load %arg17[%get3A_2088] {strides = array<i32>} : memref<512xi32, #tpu.memory_space<vmem>>, vector<16xi32>,
    %select_n3A_2090 = arith.select %eq3A_2082, %get3A_2087, %get3A_2089 : vector<16xi1>, vector<16xi32>
    %get3A_2091 = arith.constant 400 : index
    %get3A_2092 = tpu.vector_load %arg14[%get3A_2091] {strides = array<i32>} : memref<512xi32, #tpu.memory_space<vmem>>, vector<16xi32>,
    %get3A_2093 = arith.constant 400 : index
    %get3A_2094 = tpu.vector_load %arg18[%get3A_2093] {strides = array<i32>} : memref<512xi32, #tpu.memory_space<vmem>>, vector<16xi32>,
    %select_n3A_2095 = arith.select %eq3A_2082, %get3A_2092, %get3A_2094 : vector<16xi1>, vector<16xi32>
    %swap3A_2096 = arith.constant 400 : index
    %swap3A_2097 = tpu.vector_load %arg21[%swap3A_2096] {strides = array<i32>} : memref<512xi32, #tpu.memory_space<vmem>>, vector<16xi32>,
    tpu.vector_store %arg21[%swap3A_2096], %select_n3A_2090 {strides = array<i32>} : memref<512xi32, #tpu.memory_space<vmem>>, vector<16xi32>,
    %swap3A_2098 = arith.constant 400 : index
    %swap3A_2099 = tpu.vector_load %arg22[%swap3A_2098] {strides = array<i32>} : memref<512xi32, #tpu.memory_space<vmem>>, vector<16xi32>,
    tpu.vector_store %arg22[%swap3A_2098], %select_n3A_2095 {strides = array<i32>} : memref<512xi32, #tpu.memory_space<vmem>>, vector<16xi32>,
    %mul3A_2100 = arith.constant 64 : i32
    %mul3A_2101 = vector.broadcast %mul3A_2100 : i32 to vector<16xi32>
    %mul3A_2102 = arith.muli %select_n3A_2090, %mul3A_2101 : vector<16xi32>
    %add3A_2103 = arith.addi %mul3A_2102, %select_n3A_2095 : vector<16xi32>
    %swap3A_2104 = arith.constant 400 : index
    %swap3A_2105 = tpu.vector_load %arg23[%swap3A_2104] {strides = array<i32>} : memref<512xi32, #tpu.memory_space<vmem>>, vector<16xi32>,
    tpu.vector_store %arg23[%swap3A_2104], %add3A_2103 {strides = array<i32>} : memref<512xi32, #tpu.memory_space<vmem>>, vector<16xi32>,
    %jit3A_2106 = arith.constant 1 : i32
    %jit3A_2107 = arith.constant 0 : i32
    %broadcast_in_dim3A_2108 = vector.broadcast %jit3A_2106 : i32 to vector<16xi32>
    %broadcast_in_dim3A_2109 = vector.broadcast %jit3A_2107 : i32 to vector<16xi32>
    %select_n3A_2110 = arith.select %eq3A_2085, %broadcast_in_dim3A_2108, %broadcast_in_dim3A_2109 : vector<16xi1>, vector<16xi32>
    %swap3A_2111 = arith.constant 400 : index
    %swap3A_2112 = tpu.vector_load %arg24[%swap3A_2111] {strides = array<i32>} : memref<512xi32, #tpu.memory_space<vmem>>, vector<16xi32>,
    tpu.vector_store %arg24[%swap3A_2111], %select_n3A_2110 {strides = array<i32>} : memref<512xi32, #tpu.memory_space<vmem>>, vector<16xi32>,
    %broadcast_in_dim3A_2113 = arith.constant 3 : i32
    %broadcast_in_dim3A_2114 = vector.broadcast %broadcast_in_dim3A_2113 : i32 to vector<16xi32>
    %add3A_2115 = arith.constant 32 : i32
    %add3A_2116 = vector.broadcast %add3A_2115 : i32 to vector<16xi32>
    %add3A_2117 = arith.addi %add3A_2116, %iota3A : vector<16xi32>
    %gather3A_2118 = tpu.vector_load_idx %arg20[%broadcast_in_dim3A_2114, %add3A_2117, %add3A_2117] : memref<4x128x128xf32, #tpu.memory_space<vmem>>[vector<16xi32>, vector<16xi32>, vector<16xi32>], vector<16xf32>,
    %eq3A_2119 = arith.constant 1.000000e+00 : f32
    %eq3A_2120 = vector.broadcast %eq3A_2119 : f32 to vector<16xf32>
    %eq3A_2121 = arith.cmpf oeq, %gather3A_2118, %eq3A_2120 : vector<16xf32>
    %eq3A_2122 = arith.constant 2.000000e+00 : f32
    %eq3A_2123 = vector.broadcast %eq3A_2122 : f32 to vector<16xf32>
    %eq3A_2124 = arith.cmpf oeq, %gather3A_2118, %eq3A_2123 : vector<16xf32>
    %get3A_2125 = arith.constant 416 : index
    %get3A_2126 = tpu.vector_load %arg13[%get3A_2125] {strides = array<i32>} : memref<512xi32, #tpu.memory_space<vmem>>, vector<16xi32>,
    %get3A_2127 = arith.constant 416 : index
    %get3A_2128 = tpu.vector_load %arg17[%get3A_2127] {strides = array<i32>} : memref<512xi32, #tpu.memory_space<vmem>>, vector<16xi32>,
    %select_n3A_2129 = arith.select %eq3A_2121, %get3A_2126, %get3A_2128 : vector<16xi1>, vector<16xi32>
    %get3A_2130 = arith.constant 416 : index
    %get3A_2131 = tpu.vector_load %arg14[%get3A_2130] {strides = array<i32>} : memref<512xi32, #tpu.memory_space<vmem>>, vector<16xi32>,
    %get3A_2132 = arith.constant 416 : index
    %get3A_2133 = tpu.vector_load %arg18[%get3A_2132] {strides = array<i32>} : memref<512xi32, #tpu.memory_space<vmem>>, vector<16xi32>,
    %select_n3A_2134 = arith.select %eq3A_2121, %get3A_2131, %get3A_2133 : vector<16xi1>, vector<16xi32>
    %swap3A_2135 = arith.constant 416 : index
    %swap3A_2136 = tpu.vector_load %arg21[%swap3A_2135] {strides = array<i32>} : memref<512xi32, #tpu.memory_space<vmem>>, vector<16xi32>,
    tpu.vector_store %arg21[%swap3A_2135], %select_n3A_2129 {strides = array<i32>} : memref<512xi32, #tpu.memory_space<vmem>>, vector<16xi32>,
    %swap3A_2137 = arith.constant 416 : index
    %swap3A_2138 = tpu.vector_load %arg22[%swap3A_2137] {strides = array<i32>} : memref<512xi32, #tpu.memory_space<vmem>>, vector<16xi32>,
    tpu.vector_store %arg22[%swap3A_2137], %select_n3A_2134 {strides = array<i32>} : memref<512xi32, #tpu.memory_space<vmem>>, vector<16xi32>,
    %mul3A_2139 = arith.constant 64 : i32
    %mul3A_2140 = vector.broadcast %mul3A_2139 : i32 to vector<16xi32>
    %mul3A_2141 = arith.muli %select_n3A_2129, %mul3A_2140 : vector<16xi32>
    %add3A_2142 = arith.addi %mul3A_2141, %select_n3A_2134 : vector<16xi32>
    %swap3A_2143 = arith.constant 416 : index
    %swap3A_2144 = tpu.vector_load %arg23[%swap3A_2143] {strides = array<i32>} : memref<512xi32, #tpu.memory_space<vmem>>, vector<16xi32>,
    tpu.vector_store %arg23[%swap3A_2143], %add3A_2142 {strides = array<i32>} : memref<512xi32, #tpu.memory_space<vmem>>, vector<16xi32>,
    %jit3A_2145 = arith.constant 1 : i32
    %jit3A_2146 = arith.constant 0 : i32
    %broadcast_in_dim3A_2147 = vector.broadcast %jit3A_2145 : i32 to vector<16xi32>
    %broadcast_in_dim3A_2148 = vector.broadcast %jit3A_2146 : i32 to vector<16xi32>
    %select_n3A_2149 = arith.select %eq3A_2124, %broadcast_in_dim3A_2147, %broadcast_in_dim3A_2148 : vector<16xi1>, vector<16xi32>
    %swap3A_2150 = arith.constant 416 : index
    %swap3A_2151 = tpu.vector_load %arg24[%swap3A_2150] {strides = array<i32>} : memref<512xi32, #tpu.memory_space<vmem>>, vector<16xi32>,
    tpu.vector_store %arg24[%swap3A_2150], %select_n3A_2149 {strides = array<i32>} : memref<512xi32, #tpu.memory_space<vmem>>, vector<16xi32>,
    %broadcast_in_dim3A_2152 = arith.constant 3 : i32
    %broadcast_in_dim3A_2153 = vector.broadcast %broadcast_in_dim3A_2152 : i32 to vector<16xi32>
    %add3A_2154 = arith.constant 48 : i32
    %add3A_2155 = vector.broadcast %add3A_2154 : i32 to vector<16xi32>
    %add3A_2156 = arith.addi %add3A_2155, %iota3A : vector<16xi32>
    %gather3A_2157 = tpu.vector_load_idx %arg20[%broadcast_in_dim3A_2153, %add3A_2156, %add3A_2156] : memref<4x128x128xf32, #tpu.memory_space<vmem>>[vector<16xi32>, vector<16xi32>, vector<16xi32>], vector<16xf32>,
    %eq3A_2158 = arith.constant 1.000000e+00 : f32
    %eq3A_2159 = vector.broadcast %eq3A_2158 : f32 to vector<16xf32>
    %eq3A_2160 = arith.cmpf oeq, %gather3A_2157, %eq3A_2159 : vector<16xf32>
    %eq3A_2161 = arith.constant 2.000000e+00 : f32
    %eq3A_2162 = vector.broadcast %eq3A_2161 : f32 to vector<16xf32>
    %eq3A_2163 = arith.cmpf oeq, %gather3A_2157, %eq3A_2162 : vector<16xf32>
    %get3A_2164 = arith.constant 432 : index
    %get3A_2165 = tpu.vector_load %arg13[%get3A_2164] {strides = array<i32>} : memref<512xi32, #tpu.memory_space<vmem>>, vector<16xi32>,
    %get3A_2166 = arith.constant 432 : index
    %get3A_2167 = tpu.vector_load %arg17[%get3A_2166] {strides = array<i32>} : memref<512xi32, #tpu.memory_space<vmem>>, vector<16xi32>,
    %select_n3A_2168 = arith.select %eq3A_2160, %get3A_2165, %get3A_2167 : vector<16xi1>, vector<16xi32>
    %get3A_2169 = arith.constant 432 : index
    %get3A_2170 = tpu.vector_load %arg14[%get3A_2169] {strides = array<i32>} : memref<512xi32, #tpu.memory_space<vmem>>, vector<16xi32>,
    %get3A_2171 = arith.constant 432 : index
    %get3A_2172 = tpu.vector_load %arg18[%get3A_2171] {strides = array<i32>} : memref<512xi32, #tpu.memory_space<vmem>>, vector<16xi32>,
    %select_n3A_2173 = arith.select %eq3A_2160, %get3A_2170, %get3A_2172 : vector<16xi1>, vector<16xi32>
    %swap3A_2174 = arith.constant 432 : index
    %swap3A_2175 = tpu.vector_load %arg21[%swap3A_2174] {strides = array<i32>} : memref<512xi32, #tpu.memory_space<vmem>>, vector<16xi32>,
    tpu.vector_store %arg21[%swap3A_2174], %select_n3A_2168 {strides = array<i32>} : memref<512xi32, #tpu.memory_space<vmem>>, vector<16xi32>,
    %swap3A_2176 = arith.constant 432 : index
    %swap3A_2177 = tpu.vector_load %arg22[%swap3A_2176] {strides = array<i32>} : memref<512xi32, #tpu.memory_space<vmem>>, vector<16xi32>,
    tpu.vector_store %arg22[%swap3A_2176], %select_n3A_2173 {strides = array<i32>} : memref<512xi32, #tpu.memory_space<vmem>>, vector<16xi32>,
    %mul3A_2178 = arith.constant 64 : i32
    %mul3A_2179 = vector.broadcast %mul3A_2178 : i32 to vector<16xi32>
    %mul3A_2180 = arith.muli %select_n3A_2168, %mul3A_2179 : vector<16xi32>
    %add3A_2181 = arith.addi %mul3A_2180, %select_n3A_2173 : vector<16xi32>
    %swap3A_2182 = arith.constant 432 : index
    %swap3A_2183 = tpu.vector_load %arg23[%swap3A_2182] {strides = array<i32>} : memref<512xi32, #tpu.memory_space<vmem>>, vector<16xi32>,
    tpu.vector_store %arg23[%swap3A_2182], %add3A_2181 {strides = array<i32>} : memref<512xi32, #tpu.memory_space<vmem>>, vector<16xi32>,
    %jit3A_2184 = arith.constant 1 : i32
    %jit3A_2185 = arith.constant 0 : i32
    %broadcast_in_dim3A_2186 = vector.broadcast %jit3A_2184 : i32 to vector<16xi32>
    %broadcast_in_dim3A_2187 = vector.broadcast %jit3A_2185 : i32 to vector<16xi32>
    %select_n3A_2188 = arith.select %eq3A_2163, %broadcast_in_dim3A_2186, %broadcast_in_dim3A_2187 : vector<16xi1>, vector<16xi32>
    %swap3A_2189 = arith.constant 432 : index
    %swap3A_2190 = tpu.vector_load %arg24[%swap3A_2189] {strides = array<i32>} : memref<512xi32, #tpu.memory_space<vmem>>, vector<16xi32>,
    tpu.vector_store %arg24[%swap3A_2189], %select_n3A_2188 {strides = array<i32>} : memref<512xi32, #tpu.memory_space<vmem>>, vector<16xi32>,
    %broadcast_in_dim3A_2191 = arith.constant 3 : i32
    %broadcast_in_dim3A_2192 = vector.broadcast %broadcast_in_dim3A_2191 : i32 to vector<16xi32>
    %add3A_2193 = arith.constant 64 : i32
    %add3A_2194 = vector.broadcast %add3A_2193 : i32 to vector<16xi32>
    %add3A_2195 = arith.addi %add3A_2194, %iota3A : vector<16xi32>
    %gather3A_2196 = tpu.vector_load_idx %arg20[%broadcast_in_dim3A_2192, %add3A_2195, %add3A_2195] : memref<4x128x128xf32, #tpu.memory_space<vmem>>[vector<16xi32>, vector<16xi32>, vector<16xi32>], vector<16xf32>,
    %eq3A_2197 = arith.constant 1.000000e+00 : f32
    %eq3A_2198 = vector.broadcast %eq3A_2197 : f32 to vector<16xf32>
    %eq3A_2199 = arith.cmpf oeq, %gather3A_2196, %eq3A_2198 : vector<16xf32>
    %eq3A_2200 = arith.constant 2.000000e+00 : f32
    %eq3A_2201 = vector.broadcast %eq3A_2200 : f32 to vector<16xf32>
    %eq3A_2202 = arith.cmpf oeq, %gather3A_2196, %eq3A_2201 : vector<16xf32>
    %get3A_2203 = arith.constant 448 : index
    %get3A_2204 = tpu.vector_load %arg13[%get3A_2203] {strides = array<i32>} : memref<512xi32, #tpu.memory_space<vmem>>, vector<16xi32>,
    %get3A_2205 = arith.constant 448 : index
    %get3A_2206 = tpu.vector_load %arg17[%get3A_2205] {strides = array<i32>} : memref<512xi32, #tpu.memory_space<vmem>>, vector<16xi32>,
    %select_n3A_2207 = arith.select %eq3A_2199, %get3A_2204, %get3A_2206 : vector<16xi1>, vector<16xi32>
    %get3A_2208 = arith.constant 448 : index
    %get3A_2209 = tpu.vector_load %arg14[%get3A_2208] {strides = array<i32>} : memref<512xi32, #tpu.memory_space<vmem>>, vector<16xi32>,
    %get3A_2210 = arith.constant 448 : index
    %get3A_2211 = tpu.vector_load %arg18[%get3A_2210] {strides = array<i32>} : memref<512xi32, #tpu.memory_space<vmem>>, vector<16xi32>,
    %select_n3A_2212 = arith.select %eq3A_2199, %get3A_2209, %get3A_2211 : vector<16xi1>, vector<16xi32>
    %swap3A_2213 = arith.constant 448 : index
    %swap3A_2214 = tpu.vector_load %arg21[%swap3A_2213] {strides = array<i32>} : memref<512xi32, #tpu.memory_space<vmem>>, vector<16xi32>,
    tpu.vector_store %arg21[%swap3A_2213], %select_n3A_2207 {strides = array<i32>} : memref<512xi32, #tpu.memory_space<vmem>>, vector<16xi32>,
    %swap3A_2215 = arith.constant 448 : index
    %swap3A_2216 = tpu.vector_load %arg22[%swap3A_2215] {strides = array<i32>} : memref<512xi32, #tpu.memory_space<vmem>>, vector<16xi32>,
    tpu.vector_store %arg22[%swap3A_2215], %select_n3A_2212 {strides = array<i32>} : memref<512xi32, #tpu.memory_space<vmem>>, vector<16xi32>,
    %mul3A_2217 = arith.constant 64 : i32
    %mul3A_2218 = vector.broadcast %mul3A_2217 : i32 to vector<16xi32>
    %mul3A_2219 = arith.muli %select_n3A_2207, %mul3A_2218 : vector<16xi32>
    %add3A_2220 = arith.addi %mul3A_2219, %select_n3A_2212 : vector<16xi32>
    %swap3A_2221 = arith.constant 448 : index
    %swap3A_2222 = tpu.vector_load %arg23[%swap3A_2221] {strides = array<i32>} : memref<512xi32, #tpu.memory_space<vmem>>, vector<16xi32>,
    tpu.vector_store %arg23[%swap3A_2221], %add3A_2220 {strides = array<i32>} : memref<512xi32, #tpu.memory_space<vmem>>, vector<16xi32>,
    %jit3A_2223 = arith.constant 1 : i32
    %jit3A_2224 = arith.constant 0 : i32
    %broadcast_in_dim3A_2225 = vector.broadcast %jit3A_2223 : i32 to vector<16xi32>
    %broadcast_in_dim3A_2226 = vector.broadcast %jit3A_2224 : i32 to vector<16xi32>
    %select_n3A_2227 = arith.select %eq3A_2202, %broadcast_in_dim3A_2225, %broadcast_in_dim3A_2226 : vector<16xi1>, vector<16xi32>
    %swap3A_2228 = arith.constant 448 : index
    %swap3A_2229 = tpu.vector_load %arg24[%swap3A_2228] {strides = array<i32>} : memref<512xi32, #tpu.memory_space<vmem>>, vector<16xi32>,
    tpu.vector_store %arg24[%swap3A_2228], %select_n3A_2227 {strides = array<i32>} : memref<512xi32, #tpu.memory_space<vmem>>, vector<16xi32>,
    %broadcast_in_dim3A_2230 = arith.constant 3 : i32
    %broadcast_in_dim3A_2231 = vector.broadcast %broadcast_in_dim3A_2230 : i32 to vector<16xi32>
    %add3A_2232 = arith.constant 80 : i32
    %add3A_2233 = vector.broadcast %add3A_2232 : i32 to vector<16xi32>
    %add3A_2234 = arith.addi %add3A_2233, %iota3A : vector<16xi32>
    %gather3A_2235 = tpu.vector_load_idx %arg20[%broadcast_in_dim3A_2231, %add3A_2234, %add3A_2234] : memref<4x128x128xf32, #tpu.memory_space<vmem>>[vector<16xi32>, vector<16xi32>, vector<16xi32>], vector<16xf32>,
    %eq3A_2236 = arith.constant 1.000000e+00 : f32
    %eq3A_2237 = vector.broadcast %eq3A_2236 : f32 to vector<16xf32>
    %eq3A_2238 = arith.cmpf oeq, %gather3A_2235, %eq3A_2237 : vector<16xf32>
    %eq3A_2239 = arith.constant 2.000000e+00 : f32
    %eq3A_2240 = vector.broadcast %eq3A_2239 : f32 to vector<16xf32>
    %eq3A_2241 = arith.cmpf oeq, %gather3A_2235, %eq3A_2240 : vector<16xf32>
    %get3A_2242 = arith.constant 464 : index
    %get3A_2243 = tpu.vector_load %arg13[%get3A_2242] {strides = array<i32>} : memref<512xi32, #tpu.memory_space<vmem>>, vector<16xi32>,
    %get3A_2244 = arith.constant 464 : index
    %get3A_2245 = tpu.vector_load %arg17[%get3A_2244] {strides = array<i32>} : memref<512xi32, #tpu.memory_space<vmem>>, vector<16xi32>,
    %select_n3A_2246 = arith.select %eq3A_2238, %get3A_2243, %get3A_2245 : vector<16xi1>, vector<16xi32>
    %get3A_2247 = arith.constant 464 : index
    %get3A_2248 = tpu.vector_load %arg14[%get3A_2247] {strides = array<i32>} : memref<512xi32, #tpu.memory_space<vmem>>, vector<16xi32>,
    %get3A_2249 = arith.constant 464 : index
    %get3A_2250 = tpu.vector_load %arg18[%get3A_2249] {strides = array<i32>} : memref<512xi32, #tpu.memory_space<vmem>>, vector<16xi32>,
    %select_n3A_2251 = arith.select %eq3A_2238, %get3A_2248, %get3A_2250 : vector<16xi1>, vector<16xi32>
    %swap3A_2252 = arith.constant 464 : index
    %swap3A_2253 = tpu.vector_load %arg21[%swap3A_2252] {strides = array<i32>} : memref<512xi32, #tpu.memory_space<vmem>>, vector<16xi32>,
    tpu.vector_store %arg21[%swap3A_2252], %select_n3A_2246 {strides = array<i32>} : memref<512xi32, #tpu.memory_space<vmem>>, vector<16xi32>,
    %swap3A_2254 = arith.constant 464 : index
    %swap3A_2255 = tpu.vector_load %arg22[%swap3A_2254] {strides = array<i32>} : memref<512xi32, #tpu.memory_space<vmem>>, vector<16xi32>,
    tpu.vector_store %arg22[%swap3A_2254], %select_n3A_2251 {strides = array<i32>} : memref<512xi32, #tpu.memory_space<vmem>>, vector<16xi32>,
    %mul3A_2256 = arith.constant 64 : i32
    %mul3A_2257 = vector.broadcast %mul3A_2256 : i32 to vector<16xi32>
    %mul3A_2258 = arith.muli %select_n3A_2246, %mul3A_2257 : vector<16xi32>
    %add3A_2259 = arith.addi %mul3A_2258, %select_n3A_2251 : vector<16xi32>
    %swap3A_2260 = arith.constant 464 : index
    %swap3A_2261 = tpu.vector_load %arg23[%swap3A_2260] {strides = array<i32>} : memref<512xi32, #tpu.memory_space<vmem>>, vector<16xi32>,
    tpu.vector_store %arg23[%swap3A_2260], %add3A_2259 {strides = array<i32>} : memref<512xi32, #tpu.memory_space<vmem>>, vector<16xi32>,
    %jit3A_2262 = arith.constant 1 : i32
    %jit3A_2263 = arith.constant 0 : i32
    %broadcast_in_dim3A_2264 = vector.broadcast %jit3A_2262 : i32 to vector<16xi32>
    %broadcast_in_dim3A_2265 = vector.broadcast %jit3A_2263 : i32 to vector<16xi32>
    %select_n3A_2266 = arith.select %eq3A_2241, %broadcast_in_dim3A_2264, %broadcast_in_dim3A_2265 : vector<16xi1>, vector<16xi32>
    %swap3A_2267 = arith.constant 464 : index
    %swap3A_2268 = tpu.vector_load %arg24[%swap3A_2267] {strides = array<i32>} : memref<512xi32, #tpu.memory_space<vmem>>, vector<16xi32>,
    tpu.vector_store %arg24[%swap3A_2267], %select_n3A_2266 {strides = array<i32>} : memref<512xi32, #tpu.memory_space<vmem>>, vector<16xi32>,
    %broadcast_in_dim3A_2269 = arith.constant 3 : i32
    %broadcast_in_dim3A_2270 = vector.broadcast %broadcast_in_dim3A_2269 : i32 to vector<16xi32>
    %add3A_2271 = arith.constant 96 : i32
    %add3A_2272 = vector.broadcast %add3A_2271 : i32 to vector<16xi32>
    %add3A_2273 = arith.addi %add3A_2272, %iota3A : vector<16xi32>
    %gather3A_2274 = tpu.vector_load_idx %arg20[%broadcast_in_dim3A_2270, %add3A_2273, %add3A_2273] : memref<4x128x128xf32, #tpu.memory_space<vmem>>[vector<16xi32>, vector<16xi32>, vector<16xi32>], vector<16xf32>,
    %eq3A_2275 = arith.constant 1.000000e+00 : f32
    %eq3A_2276 = vector.broadcast %eq3A_2275 : f32 to vector<16xf32>
    %eq3A_2277 = arith.cmpf oeq, %gather3A_2274, %eq3A_2276 : vector<16xf32>
    %eq3A_2278 = arith.constant 2.000000e+00 : f32
    %eq3A_2279 = vector.broadcast %eq3A_2278 : f32 to vector<16xf32>
    %eq3A_2280 = arith.cmpf oeq, %gather3A_2274, %eq3A_2279 : vector<16xf32>
    %get3A_2281 = arith.constant 480 : index
    %get3A_2282 = tpu.vector_load %arg13[%get3A_2281] {strides = array<i32>} : memref<512xi32, #tpu.memory_space<vmem>>, vector<16xi32>,
    %get3A_2283 = arith.constant 480 : index
    %get3A_2284 = tpu.vector_load %arg17[%get3A_2283] {strides = array<i32>} : memref<512xi32, #tpu.memory_space<vmem>>, vector<16xi32>,
    %select_n3A_2285 = arith.select %eq3A_2277, %get3A_2282, %get3A_2284 : vector<16xi1>, vector<16xi32>
    %get3A_2286 = arith.constant 480 : index
    %get3A_2287 = tpu.vector_load %arg14[%get3A_2286] {strides = array<i32>} : memref<512xi32, #tpu.memory_space<vmem>>, vector<16xi32>,
    %get3A_2288 = arith.constant 480 : index
    %get3A_2289 = tpu.vector_load %arg18[%get3A_2288] {strides = array<i32>} : memref<512xi32, #tpu.memory_space<vmem>>, vector<16xi32>,
    %select_n3A_2290 = arith.select %eq3A_2277, %get3A_2287, %get3A_2289 : vector<16xi1>, vector<16xi32>
    %swap3A_2291 = arith.constant 480 : index
    %swap3A_2292 = tpu.vector_load %arg21[%swap3A_2291] {strides = array<i32>} : memref<512xi32, #tpu.memory_space<vmem>>, vector<16xi32>,
    tpu.vector_store %arg21[%swap3A_2291], %select_n3A_2285 {strides = array<i32>} : memref<512xi32, #tpu.memory_space<vmem>>, vector<16xi32>,
    %swap3A_2293 = arith.constant 480 : index
    %swap3A_2294 = tpu.vector_load %arg22[%swap3A_2293] {strides = array<i32>} : memref<512xi32, #tpu.memory_space<vmem>>, vector<16xi32>,
    tpu.vector_store %arg22[%swap3A_2293], %select_n3A_2290 {strides = array<i32>} : memref<512xi32, #tpu.memory_space<vmem>>, vector<16xi32>,
    %mul3A_2295 = arith.constant 64 : i32
    %mul3A_2296 = vector.broadcast %mul3A_2295 : i32 to vector<16xi32>
    %mul3A_2297 = arith.muli %select_n3A_2285, %mul3A_2296 : vector<16xi32>
    %add3A_2298 = arith.addi %mul3A_2297, %select_n3A_2290 : vector<16xi32>
    %swap3A_2299 = arith.constant 480 : index
    %swap3A_2300 = tpu.vector_load %arg23[%swap3A_2299] {strides = array<i32>} : memref<512xi32, #tpu.memory_space<vmem>>, vector<16xi32>,
    tpu.vector_store %arg23[%swap3A_2299], %add3A_2298 {strides = array<i32>} : memref<512xi32, #tpu.memory_space<vmem>>, vector<16xi32>,
    %jit3A_2301 = arith.constant 1 : i32
    %jit3A_2302 = arith.constant 0 : i32
    %broadcast_in_dim3A_2303 = vector.broadcast %jit3A_2301 : i32 to vector<16xi32>
    %broadcast_in_dim3A_2304 = vector.broadcast %jit3A_2302 : i32 to vector<16xi32>
    %select_n3A_2305 = arith.select %eq3A_2280, %broadcast_in_dim3A_2303, %broadcast_in_dim3A_2304 : vector<16xi1>, vector<16xi32>
    %swap3A_2306 = arith.constant 480 : index
    %swap3A_2307 = tpu.vector_load %arg24[%swap3A_2306] {strides = array<i32>} : memref<512xi32, #tpu.memory_space<vmem>>, vector<16xi32>,
    tpu.vector_store %arg24[%swap3A_2306], %select_n3A_2305 {strides = array<i32>} : memref<512xi32, #tpu.memory_space<vmem>>, vector<16xi32>,
    %broadcast_in_dim3A_2308 = arith.constant 3 : i32
    %broadcast_in_dim3A_2309 = vector.broadcast %broadcast_in_dim3A_2308 : i32 to vector<16xi32>
    %add3A_2310 = arith.constant 112 : i32
    %add3A_2311 = vector.broadcast %add3A_2310 : i32 to vector<16xi32>
    %add3A_2312 = arith.addi %add3A_2311, %iota3A : vector<16xi32>
    %gather3A_2313 = tpu.vector_load_idx %arg20[%broadcast_in_dim3A_2309, %add3A_2312, %add3A_2312] : memref<4x128x128xf32, #tpu.memory_space<vmem>>[vector<16xi32>, vector<16xi32>, vector<16xi32>], vector<16xf32>,
    %eq3A_2314 = arith.constant 1.000000e+00 : f32
    %eq3A_2315 = vector.broadcast %eq3A_2314 : f32 to vector<16xf32>
    %eq3A_2316 = arith.cmpf oeq, %gather3A_2313, %eq3A_2315 : vector<16xf32>
    %eq3A_2317 = arith.constant 2.000000e+00 : f32
    %eq3A_2318 = vector.broadcast %eq3A_2317 : f32 to vector<16xf32>
    %eq3A_2319 = arith.cmpf oeq, %gather3A_2313, %eq3A_2318 : vector<16xf32>
    %get3A_2320 = arith.constant 496 : index
    %get3A_2321 = tpu.vector_load %arg13[%get3A_2320] {strides = array<i32>} : memref<512xi32, #tpu.memory_space<vmem>>, vector<16xi32>,
    %get3A_2322 = arith.constant 496 : index
    %get3A_2323 = tpu.vector_load %arg17[%get3A_2322] {strides = array<i32>} : memref<512xi32, #tpu.memory_space<vmem>>, vector<16xi32>,
    %select_n3A_2324 = arith.select %eq3A_2316, %get3A_2321, %get3A_2323 : vector<16xi1>, vector<16xi32>
    %get3A_2325 = arith.constant 496 : index
    %get3A_2326 = tpu.vector_load %arg14[%get3A_2325] {strides = array<i32>} : memref<512xi32, #tpu.memory_space<vmem>>, vector<16xi32>,
    %get3A_2327 = arith.constant 496 : index
    %get3A_2328 = tpu.vector_load %arg18[%get3A_2327] {strides = array<i32>} : memref<512xi32, #tpu.memory_space<vmem>>, vector<16xi32>,
    %select_n3A_2329 = arith.select %eq3A_2316, %get3A_2326, %get3A_2328 : vector<16xi1>, vector<16xi32>
    %swap3A_2330 = arith.constant 496 : index
    %swap3A_2331 = tpu.vector_load %arg21[%swap3A_2330] {strides = array<i32>} : memref<512xi32, #tpu.memory_space<vmem>>, vector<16xi32>,
    tpu.vector_store %arg21[%swap3A_2330], %select_n3A_2324 {strides = array<i32>} : memref<512xi32, #tpu.memory_space<vmem>>, vector<16xi32>,
    %swap3A_2332 = arith.constant 496 : index
    %swap3A_2333 = tpu.vector_load %arg22[%swap3A_2332] {strides = array<i32>} : memref<512xi32, #tpu.memory_space<vmem>>, vector<16xi32>,
    tpu.vector_store %arg22[%swap3A_2332], %select_n3A_2329 {strides = array<i32>} : memref<512xi32, #tpu.memory_space<vmem>>, vector<16xi32>,
    %mul3A_2334 = arith.constant 64 : i32
    %mul3A_2335 = vector.broadcast %mul3A_2334 : i32 to vector<16xi32>
    %mul3A_2336 = arith.muli %select_n3A_2324, %mul3A_2335 : vector<16xi32>
    %add3A_2337 = arith.addi %mul3A_2336, %select_n3A_2329 : vector<16xi32>
    %swap3A_2338 = arith.constant 496 : index
    %swap3A_2339 = tpu.vector_load %arg23[%swap3A_2338] {strides = array<i32>} : memref<512xi32, #tpu.memory_space<vmem>>, vector<16xi32>,
    tpu.vector_store %arg23[%swap3A_2338], %add3A_2337 {strides = array<i32>} : memref<512xi32, #tpu.memory_space<vmem>>, vector<16xi32>,
    %jit3A_2340 = arith.constant 1 : i32
    %jit3A_2341 = arith.constant 0 : i32
    %broadcast_in_dim3A_2342 = vector.broadcast %jit3A_2340 : i32 to vector<16xi32>
    %broadcast_in_dim3A_2343 = vector.broadcast %jit3A_2341 : i32 to vector<16xi32>
    %select_n3A_2344 = arith.select %eq3A_2319, %broadcast_in_dim3A_2342, %broadcast_in_dim3A_2343 : vector<16xi1>, vector<16xi32>
    %swap3A_2345 = arith.constant 496 : index
    %swap3A_2346 = tpu.vector_load %arg24[%swap3A_2345] {strides = array<i32>} : memref<512xi32, #tpu.memory_space<vmem>>, vector<16xi32>,
    tpu.vector_store %arg24[%swap3A_2345], %select_n3A_2344 {strides = array<i32>} : memref<512xi32, #tpu.memory_space<vmem>>, vector<16xi32>,
    "tpu.region"() ({
      %run_scoped3A = tpu.sem_alloc : memref<!tpu.dma_semaphore, #tpu.memory_space<semaphore_mem>>
      %dma_start3A_2347 = tpu.memref_slice %arg8[%mul3A_2] : memref<16384xi32, #tpu.memory_space<hbm>> -> memref<512xi32, #tpu.memory_space<hbm>>
      %dma_start3A_2348 = tpu.memref_slice %arg8[%mul3A_2] : memref<16384xi32, #tpu.memory_space<hbm>> -> memref<512xi32, #tpu.memory_space<hbm>>
      tpu.enqueue_dma source(%arg21 : memref<512xi32, #tpu.memory_space<vmem>>) target(%dma_start3A_2348 : memref<512xi32, #tpu.memory_space<hbm>>) target_semaphore(%run_scoped3A : memref<!tpu.dma_semaphore, #tpu.memory_space<semaphore_mem>>)
      %dma_wait3A_2349 = tpu.memref_slice %arg8[%mul3A_2] : memref<16384xi32, #tpu.memory_space<hbm>> -> memref<512xi32, #tpu.memory_space<hbm>>
      %dma_wait3A_2350 = tpu.memref_slice %arg8[%mul3A_2] : memref<16384xi32, #tpu.memory_space<hbm>> -> memref<512xi32, #tpu.memory_space<hbm>>
      tpu.wait_dma2 semaphore(%run_scoped3A : memref<!tpu.dma_semaphore, #tpu.memory_space<semaphore_mem>>) src(%arg21 : memref<512xi32, #tpu.memory_space<vmem>>) dst(%dma_wait3A_2350 : memref<512xi32, #tpu.memory_space<hbm>>)
      tpu.yield
    }) : () -> ()
    "tpu.region"() ({
      %run_scoped3A = tpu.sem_alloc : memref<!tpu.dma_semaphore, #tpu.memory_space<semaphore_mem>>
      %dma_start3A_2347 = tpu.memref_slice %arg9[%mul3A_2] : memref<16384xi32, #tpu.memory_space<hbm>> -> memref<512xi32, #tpu.memory_space<hbm>>
      %dma_start3A_2348 = tpu.memref_slice %arg9[%mul3A_2] : memref<16384xi32, #tpu.memory_space<hbm>> -> memref<512xi32, #tpu.memory_space<hbm>>
      tpu.enqueue_dma source(%arg22 : memref<512xi32, #tpu.memory_space<vmem>>) target(%dma_start3A_2348 : memref<512xi32, #tpu.memory_space<hbm>>) target_semaphore(%run_scoped3A : memref<!tpu.dma_semaphore, #tpu.memory_space<semaphore_mem>>)
      %dma_wait3A_2349 = tpu.memref_slice %arg9[%mul3A_2] : memref<16384xi32, #tpu.memory_space<hbm>> -> memref<512xi32, #tpu.memory_space<hbm>>
      %dma_wait3A_2350 = tpu.memref_slice %arg9[%mul3A_2] : memref<16384xi32, #tpu.memory_space<hbm>> -> memref<512xi32, #tpu.memory_space<hbm>>
      tpu.wait_dma2 semaphore(%run_scoped3A : memref<!tpu.dma_semaphore, #tpu.memory_space<semaphore_mem>>) src(%arg22 : memref<512xi32, #tpu.memory_space<vmem>>) dst(%dma_wait3A_2350 : memref<512xi32, #tpu.memory_space<hbm>>)
      tpu.yield
    }) : () -> ()
    "tpu.region"() ({
      %run_scoped3A = tpu.sem_alloc : memref<!tpu.dma_semaphore, #tpu.memory_space<semaphore_mem>>
      %dma_start3A_2347 = tpu.memref_slice %arg10[%mul3A_2] : memref<16384xi32, #tpu.memory_space<hbm>> -> memref<512xi32, #tpu.memory_space<hbm>>
      %dma_start3A_2348 = tpu.memref_slice %arg10[%mul3A_2] : memref<16384xi32, #tpu.memory_space<hbm>> -> memref<512xi32, #tpu.memory_space<hbm>>
      tpu.enqueue_dma source(%arg23 : memref<512xi32, #tpu.memory_space<vmem>>) target(%dma_start3A_2348 : memref<512xi32, #tpu.memory_space<hbm>>) target_semaphore(%run_scoped3A : memref<!tpu.dma_semaphore, #tpu.memory_space<semaphore_mem>>)
      %dma_wait3A_2349 = tpu.memref_slice %arg10[%mul3A_2] : memref<16384xi32, #tpu.memory_space<hbm>> -> memref<512xi32, #tpu.memory_space<hbm>>
      %dma_wait3A_2350 = tpu.memref_slice %arg10[%mul3A_2] : memref<16384xi32, #tpu.memory_space<hbm>> -> memref<512xi32, #tpu.memory_space<hbm>>
      tpu.wait_dma2 semaphore(%run_scoped3A : memref<!tpu.dma_semaphore, #tpu.memory_space<semaphore_mem>>) src(%arg23 : memref<512xi32, #tpu.memory_space<vmem>>) dst(%dma_wait3A_2350 : memref<512xi32, #tpu.memory_space<hbm>>)
      tpu.yield
    }) : () -> ()
    "tpu.region"() ({
      %run_scoped3A = tpu.sem_alloc : memref<!tpu.dma_semaphore, #tpu.memory_space<semaphore_mem>>
      %dma_start3A_2347 = tpu.memref_slice %arg11[%mul3A_2] : memref<16384xi32, #tpu.memory_space<hbm>> -> memref<512xi32, #tpu.memory_space<hbm>>
      %dma_start3A_2348 = tpu.memref_slice %arg11[%mul3A_2] : memref<16384xi32, #tpu.memory_space<hbm>> -> memref<512xi32, #tpu.memory_space<hbm>>
      tpu.enqueue_dma source(%arg24 : memref<512xi32, #tpu.memory_space<vmem>>) target(%dma_start3A_2348 : memref<512xi32, #tpu.memory_space<hbm>>) target_semaphore(%run_scoped3A : memref<!tpu.dma_semaphore, #tpu.memory_space<semaphore_mem>>)
      %dma_wait3A_2349 = tpu.memref_slice %arg11[%mul3A_2] : memref<16384xi32, #tpu.memory_space<hbm>> -> memref<512xi32, #tpu.memory_space<hbm>>
      %dma_wait3A_2350 = tpu.memref_slice %arg11[%mul3A_2] : memref<16384xi32, #tpu.memory_space<hbm>> -> memref<512xi32, #tpu.memory_space<hbm>>
      tpu.wait_dma2 semaphore(%run_scoped3A : memref<!tpu.dma_semaphore, #tpu.memory_space<semaphore_mem>>) src(%arg24 : memref<512xi32, #tpu.memory_space<vmem>>) dst(%dma_wait3A_2350 : memref<512xi32, #tpu.memory_space<hbm>>)
      tpu.yield
    }) : () -> ()
    return
  }
}

module attributes {stable_mosaic.version = 14 : i64} {
  func.func @_tc_body(%arg0: i32, %arg1: memref<1x16384xi32, #tpu.memory_space<vmem>>, %arg2: memref<1x1xf32, #tpu.memory_space<smem>>, %arg3: memref<64x16384xf32, #tpu.memory_space<vmem>>, %arg4: memref<64x16384xf32, #tpu.memory_space<vmem>>) attributes {dimension_semantics = [#tpu.dimension_semantics<arbitrary>], iteration_bounds = array<i64: 64>, scalar_prefetch = 0 : i64, scratch_operands = 0 : i64, tpu.core_type = #tpu.core_type<tc>, window_params = [{pipeline_mode = #tpu.pipeline_mode<synchronous>, transform_indices = @transform_0, window_bounds = array<i64: 1, 16384>}, {transform_indices = @transform_1, window_bounds = array<i64: 1, 1>}, {transform_indices = @transform_2, window_bounds = array<i64: 64, 16384>}, {transform_indices = @transform_3, window_bounds = array<i64: 64, 16384>}]} {
    %get3A = arith.constant 0 : index
    %get3A_0 = arith.constant 0 : index
    %get3A_1 = vector.load %arg1[%get3A, %get3A_0] : memref<1x16384xi32, #tpu.memory_space<vmem>>, vector<1x16384xi32>
    %iota3A = tpu.iota {dimensions = array<i32: 0>} : vector<64x16384xi32>
    %mul3A = arith.constant 64 : i32
    %mul3A_2 = arith.muli %arg0, %mul3A : i32
    %add3A = vector.broadcast %mul3A_2 : i32 to vector<64x16384xi32>
    %add3A_3 = arith.addi %iota3A, %add3A : vector<64x16384xi32>
    %eq3A = vector.broadcast %get3A_1 : vector<1x16384xi32> to vector<64x16384xi32>
    %eq3A_4 = arith.cmpi eq, %add3A_3, %eq3A : vector<64x16384xi32>
    %get3A_5 = arith.constant 0 : index
    %get3A_6 = arith.constant 0 : index
    %get3A_7 = memref.load %arg2[%get3A_5, %get3A_6] : memref<1x1xf32, #tpu.memory_space<smem>>
    %get3A_8 = arith.constant 0 : index
    %get3A_9 = arith.constant 0 : index
    %get3A_10 = vector.load %arg3[%get3A_8, %get3A_9] : memref<64x16384xf32, #tpu.memory_space<vmem>>, vector<64x16384xf32>
    %broadcast_in_dim3A = vector.broadcast %get3A_7 : f32 to vector<64x16384xf32>
    %select_n3A = arith.select %eq3A_4, %broadcast_in_dim3A, %get3A_10 : vector<64x16384xi1>, vector<64x16384xf32>
    %swap3A = arith.constant 0 : index
    %swap3A_11 = arith.constant 0 : index
    %swap3A_12 = vector.load %arg4[%swap3A, %swap3A_11] : memref<64x16384xf32, #tpu.memory_space<vmem>>, vector<64x16384xf32>
    tpu.vector_store %arg4[%swap3A, %swap3A_11], %select_n3A {strides = array<i32>} : memref<64x16384xf32, #tpu.memory_space<vmem>>, vector<64x16384xf32>,
    return
  }
  func.func @transform_0(%arg0: i32) -> (i32, i32) {
    %c0_i32 = arith.constant 0 : i32
    %c0_i32_0 = arith.constant 0 : i32
    %c0_i32_1 = arith.constant 0 : i32
    return %c0_i32, %c0_i32_0 : i32, i32
  }
  func.func @transform_1(%arg0: i32) -> (i32, i32) {
    %c0_i32 = arith.constant 0 : i32
    %c0_i32_0 = arith.constant 0 : i32
    %c0_i32_1 = arith.constant 0 : i32
    return %c0_i32, %c0_i32_0 : i32, i32
  }
  func.func @transform_2(%arg0: i32) -> (i32, i32) {
    %c0_i32 = arith.constant 0 : i32
    %c0_i32_0 = arith.constant 0 : i32
    return %arg0, %c0_i32 : i32, i32
  }
  func.func @transform_3(%arg0: i32) -> (i32, i32) {
    %c0_i32 = arith.constant 0 : i32
    %c0_i32_0 = arith.constant 0 : i32
    return %arg0, %c0_i32 : i32, i32
  }
}

</mosaic_0001>

<sc_bundles>
// kernel: kernel.4.cloned.1.call-start
scs
__scs_entry_jumppad:
0x0: {  	(pc) =	sbr.rel $0x88, $3  }
0x1: {  	(tag) =	ssettag $0x0;
	lr =	simm.s32 $0x1  }
0x2: {  	[smem:$0x3F9A] =	sst lr;
	_ =	strace $0xD0000000  }
0x3: {  	_ = 	snop  }
0x4: {  	_ = 	snop  }
0x5: {  	_ = 	snop  }
0x6: {  	_ = 	snop  }
0x7: {  	_ = 	snop  }
__scs_overlays_trampoline_lowered:
0x8: {  	[smem:$0x3FA9] =	sst s0  }
0x9: {  	[smem:$0x3FAA] =	sst s1  }
0xa: {  	[smem:$0x3FAB] =	sst s2  }
0xb: {  	[smem:$0x3FAC] =	sst s3  }
0xc: {  	[smem:$0x3FAD] =	sst s4  }
0xd: {  	[smem:$0x3FAE] =	sst s5  }
0xe: {  	[smem:$0x3FAF] =	sst s6  }
0xf: {  	[smem:$0x3FB0] =	sst s7  }
0x10: {  	[smem:$0x3FB1] =	sst s8  }
0x11: {  	[smem:$0x3FB2] =	sst s9;
	s0 =	simm.s32 @!p0 $0x0  }
0x12: {  	s1 =	sld [smem:$0x3F98];
	s0 =	simm.s32 @p0 $0x1  }
0x13: {  	[smem:$0x3FB3] =	sst s0;
	s0 =	simm.s32 @!p1 $0x0  }
0x14: {  	s2 =	sld [smem:$0x3F97];
	s0 =	simm.s32 @p1 $0x1  }
0x15: {  	[smem:$0x3FB4] =	sst s0;
	s0 =	simm.s32 @!p2 $0x0  }
0x16: {  	s3 =	sld [smem:$0x3FDB];
	s0 =	simm.s32 @p2 $0x1  }
0x17: {  	s4 =	simm.s32 $0x1BF5;
	[smem:$0x3FB6] =	sst s0  }
0x18: {  	s0 =	sld [smem:$0x3F99];
	_ =	swait.ge [sflag:s4], $0x0  }
0x19: {  	s7 =	sld [smem:$0x3F9A]  }
0x1a: {  	s8 =	sadd.s32 $0xFFFFE003, lr  }
0x1b: {  	s9 =	sadd.s32 $0xFFFFFEF7, lr;
	s5 =	simm.s32 $0xFFFFFFFF;
	p2 =	slt.u32 s8, $0xFFFFF086  }
0x1c: {  	p1 =	slt.u32 s9, $0xF7A;
	s5 =	simm.s32 @!p2 $0x0  }
0x1d: {  	s5 =	simm.s32 @p1 $0x1;
	p0 =	seq.s32 s7, s2  }
0x1e: {  	s7 =	smul.u32 @!p0 $0xF7A, s2;
	p2 =	seq.s32 @!p0 s5, $0x0  }
0x1f: {  	s9 =	smul.u32 $0xF7A, s1;
	s8 =	simm.s32 @!p0 $0x1BF5;
	p2 =	por !p2, p0  }
0x20: {  	[sflag:s8] =	ssyncset.s32 @!p0 $0xFFFFF086;
	s6 =	sadd.s32 @!p0 s3, s7;
	s7 =	simm.s32 @!p0 $0x108  }
0x21: {  	s3 =	sadd.s32 s3, s9;
	s6 =	sadd.s32 @!p0 $0x88, s6;
	s7 =	simm.s32 @p2 $0x1082  }
0x22: {  	[simem:s7], [sflag:s8] =	dma.local @!p0 [hbm:s6], $0xF7A  }
0x23: {  	s9 =	sor.u32 $0xD0000000, s2;
	s6 =	simm.s32 $0x108;
	_ =	swait.ge @!p0 [sflag:s8], $0x0  }
0x24: {  	s3 =	sadd.s32 $0x88, s3;
	s6 =	simm.s32 @!p1 $0x1082;
	[sflag:s4] =	ssyncset.s32 $0xFFFFF086  }
0x25: {  	[simem:s6], [sflag:s4] =	dma.local [hbm:s3], $0xF7A  }
0x26: {  	[smem:$0x3F9A] =	sst s1;
	(tag) =	ssettag s2;
	_ =	strace s9  }
0x27: {  	s1 =	sld [smem:$0x3FAA]  }
0x28: {  	s2 =	sld [smem:$0x3FAB]  }
0x29: {  	s4 =	sld [smem:$0x3FAD]  }
0x2a: {  	p0 =	seq.s32 s5, $0x0;
	s5 =	sld [smem:$0x3FAE]  }
0x2b: {  	s6 =	sld [smem:$0x3FAF]  }
0x2c: {  	s7 =	sld [smem:$0x3FB0]  }
0x2d: {  	s3 =	simm.s32 $0x108;
	s8 =	sld [smem:$0x3FB1]  }
0x2e: {  	s3 =	simm.s32 @!p0 $0x1082;
	s9 =	sld [smem:$0x3FB2]  }
0x2f: {  	lr =	sadd.s32 s0, s3;
	s0 =	sld [smem:$0x3FA9]  }
0x30: {  	s3 =	sld [smem:$0x3FAC]  }
0x31: {  	[smem:$0x3FB5] =	sst s10  }
0x32: {  	s10 =	sld [smem:$0x3FB3];
	_ =	sdelay $0x3  }
0x33: {  	p0 =	seq.s32 s10, $0x1;
	s10 =	sld [smem:$0x3FB5];
	_ =	sdelay $0x3  }
0x34: {  	[smem:$0x3FB5] =	sst s10  }
0x35: {  	s10 =	sld [smem:$0x3FB4];
	_ =	sdelay $0x3  }
0x36: {  	p1 =	seq.s32 s10, $0x1;
	s10 =	sld [smem:$0x3FB5];
	_ =	sdelay $0x3  }
0x37: {  	[smem:$0x3FB5] =	sst s10  }
0x38: {  	s10 =	sld [smem:$0x3FB6]  }
0x39: {  	_ = 	snop;
	(pc) =	sbr.ind lr, $3  }
0x3a: {  	_ = 	snop  }
0x3b: {  	_ = 	snop  }
0x3c: {  	p2 =	seq.s32 s10, $0x1;
	s10 =	sld [smem:$0x3FB5]  }
0x3d: {  	_ =	shalt  }
0x3e: {  	_ =	shalt  }
0x3f: {  	_ =	shalt  }
0x40: {  	_ =	shalt  }
0x41: {  	_ =	shalt  }
0x42: {  	_ =	shalt  }
0x43: {  	_ =	shalt  }
0x44: {  	_ =	shalt  }
0x45: {  	_ =	shalt  }
0x46: {  	_ =	shalt  }
0x47: {  	_ =	shalt  }
0x48: {  	_ =	shalt  }
0x49: {  	_ =	shalt  }
0x4a: {  	_ =	shalt  }
0x4b: {  	_ =	shalt  }
0x4c: {  	_ =	shalt  }
0x4d: {  	_ =	shalt  }
0x4e: {  	_ =	shalt  }
0x4f: {  	_ =	shalt  }
0x50: {  	_ =	shalt  }
0x51: {  	_ =	shalt  }
0x52: {  	_ =	shalt  }
0x53: {  	_ =	shalt  }
0x54: {  	_ =	shalt  }
0x55: {  	_ =	shalt  }
0x56: {  	_ =	shalt  }
0x57: {  	_ =	shalt  }
0x58: {  	_ =	shalt  }
0x59: {  	_ =	shalt  }
0x5a: {  	_ =	shalt  }
0x5b: {  	_ =	shalt  }
0x5c: {  	_ =	shalt  }
0x5d: {  	_ =	shalt  }
0x5e: {  	_ =	shalt  }
0x5f: {  	_ =	shalt  }
0x60: {  	_ =	shalt  }
0x61: {  	_ =	shalt  }
0x62: {  	_ =	shalt  }
0x63: {  	_ =	shalt  }
0x64: {  	_ =	shalt  }
0x65: {  	_ =	shalt  }
0x66: {  	_ =	shalt  }
0x67: {  	_ =	shalt  }
0x68: {  	_ =	shalt  }
0x69: {  	_ =	shalt  }
0x6a: {  	_ =	shalt  }
0x6b: {  	_ =	shalt  }
0x6c: {  	_ =	shalt  }
0x6d: {  	_ =	shalt  }
0x6e: {  	_ =	shalt  }
0x6f: {  	_ =	shalt  }
0x70: {  	_ =	shalt  }
0x71: {  	_ =	shalt  }
0x72: {  	_ =	shalt  }
0x73: {  	_ =	shalt  }
0x74: {  	_ =	shalt  }
0x75: {  	_ =	shalt  }
0x76: {  	_ =	shalt  }
0x77: {  	_ =	shalt  }
0x78: {  	_ =	shalt  }
0x79: {  	_ =	shalt  }
0x7a: {  	_ =	shalt  }
0x7b: {  	_ =	shalt  }
0x7c: {  	_ =	shalt  }
0x7d: {  	_ =	shalt  }
0x7e: {  	_ =	shalt  }
0x7f: {  	_ =	shalt  }
0x80: {  	_ =	shalt  }
0x81: {  	_ =	shalt  }
0x82: {  	_ =	shalt  }
0x83: {  	_ =	shalt  }
0x84: {  	_ =	shalt  }
0x85: {  	_ =	shalt  }
0x86: {  	_ =	shalt  }
0x87: {  	_ =	shalt  }
.Lfunc_end0:
.L_simem_size_0:
called_computation_lowered:
.L_overlay_start_0:
0x88: {  	s2 =	sld [smem:$0x3FD9]  }
0x89: {  	s3 =	sld [smem:$0x3FFE];
	_ =	sdelay $0x1  }
0x8a: {  	s1 =	srdreg.scid  }
0x8b: {  	s0 =	sand.u32 $0x1, s1  }
0x8c: {  	s14 =	sshll.u32 s0, $0xA;
	s2 =	sadd.s32 s3, s2  }
0x8d: {  	s2 =	sadd.s32 s2, s14  }
0x8e: {  	[smem:$0x3FC1] =	sst s2  }
0x8f: {  	_ = 	snop  }
0x90: {  	s2 =	sld [smem:$0x3FD0];
	_ =	sdelay $0x1  }
0x91: {  	s15 =	sld [smem:$0x3FC9]  }
0x92: {  	s5 =	simm.s32 $0xA;
	s6 =	simm.s32 $0x10;
	s4 =	sld [smem:$0x3FC6]  }
0x93: {  	[smem:s6], [sflag:s5] =	dma.local [hbm:s2], $0x1  }
0x94: {  	_ =	swait.eq [sflag:s5], $0x1  }
0x95: {  	s16 =	sld [smem:$0x10]  }
0x96: {  	s17 =	sld [smem:$0x11]  }
0x97: {  	s7 =	sld [smem:$0x12]  }
0x98: {  	s8 =	sld [smem:$0x13];
	[sflag:s5] =	ssyncset.done $0x0  }
0x99: {  	s9 =	sld [smem:$0x14];
	[sflag:s5] =	ssyncadd.s32 $0xFFFFFFFF  }
0x9a: {  	s18 =	sld [smem:$0x15];
	(tm) =	ssettm $0x1  }
0x9b: {  	s10 =	sld [smem:$0x3FFB];
	_ =	sdelay $0x3  }
0x9c: {  	_ =	strace s10  }
0x9d: {  	s10 =	sld [smem:$0x3FFC];
	_ =	sdelay $0x3  }
0x9e: {  	_ =	strace s10  }
0x9f: {  	s10 =	sld [smem:$0x3FFD];
	_ =	sdelay $0x3  }
0xa0: {  	_ =	strace s10  }
0xa1: {  	_ =	strace $0x8FFFFFFF  }
0xa2: {  	s19 =	sld [smem:$0x3FDB];
	_ =	sdelay $0x1  }
0xa3: {  	s11 =	simm.s32 $_scs_section_size  }
0xa4: {  	s12 =	simm.s32 $_size__tile_overlayer_lowered;
	s13 =	simm.s32 $_tile_overlayer_lowered  }
0xa5: {  	s22 =	simm.s32 $0x1BFF;
	s21 =	sshll.u32 s13, $0x1;
	s10 =	sadd.s32 s11, s19  }
0xa6: {  	s20 =	sshll.u32 s12, $0x1;
	s14 =	simm.s32 $0x0;
	s12 =	sadd.s32 s21, s10  }
0xa7: {  	[timem:s14], [sflag:s22] =	dma.local [hbm:s12], s20  }
0xa8: {  	_ =	swait.ge [sflag:s22], s20  }
0xa9: {  	s11 =	ssub.s32 $0x0, s20;
	[sflag:s22] =	ssyncset.done $0x0  }
0xaa: {  	[sflag:s22] =	ssyncadd.s32 s11;
	_ =	sdelay $0x1  }
0xab: {  	s23 =	simm.s32 $0x1B8B  }
0xac: {  	_ =	swait.ge [sflag:s23], $0x1  }
0xad: {  	[sflag:s23] =	ssyncset.done $0x0  }
0xae: {  	s25 =	simm.s32 $0x1B8E;
	s24 =	sld [smem:$0x3FFE];
	[sflag:s23] =	ssyncadd.s32 $0xFFFFFFFF  }
0xaf: {  	s26 =	simm.s32 $execute0_lowered;
	[smem:$0x3FD2] =	sst s25  }
0xb0: {  	s12 =	sshll.u32 s26, $0x1;
	_ =	strace $0x80000046;
	[dreg:$0x1] =	wrdreg $0xFFFFFFFF  }
0xb1: {  	s28 =	simm.s32 $_size_execute0_lowered;
	s10 =	sadd.s32 s10, s12;
	[dreg:$0x0] =	wrdreg $0x0  }
0xb2: {  	s12 =	sshll.u32 s28, $0x1;
	[dreg:$0x2] =	wrdreg s10  }
0xb3: {  	[dreg:$0x3] =	wrdreg s12  }
0xb4: {  	[dreg:$0x4] =	wrdreg $0xC0  }
0xb5: {  	_ =	task [dreg:s14], $0x5FFFF  }
0xb6: {  	[dreg:$0x1] =	wrdreg $0xFFFFFFFF  }
0xb7: {  	[dreg:$0x0] =	wrdreg $0x60  }
0xb8: {  	[dreg:$0x2] =	wrdreg s15  }
0xb9: {  	[dreg:$0x3] =	wrdreg s4  }
0xba: {  	[dreg:$0x4] =	wrdreg s9  }
0xbb: {  	[dreg:$0x5] =	wrdreg s18  }
0xbc: {  	[dreg:$0x6] =	wrdreg s7  }
0xbd: {  	[dreg:$0x7] =	wrdreg s24  }
0xbe: {  	[dreg:$0x8] =	wrdreg s8  }
0xbf: {  	[dreg:$0x9] =	wrdreg s16  }
0xc0: {  	[dreg:$0xa] =	wrdreg s17  }
0xc1: {  	[dreg:$0xb] =	wrdreg $0x9  }
0xc2: {  	_ =	task.clear_ibuf [dreg:s14], $0xCFFFF;
	_ =	strace $0x90000046  }
0xc3: {  	s29 =	simm.s32 $0x9;
	_ =	strace $0x80000048  }
0xc4: {  	_ =	swait.ge [sflag:s29], $0x1  }
0xc5: {  	[sflag:s29] =	ssyncadd.s32 $0xFFFFFFFF  }
0xc6: {  	_ =	strace $0x90000048  }
0xc7: {  	_ =	sfence  }
0xc8: {  	s30 =	sld [smem:$0x0];
	_ =	sdelay $0x2  }
0xc9: {  	s31 =	sshll.u32 s1, $0xD;
	s1 =	sshrl.u32 s1, $0x2  }
0xca: {  	s3 =	sand.u32 $0x4000, s31;
	s1 =	sadd.s32 s1, s30  }
0xcb: {  	s0 =	sor.u32 s3, s0;
	s1 =	sshll.u32 s1, $0x11  }
0xcc: {  	s0 =	sor.u32 s1, s0  }
0xcd: {  	s0 =	sadd.s32 $0x8F2B, s0  }
0xce: {  	[sflag:s0] =	ssyncadd.remote.s32 $0x1  }
0xcf: {  	_ =	sfence.sel $0xFFFF  }
0xd0: {  	[dreg:$0x0] =	wrdreg $0xFFFFFFFF;
	(pc) =	sbr.abs _section_cstart, $3  }
0xd1: {  	[dreg:$0x1] =	wrdreg $0xFFFFFFFF  }
0xd2: {  	_ =	task.clear_ibuf [dreg:s14], $0x2FFFF;
	_ =	strace $0x9FFFFFFF  }
0xd3: {  	(tm) =	ssettm $0x7FFFFFFF  }
tec
execute0_lowered:
.L_overlay_start_1:
0x0: {  	(tag) =	ssettag $0x1  }
0x1: {  	s0 =	rddreg [dreg:$0x0]  }
0x2: {  	s5 =	rddreg [dreg:$0x1]  }
0x3: {  	s6 =	rddreg [dreg:$0x2]  }
0x4: {  	s7 =	rddreg [dreg:$0x3]  }
0x5: {  	s1 =	rddreg [dreg:$0x4]  }
0x6: {  	s8 =	rddreg [dreg:$0x5]  }
0x7: {  	s9 =	rddreg [dreg:$0x6];
	s2 =	srdreg.scid  }
0x8: {  	s10 =	rddreg [dreg:$0x7];
	s14 =	stileid.u32;
	s4 =	sand.u32 $0x1, s2  }
0x9: {  	s11 =	rddreg [dreg:$0x8];
	s3 =	sshll.u32 s14, $0xA;
	s12 =	sshll.u32 s4, $0x9  }
0xa: {  	[dreg:$0xa] =	wrdreg s1;
	s2 =	simm.s32 $0x0;
	s3 =	sor.u32 s12, s3  }
0xb: {  	s15 =	sadd.s32 $0x1400, s8;
	[smem:$0x7FF] =	sst s2;
	s13 =	sshrl.u32 s3, $0x3  }
0xc: {  	_ =	strace $0x80000047;
	[dreg:$0xb] =	wrdreg s15;
	s5 =	sadd.s32 s5, s13  }
0xd: {  	s16 =	sadd.s32 s6, s13;
	[dreg:$0xc] =	wrdreg s5  }
0xe: {  	s17 =	sadd.s32 s7, s13;
	[dreg:$0xd] =	wrdreg s16  }
0xf: {  	s18 =	sadd.s32 s9, s13;
	[dreg:$0xe] =	wrdreg s17  }
0x10: {  	s19 =	sadd.s32 s13, s8;
	s20 =	sadd.s32 s10, s13;
	[dreg:$0xf] =	wrdreg s18  }
0x11: {  	[dreg:$0x10] =	wrdreg s20;
	s21 =	sadd.s32 $0x1600, s19  }
0x12: {  	s22 =	sadd.s32 s11, s13;
	[dreg:$0x11] =	wrdreg s21  }
0x13: {  	s23 =	simm.s32 $0x200;
	[dreg:$0x12] =	wrdreg s22  }
0x14: {  	s24 =	simm.s32 $0x400;
	[dreg:$0x13] =	wrdreg s23  }
0x15: {  	s25 =	simm.s32 $0xD80;
	[dreg:$0x14] =	wrdreg s24  }
0x16: {  	s26 =	simm.s32 $0xE00;
	[dreg:$0x15] =	wrdreg s25  }
0x17: {  	s1 =	simm.s32 $0xE80;
	[dreg:$0x16] =	wrdreg s26  }
0x18: {  	s6 =	simm.s32 $0xF00;
	[dreg:$0x17] =	wrdreg s1  }
0x19: {  	s7 =	simm.s32 $0xF80;
	[dreg:$0x18] =	wrdreg s6  }
0x1a: {  	s8 =	simm.s32 $0x1000;
	[dreg:$0x19] =	wrdreg s7  }
0x1b: {  	s9 =	simm.s32 $0x1080;
	[dreg:$0x1a] =	wrdreg s8  }
0x1c: {  	s10 =	simm.s32 $0x1100;
	[dreg:$0x1b] =	wrdreg s9  }
0x1d: {  	s11 =	simm.s32 $0x1180;
	[dreg:$0x1c] =	wrdreg s10  }
0x1e: {  	s12 =	simm.s32 $0x1200;
	[dreg:$0x1d] =	wrdreg s11  }
0x1f: {  	s13 =	simm.s32 $0x1280;
	[dreg:$0x1e] =	wrdreg s12  }
0x20: {  	s14 =	simm.s32 $0x1300;
	[dreg:$0x1f] =	wrdreg s13  }
0x21: {  	s15 =	simm.s32 $0x1380;
	[smem:$0x619] =	sst s14  }
0x22: {  	s16 =	simm.s32 $0x1400;
	[smem:$0x61A] =	sst s15  }
0x23: {  	s17 =	simm.s32 $0x1480;
	[smem:$0x61B] =	sst s16  }
0x24: {  	s18 =	simm.s32 $0x1500;
	[smem:$0x61C] =	sst s17  }
0x25: {  	s19 =	simm.s32 $0x1580;
	[smem:$0x61D] =	sst s18  }
0x26: {  	s20 =	simm.s32 $0x1600;
	[smem:$0x61E] =	sst s19  }
0x27: {  	[smem:$0x61F] =	sst s20;
	s21 =	simm.s32 $0x1680  }
0x28: {  	s22 =	simm.s32 $0x1700;
	[smem:$0x620] =	sst s21  }
0x29: {  	s23 =	simm.s32 $0x1780;
	[smem:$0x621] =	sst s22  }
0x2a: {  	s24 =	simm.s32 $0x1800;
	[smem:$0x622] =	sst s23  }
0x2b: {  	s25 =	simm.s32 $0x1880;
	[smem:$0x623] =	sst s24  }
0x2c: {  	s26 =	simm.s32 $0x1900;
	[smem:$0x624] =	sst s25  }
0x2d: {  	s1 =	simm.s32 $0x1980;
	[smem:$0x625] =	sst s26  }
0x2e: {  	s6 =	simm.s32 $0x1A00;
	[smem:$0x626] =	sst s1  }
0x2f: {  	s7 =	simm.s32 $0x1A80;
	[smem:$0x627] =	sst s6  }
0x30: {  	s8 =	simm.s32 $0x1B00;
	[smem:$0x628] =	sst s7  }
0x31: {  	s9 =	simm.s32 $0x1B80;
	[smem:$0x629] =	sst s8  }
0x32: {  	s10 =	simm.s32 $0x1C00;
	[smem:$0x62A] =	sst s9  }
0x33: {  	s11 =	simm.s32 $0x1C80;
	[smem:$0x62B] =	sst s10  }
0x34: {  	s12 =	simm.s32 $0x1D00;
	[smem:$0x62C] =	sst s11  }
0x35: {  	s13 =	simm.s32 $0x1D80;
	[smem:$0x62D] =	sst s12  }
0x36: {  	s14 =	simm.s32 $0x1E00;
	[smem:$0x62E] =	sst s13  }
0x37: {  	s15 =	simm.s32 $0x1E80;
	[smem:$0x62F] =	sst s14  }
0x38: {  	s16 =	simm.s32 $0x1F00;
	[smem:$0x630] =	sst s15  }
0x39: {  	s17 =	simm.s32 $0x1F80;
	[smem:$0x631] =	sst s16  }
0x3a: {  	s18 =	simm.s32 $0x2000;
	[smem:$0x632] =	sst s17  }
0x3b: {  	s19 =	simm.s32 $0x2080;
	[smem:$0x633] =	sst s18  }
0x3c: {  	s20 =	simm.s32 $0x2100;
	[smem:$0x634] =	sst s19  }
0x3d: {  	[smem:$0x635] =	sst s20;
	s21 =	simm.s32 $0x2180  }
0x3e: {  	s22 =	simm.s32 $0x2200;
	[smem:$0x636] =	sst s21  }
0x3f: {  	s23 =	simm.s32 $0x2280;
	[smem:$0x637] =	sst s22  }
0x40: {  	s24 =	simm.s32 $0x2300;
	[smem:$0x638] =	sst s23  }
0x41: {  	s25 =	simm.s32 $0x2380;
	[smem:$0x639] =	sst s24  }
0x42: {  	s26 =	simm.s32 $0x2400;
	[smem:$0x63A] =	sst s25  }
0x43: {  	s1 =	simm.s32 $0x2480;
	[smem:$0x63B] =	sst s26  }
0x44: {  	s6 =	simm.s32 $0x2500;
	[smem:$0x63C] =	sst s1  }
0x45: {  	s7 =	simm.s32 $0x2580;
	[smem:$0x63D] =	sst s6  }
0x46: {  	s8 =	simm.s32 $0x2600;
	[smem:$0x63E] =	sst s7  }
0x47: {  	s9 =	simm.s32 $0x2680;
	[smem:$0x63F] =	sst s8  }
0x48: {  	s10 =	simm.s32 $0x2700;
	[smem:$0x640] =	sst s9  }
0x49: {  	s11 =	simm.s32 $0x2780;
	[smem:$0x641] =	sst s10  }
0x4a: {  	s12 =	simm.s32 $0x2800;
	[smem:$0x642] =	sst s11  }
0x4b: {  	s13 =	simm.s32 $0x2880;
	[smem:$0x643] =	sst s12  }
0x4c: {  	s14 =	simm.s32 $0x2900;
	[smem:$0x644] =	sst s13  }
0x4d: {  	s15 =	simm.s32 $0x2980;
	[smem:$0x645] =	sst s14  }
0x4e: {  	s16 =	simm.s32 $0x2A00;
	[smem:$0x646] =	sst s15  }
0x4f: {  	s17 =	simm.s32 $0x2A80;
	[smem:$0x647] =	sst s16  }
0x50: {  	s18 =	simm.s32 $0x2B00;
	[smem:$0x648] =	sst s17  }
0x51: {  	s19 =	simm.s32 $0x2B80;
	[smem:$0x649] =	sst s18  }
0x52: {  	s20 =	simm.s32 $0x2C00;
	[smem:$0x64A] =	sst s19  }
0x53: {  	[smem:$0x64B] =	sst s20;
	s21 =	simm.s32 $0x2C80  }
0x54: {  	s22 =	simm.s32 $0x2D00;
	[smem:$0x64C] =	sst s21  }
0x55: {  	s23 =	simm.s32 $0x2D80;
	[smem:$0x64D] =	sst s22  }
0x56: {  	s24 =	simm.s32 $0x2E00;
	[smem:$0x64E] =	sst s23  }
0x57: {  	s25 =	simm.s32 $0x2E80;
	[smem:$0x64F] =	sst s24  }
0x58: {  	s26 =	simm.s32 $0x2F00;
	[smem:$0x650] =	sst s25  }
0x59: {  	s1 =	simm.s32 $0x2F80;
	[smem:$0x651] =	sst s26  }
0x5a: {  	s6 =	simm.s32 $0x3000;
	[smem:$0x652] =	sst s1  }
0x5b: {  	s7 =	simm.s32 $0x3080;
	[smem:$0x653] =	sst s6  }
0x5c: {  	s8 =	simm.s32 $0x3100;
	[smem:$0x654] =	sst s7  }
0x5d: {  	s9 =	simm.s32 $0x3180;
	[smem:$0x655] =	sst s8  }
0x5e: {  	s10 =	simm.s32 $0x3200;
	[smem:$0x656] =	sst s9  }
0x5f: {  	s11 =	simm.s32 $0x3280;
	[smem:$0x657] =	sst s10  }
0x60: {  	s12 =	simm.s32 $0x3300;
	[smem:$0x658] =	sst s11  }
0x61: {  	s13 =	simm.s32 $0x3380;
	[smem:$0x659] =	sst s12  }
0x62: {  	s14 =	simm.s32 $0x3400;
	[smem:$0x65A] =	sst s13  }
0x63: {  	s15 =	simm.s32 $0x3480;
	[smem:$0x65B] =	sst s14  }
0x64: {  	s16 =	simm.s32 $0x3500;
	[smem:$0x65C] =	sst s15  }
0x65: {  	s17 =	simm.s32 $0x3580;
	[smem:$0x65D] =	sst s16  }
0x66: {  	s18 =	simm.s32 $0x3600;
	[smem:$0x65E] =	sst s17  }
0x67: {  	s19 =	simm.s32 $0x3680;
	[smem:$0x65F] =	sst s18  }
0x68: {  	s20 =	simm.s32 $0x3700;
	[smem:$0x660] =	sst s19  }
0x69: {  	[smem:$0x661] =	sst s20;
	s21 =	simm.s32 $0x3780  }
0x6a: {  	s22 =	simm.s32 $0x3800;
	[smem:$0x662] =	sst s21  }
0x6b: {  	s23 =	simm.s32 $0x3880;
	[smem:$0x663] =	sst s22  }
0x6c: {  	s24 =	simm.s32 $0x3900;
	[smem:$0x664] =	sst s23  }
0x6d: {  	s25 =	simm.s32 $0x3980;
	[smem:$0x665] =	sst s24  }
0x6e: {  	s26 =	simm.s32 $0x3A00;
	[smem:$0x666] =	sst s25  }
0x6f: {  	s1 =	simm.s32 $0x3A80;
	[smem:$0x667] =	sst s26  }
0x70: {  	s6 =	simm.s32 $0x3B00;
	[smem:$0x668] =	sst s1  }
0x71: {  	s7 =	simm.s32 $0x3B80;
	[smem:$0x669] =	sst s6  }
0x72: {  	s8 =	simm.s32 $0x3C00;
	[smem:$0x66A] =	sst s7  }
0x73: {  	s9 =	simm.s32 $0x3C80;
	[smem:$0x66B] =	sst s8  }
0x74: {  	s10 =	simm.s32 $0x3D00;
	[smem:$0x66C] =	sst s9  }
0x75: {  	s11 =	simm.s32 $0x3D80;
	[smem:$0x66D] =	sst s10  }
0x76: {  	s12 =	simm.s32 $0x3E00;
	[smem:$0x66E] =	sst s11  }
0x77: {  	s13 =	simm.s32 $0x3E80;
	[smem:$0x66F] =	sst s12  }
0x78: {  	s14 =	simm.s32 $0x3F00;
	[smem:$0x670] =	sst s13  }
0x79: {  	s15 =	simm.s32 $0x3F80;
	[smem:$0x671] =	sst s14  }
0x7a: {  	s16 =	simm.s32 $0x4000;
	[smem:$0x672] =	sst s15  }
0x7b: {  	s17 =	simm.s32 $0x4080;
	[smem:$0x673] =	sst s16  }
0x7c: {  	s18 =	simm.s32 $0x4100;
	[smem:$0x674] =	sst s17  }
0x7d: {  	s19 =	simm.s32 $0x4180;
	[smem:$0x675] =	sst s18  }
0x7e: {  	s20 =	simm.s32 $0x4200;
	[smem:$0x676] =	sst s19  }
0x7f: {  	[smem:$0x677] =	sst s20;
	s21 =	simm.s32 $0x4280  }
0x80: {  	s22 =	simm.s32 $0x4300;
	[smem:$0x678] =	sst s21  }
0x81: {  	s23 =	simm.s32 $0x4380;
	[smem:$0x679] =	sst s22  }
0x82: {  	s24 =	simm.s32 $0x4400;
	[smem:$0x67A] =	sst s23  }
0x83: {  	s25 =	simm.s32 $0x4480;
	[smem:$0x67B] =	sst s24  }
0x84: {  	s26 =	simm.s32 $0x4500;
	[smem:$0x67C] =	sst s25  }
0x85: {  	s1 =	simm.s32 $0x4580;
	[smem:$0x67D] =	sst s26  }
0x86: {  	s6 =	simm.s32 $0x4600;
	[smem:$0x67E] =	sst s1  }
0x87: {  	s7 =	simm.s32 $0x4680;
	[smem:$0x67F] =	sst s6  }
0x88: {  	s8 =	simm.s32 $0x4700;
	[smem:$0x680] =	sst s7  }
0x89: {  	s9 =	simm.s32 $0x4780;
	[smem:$0x681] =	sst s8  }
0x8a: {  	s10 =	simm.s32 $0x4800;
	[smem:$0x682] =	sst s9  }
0x8b: {  	s11 =	simm.s32 $0x4880;
	[smem:$0x683] =	sst s10  }
0x8c: {  	s12 =	simm.s32 $0x4900;
	[smem:$0x684] =	sst s11  }
0x8d: {  	s13 =	simm.s32 $0x4980;
	[smem:$0x685] =	sst s12  }
0x8e: {  	s14 =	simm.s32 $0x4A00;
	[smem:$0x686] =	sst s13  }
0x8f: {  	s15 =	simm.s32 $0x4A80;
	[smem:$0x687] =	sst s14  }
0x90: {  	s16 =	simm.s32 $0x4B00;
	[smem:$0x688] =	sst s15  }
0x91: {  	s17 =	simm.s32 $0x4B80;
	[smem:$0x689] =	sst s16  }
0x92: {  	s18 =	simm.s32 $0x4C00;
	[smem:$0x68A] =	sst s17  }
0x93: {  	s19 =	simm.s32 $0x4C80;
	[smem:$0x68B] =	sst s18  }
0x94: {  	s20 =	simm.s32 $0x4D00;
	[smem:$0x68C] =	sst s19  }
0x95: {  	[smem:$0x68D] =	sst s20;
	s21 =	simm.s32 $0x4D80  }
0x96: {  	s22 =	simm.s32 $0x4E00;
	[smem:$0x68E] =	sst s21  }
0x97: {  	s23 =	simm.s32 $0x4E80;
	[smem:$0x68F] =	sst s22  }
0x98: {  	s24 =	simm.s32 $0x4F00;
	[smem:$0x690] =	sst s23  }
0x99: {  	s25 =	simm.s32 $0x4F80;
	[smem:$0x691] =	sst s24  }
0x9a: {  	s26 =	simm.s32 $0x5000;
	[smem:$0x692] =	sst s25  }
0x9b: {  	s1 =	simm.s32 $0x5080;
	[smem:$0x693] =	sst s26  }
0x9c: {  	s6 =	simm.s32 $0x5100;
	[smem:$0x694] =	sst s1  }
0x9d: {  	s7 =	simm.s32 $0x5180;
	[smem:$0x695] =	sst s6  }
0x9e: {  	s8 =	simm.s32 $0x5200;
	[smem:$0x696] =	sst s7  }
0x9f: {  	s9 =	simm.s32 $0x5280;
	[smem:$0x697] =	sst s8  }
0xa0: {  	s10 =	simm.s32 $0x5300;
	[smem:$0x698] =	sst s9  }
0xa1: {  	s11 =	simm.s32 $0x5380;
	[smem:$0x699] =	sst s10  }
0xa2: {  	s12 =	simm.s32 $0x5400;
	[smem:$0x69A] =	sst s11  }
0xa3: {  	s13 =	simm.s32 $0x5480;
	[smem:$0x69B] =	sst s12  }
0xa4: {  	s14 =	simm.s32 $0x5500;
	[smem:$0x69C] =	sst s13  }
0xa5: {  	s15 =	simm.s32 $0x5580;
	[smem:$0x69D] =	sst s14  }
0xa6: {  	s16 =	simm.s32 $0x5600;
	[smem:$0x69E] =	sst s15  }
0xa7: {  	s17 =	simm.s32 $0x5680;
	[smem:$0x69F] =	sst s16  }
0xa8: {  	s18 =	simm.s32 $0x5700;
	[smem:$0x6A0] =	sst s17  }
0xa9: {  	s19 =	simm.s32 $0x5780;
	[smem:$0x6A1] =	sst s18  }
0xaa: {  	s20 =	simm.s32 $0x5800;
	[smem:$0x6A2] =	sst s19  }
0xab: {  	[smem:$0x6A3] =	sst s20;
	s21 =	simm.s32 $0x5880  }
0xac: {  	s22 =	simm.s32 $0x5900;
	[smem:$0x6A4] =	sst s21  }
0xad: {  	s23 =	simm.s32 $0x5980;
	[smem:$0x6A5] =	sst s22  }
0xae: {  	s24 =	simm.s32 $0x5A00;
	[smem:$0x6A6] =	sst s23  }
0xaf: {  	s25 =	simm.s32 $0x5A80;
	[smem:$0x6A7] =	sst s24  }
0xb0: {  	s26 =	simm.s32 $0x5B00;
	[smem:$0x6A8] =	sst s25  }
0xb1: {  	s1 =	simm.s32 $0x5B80;
	[smem:$0x6A9] =	sst s26  }
0xb2: {  	s6 =	simm.s32 $0x5C00;
	[smem:$0x6AA] =	sst s1  }
0xb3: {  	s7 =	simm.s32 $0x5C80;
	[smem:$0x6AB] =	sst s6  }
0xb4: {  	s8 =	simm.s32 $0x5D00;
	[smem:$0x6AC] =	sst s7  }
0xb5: {  	s9 =	simm.s32 $0x5D80;
	[smem:$0x6AD] =	sst s8  }
0xb6: {  	s10 =	simm.s32 $0x5E00;
	[smem:$0x6AE] =	sst s9  }
0xb7: {  	s11 =	simm.s32 $0x5E80;
	[smem:$0x6AF] =	sst s10  }
0xb8: {  	s12 =	simm.s32 $0x5F00;
	[smem:$0x6B0] =	sst s11  }
0xb9: {  	s13 =	simm.s32 $0x5F80;
	[smem:$0x6B1] =	sst s12  }
0xba: {  	s14 =	simm.s32 $0x6000;
	[smem:$0x6B2] =	sst s13  }
0xbb: {  	s15 =	simm.s32 $0x6080;
	[smem:$0x6B3] =	sst s14  }
0xbc: {  	s16 =	simm.s32 $0x6100;
	[smem:$0x6B4] =	sst s15  }
0xbd: {  	s17 =	simm.s32 $0x6180;
	[smem:$0x6B5] =	sst s16  }
0xbe: {  	s18 =	simm.s32 $0x6200;
	[smem:$0x6B6] =	sst s17  }
0xbf: {  	s19 =	simm.s32 $0x6280;
	[smem:$0x6B7] =	sst s18  }
0xc0: {  	s20 =	simm.s32 $0x6300;
	[smem:$0x6B8] =	sst s19  }
0xc1: {  	[smem:$0x6B9] =	sst s20;
	s21 =	simm.s32 $0x6380  }
0xc2: {  	s22 =	simm.s32 $0x6400;
	[smem:$0x6BA] =	sst s21  }
0xc3: {  	s23 =	simm.s32 $0x6480;
	[smem:$0x6BB] =	sst s22  }
0xc4: {  	s24 =	simm.s32 $0x6500;
	[smem:$0x6BC] =	sst s23  }
0xc5: {  	s25 =	simm.s32 $0x6580;
	[smem:$0x6BD] =	sst s24  }
0xc6: {  	s26 =	simm.s32 $0x6600;
	[smem:$0x6BE] =	sst s25  }
0xc7: {  	s1 =	simm.s32 $0x6680;
	[smem:$0x6BF] =	sst s26  }
0xc8: {  	s6 =	simm.s32 $0x6700;
	[smem:$0x6C0] =	sst s1  }
0xc9: {  	s7 =	simm.s32 $0x6780;
	[smem:$0x6C1] =	sst s6  }
0xca: {  	s8 =	simm.s32 $0x6800;
	[smem:$0x6C2] =	sst s7  }
0xcb: {  	s9 =	simm.s32 $0x6880;
	[smem:$0x6C3] =	sst s8  }
0xcc: {  	s10 =	simm.s32 $0x6900;
	[smem:$0x6C4] =	sst s9  }
0xcd: {  	s11 =	simm.s32 $0x6980;
	[smem:$0x6C5] =	sst s10  }
0xce: {  	s12 =	simm.s32 $0x6A00;
	[smem:$0x6C6] =	sst s11  }
0xcf: {  	s13 =	simm.s32 $0x6A80;
	[smem:$0x6C7] =	sst s12  }
0xd0: {  	s14 =	simm.s32 $0x6B00;
	[smem:$0x6C8] =	sst s13  }
0xd1: {  	s15 =	simm.s32 $0x6B80;
	[smem:$0x6C9] =	sst s14  }
0xd2: {  	s16 =	simm.s32 $0x6C00;
	[smem:$0x6CA] =	sst s15  }
0xd3: {  	s17 =	simm.s32 $0x6C80;
	[smem:$0x6CB] =	sst s16  }
0xd4: {  	s18 =	simm.s32 $0x6D00;
	[smem:$0x6CC] =	sst s17  }
0xd5: {  	s19 =	simm.s32 $0x6D80;
	[smem:$0x6CD] =	sst s18  }
0xd6: {  	s20 =	simm.s32 $0x6E00;
	[smem:$0x6CE] =	sst s19  }
0xd7: {  	[smem:$0x6CF] =	sst s20;
	s21 =	simm.s32 $0x6E80  }
0xd8: {  	s22 =	simm.s32 $0x6F00;
	[smem:$0x6D0] =	sst s21  }
0xd9: {  	s23 =	simm.s32 $0x6F80;
	[smem:$0x6D1] =	sst s22  }
0xda: {  	s24 =	simm.s32 $0x7000;
	[smem:$0x6D2] =	sst s23  }
0xdb: {  	s25 =	simm.s32 $0x7080;
	[smem:$0x6D3] =	sst s24  }
0xdc: {  	s26 =	simm.s32 $0x7100;
	[smem:$0x6D4] =	sst s25  }
0xdd: {  	s1 =	simm.s32 $0x7180;
	[smem:$0x6D5] =	sst s26  }
0xde: {  	s6 =	simm.s32 $0x7200;
	[smem:$0x6D6] =	sst s1  }
0xdf: {  	s7 =	simm.s32 $0x7280;
	[smem:$0x6D7] =	sst s6  }
0xe0: {  	s8 =	simm.s32 $0x7300;
	[smem:$0x6D8] =	sst s7  }
0xe1: {  	s9 =	simm.s32 $0x7380;
	[smem:$0x6D9] =	sst s8  }
0xe2: {  	s10 =	simm.s32 $0x7400;
	[smem:$0x6DA] =	sst s9  }
0xe3: {  	s11 =	simm.s32 $0x7480;
	[smem:$0x6DB] =	sst s10  }
0xe4: {  	s12 =	simm.s32 $0x7500;
	[smem:$0x6DC] =	sst s11  }
0xe5: {  	s13 =	simm.s32 $0x7580;
	[smem:$0x6DD] =	sst s12  }
0xe6: {  	s14 =	simm.s32 $0x7600;
	[smem:$0x6DE] =	sst s13  }
0xe7: {  	s15 =	simm.s32 $0x7680;
	[smem:$0x6DF] =	sst s14  }
0xe8: {  	s16 =	simm.s32 $0x7700;
	[smem:$0x6E0] =	sst s15  }
0xe9: {  	s17 =	simm.s32 $0x7780;
	[smem:$0x6E1] =	sst s16  }
0xea: {  	s18 =	simm.s32 $0x7800;
	[smem:$0x6E2] =	sst s17  }
0xeb: {  	s19 =	simm.s32 $0x7880;
	[smem:$0x6E3] =	sst s18  }
0xec: {  	s20 =	simm.s32 $0x7900;
	[smem:$0x6E4] =	sst s19  }
0xed: {  	[smem:$0x6E5] =	sst s20;
	s21 =	simm.s32 $0x7980  }
0xee: {  	s22 =	simm.s32 $0x7A00;
	[smem:$0x6E6] =	sst s21  }
0xef: {  	s23 =	simm.s32 $0x7A80;
	[smem:$0x6E7] =	sst s22  }
0xf0: {  	s24 =	simm.s32 $0x7B00;
	[smem:$0x6E8] =	sst s23  }
0xf1: {  	s25 =	simm.s32 $0x7B80;
	[smem:$0x6E9] =	sst s24  }
0xf2: {  	s26 =	simm.s32 $0x7C00;
	[smem:$0x6EA] =	sst s25  }
0xf3: {  	s1 =	simm.s32 $0x7C80;
	[smem:$0x6EB] =	sst s26  }
0xf4: {  	s6 =	simm.s32 $0x7D00;
	[smem:$0x6EC] =	sst s1  }
0xf5: {  	s7 =	simm.s32 $0x7D80;
	[smem:$0x6ED] =	sst s6  }
0xf6: {  	s8 =	simm.s32 $0x7E00;
	[smem:$0x6EE] =	sst s7  }
0xf7: {  	s9 =	simm.s32 $0x7E80;
	[smem:$0x6EF] =	sst s8  }
0xf8: {  	s10 =	simm.s32 $0x7F00;
	[smem:$0x6F0] =	sst s9  }
0xf9: {  	s11 =	simm.s32 $0x7F80;
	[smem:$0x6F1] =	sst s10  }
0xfa: {  	s12 =	simm.s32 $0x8000;
	[smem:$0x6F2] =	sst s11  }
0xfb: {  	s13 =	simm.s32 $0x8080;
	[smem:$0x6F3] =	sst s12  }
0xfc: {  	s14 =	simm.s32 $0x8100;
	[smem:$0x6F4] =	sst s13  }
0xfd: {  	s15 =	simm.s32 $0x8180;
	[smem:$0x6F5] =	sst s14  }
0xfe: {  	s16 =	simm.s32 $0x8200;
	[smem:$0x6F6] =	sst s15  }
0xff: {  	s17 =	simm.s32 $0x8280;
	[smem:$0x6F7] =	sst s16  }
0x100: {  	s18 =	simm.s32 $0x8300;
	[smem:$0x6F8] =	sst s17  }
0x101: {  	s19 =	simm.s32 $0x8380;
	[smem:$0x6F9] =	sst s18  }
0x102: {  	s20 =	simm.s32 $0x8400;
	[smem:$0x6FA] =	sst s19  }
0x103: {  	[smem:$0x6FB] =	sst s20;
	s21 =	simm.s32 $0x8480  }
0x104: {  	s22 =	simm.s32 $0x8500;
	[smem:$0x6FC] =	sst s21  }
0x105: {  	s23 =	simm.s32 $0x8580;
	[smem:$0x6FD] =	sst s22  }
0x106: {  	s24 =	simm.s32 $0x8600;
	[smem:$0x6FE] =	sst s23  }
0x107: {  	s25 =	simm.s32 $0x8680;
	[smem:$0x6FF] =	sst s24  }
0x108: {  	s26 =	simm.s32 $0x8700;
	[smem:$0x700] =	sst s25  }
0x109: {  	s1 =	simm.s32 $0x8780;
	[smem:$0x701] =	sst s26  }
0x10a: {  	s6 =	simm.s32 $0x8800;
	[smem:$0x702] =	sst s1  }
0x10b: {  	s7 =	simm.s32 $0x8880;
	[smem:$0x703] =	sst s6  }
0x10c: {  	s8 =	simm.s32 $0x8900;
	[smem:$0x704] =	sst s7  }
0x10d: {  	s9 =	simm.s32 $0x8980;
	[smem:$0x705] =	sst s8  }
0x10e: {  	s10 =	simm.s32 $0x8A00;
	[smem:$0x706] =	sst s9  }
0x10f: {  	s11 =	simm.s32 $0x8A80;
	[smem:$0x707] =	sst s10  }
0x110: {  	s12 =	simm.s32 $0x8B00;
	[smem:$0x708] =	sst s11  }
0x111: {  	s13 =	simm.s32 $0x8B80;
	[smem:$0x709] =	sst s12  }
0x112: {  	s14 =	simm.s32 $0x9000;
	[smem:$0x70A] =	sst s13  }
0x113: {  	s15 =	simm.s32 $0xA700;
	[smem:$0x70B] =	sst s14  }
0x114: {  	s16 =	simm.s32 $0x10480;
	[smem:$0x70C] =	sst s15  }
0x115: {  	s17 =	simm.s32 $0xA680;
	[smem:$0x70D] =	sst s16  }
0x116: {  	s18 =	simm.s32 $0x8C00;
	[smem:$0x70E] =	sst s17  }
0x117: {  	s19 =	simm.s32 $0x8C80;
	[smem:$0x70F] =	sst s18  }
0x118: {  	s20 =	simm.s32 $0xB000;
	[smem:$0x710] =	sst s19  }
0x119: {  	s21 =	simm.s32 $0x9780;
	[smem:$0x711] =	sst s20  }
0x11a: {  	s22 =	simm.s32 $0x10400;
	[smem:$0x712] =	sst s21  }
0x11b: {  	s23 =	simm.s32 $0x10300;
	[smem:$0x713] =	sst s22  }
0x11c: {  	s24 =	simm.s32 $0x8D00;
	[smem:$0x714] =	sst s23  }
0x11d: {  	s25 =	simm.s32 $0x10380;
	[smem:$0x715] =	sst s24  }
0x11e: {  	s26 =	simm.s32 $0x8D80;
	[smem:$0x716] =	sst s25  }
0x11f: {  	s1 =	simm.s32 $0x8E00;
	[smem:$0x717] =	sst s26  }
0x120: {  	s7 =	simm.s32 $0x10280;
	[smem:$0x718] =	sst s1  }
0x121: {  	s8 =	simm.s32 $0x8E80;
	[smem:$0x719] =	sst s7  }
0x122: {  	s9 =	simm.s32 $0x8F00;
	[smem:$0x71A] =	sst s8  }
0x123: {  	s10 =	simm.s32 $0xAB00;
	[smem:$0x71B] =	sst s9  }
0x124: {  	s11 =	simm.s32 $0xAA80;
	[smem:$0x71C] =	sst s10  }
0x125: {  	s12 =	simm.s32 $0xAA00;
	[smem:$0x71D] =	sst s11  }
0x126: {  	s13 =	simm.s32 $0xA980;
	[smem:$0x71E] =	sst s12  }
0x127: {  	s14 =	simm.s32 $0xA900;
	[smem:$0x71F] =	sst s13  }
0x128: {  	s15 =	simm.s32 $0xA880;
	[smem:$0x720] =	sst s14  }
0x129: {  	s16 =	simm.s32 $0xA800;
	[smem:$0x721] =	sst s15  }
0x12a: {  	s17 =	simm.s32 $0xA780;
	[smem:$0x722] =	sst s16  }
0x12b: {  	s18 =	simm.s32 $0x8F80;
	[smem:$0x723] =	sst s17  }
0x12c: {  	s19 =	simm.s32 $0x9800;
	[smem:$0x724] =	sst s18  }
0x12d: {  	s20 =	simm.s32 $0x9880;
	[smem:$0x725] =	sst s19  }
0x12e: {  	s21 =	simm.s32 $0x9900;
	[smem:$0x726] =	sst s20  }
0x12f: {  	s22 =	simm.s32 $0x9980;
	[smem:$0x727] =	sst s21  }
0x130: {  	s23 =	simm.s32 $0xAE80;
	[smem:$0x728] =	sst s22  }
0x131: {  	s24 =	simm.s32 $0xAF00;
	[smem:$0x729] =	sst s23  }
0x132: {  	s25 =	simm.s32 $0xAC00;
	[smem:$0x72A] =	sst s24  }
0x133: {  	s26 =	simm.s32 $0xAC80;
	[smem:$0x72B] =	sst s25  }
0x134: {  	s1 =	simm.s32 $0xAD00;
	[smem:$0x72C] =	sst s26  }
0x135: {  	s7 =	simm.s32 $0xAD80;
	[smem:$0x72D] =	sst s1  }
0x136: {  	s8 =	simm.s32 $0xAE00;
	[smem:$0x72E] =	sst s7  }
0x137: {  	s9 =	simm.s32 $0xAF80;
	[smem:$0x72F] =	sst s8  }
0x138: {  	s10 =	simm.s32 $0x9080;
	[smem:$0x730] =	sst s9  }
0x139: {  	s11 =	simm.s32 $0x9100;
	[smem:$0x731] =	sst s10  }
0x13a: {  	s12 =	simm.s32 $0x9180;
	[smem:$0x732] =	sst s11  }
0x13b: {  	s13 =	simm.s32 $0x9200;
	[smem:$0x733] =	sst s12  }
0x13c: {  	s14 =	simm.s32 $0x9280;
	[smem:$0x734] =	sst s13  }
0x13d: {  	s15 =	simm.s32 $0x9300;
	[smem:$0x735] =	sst s14  }
0x13e: {  	s16 =	simm.s32 $0x9380;
	[smem:$0x736] =	sst s15  }
0x13f: {  	s17 =	simm.s32 $0x9400;
	[smem:$0x737] =	sst s16  }
0x140: {  	s18 =	simm.s32 $0x9480;
	[smem:$0x738] =	sst s17  }
0x141: {  	s19 =	simm.s32 $0x9500;
	[smem:$0x739] =	sst s18  }
0x142: {  	s20 =	simm.s32 $0x9580;
	[smem:$0x73A] =	sst s19  }
0x143: {  	s21 =	simm.s32 $0x9600;
	[smem:$0x73B] =	sst s20  }
0x144: {  	s22 =	simm.s32 $0x9680;
	[smem:$0x73C] =	sst s21  }
0x145: {  	s23 =	simm.s32 $0x9700;
	[smem:$0x73D] =	sst s22  }
0x146: {  	s24 =	simm.s32 $0x9A00;
	[smem:$0x73E] =	sst s23  }
0x147: {  	s25 =	simm.s32 $0x9A80;
	[smem:$0x73F] =	sst s24  }
0x148: {  	s26 =	simm.s32 $0x9B00;
	[smem:$0x740] =	sst s25  }
0x149: {  	s1 =	simm.s32 $0x9B80;
	[smem:$0x741] =	sst s26  }
0x14a: {  	s7 =	simm.s32 $0x9C00;
	[smem:$0x742] =	sst s1  }
0x14b: {  	s8 =	simm.s32 $0x9C80;
	[smem:$0x743] =	sst s7  }
0x14c: {  	s9 =	simm.s32 $0x9D00;
	[smem:$0x744] =	sst s8  }
0x14d: {  	s10 =	simm.s32 $0x9D80;
	[smem:$0x745] =	sst s9  }
0x14e: {  	s11 =	simm.s32 $0x9E00;
	[smem:$0x746] =	sst s10  }
0x14f: {  	s12 =	simm.s32 $0x9E80;
	[smem:$0x747] =	sst s11  }
0x150: {  	s13 =	simm.s32 $0x9F00;
	[smem:$0x748] =	sst s12  }
0x151: {  	s14 =	simm.s32 $0x9F80;
	[smem:$0x749] =	sst s13  }
0x152: {  	s15 =	simm.s32 $0xA000;
	[smem:$0x74A] =	sst s14  }
0x153: {  	s16 =	simm.s32 $0xA080;
	[smem:$0x74B] =	sst s15  }
0x154: {  	s17 =	simm.s32 $0xA100;
	[smem:$0x74C] =	sst s16  }
0x155: {  	s18 =	simm.s32 $0xA180;
	[smem:$0x74D] =	sst s17  }
0x156: {  	s19 =	simm.s32 $0xA200;
	[smem:$0x74E] =	sst s18  }
0x157: {  	s20 =	simm.s32 $0xA280;
	[smem:$0x74F] =	sst s19  }
0x158: {  	s21 =	simm.s32 $0xA300;
	[smem:$0x750] =	sst s20  }
0x159: {  	s22 =	simm.s32 $0xA380;
	[smem:$0x751] =	sst s21  }
0x15a: {  	s23 =	simm.s32 $0xA400;
	[smem:$0x752] =	sst s22  }
0x15b: {  	s24 =	simm.s32 $0xA480;
	[smem:$0x753] =	sst s23  }
0x15c: {  	s25 =	simm.s32 $0xA500;
	[smem:$0x754] =	sst s24  }
0x15d: {  	s26 =	simm.s32 $0xA580;
	[smem:$0x755] =	sst s25  }
0x15e: {  	s1 =	simm.s32 $0xA600;
	[smem:$0x756] =	sst s26  }
0x15f: {  	s7 =	simm.s32 $0xAB80;
	[smem:$0x757] =	sst s1  }
0x160: {  	s8 =	simm.s32 $0xB080;
	[smem:$0x758] =	sst s7  }
0x161: {  	s9 =	simm.s32 $0xB100;
	[smem:$0x759] =	sst s8  }
0x162: {  	s10 =	simm.s32 $0xB180;
	[smem:$0x75A] =	sst s9  }
0x163: {  	s11 =	simm.s32 $0xB200;
	[smem:$0x75B] =	sst s10  }
0x164: {  	s12 =	simm.s32 $0xB280;
	[smem:$0x75C] =	sst s11  }
0x165: {  	s13 =	simm.s32 $0xB300;
	[smem:$0x75D] =	sst s12  }
0x166: {  	s14 =	simm.s32 $0xB380;
	[smem:$0x75E] =	sst s13  }
0x167: {  	s15 =	simm.s32 $0xB400;
	[smem:$0x75F] =	sst s14  }
0x168: {  	s16 =	simm.s32 $0xB480;
	[smem:$0x760] =	sst s15  }
0x169: {  	s17 =	simm.s32 $0xB500;
	[smem:$0x761] =	sst s16  }
0x16a: {  	s18 =	simm.s32 $0xB580;
	[smem:$0x762] =	sst s17  }
0x16b: {  	s19 =	simm.s32 $0xB600;
	[smem:$0x763] =	sst s18  }
0x16c: {  	s20 =	simm.s32 $0xB680;
	[smem:$0x764] =	sst s19  }
0x16d: {  	s21 =	simm.s32 $0xB700;
	[smem:$0x765] =	sst s20  }
0x16e: {  	s22 =	simm.s32 $0xB780;
	[smem:$0x766] =	sst s21  }
0x16f: {  	s23 =	simm.s32 $0xB800;
	[smem:$0x767] =	sst s22  }
0x170: {  	s24 =	simm.s32 $0xB880;
	[smem:$0x768] =	sst s23  }
0x171: {  	s25 =	simm.s32 $0xB900;
	[smem:$0x769] =	sst s24  }
0x172: {  	s26 =	simm.s32 $0xB980;
	[smem:$0x76A] =	sst s25  }
0x173: {  	s1 =	simm.s32 $0xBA00;
	[smem:$0x76B] =	sst s26  }
0x174: {  	s7 =	simm.s32 $0xBA80;
	[smem:$0x76C] =	sst s1  }
0x175: {  	s8 =	simm.s32 $0xBB00;
	[smem:$0x76D] =	sst s7  }
0x176: {  	s9 =	simm.s32 $0xBB80;
	[smem:$0x76E] =	sst s8  }
0x177: {  	s10 =	simm.s32 $0xBC00;
	[smem:$0x76F] =	sst s9  }
0x178: {  	s11 =	simm.s32 $0xBC80;
	[smem:$0x770] =	sst s10  }
0x179: {  	s12 =	simm.s32 $0xBD00;
	[smem:$0x771] =	sst s11  }
0x17a: {  	s13 =	simm.s32 $0xBD80;
	[smem:$0x772] =	sst s12  }
0x17b: {  	s14 =	simm.s32 $0xBE00;
	[smem:$0x773] =	sst s13  }
0x17c: {  	s15 =	simm.s32 $0xBE80;
	[smem:$0x774] =	sst s14  }
0x17d: {  	s16 =	simm.s32 $0xBF00;
	[smem:$0x775] =	sst s15  }
0x17e: {  	s17 =	simm.s32 $0xBF80;
	[smem:$0x776] =	sst s16  }
0x17f: {  	s18 =	simm.s32 $0xC000;
	[smem:$0x777] =	sst s17  }
0x180: {  	s19 =	simm.s32 $0xC080;
	[smem:$0x778] =	sst s18  }
0x181: {  	s20 =	simm.s32 $0xC100;
	[smem:$0x779] =	sst s19  }
0x182: {  	s21 =	simm.s32 $0xC180;
	[smem:$0x77A] =	sst s20  }
0x183: {  	s22 =	simm.s32 $0xC200;
	[smem:$0x77B] =	sst s21  }
0x184: {  	s23 =	simm.s32 $0xC280;
	[smem:$0x77C] =	sst s22  }
0x185: {  	s24 =	simm.s32 $0xC300;
	[smem:$0x77D] =	sst s23  }
0x186: {  	s25 =	simm.s32 $0xC380;
	[smem:$0x77E] =	sst s24  }
0x187: {  	s26 =	simm.s32 $0xC400;
	[smem:$0x77F] =	sst s25  }
0x188: {  	s1 =	simm.s32 $0xC480;
	[smem:$0x780] =	sst s26  }
0x189: {  	s7 =	simm.s32 $0xC500;
	[smem:$0x781] =	sst s1  }
0x18a: {  	s8 =	simm.s32 $0xC580;
	[smem:$0x782] =	sst s7  }
0x18b: {  	s9 =	simm.s32 $0xC600;
	[smem:$0x783] =	sst s8  }
0x18c: {  	s10 =	simm.s32 $0xC680;
	[smem:$0x784] =	sst s9  }
0x18d: {  	s11 =	simm.s32 $0xC700;
	[smem:$0x785] =	sst s10  }
0x18e: {  	s12 =	simm.s32 $0xC780;
	[smem:$0x786] =	sst s11  }
0x18f: {  	s13 =	simm.s32 $0xC800;
	[smem:$0x787] =	sst s12  }
0x190: {  	s14 =	simm.s32 $0xC880;
	[smem:$0x788] =	sst s13  }
0x191: {  	s15 =	simm.s32 $0xC900;
	[smem:$0x789] =	sst s14  }
0x192: {  	s16 =	simm.s32 $0xC980;
	[smem:$0x78A] =	sst s15  }
0x193: {  	s17 =	simm.s32 $0xCA00;
	[smem:$0x78B] =	sst s16  }
0x194: {  	s18 =	simm.s32 $0xCA80;
	[smem:$0x78C] =	sst s17  }
0x195: {  	s19 =	simm.s32 $0xCB00;
	[smem:$0x78D] =	sst s18  }
0x196: {  	s20 =	simm.s32 $0xCB80;
	[smem:$0x78E] =	sst s19  }
0x197: {  	s21 =	simm.s32 $0xCC00;
	[smem:$0x78F] =	sst s20  }
0x198: {  	s22 =	simm.s32 $0xCC80;
	[smem:$0x790] =	sst s21  }
0x199: {  	s23 =	simm.s32 $0xCD00;
	[smem:$0x791] =	sst s22  }
0x19a: {  	s24 =	simm.s32 $0xCD80;
	[smem:$0x792] =	sst s23  }
0x19b: {  	s25 =	simm.s32 $0xCE00;
	[smem:$0x793] =	sst s24  }
0x19c: {  	s26 =	simm.s32 $0xCE80;
	[smem:$0x794] =	sst s25  }
0x19d: {  	s1 =	simm.s32 $0xCF00;
	[smem:$0x795] =	sst s26  }
0x19e: {  	s7 =	simm.s32 $0xCF80;
	[smem:$0x796] =	sst s1  }
0x19f: {  	s8 =	simm.s32 $0xD000;
	[smem:$0x797] =	sst s7  }
0x1a0: {  	s9 =	simm.s32 $0xD080;
	[smem:$0x798] =	sst s8  }
0x1a1: {  	s10 =	simm.s32 $0xD100;
	[smem:$0x799] =	sst s9  }
0x1a2: {  	s11 =	simm.s32 $0xD180;
	[smem:$0x79A] =	sst s10  }
0x1a3: {  	s12 =	simm.s32 $0xD200;
	[smem:$0x79B] =	sst s11  }
0x1a4: {  	s13 =	simm.s32 $0xD280;
	[smem:$0x79C] =	sst s12  }
0x1a5: {  	s14 =	simm.s32 $0xD300;
	[smem:$0x79D] =	sst s13  }
0x1a6: {  	s15 =	simm.s32 $0xD380;
	[smem:$0x79E] =	sst s14  }
0x1a7: {  	s16 =	simm.s32 $0xD400;
	[smem:$0x79F] =	sst s15  }
0x1a8: {  	s17 =	simm.s32 $0xD480;
	[smem:$0x7A0] =	sst s16  }
0x1a9: {  	s18 =	simm.s32 $0xD500;
	[smem:$0x7A1] =	sst s17  }
0x1aa: {  	s19 =	simm.s32 $0xD580;
	[smem:$0x7A2] =	sst s18  }
0x1ab: {  	s20 =	simm.s32 $0xD600;
	[smem:$0x7A3] =	sst s19  }
0x1ac: {  	s21 =	simm.s32 $0xD680;
	[smem:$0x7A4] =	sst s20  }
0x1ad: {  	s22 =	simm.s32 $0xD700;
	[smem:$0x7A5] =	sst s21  }
0x1ae: {  	s23 =	simm.s32 $0xD780;
	[smem:$0x7A6] =	sst s22  }
0x1af: {  	s24 =	simm.s32 $0xD800;
	[smem:$0x7A7] =	sst s23  }
0x1b0: {  	s25 =	simm.s32 $0xD880;
	[smem:$0x7A8] =	sst s24  }
0x1b1: {  	s26 =	simm.s32 $0xD900;
	[smem:$0x7A9] =	sst s25  }
0x1b2: {  	s1 =	simm.s32 $0xD980;
	[smem:$0x7AA] =	sst s26  }
0x1b3: {  	s7 =	simm.s32 $0xDA00;
	[smem:$0x7AB] =	sst s1  }
0x1b4: {  	s8 =	simm.s32 $0xDA80;
	[smem:$0x7AC] =	sst s7  }
0x1b5: {  	s9 =	simm.s32 $0xDB00;
	[smem:$0x7AD] =	sst s8  }
0x1b6: {  	s10 =	simm.s32 $0xDB80;
	[smem:$0x7AE] =	sst s9  }
0x1b7: {  	s11 =	simm.s32 $0xDC00;
	[smem:$0x7AF] =	sst s10  }
0x1b8: {  	s12 =	simm.s32 $0xDC80;
	[smem:$0x7B0] =	sst s11  }
0x1b9: {  	s13 =	simm.s32 $0xDD00;
	[smem:$0x7B1] =	sst s12  }
0x1ba: {  	s14 =	simm.s32 $0xDD80;
	[smem:$0x7B2] =	sst s13  }
0x1bb: {  	s15 =	simm.s32 $0xDE00;
	[smem:$0x7B3] =	sst s14  }
0x1bc: {  	s16 =	simm.s32 $0xDE80;
	[smem:$0x7B4] =	sst s15  }
0x1bd: {  	s17 =	simm.s32 $0xDF00;
	[smem:$0x7B5] =	sst s16  }
0x1be: {  	s18 =	simm.s32 $0xDF80;
	[smem:$0x7B6] =	sst s17  }
0x1bf: {  	s19 =	simm.s32 $0xE000;
	[smem:$0x7B7] =	sst s18  }
0x1c0: {  	s20 =	simm.s32 $0xE080;
	[smem:$0x7B8] =	sst s19  }
0x1c1: {  	s21 =	simm.s32 $0xE100;
	[smem:$0x7B9] =	sst s20  }
0x1c2: {  	s22 =	simm.s32 $0xE180;
	[smem:$0x7BA] =	sst s21  }
0x1c3: {  	s23 =	simm.s32 $0xE200;
	[smem:$0x7BB] =	sst s22  }
0x1c4: {  	s24 =	simm.s32 $0xE280;
	[smem:$0x7BC] =	sst s23  }
0x1c5: {  	s25 =	simm.s32 $0xE300;
	[smem:$0x7BD] =	sst s24  }
0x1c6: {  	s26 =	simm.s32 $0xE380;
	[smem:$0x7BE] =	sst s25  }
0x1c7: {  	s1 =	simm.s32 $0xE400;
	[smem:$0x7BF] =	sst s26  }
0x1c8: {  	s7 =	simm.s32 $0xE480;
	[smem:$0x7C0] =	sst s1  }
0x1c9: {  	s8 =	simm.s32 $0xE500;
	[smem:$0x7C1] =	sst s7  }
0x1ca: {  	s9 =	simm.s32 $0xE580;
	[smem:$0x7C2] =	sst s8  }
0x1cb: {  	s10 =	simm.s32 $0xE600;
	[smem:$0x7C3] =	sst s9  }
0x1cc: {  	s11 =	simm.s32 $0xE680;
	[smem:$0x7C4] =	sst s10  }
0x1cd: {  	s12 =	simm.s32 $0xE700;
	[smem:$0x7C5] =	sst s11  }
0x1ce: {  	s13 =	simm.s32 $0xE780;
	[smem:$0x7C6] =	sst s12  }
0x1cf: {  	s14 =	simm.s32 $0xE800;
	[smem:$0x7C7] =	sst s13  }
0x1d0: {  	s15 =	simm.s32 $0xE880;
	[smem:$0x7C8] =	sst s14  }
0x1d1: {  	s16 =	simm.s32 $0xE900;
	[smem:$0x7C9] =	sst s15  }
0x1d2: {  	s17 =	simm.s32 $0xE980;
	[smem:$0x7CA] =	sst s16  }
0x1d3: {  	s18 =	simm.s32 $0xEA00;
	[smem:$0x7CB] =	sst s17  }
0x1d4: {  	s19 =	simm.s32 $0xEA80;
	[smem:$0x7CC] =	sst s18  }
0x1d5: {  	s20 =	simm.s32 $0xEB00;
	[smem:$0x7CD] =	sst s19  }
0x1d6: {  	s21 =	simm.s32 $0xEB80;
	[smem:$0x7CE] =	sst s20  }
0x1d7: {  	s22 =	simm.s32 $0xEC00;
	[smem:$0x7CF] =	sst s21  }
0x1d8: {  	s23 =	simm.s32 $0xEC80;
	[smem:$0x7D0] =	sst s22  }
0x1d9: {  	s24 =	simm.s32 $0xED00;
	[smem:$0x7D1] =	sst s23  }
0x1da: {  	s25 =	simm.s32 $0xED80;
	[smem:$0x7D2] =	sst s24  }
0x1db: {  	s26 =	simm.s32 $0xEE00;
	[smem:$0x7D3] =	sst s25  }
0x1dc: {  	s1 =	simm.s32 $0xEE80;
	[smem:$0x7D4] =	sst s26  }
0x1dd: {  	s7 =	simm.s32 $0xEF00;
	[smem:$0x7D5] =	sst s1  }
0x1de: {  	s8 =	simm.s32 $0xEF80;
	[smem:$0x7D6] =	sst s7  }
0x1df: {  	s9 =	simm.s32 $0xF000;
	[smem:$0x7D7] =	sst s8  }
0x1e0: {  	s10 =	simm.s32 $0xF080;
	[smem:$0x7D8] =	sst s9  }
0x1e1: {  	s11 =	simm.s32 $0xF100;
	[smem:$0x7D9] =	sst s10  }
0x1e2: {  	s12 =	simm.s32 $0xF180;
	[smem:$0x7DA] =	sst s11  }
0x1e3: {  	s13 =	simm.s32 $0xF200;
	[smem:$0x7DB] =	sst s12  }
0x1e4: {  	s14 =	simm.s32 $0xF280;
	[smem:$0x7DC] =	sst s13  }
0x1e5: {  	s15 =	simm.s32 $0xF300;
	[smem:$0x7DD] =	sst s14  }
0x1e6: {  	s16 =	simm.s32 $0xF380;
	[smem:$0x7DE] =	sst s15  }
0x1e7: {  	s17 =	simm.s32 $0xF400;
	[smem:$0x7DF] =	sst s16  }
0x1e8: {  	s18 =	simm.s32 $0xF480;
	[smem:$0x7E0] =	sst s17  }
0x1e9: {  	s19 =	simm.s32 $0xF500;
	[smem:$0x7E1] =	sst s18  }
0x1ea: {  	s20 =	simm.s32 $0xF580;
	[smem:$0x7E2] =	sst s19  }
0x1eb: {  	s21 =	simm.s32 $0xF600;
	[smem:$0x7E3] =	sst s20  }
0x1ec: {  	s22 =	simm.s32 $0xF680;
	[smem:$0x7E4] =	sst s21  }
0x1ed: {  	s23 =	simm.s32 $0xF700;
	[smem:$0x7E5] =	sst s22  }
0x1ee: {  	s24 =	simm.s32 $0xF780;
	[smem:$0x7E6] =	sst s23  }
0x1ef: {  	s25 =	simm.s32 $0xF800;
	[smem:$0x7E7] =	sst s24  }
0x1f0: {  	s26 =	simm.s32 $0xF880;
	[smem:$0x7E8] =	sst s25  }
0x1f1: {  	s1 =	simm.s32 $0xF900;
	[smem:$0x7E9] =	sst s26  }
0x1f2: {  	s7 =	simm.s32 $0xF980;
	[smem:$0x7EA] =	sst s1  }
0x1f3: {  	s8 =	simm.s32 $0xFA00;
	[smem:$0x7EB] =	sst s7  }
0x1f4: {  	s28 =	simm.s32 $0x2;
	s9 =	simm.s32 $0xFA80;
	[smem:$0x7EC] =	sst s8  }
0x1f5: {  	s29 =	simm.s32 $0x10580;
	s10 =	simm.s32 $0xFB00;
	[smem:$0x7ED] =	sst s9  }
0x1f6: {  	s30 =	simm.s32 $0x10F00;
	s11 =	simm.s32 $0xFB80;
	[smem:$0x7EE] =	sst s10  }
0x1f7: {  	s31 =	simm.s32 $0x11100;
	s12 =	simm.s32 $0xFC00;
	[smem:$0x7EF] =	sst s11  }
0x1f8: {  	s4 =	ssub.s32 $0x2, s4;
	s13 =	simm.s32 $0xFC80;
	[smem:$0x7F0] =	sst s12  }
0x1f9: {  	v0 =	vimm.s32 $0x0;
	v1 =	vimm.s32 $0x6;
	v12 =	vlaneseq.u32;
	s3 =	sadd.s32 s0, s3;
	s14 =	simm.s32 $0xFD00;
	[smem:$0x7F1] =	sst s13  }
0x1fa: {  	v2 =	vimm.s32 $0x7;
	vm0 =	vmmov $0x1;
	v4 =	vimm.s32 $0x1;
	s0 =	simm.s32 $0x11300;
	s15 =	simm.s32 $0xFD80;
	[smem:$0x7F2] =	sst s14  }
0x1fb: {  	v5 =	vimm.s32 $0x2;
	v6 =	vimm.s32 $0x3;
	v7 =	vimm.s32 $0x4;
	s5 =	sadd.s32 $0x180, s3;
	s16 =	simm.s32 $0xFE00;
	[smem:$0x7F3] =	sst s15  }
0x1fc: {  	v8 =	vimm.s32 $0x5;
	v9 =	vimm.s32 $0x8;
	v10 =	vimm.s32 $0x9;
	s17 =	simm.s32 $0xFE80;
	s18 =	sshrl.u32 s4, $0x1;
	[smem:$0x7F4] =	sst s16  }
0x1fd: {  	v11 =	vimm.s32 $0xA;
	v3 =	vmul.u32 $0x8, v12;
	v12 =	vmul.u32 $0x81, v12;
	s19 =	simm.s32 $0xFF00;
	s20 =	simm.s32 $0xFF80;
	[smem:$0x7F5] =	sst s17  }
0x1fe: {  	v13 =	vimm.s32 $0xB;
	v14 =	vimm.s32 $0xC;
	v15 =	vimm.s32 $0xD;
	s6 =	ssub.s32 s4, s18;
	[smem:$0x7F6] =	sst s19;
	s21 =	simm.s32 $0x10000  }
0x1ff: {  	v16 =	vimm.s32 $0xE;
	v39 =	vimm.s32 $0xF;
	v17 =	vadd.s32 $0x810, v12;
	[smem:$0x7F7] =	sst s20;
	s4 =	sadd.s32 $0x80, s3;
	s22 =	simm.s32 $0x10080  }
0x200: {  	v18 =	vadd.s32 $0x1020, v12;
	v19 =	vadd.s32 $0x2850, v12;
	v20 =	vadd.s32 $0x3060, v12;
	s23 =	simm.s32 $0x10100;
	s24 =	simm.s32 $0x10180;
	s7 =	simm.s32 $0x600  }
0x201: {  	v21 =	vadd.s32 $0x3870, v12;
	v22 =	vor.u32 $0x4000, v12;
	v23 =	vadd.s32 $0x4810, v12;
	s25 =	simm.s32 $0x10200;
	s8 =	simm.s32 $0x680;
	s9 =	simm.s32 $0xD00  }
0x202: {  	v24 =	vadd.s32 $0x5020, v12;
	v25 =	vadd.s32 $0x5830, v12;
	v26 =	vadd.s32 $0x6040, v12;
	s26 =	simm.s32 $0x10500;
	s11 =	simm.s32 $0x10B00;
	[smem:$0x7F8] =	sst s21  }
0x203: {  	v27 =	vadd.s32 $0x2040, v12;
	v28 =	vadd.s32 $0x6850, v12;
	v29 =	vadd.s32 $0x7060, v12;
	s12 =	simm.s32 $0x10B80;
	s13 =	simm.s32 $0x10C00;
	[smem:$0x7F9] =	sst s22  }
0x204: {  	v30 =	vadd.s32 $0x7870, v12;
	v31 =	vor.u32 $0x8000, v12;
	v32 =	vadd.s32 $0x8810, v12;
	s14 =	simm.s32 $0x10C80;
	s15 =	simm.s32 $0x1;
	[smem:$0x7FA] =	sst s23  }
0x205: {  	v33 =	vadd.s32 $0x1830, v12;
	v34 =	vadd.s32 $0x9020, v12;
	v35 =	vadd.s32 $0x9830, v12;
	s16 =	simm.s32 $0x10D00;
	s17 =	simm.s32 $0x10980;
	[smem:$0x7FB] =	sst s24  }
0x206: {  	v36 =	vadd.s32 $0xA040, v12;
	v37 =	vadd.s32 $0xA850, v12;
	v38 =	vadd.s32 $0xB060, v12;
	s18 =	simm.s32 $0x10A00;
	s19 =	simm.s32 $0x10A80;
	[smem:$0x7FC] =	sst s25  }
0x207: {  	v40 =	vadd.s32 $0xB870, v12;
	v41 =	vor.u32 $0xC000, v12;
	v42 =	vadd.s32 $0xC810, v12;
	s20 =	simm.s32 $0x10900;
	s6 =	smax.u32 s6, $0x1;
	[smem:$0x7FD] =	sst s26  }
0x208: {  	v43 =	vadd.s32 $0xD020, v12;
	v44 =	vadd.s32 $0xD830, v12;
	v45 =	vadd.s32 $0xE040, v12;
	s21 =	simm.s32 $0x10600;
	s22 =	simm.s32 $0x10680;
	s23 =	simm.s32 $0x10700  }
0x209: {  	v46 =	vadd.s32 $0xE850, v12;
	v47 =	vadd.s32 $0xF060, v12;
	v48 =	vadd.s32 $0xF870, v12;
	s24 =	simm.s32 $0x10800;
	s25 =	simm.s32 $0x10780;
	s26 =	sadd.s32 $0x100, s3  }
.LBB2_1:
0x20a: {  	s1 =	rddreg [dreg:$0xc]  }
0x20b: {  	[tilespmem:s2], [sflag:$0x2] =	stream.linear.gather [hbm4b:s1+s2], $0x200, $0x38;
	[tilespmem:$0x11500] =	vst v63  }
0x20c: {  	_ =	swait.ge [sflag:s28], $0x200  }
0x20d: {  	s1 =	rddreg [dreg:$0xd];
	[sflag:s28] =	ssyncset.done $0x0  }
0x20e: {  	s10 =	rddreg [dreg:$0x13];
	[sflag:s28] =	ssyncadd.s32 $0xFFFFFE00  }
0x20f: {  	[tilespmem:s10], [sflag:$0x2] =	stream.linear.gather [hbm4b:s1+s2], $0x200, $0x38;
	[tilespmem:$0x11500] =	vst v63  }
0x210: {  	_ =	swait.ge [sflag:s28], $0x200  }
0x211: {  	s1 =	rddreg [dreg:$0xe];
	[sflag:s28] =	ssyncset.done $0x0  }
0x212: {  	s10 =	rddreg [dreg:$0x14];
	[sflag:s28] =	ssyncadd.s32 $0xFFFFFE00  }
0x213: {  	[tilespmem:s10], [sflag:$0x2] =	stream.linear.gather [hbm4b:s1+s2], $0x200, $0x38;
	[tilespmem:$0x11500] =	vst v63  }
0x214: {  	_ =	swait.ge [sflag:s28], $0x200  }
0x215: {  	[sflag:s28] =	ssyncset.done $0x0  }
0x216: {  	s10 =	rddreg [dreg:$0xa];
	[sflag:s28] =	ssyncadd.s32 $0xFFFFFE00  }
0x217: {  	[tilespmem:s7], [sflag:$0x2] =	stream.linear.gather [hbm4b:s10+s2], $0x80, $0x38;
	[tilespmem:$0x11500] =	vst v63  }
0x218: {  	_ =	swait.ge [sflag:s28], $0x80  }
0x219: {  	[sflag:s28] =	ssyncset.done $0x0  }
0x21a: {  	s10 =	rddreg [dreg:$0xb];
	[sflag:s28] =	ssyncadd.s32 $0xFFFFFF80  }
0x21b: {  	[tilespmem:s8], [sflag:$0x2] =	stream.linear.gather [hbm4b:s10+s2], $0x80, $0x38;
	[tilespmem:$0x11500] =	vst v63  }
0x21c: {  	_ =	swait.ge [sflag:s28], $0x80  }
0x21d: {  	[sflag:s28] =	ssyncset.done $0x0  }
0x21e: {  	[sflag:s28] =	ssyncadd.s32 $0xFFFFFF80  }
0x21f: {  	v49 =	vld [tilespmem:$0x0];
	_ =	sdelay $0x5  }
0x220: {  	v51 =	vld [tilespmem:$0x200]  }
0x221: {  	v52 =	vld [tilespmem:$0x400]  }
0x222: {  	v50 =	vld.idx.msk [tilespmem:v49+s7+$0x0], $0xffff  }
0x223: {  	v49 =	vld.idx.msk [tilespmem:v49+s8+$0x0], $0xffff;
	_ =	sdelay $0x2  }
0x224: {  	v57 =	vld [tilespmem:$0x10]  }
0x225: {  	v50 =	vadd.s32 v50, v51  }
0x226: {  	v49 =	vadd.s32 v49, v52;
	vm1 =	vgt.s32 v50, $0x0  }
0x227: {  	v50 =	vnsel vm1, $0x0, v50;
	vm1 =	vgt.s32 v49, $0x0  }
0x228: {  	v50 =	vmin.u32 v50, $0x3F;
	v49 =	vnsel vm1, $0x0, v49  }
0x229: {  	v49 =	vmin.u32 v49, $0x3F;
	v58 =	vshll.u32 v50, $0x6;
	[tilespmem:$0x700] =	vst v50  }
0x22a: {  	v59 =	vld [tilespmem:$0x210];
	v52 =	vor.u32 v49, v58;
	[tilespmem:$0x900] =	vst v49  }
0x22b: {  	v60 =	vld [tilespmem:$0x410];
	[tilespmem:$0xB00] =	vst v52  }
0x22c: {  	v49 =	vld.idx.msk [tilespmem:v57+s7+$0x0], $0xffff  }
0x22d: {  	v50 =	vld.idx.msk [tilespmem:v57+s8+$0x0], $0xffff;
	_ =	sdelay $0x2  }
0x22e: {  	v61 =	vld [tilespmem:$0x20]  }
0x22f: {  	v49 =	vadd.s32 v49, v59  }
0x230: {  	v50 =	vadd.s32 v50, v60;
	vm1 =	vgt.s32 v49, $0x0  }
0x231: {  	v49 =	vnsel vm1, $0x0, v49;
	vm1 =	vgt.s32 v50, $0x0  }
0x232: {  	v49 =	vmin.u32 v49, $0x3F;
	v50 =	vnsel vm1, $0x0, v50  }
0x233: {  	v50 =	vmin.u32 v50, $0x3F;
	v62 =	vshll.u32 v49, $0x6;
	[tilespmem:$0x710] =	vst v49  }
0x234: {  	v63 =	vld [tilespmem:$0x220];
	v52 =	vor.u32 v50, v62;
	[tilespmem:$0x910] =	vst v50  }
0x235: {  	v56 =	vld [tilespmem:$0x420];
	[tilespmem:$0xB10] =	vst v52  }
0x236: {  	v49 =	vld.idx.msk [tilespmem:v61+s7+$0x0], $0xffff  }
0x237: {  	v50 =	vld.idx.msk [tilespmem:v61+s8+$0x0], $0xffff;
	_ =	sdelay $0x2  }
0x238: {  	v57 =	vld [tilespmem:$0x30]  }
0x239: {  	v49 =	vadd.s32 v49, v63  }
0x23a: {  	v50 =	vadd.s32 v50, v56;
	vm1 =	vgt.s32 v49, $0x0  }
0x23b: {  	v49 =	vnsel vm1, $0x0, v49;
	vm1 =	vgt.s32 v50, $0x0  }
0x23c: {  	v49 =	vmin.u32 v49, $0x3F;
	v50 =	vnsel vm1, $0x0, v50  }
0x23d: {  	v50 =	vmin.u32 v50, $0x3F;
	v58 =	vshll.u32 v49, $0x6;
	[tilespmem:$0x720] =	vst v49  }
0x23e: {  	v59 =	vld [tilespmem:$0x230];
	v52 =	vor.u32 v50, v58;
	[tilespmem:$0x920] =	vst v50  }
0x23f: {  	v60 =	vld [tilespmem:$0x430];
	[tilespmem:$0xB20] =	vst v52  }
0x240: {  	v49 =	vld.idx.msk [tilespmem:v57+s7+$0x0], $0xffff  }
0x241: {  	v50 =	vld.idx.msk [tilespmem:v57+s8+$0x0], $0xffff;
	_ =	sdelay $0x2  }
0x242: {  	v61 =	vld [tilespmem:$0x40]  }
0x243: {  	v49 =	vadd.s32 v49, v59  }
0x244: {  	v50 =	vadd.s32 v50, v60;
	vm1 =	vgt.s32 v49, $0x0  }
0x245: {  	v49 =	vnsel vm1, $0x0, v49;
	vm1 =	vgt.s32 v50, $0x0  }
0x246: {  	v49 =	vmin.u32 v49, $0x3F;
	v50 =	vnsel vm1, $0x0, v50  }
0x247: {  	v50 =	vmin.u32 v50, $0x3F;
	v62 =	vshll.u32 v49, $0x6;
	[tilespmem:$0x730] =	vst v49  }
0x248: {  	v63 =	vld [tilespmem:$0x240];
	v52 =	vor.u32 v50, v62;
	[tilespmem:$0x930] =	vst v50  }
0x249: {  	v56 =	vld [tilespmem:$0x440];
	[tilespmem:$0xB30] =	vst v52  }
0x24a: {  	v49 =	vld.idx.msk [tilespmem:v61+s7+$0x0], $0xffff  }
0x24b: {  	v50 =	vld.idx.msk [tilespmem:v61+s8+$0x0], $0xffff;
	_ =	sdelay $0x2  }
0x24c: {  	v57 =	vld [tilespmem:$0x50]  }
0x24d: {  	v49 =	vadd.s32 v49, v63  }
0x24e: {  	v50 =	vadd.s32 v50, v56;
	vm1 =	vgt.s32 v49, $0x0  }
0x24f: {  	v49 =	vnsel vm1, $0x0, v49;
	vm1 =	vgt.s32 v50, $0x0  }
0x250: {  	v49 =	vmin.u32 v49, $0x3F;
	v50 =	vnsel vm1, $0x0, v50  }
0x251: {  	v50 =	vmin.u32 v50, $0x3F;
	v58 =	vshll.u32 v49, $0x6;
	[tilespmem:$0x740] =	vst v49  }
0x252: {  	v59 =	vld [tilespmem:$0x250];
	v52 =	vor.u32 v50, v58;
	[tilespmem:$0x940] =	vst v50  }
0x253: {  	v60 =	vld [tilespmem:$0x450];
	[tilespmem:$0xB40] =	vst v52  }
0x254: {  	v49 =	vld.idx.msk [tilespmem:v57+s7+$0x0], $0xffff  }
0x255: {  	v50 =	vld.idx.msk [tilespmem:v57+s8+$0x0], $0xffff;
	_ =	sdelay $0x2  }
0x256: {  	v61 =	vld [tilespmem:$0x60]  }
0x257: {  	v49 =	vadd.s32 v49, v59  }
0x258: {  	v50 =	vadd.s32 v50, v60;
	vm1 =	vgt.s32 v49, $0x0  }
0x259: {  	v49 =	vnsel vm1, $0x0, v49;
	vm1 =	vgt.s32 v50, $0x0  }
0x25a: {  	v49 =	vmin.u32 v49, $0x3F;
	v50 =	vnsel vm1, $0x0, v50  }
0x25b: {  	v50 =	vmin.u32 v50, $0x3F;
	v62 =	vshll.u32 v49, $0x6;
	[tilespmem:$0x750] =	vst v49  }
0x25c: {  	v63 =	vld [tilespmem:$0x260];
	v52 =	vor.u32 v50, v62;
	[tilespmem:$0x950] =	vst v50  }
0x25d: {  	v56 =	vld [tilespmem:$0x460];
	[tilespmem:$0xB50] =	vst v52  }
0x25e: {  	v49 =	vld.idx.msk [tilespmem:v61+s7+$0x0], $0xffff  }
0x25f: {  	v50 =	vld.idx.msk [tilespmem:v61+s8+$0x0], $0xffff;
	_ =	sdelay $0x2  }
0x260: {  	v57 =	vld [tilespmem:$0x70]  }
0x261: {  	v49 =	vadd.s32 v49, v63  }
0x262: {  	v50 =	vadd.s32 v50, v56;
	vm1 =	vgt.s32 v49, $0x0  }
0x263: {  	v49 =	vnsel vm1, $0x0, v49;
	vm1 =	vgt.s32 v50, $0x0  }
0x264: {  	v49 =	vmin.u32 v49, $0x3F;
	v50 =	vnsel vm1, $0x0, v50  }
0x265: {  	v50 =	vmin.u32 v50, $0x3F;
	v58 =	vshll.u32 v49, $0x6;
	[tilespmem:$0x760] =	vst v49  }
0x266: {  	v59 =	vld [tilespmem:$0x270];
	v52 =	vor.u32 v50, v58;
	[tilespmem:$0x960] =	vst v50  }
0x267: {  	v60 =	vld [tilespmem:$0x470];
	[tilespmem:$0xB60] =	vst v52  }
0x268: {  	v49 =	vld.idx.msk [tilespmem:v57+s7+$0x0], $0xffff  }
0x269: {  	v50 =	vld.idx.msk [tilespmem:v57+s8+$0x0], $0xffff;
	_ =	sdelay $0x2  }
0x26a: {  	v61 =	vld [tilespmem:$0x80]  }
0x26b: {  	v49 =	vadd.s32 v49, v59  }
0x26c: {  	v50 =	vadd.s32 v50, v60;
	vm1 =	vgt.s32 v49, $0x0  }
0x26d: {  	v49 =	vnsel vm1, $0x0, v49;
	vm1 =	vgt.s32 v50, $0x0  }
0x26e: {  	v49 =	vmin.u32 v49, $0x3F;
	v50 =	vnsel vm1, $0x0, v50  }
0x26f: {  	v50 =	vmin.u32 v50, $0x3F;
	v62 =	vshll.u32 v49, $0x6;
	[tilespmem:$0x770] =	vst v49  }
0x270: {  	v63 =	vld [tilespmem:$0x280];
	v52 =	vor.u32 v50, v62;
	[tilespmem:$0x970] =	vst v50  }
0x271: {  	v56 =	vld [tilespmem:$0x480];
	[tilespmem:$0xB70] =	vst v52  }
0x272: {  	v49 =	vld.idx.msk [tilespmem:v61+s7+$0x0], $0xffff  }
0x273: {  	v50 =	vld.idx.msk [tilespmem:v61+s8+$0x0], $0xffff;
	_ =	sdelay $0x2  }
0x274: {  	v57 =	vld [tilespmem:$0x90]  }
0x275: {  	v49 =	vadd.s32 v49, v63  }
0x276: {  	v50 =	vadd.s32 v50, v56;
	vm1 =	vgt.s32 v49, $0x0  }
0x277: {  	v49 =	vnsel vm1, $0x0, v49;
	vm1 =	vgt.s32 v50, $0x0  }
0x278: {  	v49 =	vmin.u32 v49, $0x3F;
	v50 =	vnsel vm1, $0x0, v50  }
0x279: {  	v50 =	vmin.u32 v50, $0x3F;
	v58 =	vshll.u32 v49, $0x6;
	[tilespmem:$0x780] =	vst v49  }
0x27a: {  	v59 =	vld [tilespmem:$0x290];
	v52 =	vor.u32 v50, v58;
	[tilespmem:$0x980] =	vst v50  }
0x27b: {  	v60 =	vld [tilespmem:$0x490];
	[tilespmem:$0xB80] =	vst v52  }
0x27c: {  	v49 =	vld.idx.msk [tilespmem:v57+s7+$0x0], $0xffff  }
0x27d: {  	v50 =	vld.idx.msk [tilespmem:v57+s8+$0x0], $0xffff;
	_ =	sdelay $0x2  }
0x27e: {  	v61 =	vld [tilespmem:$0xA0]  }
0x27f: {  	v49 =	vadd.s32 v49, v59  }
0x280: {  	v50 =	vadd.s32 v50, v60;
	vm1 =	vgt.s32 v49, $0x0  }
0x281: {  	v49 =	vnsel vm1, $0x0, v49;
	vm1 =	vgt.s32 v50, $0x0  }
0x282: {  	v49 =	vmin.u32 v49, $0x3F;
	v50 =	vnsel vm1, $0x0, v50  }
0x283: {  	v50 =	vmin.u32 v50, $0x3F;
	v62 =	vshll.u32 v49, $0x6;
	[tilespmem:$0x790] =	vst v49  }
0x284: {  	v63 =	vld [tilespmem:$0x2A0];
	v52 =	vor.u32 v50, v62;
	[tilespmem:$0x990] =	vst v50  }
0x285: {  	v56 =	vld [tilespmem:$0x4A0];
	[tilespmem:$0xB90] =	vst v52  }
0x286: {  	v49 =	vld.idx.msk [tilespmem:v61+s7+$0x0], $0xffff  }
0x287: {  	v50 =	vld.idx.msk [tilespmem:v61+s8+$0x0], $0xffff;
	_ =	sdelay $0x2  }
0x288: {  	v57 =	vld [tilespmem:$0xB0]  }
0x289: {  	v49 =	vadd.s32 v49, v63  }
0x28a: {  	v50 =	vadd.s32 v50, v56;
	vm1 =	vgt.s32 v49, $0x0  }
0x28b: {  	v49 =	vnsel vm1, $0x0, v49;
	vm1 =	vgt.s32 v50, $0x0  }
0x28c: {  	v49 =	vmin.u32 v49, $0x3F;
	v50 =	vnsel vm1, $0x0, v50  }
0x28d: {  	v50 =	vmin.u32 v50, $0x3F;
	v58 =	vshll.u32 v49, $0x6;
	[tilespmem:$0x7A0] =	vst v49  }
0x28e: {  	v59 =	vld [tilespmem:$0x2B0];
	v52 =	vor.u32 v50, v58;
	[tilespmem:$0x9A0] =	vst v50  }
0x28f: {  	v60 =	vld [tilespmem:$0x4B0];
	[tilespmem:$0xBA0] =	vst v52  }
0x290: {  	v49 =	vld.idx.msk [tilespmem:v57+s7+$0x0], $0xffff  }
0x291: {  	v50 =	vld.idx.msk [tilespmem:v57+s8+$0x0], $0xffff;
	_ =	sdelay $0x2  }
0x292: {  	v61 =	vld [tilespmem:$0xC0]  }
0x293: {  	v49 =	vadd.s32 v49, v59  }
0x294: {  	v50 =	vadd.s32 v50, v60;
	vm1 =	vgt.s32 v49, $0x0  }
0x295: {  	v49 =	vnsel vm1, $0x0, v49;
	vm1 =	vgt.s32 v50, $0x0  }
0x296: {  	v49 =	vmin.u32 v49, $0x3F;
	v50 =	vnsel vm1, $0x0, v50  }
0x297: {  	v50 =	vmin.u32 v50, $0x3F;
	v62 =	vshll.u32 v49, $0x6;
	[tilespmem:$0x7B0] =	vst v49  }
0x298: {  	v63 =	vld [tilespmem:$0x2C0];
	v52 =	vor.u32 v50, v62;
	[tilespmem:$0x9B0] =	vst v50  }
0x299: {  	v56 =	vld [tilespmem:$0x4C0];
	[tilespmem:$0xBB0] =	vst v52  }
0x29a: {  	v49 =	vld.idx.msk [tilespmem:v61+s7+$0x0], $0xffff  }
0x29b: {  	v50 =	vld.idx.msk [tilespmem:v61+s8+$0x0], $0xffff;
	_ =	sdelay $0x2  }
0x29c: {  	v57 =	vld [tilespmem:$0xD0]  }
0x29d: {  	v49 =	vadd.s32 v49, v63  }
0x29e: {  	v50 =	vadd.s32 v50, v56;
	vm1 =	vgt.s32 v49, $0x0  }
0x29f: {  	v49 =	vnsel vm1, $0x0, v49;
	vm1 =	vgt.s32 v50, $0x0  }
0x2a0: {  	v49 =	vmin.u32 v49, $0x3F;
	v50 =	vnsel vm1, $0x0, v50  }
0x2a1: {  	v50 =	vmin.u32 v50, $0x3F;
	v58 =	vshll.u32 v49, $0x6;
	[tilespmem:$0x7C0] =	vst v49  }
0x2a2: {  	v52 =	vor.u32 v50, v58;
	[tilespmem:$0x9C0] =	vst v50  }
0x2a3: {  	v59 =	vld [tilespmem:$0x2D0];
	[tilespmem:$0xBC0] =	vst v52  }
0x2a4: {  	v49 =	vld.idx.msk [tilespmem:v57+s7+$0x0], $0xffff  }
0x2a5: {  	v50 =	vld.idx.msk [tilespmem:v57+s8+$0x0], $0xffff  }
0x2a6: {  	v52 =	vld [tilespmem:$0x4D0];
	_ =	sdelay $0x2  }
0x2a7: {  	v60 =	vld [tilespmem:$0xE0]  }
0x2a8: {  	v49 =	vadd.s32 v49, v59  }
0x2a9: {  	v50 =	vadd.s32 v50, v52;
	vm1 =	vgt.s32 v49, $0x0  }
0x2aa: {  	v49 =	vnsel vm1, $0x0, v49;
	vm1 =	vgt.s32 v50, $0x0  }
0x2ab: {  	v49 =	vmin.u32 v49, $0x3F;
	v50 =	vnsel vm1, $0x0, v50  }
0x2ac: {  	v50 =	vmin.u32 v50, $0x3F;
	v61 =	vshll.u32 v49, $0x6;
	[tilespmem:$0x7D0] =	vst v49  }
0x2ad: {  	v62 =	vld [tilespmem:$0x2E0];
	v52 =	vor.u32 v50, v61;
	[tilespmem:$0x9D0] =	vst v50  }
0x2ae: {  	v63 =	vld [tilespmem:$0x4E0];
	[tilespmem:$0xBD0] =	vst v52  }
0x2af: {  	v49 =	vld.idx.msk [tilespmem:v60+s7+$0x0], $0xffff  }
0x2b0: {  	v50 =	vld.idx.msk [tilespmem:v60+s8+$0x0], $0xffff;
	_ =	sdelay $0x2  }
0x2b1: {  	v56 =	vld [tilespmem:$0xF0]  }
0x2b2: {  	v49 =	vadd.s32 v49, v62  }
0x2b3: {  	v50 =	vadd.s32 v50, v63;
	vm1 =	vgt.s32 v49, $0x0  }
0x2b4: {  	v49 =	vnsel vm1, $0x0, v49;
	vm1 =	vgt.s32 v50, $0x0  }
0x2b5: {  	v49 =	vmin.u32 v49, $0x3F;
	v50 =	vnsel vm1, $0x0, v50  }
0x2b6: {  	v50 =	vmin.u32 v50, $0x3F;
	v57 =	vshll.u32 v49, $0x6;
	[tilespmem:$0x7E0] =	vst v49  }
0x2b7: {  	v58 =	vld [tilespmem:$0x2F0];
	v52 =	vor.u32 v50, v57;
	[tilespmem:$0x9E0] =	vst v50  }
0x2b8: {  	v59 =	vld [tilespmem:$0x4F0];
	[tilespmem:$0xBE0] =	vst v52  }
0x2b9: {  	v49 =	vld.idx.msk [tilespmem:v56+s7+$0x0], $0xffff  }
0x2ba: {  	v50 =	vld.idx.msk [tilespmem:v56+s8+$0x0], $0xffff;
	_ =	sdelay $0x2  }
0x2bb: {  	v60 =	vld [tilespmem:$0x100]  }
0x2bc: {  	v49 =	vadd.s32 v49, v58  }
0x2bd: {  	v50 =	vadd.s32 v50, v59;
	vm1 =	vgt.s32 v49, $0x0  }
0x2be: {  	v49 =	vnsel vm1, $0x0, v49;
	vm1 =	vgt.s32 v50, $0x0  }
0x2bf: {  	v49 =	vmin.u32 v49, $0x3F;
	v50 =	vnsel vm1, $0x0, v50  }
0x2c0: {  	v50 =	vmin.u32 v50, $0x3F;
	v61 =	vshll.u32 v49, $0x6;
	[tilespmem:$0x7F0] =	vst v49  }
0x2c1: {  	v62 =	vld [tilespmem:$0x300];
	v52 =	vor.u32 v50, v61;
	[tilespmem:$0x9F0] =	vst v50  }
0x2c2: {  	v63 =	vld [tilespmem:$0x500];
	[tilespmem:$0xBF0] =	vst v52  }
0x2c3: {  	v49 =	vld.idx.msk [tilespmem:v60+s7+$0x0], $0xffff  }
0x2c4: {  	v50 =	vld.idx.msk [tilespmem:v60+s8+$0x0], $0xffff;
	_ =	sdelay $0x2  }
0x2c5: {  	v56 =	vld [tilespmem:$0x110]  }
0x2c6: {  	v49 =	vadd.s32 v49, v62  }
0x2c7: {  	v50 =	vadd.s32 v50, v63;
	vm1 =	vgt.s32 v49, $0x0  }
0x2c8: {  	v49 =	vnsel vm1, $0x0, v49;
	vm1 =	vgt.s32 v50, $0x0  }
0x2c9: {  	v49 =	vmin.u32 v49, $0x3F;
	v50 =	vnsel vm1, $0x0, v50  }
0x2ca: {  	v50 =	vmin.u32 v50, $0x3F;
	v57 =	vshll.u32 v49, $0x6;
	[tilespmem:$0x800] =	vst v49  }
0x2cb: {  	v58 =	vld [tilespmem:$0x310];
	v52 =	vor.u32 v50, v57;
	[tilespmem:$0xA00] =	vst v50  }
0x2cc: {  	v59 =	vld [tilespmem:$0x510];
	[tilespmem:$0xC00] =	vst v52  }
0x2cd: {  	v49 =	vld.idx.msk [tilespmem:v56+s7+$0x0], $0xffff  }
0x2ce: {  	v50 =	vld.idx.msk [tilespmem:v56+s8+$0x0], $0xffff;
	_ =	sdelay $0x2  }
0x2cf: {  	v60 =	vld [tilespmem:$0x120]  }
0x2d0: {  	v49 =	vadd.s32 v49, v58  }
0x2d1: {  	v50 =	vadd.s32 v50, v59;
	vm1 =	vgt.s32 v49, $0x0  }
0x2d2: {  	v49 =	vnsel vm1, $0x0, v49;
	vm1 =	vgt.s32 v50, $0x0  }
0x2d3: {  	v49 =	vmin.u32 v49, $0x3F;
	v50 =	vnsel vm1, $0x0, v50  }
0x2d4: {  	v50 =	vmin.u32 v50, $0x3F;
	v61 =	vshll.u32 v49, $0x6;
	[tilespmem:$0x810] =	vst v49  }
0x2d5: {  	v62 =	vld [tilespmem:$0x320];
	v52 =	vor.u32 v50, v61;
	[tilespmem:$0xA10] =	vst v50  }
0x2d6: {  	v63 =	vld [tilespmem:$0x520];
	[tilespmem:$0xC10] =	vst v52  }
0x2d7: {  	v49 =	vld.idx.msk [tilespmem:v60+s7+$0x0], $0xffff  }
0x2d8: {  	v50 =	vld.idx.msk [tilespmem:v60+s8+$0x0], $0xffff;
	_ =	sdelay $0x2  }
0x2d9: {  	v56 =	vld [tilespmem:$0x130]  }
0x2da: {  	v49 =	vadd.s32 v49, v62  }
0x2db: {  	v50 =	vadd.s32 v50, v63;
	vm1 =	vgt.s32 v49, $0x0  }
0x2dc: {  	v49 =	vnsel vm1, $0x0, v49;
	vm1 =	vgt.s32 v50, $0x0  }
0x2dd: {  	v49 =	vmin.u32 v49, $0x3F;
	v50 =	vnsel vm1, $0x0, v50  }
0x2de: {  	v50 =	vmin.u32 v50, $0x3F;
	v57 =	vshll.u32 v49, $0x6;
	[tilespmem:$0x820] =	vst v49  }
0x2df: {  	v58 =	vld [tilespmem:$0x330];
	v52 =	vor.u32 v50, v57;
	[tilespmem:$0xA20] =	vst v50  }
0x2e0: {  	v59 =	vld [tilespmem:$0x530];
	[tilespmem:$0xC20] =	vst v52  }
0x2e1: {  	v49 =	vld.idx.msk [tilespmem:v56+s7+$0x0], $0xffff  }
0x2e2: {  	v50 =	vld.idx.msk [tilespmem:v56+s8+$0x0], $0xffff;
	_ =	sdelay $0x2  }
0x2e3: {  	v60 =	vld [tilespmem:$0x140]  }
0x2e4: {  	v49 =	vadd.s32 v49, v58  }
0x2e5: {  	v50 =	vadd.s32 v50, v59;
	vm1 =	vgt.s32 v49, $0x0  }
0x2e6: {  	v49 =	vnsel vm1, $0x0, v49;
	vm1 =	vgt.s32 v50, $0x0  }
0x2e7: {  	v49 =	vmin.u32 v49, $0x3F;
	v50 =	vnsel vm1, $0x0, v50  }
0x2e8: {  	v50 =	vmin.u32 v50, $0x3F;
	v61 =	vshll.u32 v49, $0x6;
	[tilespmem:$0x830] =	vst v49  }
0x2e9: {  	v62 =	vld [tilespmem:$0x340];
	v52 =	vor.u32 v50, v61;
	[tilespmem:$0xA30] =	vst v50  }
0x2ea: {  	v63 =	vld [tilespmem:$0x540];
	[tilespmem:$0xC30] =	vst v52  }
0x2eb: {  	v49 =	vld.idx.msk [tilespmem:v60+s7+$0x0], $0xffff  }
0x2ec: {  	v50 =	vld.idx.msk [tilespmem:v60+s8+$0x0], $0xffff;
	_ =	sdelay $0x2  }
0x2ed: {  	v56 =	vld [tilespmem:$0x150]  }
0x2ee: {  	v49 =	vadd.s32 v49, v62  }
0x2ef: {  	v50 =	vadd.s32 v50, v63;
	vm1 =	vgt.s32 v49, $0x0  }
0x2f0: {  	v49 =	vnsel vm1, $0x0, v49;
	vm1 =	vgt.s32 v50, $0x0  }
0x2f1: {  	v49 =	vmin.u32 v49, $0x3F;
	v50 =	vnsel vm1, $0x0, v50  }
0x2f2: {  	v50 =	vmin.u32 v50, $0x3F;
	v57 =	vshll.u32 v49, $0x6;
	[tilespmem:$0x840] =	vst v49  }
0x2f3: {  	v58 =	vld [tilespmem:$0x350];
	v52 =	vor.u32 v50, v57;
	[tilespmem:$0xA40] =	vst v50  }
0x2f4: {  	v59 =	vld [tilespmem:$0x550];
	[tilespmem:$0xC40] =	vst v52  }
0x2f5: {  	v49 =	vld.idx.msk [tilespmem:v56+s7+$0x0], $0xffff  }
0x2f6: {  	v50 =	vld.idx.msk [tilespmem:v56+s8+$0x0], $0xffff;
	_ =	sdelay $0x2  }
0x2f7: {  	v60 =	vld [tilespmem:$0x160]  }
0x2f8: {  	v49 =	vadd.s32 v49, v58  }
0x2f9: {  	v50 =	vadd.s32 v50, v59;
	vm1 =	vgt.s32 v49, $0x0  }
0x2fa: {  	v49 =	vnsel vm1, $0x0, v49;
	vm1 =	vgt.s32 v50, $0x0  }
0x2fb: {  	v49 =	vmin.u32 v49, $0x3F;
	v50 =	vnsel vm1, $0x0, v50  }
0x2fc: {  	v50 =	vmin.u32 v50, $0x3F;
	v61 =	vshll.u32 v49, $0x6;
	[tilespmem:$0x850] =	vst v49  }
0x2fd: {  	v62 =	vld [tilespmem:$0x360];
	v52 =	vor.u32 v50, v61;
	[tilespmem:$0xA50] =	vst v50  }
0x2fe: {  	v63 =	vld [tilespmem:$0x560];
	[tilespmem:$0xC50] =	vst v52  }
0x2ff: {  	v49 =	vld.idx.msk [tilespmem:v60+s7+$0x0], $0xffff  }
0x300: {  	v50 =	vld.idx.msk [tilespmem:v60+s8+$0x0], $0xffff;
	_ =	sdelay $0x2  }
0x301: {  	v56 =	vld [tilespmem:$0x170]  }
0x302: {  	v49 =	vadd.s32 v49, v62  }
0x303: {  	v50 =	vadd.s32 v50, v63;
	vm1 =	vgt.s32 v49, $0x0  }
0x304: {  	v49 =	vnsel vm1, $0x0, v49;
	vm1 =	vgt.s32 v50, $0x0  }
0x305: {  	v49 =	vmin.u32 v49, $0x3F;
	v50 =	vnsel vm1, $0x0, v50  }
0x306: {  	v50 =	vmin.u32 v50, $0x3F;
	v57 =	vshll.u32 v49, $0x6;
	[tilespmem:$0x860] =	vst v49  }
0x307: {  	v58 =	vld [tilespmem:$0x370];
	v52 =	vor.u32 v50, v57;
	[tilespmem:$0xA60] =	vst v50  }
0x308: {  	v59 =	vld [tilespmem:$0x570];
	[tilespmem:$0xC60] =	vst v52  }
0x309: {  	v49 =	vld.idx.msk [tilespmem:v56+s7+$0x0], $0xffff  }
0x30a: {  	v50 =	vld.idx.msk [tilespmem:v56+s8+$0x0], $0xffff;
	_ =	sdelay $0x2  }
0x30b: {  	v60 =	vld [tilespmem:$0x180]  }
0x30c: {  	v49 =	vadd.s32 v49, v58  }
0x30d: {  	v50 =	vadd.s32 v50, v59;
	vm1 =	vgt.s32 v49, $0x0  }
0x30e: {  	v49 =	vnsel vm1, $0x0, v49;
	vm1 =	vgt.s32 v50, $0x0  }
0x30f: {  	v49 =	vmin.u32 v49, $0x3F;
	v50 =	vnsel vm1, $0x0, v50  }
0x310: {  	v50 =	vmin.u32 v50, $0x3F;
	v61 =	vshll.u32 v49, $0x6;
	[tilespmem:$0x870] =	vst v49  }
0x311: {  	v62 =	vld [tilespmem:$0x380];
	v52 =	vor.u32 v50, v61;
	[tilespmem:$0xA70] =	vst v50  }
0x312: {  	v63 =	vld [tilespmem:$0x580];
	[tilespmem:$0xC70] =	vst v52  }
0x313: {  	v49 =	vld.idx.msk [tilespmem:v60+s7+$0x0], $0xffff  }
0x314: {  	v50 =	vld.idx.msk [tilespmem:v60+s8+$0x0], $0xffff;
	_ =	sdelay $0x2  }
0x315: {  	v56 =	vld [tilespmem:$0x190]  }
0x316: {  	v49 =	vadd.s32 v49, v62  }
0x317: {  	v50 =	vadd.s32 v50, v63;
	vm1 =	vgt.s32 v49, $0x0  }
0x318: {  	v49 =	vnsel vm1, $0x0, v49;
	vm1 =	vgt.s32 v50, $0x0  }
0x319: {  	v49 =	vmin.u32 v49, $0x3F;
	v50 =	vnsel vm1, $0x0, v50  }
0x31a: {  	v50 =	vmin.u32 v50, $0x3F;
	v57 =	vshll.u32 v49, $0x6;
	[tilespmem:$0x880] =	vst v49  }
0x31b: {  	v58 =	vld [tilespmem:$0x390];
	v52 =	vor.u32 v50, v57;
	[tilespmem:$0xA80] =	vst v50  }
0x31c: {  	v59 =	vld [tilespmem:$0x590];
	[tilespmem:$0xC80] =	vst v52  }
0x31d: {  	v49 =	vld.idx.msk [tilespmem:v56+s7+$0x0], $0xffff  }
0x31e: {  	v50 =	vld.idx.msk [tilespmem:v56+s8+$0x0], $0xffff;
	_ =	sdelay $0x2  }
0x31f: {  	v60 =	vld [tilespmem:$0x1A0]  }
0x320: {  	v49 =	vadd.s32 v49, v58  }
0x321: {  	v50 =	vadd.s32 v50, v59;
	vm1 =	vgt.s32 v49, $0x0  }
0x322: {  	v49 =	vnsel vm1, $0x0, v49;
	vm1 =	vgt.s32 v50, $0x0  }
0x323: {  	v49 =	vmin.u32 v49, $0x3F;
	v50 =	vnsel vm1, $0x0, v50  }
0x324: {  	v50 =	vmin.u32 v50, $0x3F;
	v61 =	vshll.u32 v49, $0x6;
	[tilespmem:$0x890] =	vst v49  }
0x325: {  	v62 =	vld [tilespmem:$0x3A0];
	v52 =	vor.u32 v50, v61;
	[tilespmem:$0xA90] =	vst v50  }
0x326: {  	v63 =	vld [tilespmem:$0x5A0];
	[tilespmem:$0xC90] =	vst v52  }
0x327: {  	v49 =	vld.idx.msk [tilespmem:v60+s7+$0x0], $0xffff  }
0x328: {  	v50 =	vld.idx.msk [tilespmem:v60+s8+$0x0], $0xffff;
	_ =	sdelay $0x2  }
0x329: {  	v56 =	vld [tilespmem:$0x1B0]  }
0x32a: {  	v49 =	vadd.s32 v49, v62  }
0x32b: {  	v50 =	vadd.s32 v50, v63;
	vm1 =	vgt.s32 v49, $0x0  }
0x32c: {  	v49 =	vnsel vm1, $0x0, v49;
	vm1 =	vgt.s32 v50, $0x0  }
0x32d: {  	v49 =	vmin.u32 v49, $0x3F;
	v50 =	vnsel vm1, $0x0, v50  }
0x32e: {  	v50 =	vmin.u32 v50, $0x3F;
	v57 =	vshll.u32 v49, $0x6;
	[tilespmem:$0x8A0] =	vst v49  }
0x32f: {  	v58 =	vld [tilespmem:$0x3B0];
	v52 =	vor.u32 v50, v57;
	[tilespmem:$0xAA0] =	vst v50  }
0x330: {  	v59 =	vld [tilespmem:$0x5B0];
	[tilespmem:$0xCA0] =	vst v52  }
0x331: {  	v49 =	vld.idx.msk [tilespmem:v56+s7+$0x0], $0xffff  }
0x332: {  	v50 =	vld.idx.msk [tilespmem:v56+s8+$0x0], $0xffff;
	_ =	sdelay $0x2  }
0x333: {  	v60 =	vld [tilespmem:$0x1C0]  }
0x334: {  	v49 =	vadd.s32 v49, v58  }
0x335: {  	v50 =	vadd.s32 v50, v59;
	vm1 =	vgt.s32 v49, $0x0  }
0x336: {  	v49 =	vnsel vm1, $0x0, v49;
	vm1 =	vgt.s32 v50, $0x0  }
0x337: {  	v49 =	vmin.u32 v49, $0x3F;
	v50 =	vnsel vm1, $0x0, v50  }
0x338: {  	v50 =	vmin.u32 v50, $0x3F;
	v61 =	vshll.u32 v49, $0x6;
	[tilespmem:$0x8B0] =	vst v49  }
0x339: {  	v62 =	vld [tilespmem:$0x3C0];
	v52 =	vor.u32 v50, v61;
	[tilespmem:$0xAB0] =	vst v50  }
0x33a: {  	v63 =	vld [tilespmem:$0x5C0];
	[tilespmem:$0xCB0] =	vst v52  }
0x33b: {  	v49 =	vld.idx.msk [tilespmem:v60+s7+$0x0], $0xffff  }
0x33c: {  	v50 =	vld.idx.msk [tilespmem:v60+s8+$0x0], $0xffff;
	_ =	sdelay $0x2  }
0x33d: {  	v56 =	vld [tilespmem:$0x1D0]  }
0x33e: {  	v49 =	vadd.s32 v49, v62  }
0x33f: {  	v50 =	vadd.s32 v50, v63;
	vm1 =	vgt.s32 v49, $0x0  }
0x340: {  	v49 =	vnsel vm1, $0x0, v49;
	vm1 =	vgt.s32 v50, $0x0  }
0x341: {  	v49 =	vmin.u32 v49, $0x3F;
	v50 =	vnsel vm1, $0x0, v50  }
0x342: {  	v50 =	vmin.u32 v50, $0x3F;
	v57 =	vshll.u32 v49, $0x6;
	[tilespmem:$0x8C0] =	vst v49  }
0x343: {  	v58 =	vld [tilespmem:$0x3D0];
	v52 =	vor.u32 v50, v57;
	[tilespmem:$0xAC0] =	vst v50  }
0x344: {  	v59 =	vld [tilespmem:$0x5D0];
	[tilespmem:$0xCC0] =	vst v52  }
0x345: {  	v49 =	vld.idx.msk [tilespmem:v56+s7+$0x0], $0xffff  }
0x346: {  	v50 =	vld.idx.msk [tilespmem:v56+s8+$0x0], $0xffff;
	_ =	sdelay $0x2  }
0x347: {  	v60 =	vld [tilespmem:$0x1E0]  }
0x348: {  	v49 =	vadd.s32 v49, v58  }
0x349: {  	v50 =	vadd.s32 v50, v59;
	vm1 =	vgt.s32 v49, $0x0  }
0x34a: {  	v49 =	vnsel vm1, $0x0, v49;
	vm1 =	vgt.s32 v50, $0x0  }
0x34b: {  	v49 =	vmin.u32 v49, $0x3F;
	v50 =	vnsel vm1, $0x0, v50  }
0x34c: {  	v50 =	vmin.u32 v50, $0x3F;
	v61 =	vshll.u32 v49, $0x6;
	[tilespmem:$0x8D0] =	vst v49  }
0x34d: {  	v62 =	vld [tilespmem:$0x3E0];
	v52 =	vor.u32 v50, v61;
	[tilespmem:$0xAD0] =	vst v50  }
0x34e: {  	v63 =	vld [tilespmem:$0x5E0];
	[tilespmem:$0xCD0] =	vst v52  }
0x34f: {  	v49 =	vld.idx.msk [tilespmem:v60+s7+$0x0], $0xffff  }
0x350: {  	v50 =	vld.idx.msk [tilespmem:v60+s8+$0x0], $0xffff;
	_ =	sdelay $0x2  }
0x351: {  	v56 =	vld [tilespmem:$0x1F0]  }
0x352: {  	v49 =	vadd.s32 v49, v62  }
0x353: {  	v50 =	vadd.s32 v50, v63;
	vm1 =	vgt.s32 v49, $0x0  }
0x354: {  	v49 =	vnsel vm1, $0x0, v49;
	vm1 =	vgt.s32 v50, $0x0  }
0x355: {  	v49 =	vmin.u32 v49, $0x3F;
	v50 =	vnsel vm1, $0x0, v50  }
0x356: {  	v59 =	vld [tilespmem:$0xB00];
	v50 =	vmin.u32 v50, $0x3F;
	v57 =	vshll.u32 v49, $0x6;
	[tilespmem:$0x8E0] =	vst v49  }
0x357: {  	v53 =	vld [tilespmem:$0x5F0];
	v52 =	vor.u32 v50, v57;
	[tilespmem:$0xAE0] =	vst v50  }
0x358: {  	v58 =	vld [tilespmem:$0x3F0];
	[tilespmem:$0xCE0] =	vst v52  }
0x359: {  	v49 =	vld.idx.msk [tilespmem:v56+s7+$0x0], $0xffff  }
0x35a: {  	v50 =	vld.idx.msk [tilespmem:v56+s8+$0x0], $0xffff  }
0x35b: {  	v60 =	vshll.u32 v59, $0x7  }
0x35c: {  	v51 =	vand.u32 $0xFFFFFC00, v60;
	v52 =	vand.u32 $0x7, v59  }
0x35d: {  	v51 =	vor.u32 v52, v51  }
0x35e: {  	v52 =	vperm.xlane v51, v0;
	v49 =	vadd.s32 v49, v58  }
0x35f: {  	v54 =	vperm.xlane v51, v4;
	v50 =	vadd.s32 v50, v53;
	vm1 =	vgt.s32 v49, $0x0  }
0x360: {  	v52 =	vadd.s32 v3, v52;
	vm2 =	vgt.s32 v50, $0x0;
	v49 =	vnsel vm1, $0x0, v49  }
0x361: {  	v63 =	vperm.xlane v51, v5;
	v50 =	vnsel vm2, $0x0, v50;
	v49 =	vmin.u32 v49, $0x3F  }
0x362: {  	v62 =	vadd.s32 v3, v54;
	v50 =	vmin.u32 v50, $0x3F;
	v61 =	vshll.u32 v49, $0x6;
	[tilespmem:$0x8F0] =	vst v49  }
0x363: {  	[tilespmem:$0xAF0] =	vst v50;
	v53 =	vor.u32 v50, v61  }
0x364: {  	s1 =	rddreg [dreg:$0x15];
	v57 =	vadd.s32 v3, v63;
	v58 =	vperm.xlane v51, v6;
	[tilespmem:$0xCF0] =	vst v53  }
0x365: {  	[tilespmem:s9], [sflag:$0x1] =	stream.indirect_vreg.gather [hbm4b:s3+s2], $0x80, v52, vm0, $0xb8;
	[tilespmem:$0x11500] =	vst v63  }
0x366: {  	s10 =	rddreg [dreg:$0x16];
	v59 =	vperm.xlane v51, v7;
	v50 =	vadd.s32 v3, v58  }
0x367: {  	[tilespmem:s1], [sflag:$0x1] =	stream.indirect_vreg.gather [hbm4b:s3+s2], $0x80, v62, vm0, $0xb8;
	[tilespmem:$0x11500] =	vst v63  }
0x368: {  	v60 =	vperm.xlane v51, v8;
	v52 =	vadd.s32 v3, v59;
	s1 =	rddreg [dreg:$0x17]  }
0x369: {  	[tilespmem:s10], [sflag:$0x1] =	stream.indirect_vreg.gather [hbm4b:s3+s2], $0x80, v57, vm0, $0xb8;
	[tilespmem:$0x11500] =	vst v63  }
0x36a: {  	v61 =	vadd.s32 v3, v60;
	v62 =	vperm.xlane v51, v1;
	s10 =	rddreg [dreg:$0x18]  }
0x36b: {  	[tilespmem:s1], [sflag:$0x1] =	stream.indirect_vreg.gather [hbm4b:s3+s2], $0x80, v50, vm0, $0xb8;
	[tilespmem:$0x11500] =	vst v63  }
0x36c: {  	v56 =	vperm.xlane v51, v2;
	v63 =	vadd.s32 v3, v62;
	s1 =	rddreg [dreg:$0x19]  }
0x36d: {  	[tilespmem:s10], [sflag:$0x1] =	stream.indirect_vreg.gather [hbm4b:s3+s2], $0x80, v52, vm0, $0xb8;
	[tilespmem:$0x11500] =	vst v63  }
0x36e: {  	v58 =	vperm.xlane v51, v9;
	v57 =	vadd.s32 v3, v56;
	s10 =	rddreg [dreg:$0x1a]  }
0x36f: {  	[tilespmem:s1], [sflag:$0x1] =	stream.indirect_vreg.gather [hbm4b:s3+s2], $0x80, v61, vm0, $0xb8;
	[tilespmem:$0x11500] =	vst v63  }
0x370: {  	v60 =	vperm.xlane v51, v10;
	v59 =	vadd.s32 v3, v58;
	s1 =	rddreg [dreg:$0x1b]  }
0x371: {  	[tilespmem:s10], [sflag:$0x1] =	stream.indirect_vreg.gather [hbm4b:s3+s2], $0x80, v63, vm0, $0xb8;
	[tilespmem:$0x11500] =	vst v63  }
0x372: {  	v62 =	vperm.xlane v51, v11;
	v61 =	vadd.s32 v3, v60;
	s10 =	rddreg [dreg:$0x1c]  }
0x373: {  	[tilespmem:s1], [sflag:$0x1] =	stream.indirect_vreg.gather [hbm4b:s3+s2], $0x80, v57, vm0, $0xb8;
	[tilespmem:$0x11500] =	vst v63  }
0x374: {  	v56 =	vperm.xlane v51, v13;
	v63 =	vadd.s32 v3, v62;
	s1 =	rddreg [dreg:$0x1d]  }
0x375: {  	[tilespmem:s10], [sflag:$0x1] =	stream.indirect_vreg.gather [hbm4b:s3+s2], $0x80, v59, vm0, $0xb8;
	[tilespmem:$0x11500] =	vst v63  }
0x376: {  	v58 =	vperm.xlane v51, v14;
	v57 =	vadd.s32 v3, v56;
	s10 =	rddreg [dreg:$0x1e]  }
0x377: {  	[tilespmem:s1], [sflag:$0x1] =	stream.indirect_vreg.gather [hbm4b:s3+s2], $0x80, v61, vm0, $0xb8;
	[tilespmem:$0x11500] =	vst v63  }
0x378: {  	v60 =	vperm.xlane v51, v15;
	v59 =	vadd.s32 v3, v58;
	s1 =	rddreg [dreg:$0x1f]  }
0x379: {  	[tilespmem:s10], [sflag:$0x1] =	stream.indirect_vreg.gather [hbm4b:s3+s2], $0x80, v63, vm0, $0xb8;
	[tilespmem:$0x11500] =	vst v63  }
0x37a: {  	v62 =	vperm.xlane v51, v16;
	v61 =	vadd.s32 v3, v60;
	s10 =	sld [smem:$0x619]  }
0x37b: {  	[tilespmem:s1], [sflag:$0x1] =	stream.indirect_vreg.gather [hbm4b:s3+s2], $0x80, v57, vm0, $0xb8;
	[tilespmem:$0x11500] =	vst v63  }
0x37c: {  	v51 =	vperm.xlane v51, v39;
	v63 =	vadd.s32 v3, v62;
	s1 =	sld [smem:$0x61A]  }
0x37d: {  	[tilespmem:s10], [sflag:$0x1] =	stream.indirect_vreg.gather [hbm4b:s3+s2], $0x80, v59, vm0, $0xb8;
	[tilespmem:$0x11500] =	vst v63  }
0x37e: {  	v54 =	vadd.s32 v3, v51;
	s10 =	sld [smem:$0x61B]  }
0x37f: {  	[tilespmem:s1], [sflag:$0x1] =	stream.indirect_vreg.gather [hbm4b:s3+s2], $0x80, v61, vm0, $0xb8;
	[tilespmem:$0x11500] =	vst v63  }
0x380: {  	s1 =	sld [smem:$0x61C]  }
0x381: {  	[tilespmem:s10], [sflag:$0x1] =	stream.indirect_vreg.gather [hbm4b:s3+s2], $0x80, v63, vm0, $0xb8;
	[tilespmem:$0x11500] =	vst v63  }
0x382: {  	_ = 	snop  }
0x383: {  	[tilespmem:s1], [sflag:$0x1] =	stream.indirect_vreg.gather [hbm4b:s3+s2], $0x80, v54, vm0, $0xb8;
	[tilespmem:$0x11500] =	vst v63  }
0x384: {  	v49 =	vld [tilespmem:$0xB10];
	_ =	sdelay $0x4  }
0x385: {  	v55 =	vshll.u32 v49, $0x7  }
0x386: {  	v49 =	vand.u32 $0x7, v49;
	v50 =	vand.u32 $0xFFFFFC00, v55  }
0x387: {  	v49 =	vor.u32 v49, v50  }
0x388: {  	v50 =	vperm.xlane v49, v0;
	_ =	sdelay $0x1  }
0x389: {  	v56 =	vperm.xlane v49, v4;
	v50 =	vadd.s32 v3, v50;
	_ =	sdelay $0x1  }
0x38a: {  	s1 =	sld [smem:$0x61D];
	v57 =	vperm.xlane v49, v5;
	v51 =	vadd.s32 v3, v56;
	_ =	sdelay $0x1  }
0x38b: {  	s10 =	sld [smem:$0x61E];
	v58 =	vperm.xlane v49, v6;
	v52 =	vadd.s32 v3, v57  }
0x38c: {  	[tilespmem:s1], [sflag:$0x1] =	stream.indirect_vreg.gather [hbm4b:s3+s2], $0x80, v50, vm0, $0xb8;
	[tilespmem:$0x11500] =	vst v63  }
0x38d: {  	v60 =	vperm.xlane v49, v7;
	v59 =	vadd.s32 v3, v58;
	s1 =	sld [smem:$0x61F]  }
0x38e: {  	[tilespmem:s10], [sflag:$0x1] =	stream.indirect_vreg.gather [hbm4b:s3+s2], $0x80, v51, vm0, $0xb8;
	[tilespmem:$0x11500] =	vst v63  }
0x38f: {  	v62 =	vperm.xlane v49, v8;
	v61 =	vadd.s32 v3, v60;
	s10 =	sld [smem:$0x620]  }
0x390: {  	[tilespmem:s1], [sflag:$0x1] =	stream.indirect_vreg.gather [hbm4b:s3+s2], $0x80, v52, vm0, $0xb8;
	[tilespmem:$0x11500] =	vst v63  }
0x391: {  	v63 =	vadd.s32 v3, v62;
	v56 =	vperm.xlane v49, v1;
	s1 =	sld [smem:$0x621]  }
0x392: {  	[tilespmem:s10], [sflag:$0x1] =	stream.indirect_vreg.gather [hbm4b:s3+s2], $0x80, v59, vm0, $0xb8;
	[tilespmem:$0x11500] =	vst v63  }
0x393: {  	v58 =	vperm.xlane v49, v2;
	v57 =	vadd.s32 v3, v56;
	s10 =	sld [smem:$0x622]  }
0x394: {  	[tilespmem:s1], [sflag:$0x1] =	stream.indirect_vreg.gather [hbm4b:s3+s2], $0x80, v61, vm0, $0xb8;
	[tilespmem:$0x11500] =	vst v63  }
0x395: {  	v60 =	vperm.xlane v49, v9;
	v59 =	vadd.s32 v3, v58;
	s1 =	sld [smem:$0x623]  }
0x396: {  	[tilespmem:s10], [sflag:$0x1] =	stream.indirect_vreg.gather [hbm4b:s3+s2], $0x80, v63, vm0, $0xb8;
	[tilespmem:$0x11500] =	vst v63  }
0x397: {  	v62 =	vperm.xlane v49, v10;
	v61 =	vadd.s32 v3, v60;
	s10 =	sld [smem:$0x624]  }
0x398: {  	[tilespmem:s1], [sflag:$0x1] =	stream.indirect_vreg.gather [hbm4b:s3+s2], $0x80, v57, vm0, $0xb8;
	[tilespmem:$0x11500] =	vst v63  }
0x399: {  	v56 =	vperm.xlane v49, v11;
	v63 =	vadd.s32 v3, v62;
	s1 =	sld [smem:$0x625]  }
0x39a: {  	[tilespmem:s10], [sflag:$0x1] =	stream.indirect_vreg.gather [hbm4b:s3+s2], $0x80, v59, vm0, $0xb8;
	[tilespmem:$0x11500] =	vst v63  }
0x39b: {  	v58 =	vperm.xlane v49, v13;
	v57 =	vadd.s32 v3, v56;
	s10 =	sld [smem:$0x626]  }
0x39c: {  	[tilespmem:s1], [sflag:$0x1] =	stream.indirect_vreg.gather [hbm4b:s3+s2], $0x80, v61, vm0, $0xb8;
	[tilespmem:$0x11500] =	vst v63  }
0x39d: {  	v60 =	vperm.xlane v49, v14;
	v59 =	vadd.s32 v3, v58;
	s1 =	sld [smem:$0x627]  }
0x39e: {  	[tilespmem:s10], [sflag:$0x1] =	stream.indirect_vreg.gather [hbm4b:s3+s2], $0x80, v63, vm0, $0xb8;
	[tilespmem:$0x11500] =	vst v63  }
0x39f: {  	v62 =	vperm.xlane v49, v15;
	v61 =	vadd.s32 v3, v60;
	s10 =	sld [smem:$0x628]  }
0x3a0: {  	[tilespmem:s1], [sflag:$0x1] =	stream.indirect_vreg.gather [hbm4b:s3+s2], $0x80, v57, vm0, $0xb8;
	[tilespmem:$0x11500] =	vst v63  }
0x3a1: {  	v56 =	vperm.xlane v49, v16;
	v63 =	vadd.s32 v3, v62;
	s1 =	sld [smem:$0x629]  }
0x3a2: {  	[tilespmem:s10], [sflag:$0x1] =	stream.indirect_vreg.gather [hbm4b:s3+s2], $0x80, v59, vm0, $0xb8;
	[tilespmem:$0x11500] =	vst v63  }
0x3a3: {  	v49 =	vperm.xlane v49, v39;
	v57 =	vadd.s32 v3, v56;
	s10 =	sld [smem:$0x62A]  }
0x3a4: {  	[tilespmem:s1], [sflag:$0x1] =	stream.indirect_vreg.gather [hbm4b:s3+s2], $0x80, v61, vm0, $0xb8;
	[tilespmem:$0x11500] =	vst v63  }
0x3a5: {  	v49 =	vadd.s32 v3, v49;
	s1 =	sld [smem:$0x62B]  }
0x3a6: {  	[tilespmem:s10], [sflag:$0x1] =	stream.indirect_vreg.gather [hbm4b:s3+s2], $0x80, v63, vm0, $0xb8;
	[tilespmem:$0x11500] =	vst v63  }
0x3a7: {  	s10 =	sld [smem:$0x62C]  }
0x3a8: {  	[tilespmem:s1], [sflag:$0x1] =	stream.indirect_vreg.gather [hbm4b:s3+s2], $0x80, v57, vm0, $0xb8;
	[tilespmem:$0x11500] =	vst v63  }
0x3a9: {  	_ = 	snop  }
0x3aa: {  	[tilespmem:s10], [sflag:$0x1] =	stream.indirect_vreg.gather [hbm4b:s3+s2], $0x80, v49, vm0, $0xb8;
	[tilespmem:$0x11500] =	vst v63  }
0x3ab: {  	v49 =	vld [tilespmem:$0xB20];
	_ =	sdelay $0x4  }
0x3ac: {  	v58 =	vshll.u32 v49, $0x7  }
0x3ad: {  	v49 =	vand.u32 $0x7, v49;
	v50 =	vand.u32 $0xFFFFFC00, v58  }
0x3ae: {  	v49 =	vor.u32 v49, v50  }
0x3af: {  	v50 =	vperm.xlane v49, v0;
	_ =	sdelay $0x1  }
0x3b0: {  	v59 =	vperm.xlane v49, v4;
	v50 =	vadd.s32 v3, v50;
	_ =	sdelay $0x1  }
0x3b1: {  	s1 =	sld [smem:$0x62D];
	v60 =	vperm.xlane v49, v5;
	v51 =	vadd.s32 v3, v59;
	_ =	sdelay $0x1  }
0x3b2: {  	s10 =	sld [smem:$0x62E];
	v61 =	vperm.xlane v49, v6;
	v52 =	vadd.s32 v3, v60  }
0x3b3: {  	[tilespmem:s1], [sflag:$0x1] =	stream.indirect_vreg.gather [hbm4b:s3+s2], $0x80, v50, vm0, $0xb8;
	[tilespmem:$0x11500] =	vst v63  }
0x3b4: {  	v63 =	vperm.xlane v49, v7;
	v62 =	vadd.s32 v3, v61;
	s1 =	sld [smem:$0x62F]  }
0x3b5: {  	[tilespmem:s10], [sflag:$0x1] =	stream.indirect_vreg.gather [hbm4b:s3+s2], $0x80, v51, vm0, $0xb8;
	[tilespmem:$0x11500] =	vst v63  }
0x3b6: {  	v57 =	vperm.xlane v49, v8;
	v56 =	vadd.s32 v3, v63;
	s10 =	sld [smem:$0x630]  }
0x3b7: {  	[tilespmem:s1], [sflag:$0x1] =	stream.indirect_vreg.gather [hbm4b:s3+s2], $0x80, v52, vm0, $0xb8;
	[tilespmem:$0x11500] =	vst v63  }
0x3b8: {  	v58 =	vadd.s32 v3, v57;
	v59 =	vperm.xlane v49, v1;
	s1 =	sld [smem:$0x631]  }
0x3b9: {  	[tilespmem:s10], [sflag:$0x1] =	stream.indirect_vreg.gather [hbm4b:s3+s2], $0x80, v62, vm0, $0xb8;
	[tilespmem:$0x11500] =	vst v63  }
0x3ba: {  	v61 =	vperm.xlane v49, v2;
	v60 =	vadd.s32 v3, v59;
	s10 =	sld [smem:$0x632]  }
0x3bb: {  	[tilespmem:s1], [sflag:$0x1] =	stream.indirect_vreg.gather [hbm4b:s3+s2], $0x80, v56, vm0, $0xb8;
	[tilespmem:$0x11500] =	vst v63  }
0x3bc: {  	v63 =	vperm.xlane v49, v9;
	v62 =	vadd.s32 v3, v61;
	s1 =	sld [smem:$0x633]  }
0x3bd: {  	[tilespmem:s10], [sflag:$0x1] =	stream.indirect_vreg.gather [hbm4b:s3+s2], $0x80, v58, vm0, $0xb8;
	[tilespmem:$0x11500] =	vst v63  }
0x3be: {  	v57 =	vperm.xlane v49, v10;
	v56 =	vadd.s32 v3, v63;
	s10 =	sld [smem:$0x634]  }
0x3bf: {  	[tilespmem:s1], [sflag:$0x1] =	stream.indirect_vreg.gather [hbm4b:s3+s2], $0x80, v60, vm0, $0xb8;
	[tilespmem:$0x11500] =	vst v63  }
0x3c0: {  	v59 =	vperm.xlane v49, v11;
	v58 =	vadd.s32 v3, v57;
	s1 =	sld [smem:$0x635]  }
0x3c1: {  	[tilespmem:s10], [sflag:$0x1] =	stream.indirect_vreg.gather [hbm4b:s3+s2], $0x80, v62, vm0, $0xb8;
	[tilespmem:$0x11500] =	vst v63  }
0x3c2: {  	v61 =	vperm.xlane v49, v13;
	v60 =	vadd.s32 v3, v59;
	s10 =	sld [smem:$0x636]  }
0x3c3: {  	[tilespmem:s1], [sflag:$0x1] =	stream.indirect_vreg.gather [hbm4b:s3+s2], $0x80, v56, vm0, $0xb8;
	[tilespmem:$0x11500] =	vst v63  }
0x3c4: {  	v63 =	vperm.xlane v49, v14;
	v62 =	vadd.s32 v3, v61;
	s1 =	sld [smem:$0x637]  }
0x3c5: {  	[tilespmem:s10], [sflag:$0x1] =	stream.indirect_vreg.gather [hbm4b:s3+s2], $0x80, v58, vm0, $0xb8;
	[tilespmem:$0x11500] =	vst v63  }
0x3c6: {  	v57 =	vperm.xlane v49, v15;
	v56 =	vadd.s32 v3, v63;
	s10 =	sld [smem:$0x638]  }
0x3c7: {  	[tilespmem:s1], [sflag:$0x1] =	stream.indirect_vreg.gather [hbm4b:s3+s2], $0x80, v60, vm0, $0xb8;
	[tilespmem:$0x11500] =	vst v63  }
0x3c8: {  	v59 =	vperm.xlane v49, v16;
	v58 =	vadd.s32 v3, v57;
	s1 =	sld [smem:$0x639]  }
0x3c9: {  	[tilespmem:s10], [sflag:$0x1] =	stream.indirect_vreg.gather [hbm4b:s3+s2], $0x80, v62, vm0, $0xb8;
	[tilespmem:$0x11500] =	vst v63  }
0x3ca: {  	v49 =	vperm.xlane v49, v39;
	v60 =	vadd.s32 v3, v59;
	s10 =	sld [smem:$0x63A]  }
0x3cb: {  	[tilespmem:s1], [sflag:$0x1] =	stream.indirect_vreg.gather [hbm4b:s3+s2], $0x80, v56, vm0, $0xb8;
	[tilespmem:$0x11500] =	vst v63  }
0x3cc: {  	v49 =	vadd.s32 v3, v49;
	s1 =	sld [smem:$0x63B]  }
0x3cd: {  	[tilespmem:s10], [sflag:$0x1] =	stream.indirect_vreg.gather [hbm4b:s3+s2], $0x80, v58, vm0, $0xb8;
	[tilespmem:$0x11500] =	vst v63  }
0x3ce: {  	s10 =	sld [smem:$0x63C]  }
0x3cf: {  	[tilespmem:s1], [sflag:$0x1] =	stream.indirect_vreg.gather [hbm4b:s3+s2], $0x80, v60, vm0, $0xb8;
	[tilespmem:$0x11500] =	vst v63  }
0x3d0: {  	_ = 	snop  }
0x3d1: {  	[tilespmem:s10], [sflag:$0x1] =	stream.indirect_vreg.gather [hbm4b:s3+s2], $0x80, v49, vm0, $0xb8;
	[tilespmem:$0x11500] =	vst v63  }
0x3d2: {  	v49 =	vld [tilespmem:$0xB30];
	_ =	sdelay $0x4  }
0x3d3: {  	v61 =	vshll.u32 v49, $0x7  }
0x3d4: {  	v49 =	vand.u32 $0x7, v49;
	v50 =	vand.u32 $0xFFFFFC00, v61  }
0x3d5: {  	v49 =	vor.u32 v49, v50  }
0x3d6: {  	v50 =	vperm.xlane v49, v0;
	_ =	sdelay $0x1  }
0x3d7: {  	v62 =	vperm.xlane v49, v4;
	v50 =	vadd.s32 v3, v50;
	_ =	sdelay $0x1  }
0x3d8: {  	s1 =	sld [smem:$0x63D];
	v63 =	vperm.xlane v49, v5;
	v51 =	vadd.s32 v3, v62;
	_ =	sdelay $0x1  }
0x3d9: {  	s10 =	sld [smem:$0x63E];
	v56 =	vperm.xlane v49, v6;
	v52 =	vadd.s32 v3, v63  }
0x3da: {  	[tilespmem:s1], [sflag:$0x1] =	stream.indirect_vreg.gather [hbm4b:s3+s2], $0x80, v50, vm0, $0xb8;
	[tilespmem:$0x11500] =	vst v63  }
0x3db: {  	v58 =	vperm.xlane v49, v7;
	v57 =	vadd.s32 v3, v56;
	s1 =	sld [smem:$0x63F]  }
0x3dc: {  	[tilespmem:s10], [sflag:$0x1] =	stream.indirect_vreg.gather [hbm4b:s3+s2], $0x80, v51, vm0, $0xb8;
	[tilespmem:$0x11500] =	vst v63  }
0x3dd: {  	v60 =	vperm.xlane v49, v8;
	v59 =	vadd.s32 v3, v58;
	s10 =	sld [smem:$0x640]  }
0x3de: {  	[tilespmem:s1], [sflag:$0x1] =	stream.indirect_vreg.gather [hbm4b:s3+s2], $0x80, v52, vm0, $0xb8;
	[tilespmem:$0x11500] =	vst v63  }
0x3df: {  	v61 =	vadd.s32 v3, v60;
	v62 =	vperm.xlane v49, v1;
	s1 =	sld [smem:$0x641]  }
0x3e0: {  	[tilespmem:s10], [sflag:$0x1] =	stream.indirect_vreg.gather [hbm4b:s3+s2], $0x80, v57, vm0, $0xb8;
	[tilespmem:$0x11500] =	vst v63  }
0x3e1: {  	v56 =	vperm.xlane v49, v2;
	v63 =	vadd.s32 v3, v62;
	s10 =	sld [smem:$0x642]  }
0x3e2: {  	[tilespmem:s1], [sflag:$0x1] =	stream.indirect_vreg.gather [hbm4b:s3+s2], $0x80, v59, vm0, $0xb8;
	[tilespmem:$0x11500] =	vst v63  }
0x3e3: {  	v58 =	vperm.xlane v49, v9;
	v57 =	vadd.s32 v3, v56;
	s1 =	sld [smem:$0x643]  }
0x3e4: {  	[tilespmem:s10], [sflag:$0x1] =	stream.indirect_vreg.gather [hbm4b:s3+s2], $0x80, v61, vm0, $0xb8;
	[tilespmem:$0x11500] =	vst v63  }
0x3e5: {  	v60 =	vperm.xlane v49, v10;
	v59 =	vadd.s32 v3, v58;
	s10 =	sld [smem:$0x644]  }
0x3e6: {  	[tilespmem:s1], [sflag:$0x1] =	stream.indirect_vreg.gather [hbm4b:s3+s2], $0x80, v63, vm0, $0xb8;
	[tilespmem:$0x11500] =	vst v63  }
0x3e7: {  	v62 =	vperm.xlane v49, v11;
	v61 =	vadd.s32 v3, v60;
	s1 =	sld [smem:$0x645]  }
0x3e8: {  	[tilespmem:s10], [sflag:$0x1] =	stream.indirect_vreg.gather [hbm4b:s3+s2], $0x80, v57, vm0, $0xb8;
	[tilespmem:$0x11500] =	vst v63  }
0x3e9: {  	v56 =	vperm.xlane v49, v13;
	v63 =	vadd.s32 v3, v62;
	s10 =	sld [smem:$0x646]  }
0x3ea: {  	[tilespmem:s1], [sflag:$0x1] =	stream.indirect_vreg.gather [hbm4b:s3+s2], $0x80, v59, vm0, $0xb8;
	[tilespmem:$0x11500] =	vst v63  }
0x3eb: {  	v58 =	vperm.xlane v49, v14;
	v57 =	vadd.s32 v3, v56;
	s1 =	sld [smem:$0x647]  }
0x3ec: {  	[tilespmem:s10], [sflag:$0x1] =	stream.indirect_vreg.gather [hbm4b:s3+s2], $0x80, v61, vm0, $0xb8;
	[tilespmem:$0x11500] =	vst v63  }
0x3ed: {  	v60 =	vperm.xlane v49, v15;
	v59 =	vadd.s32 v3, v58;
	s10 =	sld [smem:$0x648]  }
0x3ee: {  	[tilespmem:s1], [sflag:$0x1] =	stream.indirect_vreg.gather [hbm4b:s3+s2], $0x80, v63, vm0, $0xb8;
	[tilespmem:$0x11500] =	vst v63  }
0x3ef: {  	v62 =	vperm.xlane v49, v16;
	v61 =	vadd.s32 v3, v60;
	s1 =	sld [smem:$0x649]  }
0x3f0: {  	[tilespmem:s10], [sflag:$0x1] =	stream.indirect_vreg.gather [hbm4b:s3+s2], $0x80, v57, vm0, $0xb8;
	[tilespmem:$0x11500] =	vst v63  }
0x3f1: {  	v49 =	vperm.xlane v49, v39;
	v63 =	vadd.s32 v3, v62;
	s10 =	sld [smem:$0x64A]  }
0x3f2: {  	[tilespmem:s1], [sflag:$0x1] =	stream.indirect_vreg.gather [hbm4b:s3+s2], $0x80, v59, vm0, $0xb8;
	[tilespmem:$0x11500] =	vst v63  }
0x3f3: {  	v49 =	vadd.s32 v3, v49;
	s1 =	sld [smem:$0x64B]  }
0x3f4: {  	[tilespmem:s10], [sflag:$0x1] =	stream.indirect_vreg.gather [hbm4b:s3+s2], $0x80, v61, vm0, $0xb8;
	[tilespmem:$0x11500] =	vst v63  }
0x3f5: {  	s10 =	sld [smem:$0x64C]  }
0x3f6: {  	[tilespmem:s1], [sflag:$0x1] =	stream.indirect_vreg.gather [hbm4b:s3+s2], $0x80, v63, vm0, $0xb8;
	[tilespmem:$0x11500] =	vst v63  }
0x3f7: {  	_ = 	snop  }
0x3f8: {  	[tilespmem:s10], [sflag:$0x1] =	stream.indirect_vreg.gather [hbm4b:s3+s2], $0x80, v49, vm0, $0xb8;
	[tilespmem:$0x11500] =	vst v63  }
0x3f9: {  	v49 =	vld [tilespmem:$0xB40];
	_ =	sdelay $0x4  }
0x3fa: {  	v55 =	vshll.u32 v49, $0x7  }
0x3fb: {  	v49 =	vand.u32 $0x7, v49;
	v50 =	vand.u32 $0xFFFFFC00, v55  }
0x3fc: {  	v49 =	vor.u32 v49, v50  }
0x3fd: {  	v50 =	vperm.xlane v49, v0;
	_ =	sdelay $0x1  }
0x3fe: {  	v56 =	vperm.xlane v49, v4;
	v50 =	vadd.s32 v3, v50;
	_ =	sdelay $0x1  }
0x3ff: {  	s1 =	sld [smem:$0x64D];
	v57 =	vperm.xlane v49, v5;
	v51 =	vadd.s32 v3, v56;
	_ =	sdelay $0x1  }
0x400: {  	s10 =	sld [smem:$0x64E];
	v58 =	vperm.xlane v49, v6;
	v52 =	vadd.s32 v3, v57  }
0x401: {  	[tilespmem:s1], [sflag:$0x1] =	stream.indirect_vreg.gather [hbm4b:s3+s2], $0x80, v50, vm0, $0xb8;
	[tilespmem:$0x11500] =	vst v63  }
0x402: {  	v60 =	vperm.xlane v49, v7;
	v59 =	vadd.s32 v3, v58;
	s1 =	sld [smem:$0x64F]  }
0x403: {  	[tilespmem:s10], [sflag:$0x1] =	stream.indirect_vreg.gather [hbm4b:s3+s2], $0x80, v51, vm0, $0xb8;
	[tilespmem:$0x11500] =	vst v63  }
0x404: {  	v62 =	vperm.xlane v49, v8;
	v61 =	vadd.s32 v3, v60;
	s10 =	sld [smem:$0x650]  }
0x405: {  	[tilespmem:s1], [sflag:$0x1] =	stream.indirect_vreg.gather [hbm4b:s3+s2], $0x80, v52, vm0, $0xb8;
	[tilespmem:$0x11500] =	vst v63  }
0x406: {  	v63 =	vadd.s32 v3, v62;
	v56 =	vperm.xlane v49, v1;
	s1 =	sld [smem:$0x651]  }
0x407: {  	[tilespmem:s10], [sflag:$0x1] =	stream.indirect_vreg.gather [hbm4b:s3+s2], $0x80, v59, vm0, $0xb8;
	[tilespmem:$0x11500] =	vst v63  }
0x408: {  	v58 =	vperm.xlane v49, v2;
	v57 =	vadd.s32 v3, v56;
	s10 =	sld [smem:$0x652]  }
0x409: {  	[tilespmem:s1], [sflag:$0x1] =	stream.indirect_vreg.gather [hbm4b:s3+s2], $0x80, v61, vm0, $0xb8;
	[tilespmem:$0x11500] =	vst v63  }
0x40a: {  	v60 =	vperm.xlane v49, v9;
	v59 =	vadd.s32 v3, v58;
	s1 =	sld [smem:$0x653]  }
0x40b: {  	[tilespmem:s10], [sflag:$0x1] =	stream.indirect_vreg.gather [hbm4b:s3+s2], $0x80, v63, vm0, $0xb8;
	[tilespmem:$0x11500] =	vst v63  }
0x40c: {  	v62 =	vperm.xlane v49, v10;
	v61 =	vadd.s32 v3, v60;
	s10 =	sld [smem:$0x654]  }
0x40d: {  	[tilespmem:s1], [sflag:$0x1] =	stream.indirect_vreg.gather [hbm4b:s3+s2], $0x80, v57, vm0, $0xb8;
	[tilespmem:$0x11500] =	vst v63  }
0x40e: {  	v56 =	vperm.xlane v49, v11;
	v63 =	vadd.s32 v3, v62;
	s1 =	sld [smem:$0x655]  }
0x40f: {  	[tilespmem:s10], [sflag:$0x1] =	stream.indirect_vreg.gather [hbm4b:s3+s2], $0x80, v59, vm0, $0xb8;
	[tilespmem:$0x11500] =	vst v63  }
0x410: {  	v58 =	vperm.xlane v49, v13;
	v57 =	vadd.s32 v3, v56;
	s10 =	sld [smem:$0x656]  }
0x411: {  	[tilespmem:s1], [sflag:$0x1] =	stream.indirect_vreg.gather [hbm4b:s3+s2], $0x80, v61, vm0, $0xb8;
	[tilespmem:$0x11500] =	vst v63  }
0x412: {  	v60 =	vperm.xlane v49, v14;
	v59 =	vadd.s32 v3, v58;
	s1 =	sld [smem:$0x657]  }
0x413: {  	[tilespmem:s10], [sflag:$0x1] =	stream.indirect_vreg.gather [hbm4b:s3+s2], $0x80, v63, vm0, $0xb8;
	[tilespmem:$0x11500] =	vst v63  }
0x414: {  	v62 =	vperm.xlane v49, v15;
	v61 =	vadd.s32 v3, v60;
	s10 =	sld [smem:$0x658]  }
0x415: {  	[tilespmem:s1], [sflag:$0x1] =	stream.indirect_vreg.gather [hbm4b:s3+s2], $0x80, v57, vm0, $0xb8;
	[tilespmem:$0x11500] =	vst v63  }
0x416: {  	v56 =	vperm.xlane v49, v16;
	v63 =	vadd.s32 v3, v62;
	s1 =	sld [smem:$0x659]  }
0x417: {  	[tilespmem:s10], [sflag:$0x1] =	stream.indirect_vreg.gather [hbm4b:s3+s2], $0x80, v59, vm0, $0xb8;
	[tilespmem:$0x11500] =	vst v63  }
0x418: {  	v49 =	vperm.xlane v49, v39;
	v57 =	vadd.s32 v3, v56;
	s10 =	sld [smem:$0x65A]  }
0x419: {  	[tilespmem:s1], [sflag:$0x1] =	stream.indirect_vreg.gather [hbm4b:s3+s2], $0x80, v61, vm0, $0xb8;
	[tilespmem:$0x11500] =	vst v63  }
0x41a: {  	v49 =	vadd.s32 v3, v49;
	s1 =	sld [smem:$0x65B]  }
0x41b: {  	[tilespmem:s10], [sflag:$0x1] =	stream.indirect_vreg.gather [hbm4b:s3+s2], $0x80, v63, vm0, $0xb8;
	[tilespmem:$0x11500] =	vst v63  }
0x41c: {  	s10 =	sld [smem:$0x65C]  }
0x41d: {  	[tilespmem:s1], [sflag:$0x1] =	stream.indirect_vreg.gather [hbm4b:s3+s2], $0x80, v57, vm0, $0xb8;
	[tilespmem:$0x11500] =	vst v63  }
0x41e: {  	_ = 	snop  }
0x41f: {  	[tilespmem:s10], [sflag:$0x1] =	stream.indirect_vreg.gather [hbm4b:s3+s2], $0x80, v49, vm0, $0xb8;
	[tilespmem:$0x11500] =	vst v63  }
0x420: {  	v49 =	vld [tilespmem:$0xB50];
	_ =	sdelay $0x4  }
0x421: {  	v58 =	vshll.u32 v49, $0x7  }
0x422: {  	v49 =	vand.u32 $0x7, v49;
	v50 =	vand.u32 $0xFFFFFC00, v58  }
0x423: {  	v49 =	vor.u32 v49, v50  }
0x424: {  	v50 =	vperm.xlane v49, v0;
	_ =	sdelay $0x1  }
0x425: {  	v59 =	vperm.xlane v49, v4;
	v50 =	vadd.s32 v3, v50;
	_ =	sdelay $0x1  }
0x426: {  	s1 =	sld [smem:$0x65D];
	v60 =	vperm.xlane v49, v5;
	v51 =	vadd.s32 v3, v59;
	_ =	sdelay $0x1  }
0x427: {  	s10 =	sld [smem:$0x65E];
	v61 =	vperm.xlane v49, v6;
	v52 =	vadd.s32 v3, v60  }
0x428: {  	[tilespmem:s1], [sflag:$0x1] =	stream.indirect_vreg.gather [hbm4b:s3+s2], $0x80, v50, vm0, $0xb8;
	[tilespmem:$0x11500] =	vst v63  }
0x429: {  	v63 =	vperm.xlane v49, v7;
	v62 =	vadd.s32 v3, v61;
	s1 =	sld [smem:$0x65F]  }
0x42a: {  	[tilespmem:s10], [sflag:$0x1] =	stream.indirect_vreg.gather [hbm4b:s3+s2], $0x80, v51, vm0, $0xb8;
	[tilespmem:$0x11500] =	vst v63  }
0x42b: {  	v57 =	vperm.xlane v49, v8;
	v56 =	vadd.s32 v3, v63;
	s10 =	sld [smem:$0x660]  }
0x42c: {  	[tilespmem:s1], [sflag:$0x1] =	stream.indirect_vreg.gather [hbm4b:s3+s2], $0x80, v52, vm0, $0xb8;
	[tilespmem:$0x11500] =	vst v63  }
0x42d: {  	v58 =	vadd.s32 v3, v57;
	v59 =	vperm.xlane v49, v1;
	s1 =	sld [smem:$0x661]  }
0x42e: {  	[tilespmem:s10], [sflag:$0x1] =	stream.indirect_vreg.gather [hbm4b:s3+s2], $0x80, v62, vm0, $0xb8;
	[tilespmem:$0x11500] =	vst v63  }
0x42f: {  	v61 =	vperm.xlane v49, v2;
	v60 =	vadd.s32 v3, v59;
	s10 =	sld [smem:$0x662]  }
0x430: {  	[tilespmem:s1], [sflag:$0x1] =	stream.indirect_vreg.gather [hbm4b:s3+s2], $0x80, v56, vm0, $0xb8;
	[tilespmem:$0x11500] =	vst v63  }
0x431: {  	v63 =	vperm.xlane v49, v9;
	v62 =	vadd.s32 v3, v61;
	s1 =	sld [smem:$0x663]  }
0x432: {  	[tilespmem:s10], [sflag:$0x1] =	stream.indirect_vreg.gather [hbm4b:s3+s2], $0x80, v58, vm0, $0xb8;
	[tilespmem:$0x11500] =	vst v63  }
0x433: {  	v57 =	vperm.xlane v49, v10;
	v56 =	vadd.s32 v3, v63;
	s10 =	sld [smem:$0x664]  }
0x434: {  	[tilespmem:s1], [sflag:$0x1] =	stream.indirect_vreg.gather [hbm4b:s3+s2], $0x80, v60, vm0, $0xb8;
	[tilespmem:$0x11500] =	vst v63  }
0x435: {  	v59 =	vperm.xlane v49, v11;
	v58 =	vadd.s32 v3, v57;
	s1 =	sld [smem:$0x665]  }
0x436: {  	[tilespmem:s10], [sflag:$0x1] =	stream.indirect_vreg.gather [hbm4b:s3+s2], $0x80, v62, vm0, $0xb8;
	[tilespmem:$0x11500] =	vst v63  }
0x437: {  	v61 =	vperm.xlane v49, v13;
	v60 =	vadd.s32 v3, v59;
	s10 =	sld [smem:$0x666]  }
0x438: {  	[tilespmem:s1], [sflag:$0x1] =	stream.indirect_vreg.gather [hbm4b:s3+s2], $0x80, v56, vm0, $0xb8;
	[tilespmem:$0x11500] =	vst v63  }
0x439: {  	v63 =	vperm.xlane v49, v14;
	v62 =	vadd.s32 v3, v61;
	s1 =	sld [smem:$0x667]  }
0x43a: {  	[tilespmem:s10], [sflag:$0x1] =	stream.indirect_vreg.gather [hbm4b:s3+s2], $0x80, v58, vm0, $0xb8;
	[tilespmem:$0x11500] =	vst v63  }
0x43b: {  	v57 =	vperm.xlane v49, v15;
	v56 =	vadd.s32 v3, v63;
	s10 =	sld [smem:$0x668]  }
0x43c: {  	[tilespmem:s1], [sflag:$0x1] =	stream.indirect_vreg.gather [hbm4b:s3+s2], $0x80, v60, vm0, $0xb8;
	[tilespmem:$0x11500] =	vst v63  }
0x43d: {  	v59 =	vperm.xlane v49, v16;
	v58 =	vadd.s32 v3, v57;
	s1 =	sld [smem:$0x669]  }
0x43e: {  	[tilespmem:s10], [sflag:$0x1] =	stream.indirect_vreg.gather [hbm4b:s3+s2], $0x80, v62, vm0, $0xb8;
	[tilespmem:$0x11500] =	vst v63  }
0x43f: {  	v49 =	vperm.xlane v49, v39;
	v60 =	vadd.s32 v3, v59;
	s10 =	sld [smem:$0x66A]  }
0x440: {  	[tilespmem:s1], [sflag:$0x1] =	stream.indirect_vreg.gather [hbm4b:s3+s2], $0x80, v56, vm0, $0xb8;
	[tilespmem:$0x11500] =	vst v63  }
0x441: {  	v49 =	vadd.s32 v3, v49;
	s1 =	sld [smem:$0x66B]  }
0x442: {  	[tilespmem:s10], [sflag:$0x1] =	stream.indirect_vreg.gather [hbm4b:s3+s2], $0x80, v58, vm0, $0xb8;
	[tilespmem:$0x11500] =	vst v63  }
0x443: {  	s10 =	sld [smem:$0x66C]  }
0x444: {  	[tilespmem:s1], [sflag:$0x1] =	stream.indirect_vreg.gather [hbm4b:s3+s2], $0x80, v60, vm0, $0xb8;
	[tilespmem:$0x11500] =	vst v63  }
0x445: {  	_ = 	snop  }
0x446: {  	[tilespmem:s10], [sflag:$0x1] =	stream.indirect_vreg.gather [hbm4b:s3+s2], $0x80, v49, vm0, $0xb8;
	[tilespmem:$0x11500] =	vst v63  }
0x447: {  	v49 =	vld [tilespmem:$0xB60];
	_ =	sdelay $0x4  }
0x448: {  	v61 =	vshll.u32 v49, $0x7  }
0x449: {  	v49 =	vand.u32 $0x7, v49;
	v50 =	vand.u32 $0xFFFFFC00, v61  }
0x44a: {  	v49 =	vor.u32 v49, v50  }
0x44b: {  	v50 =	vperm.xlane v49, v0;
	_ =	sdelay $0x1  }
0x44c: {  	v62 =	vperm.xlane v49, v4;
	v50 =	vadd.s32 v3, v50;
	_ =	sdelay $0x1  }
0x44d: {  	s1 =	sld [smem:$0x66D];
	v63 =	vperm.xlane v49, v5;
	v51 =	vadd.s32 v3, v62;
	_ =	sdelay $0x1  }
0x44e: {  	s10 =	sld [smem:$0x66E];
	v56 =	vperm.xlane v49, v6;
	v52 =	vadd.s32 v3, v63  }
0x44f: {  	[tilespmem:s1], [sflag:$0x1] =	stream.indirect_vreg.gather [hbm4b:s3+s2], $0x80, v50, vm0, $0xb8;
	[tilespmem:$0x11500] =	vst v63  }
0x450: {  	v58 =	vperm.xlane v49, v7;
	v57 =	vadd.s32 v3, v56;
	s1 =	sld [smem:$0x66F]  }
0x451: {  	[tilespmem:s10], [sflag:$0x1] =	stream.indirect_vreg.gather [hbm4b:s3+s2], $0x80, v51, vm0, $0xb8;
	[tilespmem:$0x11500] =	vst v63  }
0x452: {  	v60 =	vperm.xlane v49, v8;
	v59 =	vadd.s32 v3, v58;
	s10 =	sld [smem:$0x670]  }
0x453: {  	[tilespmem:s1], [sflag:$0x1] =	stream.indirect_vreg.gather [hbm4b:s3+s2], $0x80, v52, vm0, $0xb8;
	[tilespmem:$0x11500] =	vst v63  }
0x454: {  	v61 =	vadd.s32 v3, v60;
	v62 =	vperm.xlane v49, v1;
	s1 =	sld [smem:$0x671]  }
0x455: {  	[tilespmem:s10], [sflag:$0x1] =	stream.indirect_vreg.gather [hbm4b:s3+s2], $0x80, v57, vm0, $0xb8;
	[tilespmem:$0x11500] =	vst v63  }
0x456: {  	v56 =	vperm.xlane v49, v2;
	v63 =	vadd.s32 v3, v62;
	s10 =	sld [smem:$0x672]  }
0x457: {  	[tilespmem:s1], [sflag:$0x1] =	stream.indirect_vreg.gather [hbm4b:s3+s2], $0x80, v59, vm0, $0xb8;
	[tilespmem:$0x11500] =	vst v63  }
0x458: {  	v58 =	vperm.xlane v49, v9;
	v57 =	vadd.s32 v3, v56;
	s1 =	sld [smem:$0x673]  }
0x459: {  	[tilespmem:s10], [sflag:$0x1] =	stream.indirect_vreg.gather [hbm4b:s3+s2], $0x80, v61, vm0, $0xb8;
	[tilespmem:$0x11500] =	vst v63  }
0x45a: {  	v60 =	vperm.xlane v49, v10;
	v59 =	vadd.s32 v3, v58;
	s10 =	sld [smem:$0x674]  }
0x45b: {  	[tilespmem:s1], [sflag:$0x1] =	stream.indirect_vreg.gather [hbm4b:s3+s2], $0x80, v63, vm0, $0xb8;
	[tilespmem:$0x11500] =	vst v63  }
0x45c: {  	v62 =	vperm.xlane v49, v11;
	v61 =	vadd.s32 v3, v60;
	s1 =	sld [smem:$0x675]  }
0x45d: {  	[tilespmem:s10], [sflag:$0x1] =	stream.indirect_vreg.gather [hbm4b:s3+s2], $0x80, v57, vm0, $0xb8;
	[tilespmem:$0x11500] =	vst v63  }
0x45e: {  	v56 =	vperm.xlane v49, v13;
	v63 =	vadd.s32 v3, v62;
	s10 =	sld [smem:$0x676]  }
0x45f: {  	[tilespmem:s1], [sflag:$0x1] =	stream.indirect_vreg.gather [hbm4b:s3+s2], $0x80, v59, vm0, $0xb8;
	[tilespmem:$0x11500] =	vst v63  }
0x460: {  	v58 =	vperm.xlane v49, v14;
	v57 =	vadd.s32 v3, v56;
	s1 =	sld [smem:$0x677]  }
0x461: {  	[tilespmem:s10], [sflag:$0x1] =	stream.indirect_vreg.gather [hbm4b:s3+s2], $0x80, v61, vm0, $0xb8;
	[tilespmem:$0x11500] =	vst v63  }
0x462: {  	v60 =	vperm.xlane v49, v15;
	v59 =	vadd.s32 v3, v58;
	s10 =	sld [smem:$0x678]  }
0x463: {  	[tilespmem:s1], [sflag:$0x1] =	stream.indirect_vreg.gather [hbm4b:s3+s2], $0x80, v63, vm0, $0xb8;
	[tilespmem:$0x11500] =	vst v63  }
0x464: {  	v62 =	vperm.xlane v49, v16;
	v61 =	vadd.s32 v3, v60;
	s1 =	sld [smem:$0x679]  }
0x465: {  	[tilespmem:s10], [sflag:$0x1] =	stream.indirect_vreg.gather [hbm4b:s3+s2], $0x80, v57, vm0, $0xb8;
	[tilespmem:$0x11500] =	vst v63  }
0x466: {  	v49 =	vperm.xlane v49, v39;
	v63 =	vadd.s32 v3, v62;
	s10 =	sld [smem:$0x67A]  }
0x467: {  	[tilespmem:s1], [sflag:$0x1] =	stream.indirect_vreg.gather [hbm4b:s3+s2], $0x80, v59, vm0, $0xb8;
	[tilespmem:$0x11500] =	vst v63  }
0x468: {  	v49 =	vadd.s32 v3, v49;
	s1 =	sld [smem:$0x67B]  }
0x469: {  	[tilespmem:s10], [sflag:$0x1] =	stream.indirect_vreg.gather [hbm4b:s3+s2], $0x80, v61, vm0, $0xb8;
	[tilespmem:$0x11500] =	vst v63  }
0x46a: {  	s10 =	sld [smem:$0x67C]  }
0x46b: {  	[tilespmem:s1], [sflag:$0x1] =	stream.indirect_vreg.gather [hbm4b:s3+s2], $0x80, v63, vm0, $0xb8;
	[tilespmem:$0x11500] =	vst v63  }
0x46c: {  	_ = 	snop  }
0x46d: {  	[tilespmem:s10], [sflag:$0x1] =	stream.indirect_vreg.gather [hbm4b:s3+s2], $0x80, v49, vm0, $0xb8;
	[tilespmem:$0x11500] =	vst v63  }
0x46e: {  	v49 =	vld [tilespmem:$0xB70];
	_ =	sdelay $0x4  }
0x46f: {  	v55 =	vshll.u32 v49, $0x7  }
0x470: {  	v49 =	vand.u32 $0x7, v49;
	v50 =	vand.u32 $0xFFFFFC00, v55  }
0x471: {  	v49 =	vor.u32 v49, v50  }
0x472: {  	v50 =	vperm.xlane v49, v0;
	_ =	sdelay $0x1  }
0x473: {  	v56 =	vperm.xlane v49, v4;
	v50 =	vadd.s32 v3, v50;
	_ =	sdelay $0x1  }
0x474: {  	s1 =	sld [smem:$0x67D];
	v57 =	vperm.xlane v49, v5;
	v51 =	vadd.s32 v3, v56;
	_ =	sdelay $0x1  }
0x475: {  	s10 =	sld [smem:$0x67E];
	v58 =	vperm.xlane v49, v6;
	v52 =	vadd.s32 v3, v57  }
0x476: {  	[tilespmem:s1], [sflag:$0x1] =	stream.indirect_vreg.gather [hbm4b:s3+s2], $0x80, v50, vm0, $0xb8;
	[tilespmem:$0x11500] =	vst v63  }
0x477: {  	v60 =	vperm.xlane v49, v7;
	v59 =	vadd.s32 v3, v58;
	s1 =	sld [smem:$0x67F]  }
0x478: {  	[tilespmem:s10], [sflag:$0x1] =	stream.indirect_vreg.gather [hbm4b:s3+s2], $0x80, v51, vm0, $0xb8;
	[tilespmem:$0x11500] =	vst v63  }
0x479: {  	v62 =	vperm.xlane v49, v8;
	v61 =	vadd.s32 v3, v60;
	s10 =	sld [smem:$0x680]  }
0x47a: {  	[tilespmem:s1], [sflag:$0x1] =	stream.indirect_vreg.gather [hbm4b:s3+s2], $0x80, v52, vm0, $0xb8;
	[tilespmem:$0x11500] =	vst v63  }
0x47b: {  	v63 =	vadd.s32 v3, v62;
	v56 =	vperm.xlane v49, v1;
	s1 =	sld [smem:$0x681]  }
0x47c: {  	[tilespmem:s10], [sflag:$0x1] =	stream.indirect_vreg.gather [hbm4b:s3+s2], $0x80, v59, vm0, $0xb8;
	[tilespmem:$0x11500] =	vst v63  }
0x47d: {  	v58 =	vperm.xlane v49, v2;
	v57 =	vadd.s32 v3, v56;
	s10 =	sld [smem:$0x682]  }
0x47e: {  	[tilespmem:s1], [sflag:$0x1] =	stream.indirect_vreg.gather [hbm4b:s3+s2], $0x80, v61, vm0, $0xb8;
	[tilespmem:$0x11500] =	vst v63  }
0x47f: {  	v60 =	vperm.xlane v49, v9;
	v59 =	vadd.s32 v3, v58;
	s1 =	sld [smem:$0x683]  }
0x480: {  	[tilespmem:s10], [sflag:$0x1] =	stream.indirect_vreg.gather [hbm4b:s3+s2], $0x80, v63, vm0, $0xb8;
	[tilespmem:$0x11500] =	vst v63  }
0x481: {  	v62 =	vperm.xlane v49, v10;
	v61 =	vadd.s32 v3, v60;
	s10 =	sld [smem:$0x684]  }
0x482: {  	[tilespmem:s1], [sflag:$0x1] =	stream.indirect_vreg.gather [hbm4b:s3+s2], $0x80, v57, vm0, $0xb8;
	[tilespmem:$0x11500] =	vst v63  }
0x483: {  	v56 =	vperm.xlane v49, v11;
	v63 =	vadd.s32 v3, v62;
	s1 =	sld [smem:$0x685]  }
0x484: {  	[tilespmem:s10], [sflag:$0x1] =	stream.indirect_vreg.gather [hbm4b:s3+s2], $0x80, v59, vm0, $0xb8;
	[tilespmem:$0x11500] =	vst v63  }
0x485: {  	v58 =	vperm.xlane v49, v13;
	v57 =	vadd.s32 v3, v56;
	s10 =	sld [smem:$0x686]  }
0x486: {  	[tilespmem:s1], [sflag:$0x1] =	stream.indirect_vreg.gather [hbm4b:s3+s2], $0x80, v61, vm0, $0xb8;
	[tilespmem:$0x11500] =	vst v63  }
0x487: {  	v60 =	vperm.xlane v49, v14;
	v59 =	vadd.s32 v3, v58;
	s1 =	sld [smem:$0x687]  }
0x488: {  	[tilespmem:s10], [sflag:$0x1] =	stream.indirect_vreg.gather [hbm4b:s3+s2], $0x80, v63, vm0, $0xb8;
	[tilespmem:$0x11500] =	vst v63  }
0x489: {  	v62 =	vperm.xlane v49, v15;
	v61 =	vadd.s32 v3, v60;
	s10 =	sld [smem:$0x688]  }
0x48a: {  	[tilespmem:s1], [sflag:$0x1] =	stream.indirect_vreg.gather [hbm4b:s3+s2], $0x80, v57, vm0, $0xb8;
	[tilespmem:$0x11500] =	vst v63  }
0x48b: {  	v56 =	vperm.xlane v49, v16;
	v63 =	vadd.s32 v3, v62;
	s1 =	sld [smem:$0x689]  }
0x48c: {  	[tilespmem:s10], [sflag:$0x1] =	stream.indirect_vreg.gather [hbm4b:s3+s2], $0x80, v59, vm0, $0xb8;
	[tilespmem:$0x11500] =	vst v63  }
0x48d: {  	v49 =	vperm.xlane v49, v39;
	v57 =	vadd.s32 v3, v56;
	s10 =	sld [smem:$0x68A]  }
0x48e: {  	[tilespmem:s1], [sflag:$0x1] =	stream.indirect_vreg.gather [hbm4b:s3+s2], $0x80, v61, vm0, $0xb8;
	[tilespmem:$0x11500] =	vst v63  }
0x48f: {  	v49 =	vadd.s32 v3, v49;
	s1 =	sld [smem:$0x68B]  }
0x490: {  	[tilespmem:s10], [sflag:$0x1] =	stream.indirect_vreg.gather [hbm4b:s3+s2], $0x80, v63, vm0, $0xb8;
	[tilespmem:$0x11500] =	vst v63  }
0x491: {  	s10 =	sld [smem:$0x68C]  }
0x492: {  	[tilespmem:s1], [sflag:$0x1] =	stream.indirect_vreg.gather [hbm4b:s3+s2], $0x80, v57, vm0, $0xb8;
	[tilespmem:$0x11500] =	vst v63  }
0x493: {  	_ = 	snop  }
0x494: {  	[tilespmem:s10], [sflag:$0x1] =	stream.indirect_vreg.gather [hbm4b:s3+s2], $0x80, v49, vm0, $0xb8;
	[tilespmem:$0x11500] =	vst v63  }
0x495: {  	v49 =	vld [tilespmem:$0xB80];
	_ =	sdelay $0x4  }
0x496: {  	v58 =	vshll.u32 v49, $0x7  }
0x497: {  	v49 =	vand.u32 $0x7, v49;
	v50 =	vand.u32 $0xFFFFFC00, v58  }
0x498: {  	v49 =	vor.u32 v49, v50  }
0x499: {  	v50 =	vperm.xlane v49, v0;
	_ =	sdelay $0x1  }
0x49a: {  	v59 =	vperm.xlane v49, v4;
	v50 =	vadd.s32 v3, v50;
	_ =	sdelay $0x1  }
0x49b: {  	s1 =	sld [smem:$0x68D];
	v60 =	vperm.xlane v49, v5;
	v51 =	vadd.s32 v3, v59;
	_ =	sdelay $0x1  }
0x49c: {  	s10 =	sld [smem:$0x68E];
	v61 =	vperm.xlane v49, v6;
	v52 =	vadd.s32 v3, v60  }
0x49d: {  	[tilespmem:s1], [sflag:$0x1] =	stream.indirect_vreg.gather [hbm4b:s4+s2], $0x80, v50, vm0, $0xb8;
	[tilespmem:$0x11500] =	vst v63  }
0x49e: {  	v63 =	vperm.xlane v49, v7;
	v62 =	vadd.s32 v3, v61;
	s1 =	sld [smem:$0x68F]  }
0x49f: {  	[tilespmem:s10], [sflag:$0x1] =	stream.indirect_vreg.gather [hbm4b:s4+s2], $0x80, v51, vm0, $0xb8;
	[tilespmem:$0x11500] =	vst v63  }
0x4a0: {  	v57 =	vperm.xlane v49, v8;
	v56 =	vadd.s32 v3, v63;
	s10 =	sld [smem:$0x690]  }
0x4a1: {  	[tilespmem:s1], [sflag:$0x1] =	stream.indirect_vreg.gather [hbm4b:s4+s2], $0x80, v52, vm0, $0xb8;
	[tilespmem:$0x11500] =	vst v63  }
0x4a2: {  	v58 =	vadd.s32 v3, v57;
	v59 =	vperm.xlane v49, v1;
	s1 =	sld [smem:$0x691]  }
0x4a3: {  	[tilespmem:s10], [sflag:$0x1] =	stream.indirect_vreg.gather [hbm4b:s4+s2], $0x80, v62, vm0, $0xb8;
	[tilespmem:$0x11500] =	vst v63  }
0x4a4: {  	v61 =	vperm.xlane v49, v2;
	v60 =	vadd.s32 v3, v59;
	s10 =	sld [smem:$0x692]  }
0x4a5: {  	[tilespmem:s1], [sflag:$0x1] =	stream.indirect_vreg.gather [hbm4b:s4+s2], $0x80, v56, vm0, $0xb8;
	[tilespmem:$0x11500] =	vst v63  }
0x4a6: {  	v63 =	vperm.xlane v49, v9;
	v62 =	vadd.s32 v3, v61;
	s1 =	sld [smem:$0x693]  }
0x4a7: {  	[tilespmem:s10], [sflag:$0x1] =	stream.indirect_vreg.gather [hbm4b:s4+s2], $0x80, v58, vm0, $0xb8;
	[tilespmem:$0x11500] =	vst v63  }
0x4a8: {  	v57 =	vperm.xlane v49, v10;
	v56 =	vadd.s32 v3, v63;
	s10 =	sld [smem:$0x694]  }
0x4a9: {  	[tilespmem:s1], [sflag:$0x1] =	stream.indirect_vreg.gather [hbm4b:s4+s2], $0x80, v60, vm0, $0xb8;
	[tilespmem:$0x11500] =	vst v63  }
0x4aa: {  	v59 =	vperm.xlane v49, v11;
	v58 =	vadd.s32 v3, v57;
	s1 =	sld [smem:$0x695]  }
0x4ab: {  	[tilespmem:s10], [sflag:$0x1] =	stream.indirect_vreg.gather [hbm4b:s4+s2], $0x80, v62, vm0, $0xb8;
	[tilespmem:$0x11500] =	vst v63  }
0x4ac: {  	v61 =	vperm.xlane v49, v13;
	v60 =	vadd.s32 v3, v59;
	s10 =	sld [smem:$0x696]  }
0x4ad: {  	[tilespmem:s1], [sflag:$0x1] =	stream.indirect_vreg.gather [hbm4b:s4+s2], $0x80, v56, vm0, $0xb8;
	[tilespmem:$0x11500] =	vst v63  }
0x4ae: {  	v63 =	vperm.xlane v49, v14;
	v62 =	vadd.s32 v3, v61;
	s1 =	sld [smem:$0x697]  }
0x4af: {  	[tilespmem:s10], [sflag:$0x1] =	stream.indirect_vreg.gather [hbm4b:s4+s2], $0x80, v58, vm0, $0xb8;
	[tilespmem:$0x11500] =	vst v63  }
0x4b0: {  	v57 =	vperm.xlane v49, v15;
	v56 =	vadd.s32 v3, v63;
	s10 =	sld [smem:$0x698]  }
0x4b1: {  	[tilespmem:s1], [sflag:$0x1] =	stream.indirect_vreg.gather [hbm4b:s4+s2], $0x80, v60, vm0, $0xb8;
	[tilespmem:$0x11500] =	vst v63  }
0x4b2: {  	v59 =	vperm.xlane v49, v16;
	v58 =	vadd.s32 v3, v57;
	s1 =	sld [smem:$0x699]  }
0x4b3: {  	[tilespmem:s10], [sflag:$0x1] =	stream.indirect_vreg.gather [hbm4b:s4+s2], $0x80, v62, vm0, $0xb8;
	[tilespmem:$0x11500] =	vst v63  }
0x4b4: {  	v49 =	vperm.xlane v49, v39;
	v60 =	vadd.s32 v3, v59;
	s10 =	sld [smem:$0x69A]  }
0x4b5: {  	[tilespmem:s1], [sflag:$0x1] =	stream.indirect_vreg.gather [hbm4b:s4+s2], $0x80, v56, vm0, $0xb8;
	[tilespmem:$0x11500] =	vst v63  }
0x4b6: {  	v49 =	vadd.s32 v3, v49;
	s1 =	sld [smem:$0x69B]  }
0x4b7: {  	[tilespmem:s10], [sflag:$0x1] =	stream.indirect_vreg.gather [hbm4b:s4+s2], $0x80, v58, vm0, $0xb8;
	[tilespmem:$0x11500] =	vst v63  }
0x4b8: {  	s10 =	sld [smem:$0x69C]  }
0x4b9: {  	[tilespmem:s1], [sflag:$0x1] =	stream.indirect_vreg.gather [hbm4b:s4+s2], $0x80, v60, vm0, $0xb8;
	[tilespmem:$0x11500] =	vst v63  }
0x4ba: {  	_ = 	snop  }
0x4bb: {  	[tilespmem:s10], [sflag:$0x1] =	stream.indirect_vreg.gather [hbm4b:s4+s2], $0x80, v49, vm0, $0xb8;
	[tilespmem:$0x11500] =	vst v63  }
0x4bc: {  	v49 =	vld [tilespmem:$0xB90];
	_ =	sdelay $0x4  }
0x4bd: {  	v61 =	vshll.u32 v49, $0x7  }
0x4be: {  	v49 =	vand.u32 $0x7, v49;
	v50 =	vand.u32 $0xFFFFFC00, v61  }
0x4bf: {  	v49 =	vor.u32 v49, v50  }
0x4c0: {  	v50 =	vperm.xlane v49, v0;
	_ =	sdelay $0x1  }
0x4c1: {  	v62 =	vperm.xlane v49, v4;
	v50 =	vadd.s32 v3, v50;
	_ =	sdelay $0x1  }
0x4c2: {  	s1 =	sld [smem:$0x69D];
	v63 =	vperm.xlane v49, v5;
	v51 =	vadd.s32 v3, v62;
	_ =	sdelay $0x1  }
0x4c3: {  	s10 =	sld [smem:$0x69E];
	v56 =	vperm.xlane v49, v6;
	v52 =	vadd.s32 v3, v63  }
0x4c4: {  	[tilespmem:s1], [sflag:$0x1] =	stream.indirect_vreg.gather [hbm4b:s4+s2], $0x80, v50, vm0, $0xb8;
	[tilespmem:$0x11500] =	vst v63  }
0x4c5: {  	v58 =	vperm.xlane v49, v7;
	v57 =	vadd.s32 v3, v56;
	s1 =	sld [smem:$0x69F]  }
0x4c6: {  	[tilespmem:s10], [sflag:$0x1] =	stream.indirect_vreg.gather [hbm4b:s4+s2], $0x80, v51, vm0, $0xb8;
	[tilespmem:$0x11500] =	vst v63  }
0x4c7: {  	v60 =	vperm.xlane v49, v8;
	v59 =	vadd.s32 v3, v58;
	s10 =	sld [smem:$0x6A0]  }
0x4c8: {  	[tilespmem:s1], [sflag:$0x1] =	stream.indirect_vreg.gather [hbm4b:s4+s2], $0x80, v52, vm0, $0xb8;
	[tilespmem:$0x11500] =	vst v63  }
0x4c9: {  	v61 =	vadd.s32 v3, v60;
	v62 =	vperm.xlane v49, v1;
	s1 =	sld [smem:$0x6A1]  }
0x4ca: {  	[tilespmem:s10], [sflag:$0x1] =	stream.indirect_vreg.gather [hbm4b:s4+s2], $0x80, v57, vm0, $0xb8;
	[tilespmem:$0x11500] =	vst v63  }
0x4cb: {  	v56 =	vperm.xlane v49, v2;
	v63 =	vadd.s32 v3, v62;
	s10 =	sld [smem:$0x6A2]  }
0x4cc: {  	[tilespmem:s1], [sflag:$0x1] =	stream.indirect_vreg.gather [hbm4b:s4+s2], $0x80, v59, vm0, $0xb8;
	[tilespmem:$0x11500] =	vst v63  }
0x4cd: {  	v58 =	vperm.xlane v49, v9;
	v57 =	vadd.s32 v3, v56;
	s1 =	sld [smem:$0x6A3]  }
0x4ce: {  	[tilespmem:s10], [sflag:$0x1] =	stream.indirect_vreg.gather [hbm4b:s4+s2], $0x80, v61, vm0, $0xb8;
	[tilespmem:$0x11500] =	vst v63  }
0x4cf: {  	v60 =	vperm.xlane v49, v10;
	v59 =	vadd.s32 v3, v58;
	s10 =	sld [smem:$0x6A4]  }
0x4d0: {  	[tilespmem:s1], [sflag:$0x1] =	stream.indirect_vreg.gather [hbm4b:s4+s2], $0x80, v63, vm0, $0xb8;
	[tilespmem:$0x11500] =	vst v63  }
0x4d1: {  	v62 =	vperm.xlane v49, v11;
	v61 =	vadd.s32 v3, v60;
	s1 =	sld [smem:$0x6A5]  }
0x4d2: {  	[tilespmem:s10], [sflag:$0x1] =	stream.indirect_vreg.gather [hbm4b:s4+s2], $0x80, v57, vm0, $0xb8;
	[tilespmem:$0x11500] =	vst v63  }
0x4d3: {  	v56 =	vperm.xlane v49, v13;
	v63 =	vadd.s32 v3, v62;
	s10 =	sld [smem:$0x6A6]  }
0x4d4: {  	[tilespmem:s1], [sflag:$0x1] =	stream.indirect_vreg.gather [hbm4b:s4+s2], $0x80, v59, vm0, $0xb8;
	[tilespmem:$0x11500] =	vst v63  }
0x4d5: {  	v58 =	vperm.xlane v49, v14;
	v57 =	vadd.s32 v3, v56;
	s1 =	sld [smem:$0x6A7]  }
0x4d6: {  	[tilespmem:s10], [sflag:$0x1] =	stream.indirect_vreg.gather [hbm4b:s4+s2], $0x80, v61, vm0, $0xb8;
	[tilespmem:$0x11500] =	vst v63  }
0x4d7: {  	v60 =	vperm.xlane v49, v15;
	v59 =	vadd.s32 v3, v58;
	s10 =	sld [smem:$0x6A8]  }
0x4d8: {  	[tilespmem:s1], [sflag:$0x1] =	stream.indirect_vreg.gather [hbm4b:s4+s2], $0x80, v63, vm0, $0xb8;
	[tilespmem:$0x11500] =	vst v63  }
0x4d9: {  	v62 =	vperm.xlane v49, v16;
	v61 =	vadd.s32 v3, v60;
	s1 =	sld [smem:$0x6A9]  }
0x4da: {  	[tilespmem:s10], [sflag:$0x1] =	stream.indirect_vreg.gather [hbm4b:s4+s2], $0x80, v57, vm0, $0xb8;
	[tilespmem:$0x11500] =	vst v63  }
0x4db: {  	v49 =	vperm.xlane v49, v39;
	v63 =	vadd.s32 v3, v62;
	s10 =	sld [smem:$0x6AA]  }
0x4dc: {  	[tilespmem:s1], [sflag:$0x1] =	stream.indirect_vreg.gather [hbm4b:s4+s2], $0x80, v59, vm0, $0xb8;
	[tilespmem:$0x11500] =	vst v63  }
0x4dd: {  	v49 =	vadd.s32 v3, v49;
	s1 =	sld [smem:$0x6AB]  }
0x4de: {  	[tilespmem:s10], [sflag:$0x1] =	stream.indirect_vreg.gather [hbm4b:s4+s2], $0x80, v61, vm0, $0xb8;
	[tilespmem:$0x11500] =	vst v63  }
0x4df: {  	s10 =	sld [smem:$0x6AC]  }
0x4e0: {  	[tilespmem:s1], [sflag:$0x1] =	stream.indirect_vreg.gather [hbm4b:s4+s2], $0x80, v63, vm0, $0xb8;
	[tilespmem:$0x11500] =	vst v63  }
0x4e1: {  	_ = 	snop  }
0x4e2: {  	[tilespmem:s10], [sflag:$0x1] =	stream.indirect_vreg.gather [hbm4b:s4+s2], $0x80, v49, vm0, $0xb8;
	[tilespmem:$0x11500] =	vst v63  }
0x4e3: {  	v49 =	vld [tilespmem:$0xBA0];
	_ =	sdelay $0x4  }
0x4e4: {  	v56 =	vshll.u32 v49, $0x7  }
0x4e5: {  	v49 =	vand.u32 $0x7, v49;
	v50 =	vand.u32 $0xFFFFFC00, v56  }
0x4e6: {  	v49 =	vor.u32 v49, v50  }
0x4e7: {  	v50 =	vperm.xlane v49, v0;
	_ =	sdelay $0x1  }
0x4e8: {  	v57 =	vperm.xlane v49, v4;
	v50 =	vadd.s32 v3, v50;
	_ =	sdelay $0x1  }
0x4e9: {  	s1 =	sld [smem:$0x6AD];
	v58 =	vperm.xlane v49, v5;
	v51 =	vadd.s32 v3, v57;
	_ =	sdelay $0x1  }
0x4ea: {  	s10 =	sld [smem:$0x6AE];
	v59 =	vperm.xlane v49, v6;
	v52 =	vadd.s32 v3, v58  }
0x4eb: {  	[tilespmem:s1], [sflag:$0x1] =	stream.indirect_vreg.gather [hbm4b:s4+s2], $0x80, v50, vm0, $0xb8;
	[tilespmem:$0x11500] =	vst v63  }
0x4ec: {  	v61 =	vperm.xlane v49, v7;
	v60 =	vadd.s32 v3, v59;
	s1 =	sld [smem:$0x6AF]  }
0x4ed: {  	[tilespmem:s10], [sflag:$0x1] =	stream.indirect_vreg.gather [hbm4b:s4+s2], $0x80, v51, vm0, $0xb8;
	[tilespmem:$0x11500] =	vst v63  }
0x4ee: {  	v63 =	vperm.xlane v49, v8;
	v62 =	vadd.s32 v3, v61;
	s10 =	sld [smem:$0x6B0]  }
0x4ef: {  	[tilespmem:s1], [sflag:$0x1] =	stream.indirect_vreg.gather [hbm4b:s4+s2], $0x80, v52, vm0, $0xb8;
	[tilespmem:$0x11500] =	vst v63  }
0x4f0: {  	v56 =	vadd.s32 v3, v63;
	v57 =	vperm.xlane v49, v1;
	s1 =	sld [smem:$0x6B1]  }
0x4f1: {  	[tilespmem:s10], [sflag:$0x1] =	stream.indirect_vreg.gather [hbm4b:s4+s2], $0x80, v60, vm0, $0xb8;
	[tilespmem:$0x11500] =	vst v63  }
0x4f2: {  	v59 =	vperm.xlane v49, v2;
	v58 =	vadd.s32 v3, v57;
	s10 =	sld [smem:$0x6B2]  }
0x4f3: {  	[tilespmem:s1], [sflag:$0x1] =	stream.indirect_vreg.gather [hbm4b:s4+s2], $0x80, v62, vm0, $0xb8;
	[tilespmem:$0x11500] =	vst v63  }
0x4f4: {  	v61 =	vperm.xlane v49, v9;
	v60 =	vadd.s32 v3, v59;
	s1 =	sld [smem:$0x6B3]  }
0x4f5: {  	[tilespmem:s10], [sflag:$0x1] =	stream.indirect_vreg.gather [hbm4b:s4+s2], $0x80, v56, vm0, $0xb8;
	[tilespmem:$0x11500] =	vst v63  }
0x4f6: {  	v63 =	vperm.xlane v49, v10;
	v62 =	vadd.s32 v3, v61;
	s10 =	sld [smem:$0x6B4]  }
0x4f7: {  	[tilespmem:s1], [sflag:$0x1] =	stream.indirect_vreg.gather [hbm4b:s4+s2], $0x80, v58, vm0, $0xb8;
	[tilespmem:$0x11500] =	vst v63  }
0x4f8: {  	v57 =	vperm.xlane v49, v11;
	v56 =	vadd.s32 v3, v63;
	s1 =	sld [smem:$0x6B5]  }
0x4f9: {  	[tilespmem:s10], [sflag:$0x1] =	stream.indirect_vreg.gather [hbm4b:s4+s2], $0x80, v60, vm0, $0xb8;
	[tilespmem:$0x11500] =	vst v63  }
0x4fa: {  	v58 =	vadd.s32 v3, v57;
	s10 =	sld [smem:$0x6B6]  }
0x4fb: {  	[tilespmem:s1], [sflag:$0x1] =	stream.indirect_vreg.gather [hbm4b:s4+s2], $0x80, v62, vm0, $0xb8;
	[tilespmem:$0x11500] =	vst v63  }
0x4fc: {  	v59 =	vperm.xlane v49, v13;
	s1 =	sld [smem:$0x6B7]  }
0x4fd: {  	[tilespmem:s10], [sflag:$0x1] =	stream.indirect_vreg.gather [hbm4b:s4+s2], $0x80, v56, vm0, $0xb8;
	[tilespmem:$0x11500] =	vst v63  }
0x4fe: {  	v61 =	vperm.xlane v49, v14;
	v60 =	vadd.s32 v3, v59  }
0x4ff: {  	[tilespmem:s1], [sflag:$0x1] =	stream.indirect_vreg.gather [hbm4b:s4+s2], $0x80, v58, vm0, $0xb8;
	[tilespmem:$0x11500] =	vst v63  }
0x500: {  	v63 =	vperm.xlane v49, v15;
	v62 =	vadd.s32 v3, v61;
	s1 =	sld [smem:$0x6B8];
	_ =	sdelay $0x1  }
0x501: {  	v52 =	vadd.s32 v3, v63;
	v56 =	vperm.xlane v49, v16;
	s10 =	sld [smem:$0x6B9]  }
0x502: {  	[tilespmem:s1], [sflag:$0x1] =	stream.indirect_vreg.gather [hbm4b:s4+s2], $0x80, v60, vm0, $0xb8;
	[tilespmem:$0x11500] =	vst v63  }
0x503: {  	v49 =	vperm.xlane v49, v39;
	v57 =	vadd.s32 v3, v56;
	s1 =	sld [smem:$0x6BA]  }
0x504: {  	[tilespmem:s10], [sflag:$0x1] =	stream.indirect_vreg.gather [hbm4b:s4+s2], $0x80, v62, vm0, $0xb8;
	[tilespmem:$0x11500] =	vst v63  }
0x505: {  	v49 =	vadd.s32 v3, v49;
	s10 =	sld [smem:$0x6BB]  }
0x506: {  	[tilespmem:s1], [sflag:$0x1] =	stream.indirect_vreg.gather [hbm4b:s4+s2], $0x80, v52, vm0, $0xb8;
	[tilespmem:$0x11500] =	vst v63  }
0x507: {  	s1 =	sld [smem:$0x6BC]  }
0x508: {  	[tilespmem:s10], [sflag:$0x1] =	stream.indirect_vreg.gather [hbm4b:s4+s2], $0x80, v57, vm0, $0xb8;
	[tilespmem:$0x11500] =	vst v63  }
0x509: {  	_ = 	snop  }
0x50a: {  	[tilespmem:s1], [sflag:$0x1] =	stream.indirect_vreg.gather [hbm4b:s4+s2], $0x80, v49, vm0, $0xb8;
	[tilespmem:$0x11500] =	vst v63  }
0x50b: {  	v49 =	vld [tilespmem:$0xBB0];
	_ =	sdelay $0x4  }
0x50c: {  	v58 =	vshll.u32 v49, $0x7  }
0x50d: {  	v49 =	vand.u32 $0x7, v49;
	v50 =	vand.u32 $0xFFFFFC00, v58  }
0x50e: {  	v49 =	vor.u32 v49, v50  }
0x50f: {  	v50 =	vperm.xlane v49, v0;
	_ =	sdelay $0x1  }
0x510: {  	v59 =	vperm.xlane v49, v4;
	v50 =	vadd.s32 v3, v50;
	_ =	sdelay $0x1  }
0x511: {  	s1 =	sld [smem:$0x6BD];
	v60 =	vperm.xlane v49, v5;
	v51 =	vadd.s32 v3, v59;
	_ =	sdelay $0x1  }
0x512: {  	s10 =	sld [smem:$0x6BE];
	v61 =	vperm.xlane v49, v6;
	v52 =	vadd.s32 v3, v60  }
0x513: {  	[tilespmem:s1], [sflag:$0x1] =	stream.indirect_vreg.gather [hbm4b:s4+s2], $0x80, v50, vm0, $0xb8;
	[tilespmem:$0x11500] =	vst v63  }
0x514: {  	v63 =	vperm.xlane v49, v7;
	v62 =	vadd.s32 v3, v61;
	s1 =	sld [smem:$0x6BF]  }
0x515: {  	[tilespmem:s10], [sflag:$0x1] =	stream.indirect_vreg.gather [hbm4b:s4+s2], $0x80, v51, vm0, $0xb8;
	[tilespmem:$0x11500] =	vst v63  }
0x516: {  	v57 =	vperm.xlane v49, v8;
	v56 =	vadd.s32 v3, v63;
	s10 =	sld [smem:$0x6C0]  }
0x517: {  	[tilespmem:s1], [sflag:$0x1] =	stream.indirect_vreg.gather [hbm4b:s4+s2], $0x80, v52, vm0, $0xb8;
	[tilespmem:$0x11500] =	vst v63  }
0x518: {  	v58 =	vadd.s32 v3, v57;
	v59 =	vperm.xlane v49, v1;
	s1 =	sld [smem:$0x6C1]  }
0x519: {  	[tilespmem:s10], [sflag:$0x1] =	stream.indirect_vreg.gather [hbm4b:s4+s2], $0x80, v62, vm0, $0xb8;
	[tilespmem:$0x11500] =	vst v63  }
0x51a: {  	v61 =	vperm.xlane v49, v2;
	v60 =	vadd.s32 v3, v59;
	s10 =	sld [smem:$0x6C2]  }
0x51b: {  	[tilespmem:s1], [sflag:$0x1] =	stream.indirect_vreg.gather [hbm4b:s4+s2], $0x80, v56, vm0, $0xb8;
	[tilespmem:$0x11500] =	vst v63  }
0x51c: {  	v63 =	vperm.xlane v49, v9;
	v62 =	vadd.s32 v3, v61;
	s1 =	sld [smem:$0x6C3]  }
0x51d: {  	[tilespmem:s10], [sflag:$0x1] =	stream.indirect_vreg.gather [hbm4b:s4+s2], $0x80, v58, vm0, $0xb8;
	[tilespmem:$0x11500] =	vst v63  }
0x51e: {  	v57 =	vperm.xlane v49, v10;
	v56 =	vadd.s32 v3, v63;
	s10 =	sld [smem:$0x6C4]  }
0x51f: {  	[tilespmem:s1], [sflag:$0x1] =	stream.indirect_vreg.gather [hbm4b:s4+s2], $0x80, v60, vm0, $0xb8;
	[tilespmem:$0x11500] =	vst v63  }
0x520: {  	v59 =	vperm.xlane v49, v11;
	v58 =	vadd.s32 v3, v57;
	s1 =	sld [smem:$0x6C5]  }
0x521: {  	[tilespmem:s10], [sflag:$0x1] =	stream.indirect_vreg.gather [hbm4b:s4+s2], $0x80, v62, vm0, $0xb8;
	[tilespmem:$0x11500] =	vst v63  }
0x522: {  	v61 =	vperm.xlane v49, v13;
	v60 =	vadd.s32 v3, v59;
	s10 =	sld [smem:$0x6C6]  }
0x523: {  	[tilespmem:s1], [sflag:$0x1] =	stream.indirect_vreg.gather [hbm4b:s4+s2], $0x80, v56, vm0, $0xb8;
	[tilespmem:$0x11500] =	vst v63  }
0x524: {  	v63 =	vperm.xlane v49, v14;
	v62 =	vadd.s32 v3, v61;
	s1 =	sld [smem:$0x6C7]  }
0x525: {  	[tilespmem:s10], [sflag:$0x1] =	stream.indirect_vreg.gather [hbm4b:s4+s2], $0x80, v58, vm0, $0xb8;
	[tilespmem:$0x11500] =	vst v63  }
0x526: {  	v57 =	vperm.xlane v49, v15;
	v56 =	vadd.s32 v3, v63;
	s10 =	sld [smem:$0x6C8]  }
0x527: {  	[tilespmem:s1], [sflag:$0x1] =	stream.indirect_vreg.gather [hbm4b:s4+s2], $0x80, v60, vm0, $0xb8;
	[tilespmem:$0x11500] =	vst v63  }
0x528: {  	v59 =	vperm.xlane v49, v16;
	v58 =	vadd.s32 v3, v57;
	s1 =	sld [smem:$0x6C9]  }
0x529: {  	[tilespmem:s10], [sflag:$0x1] =	stream.indirect_vreg.gather [hbm4b:s4+s2], $0x80, v62, vm0, $0xb8;
	[tilespmem:$0x11500] =	vst v63  }
0x52a: {  	v49 =	vperm.xlane v49, v39;
	v60 =	vadd.s32 v3, v59;
	s10 =	sld [smem:$0x6CA]  }
0x52b: {  	[tilespmem:s1], [sflag:$0x1] =	stream.indirect_vreg.gather [hbm4b:s4+s2], $0x80, v56, vm0, $0xb8;
	[tilespmem:$0x11500] =	vst v63  }
0x52c: {  	v49 =	vadd.s32 v3, v49;
	s1 =	sld [smem:$0x6CB]  }
0x52d: {  	[tilespmem:s10], [sflag:$0x1] =	stream.indirect_vreg.gather [hbm4b:s4+s2], $0x80, v58, vm0, $0xb8;
	[tilespmem:$0x11500] =	vst v63  }
0x52e: {  	s10 =	sld [smem:$0x6CC]  }
0x52f: {  	[tilespmem:s1], [sflag:$0x1] =	stream.indirect_vreg.gather [hbm4b:s4+s2], $0x80, v60, vm0, $0xb8;
	[tilespmem:$0x11500] =	vst v63  }
0x530: {  	_ = 	snop  }
0x531: {  	[tilespmem:s10], [sflag:$0x1] =	stream.indirect_vreg.gather [hbm4b:s4+s2], $0x80, v49, vm0, $0xb8;
	[tilespmem:$0x11500] =	vst v63  }
0x532: {  	v49 =	vld [tilespmem:$0xBC0];
	_ =	sdelay $0x4  }
0x533: {  	v61 =	vshll.u32 v49, $0x7  }
0x534: {  	v49 =	vand.u32 $0x7, v49;
	v50 =	vand.u32 $0xFFFFFC00, v61  }
0x535: {  	v49 =	vor.u32 v49, v50  }
0x536: {  	v50 =	vperm.xlane v49, v0;
	_ =	sdelay $0x1  }
0x537: {  	v62 =	vperm.xlane v49, v4;
	v50 =	vadd.s32 v3, v50;
	_ =	sdelay $0x1  }
0x538: {  	s1 =	sld [smem:$0x6CD];
	v63 =	vperm.xlane v49, v5;
	v51 =	vadd.s32 v3, v62;
	_ =	sdelay $0x1  }
0x539: {  	s10 =	sld [smem:$0x6CE];
	v56 =	vperm.xlane v49, v6;
	v52 =	vadd.s32 v3, v63  }
0x53a: {  	[tilespmem:s1], [sflag:$0x1] =	stream.indirect_vreg.gather [hbm4b:s4+s2], $0x80, v50, vm0, $0xb8;
	[tilespmem:$0x11500] =	vst v63  }
0x53b: {  	v58 =	vperm.xlane v49, v7;
	v57 =	vadd.s32 v3, v56;
	s1 =	sld [smem:$0x6CF]  }
0x53c: {  	[tilespmem:s10], [sflag:$0x1] =	stream.indirect_vreg.gather [hbm4b:s4+s2], $0x80, v51, vm0, $0xb8;
	[tilespmem:$0x11500] =	vst v63  }
0x53d: {  	v60 =	vperm.xlane v49, v8;
	v59 =	vadd.s32 v3, v58;
	s10 =	sld [smem:$0x6D0]  }
0x53e: {  	[tilespmem:s1], [sflag:$0x1] =	stream.indirect_vreg.gather [hbm4b:s4+s2], $0x80, v52, vm0, $0xb8;
	[tilespmem:$0x11500] =	vst v63  }
0x53f: {  	v61 =	vadd.s32 v3, v60;
	v62 =	vperm.xlane v49, v1;
	s1 =	sld [smem:$0x6D1]  }
0x540: {  	[tilespmem:s10], [sflag:$0x1] =	stream.indirect_vreg.gather [hbm4b:s4+s2], $0x80, v57, vm0, $0xb8;
	[tilespmem:$0x11500] =	vst v63  }
0x541: {  	v56 =	vperm.xlane v49, v2;
	v63 =	vadd.s32 v3, v62;
	s10 =	sld [smem:$0x6D2]  }
0x542: {  	[tilespmem:s1], [sflag:$0x1] =	stream.indirect_vreg.gather [hbm4b:s4+s2], $0x80, v59, vm0, $0xb8;
	[tilespmem:$0x11500] =	vst v63  }
0x543: {  	v58 =	vperm.xlane v49, v9;
	v57 =	vadd.s32 v3, v56;
	s1 =	sld [smem:$0x6D3]  }
0x544: {  	[tilespmem:s10], [sflag:$0x1] =	stream.indirect_vreg.gather [hbm4b:s4+s2], $0x80, v61, vm0, $0xb8;
	[tilespmem:$0x11500] =	vst v63  }
0x545: {  	v60 =	vperm.xlane v49, v10;
	v59 =	vadd.s32 v3, v58;
	s10 =	sld [smem:$0x6D4]  }
0x546: {  	[tilespmem:s1], [sflag:$0x1] =	stream.indirect_vreg.gather [hbm4b:s4+s2], $0x80, v63, vm0, $0xb8;
	[tilespmem:$0x11500] =	vst v63  }
0x547: {  	v62 =	vperm.xlane v49, v11;
	v61 =	vadd.s32 v3, v60;
	s1 =	sld [smem:$0x6D5]  }
0x548: {  	[tilespmem:s10], [sflag:$0x1] =	stream.indirect_vreg.gather [hbm4b:s4+s2], $0x80, v57, vm0, $0xb8;
	[tilespmem:$0x11500] =	vst v63  }
0x549: {  	v56 =	vperm.xlane v49, v13;
	v63 =	vadd.s32 v3, v62;
	s10 =	sld [smem:$0x6D6]  }
0x54a: {  	[tilespmem:s1], [sflag:$0x1] =	stream.indirect_vreg.gather [hbm4b:s4+s2], $0x80, v59, vm0, $0xb8;
	[tilespmem:$0x11500] =	vst v63  }
0x54b: {  	v58 =	vperm.xlane v49, v14;
	v57 =	vadd.s32 v3, v56;
	s1 =	sld [smem:$0x6D7]  }
0x54c: {  	[tilespmem:s10], [sflag:$0x1] =	stream.indirect_vreg.gather [hbm4b:s4+s2], $0x80, v61, vm0, $0xb8;
	[tilespmem:$0x11500] =	vst v63  }
0x54d: {  	v60 =	vperm.xlane v49, v15;
	v59 =	vadd.s32 v3, v58;
	s10 =	sld [smem:$0x6D8]  }
0x54e: {  	[tilespmem:s1], [sflag:$0x1] =	stream.indirect_vreg.gather [hbm4b:s4+s2], $0x80, v63, vm0, $0xb8;
	[tilespmem:$0x11500] =	vst v63  }
0x54f: {  	v62 =	vperm.xlane v49, v16;
	v61 =	vadd.s32 v3, v60;
	s1 =	sld [smem:$0x6D9]  }
0x550: {  	[tilespmem:s10], [sflag:$0x1] =	stream.indirect_vreg.gather [hbm4b:s4+s2], $0x80, v57, vm0, $0xb8;
	[tilespmem:$0x11500] =	vst v63  }
0x551: {  	v49 =	vperm.xlane v49, v39;
	v63 =	vadd.s32 v3, v62;
	s10 =	sld [smem:$0x6DA]  }
0x552: {  	[tilespmem:s1], [sflag:$0x1] =	stream.indirect_vreg.gather [hbm4b:s4+s2], $0x80, v59, vm0, $0xb8;
	[tilespmem:$0x11500] =	vst v63  }
0x553: {  	v49 =	vadd.s32 v3, v49;
	s1 =	sld [smem:$0x6DB]  }
0x554: {  	[tilespmem:s10], [sflag:$0x1] =	stream.indirect_vreg.gather [hbm4b:s4+s2], $0x80, v61, vm0, $0xb8;
	[tilespmem:$0x11500] =	vst v63  }
0x555: {  	s10 =	sld [smem:$0x6DC]  }
0x556: {  	[tilespmem:s1], [sflag:$0x1] =	stream.indirect_vreg.gather [hbm4b:s4+s2], $0x80, v63, vm0, $0xb8;
	[tilespmem:$0x11500] =	vst v63  }
0x557: {  	_ = 	snop  }
0x558: {  	[tilespmem:s10], [sflag:$0x1] =	stream.indirect_vreg.gather [hbm4b:s4+s2], $0x80, v49, vm0, $0xb8;
	[tilespmem:$0x11500] =	vst v63  }
0x559: {  	v49 =	vld [tilespmem:$0xBD0];
	_ =	sdelay $0x4  }
0x55a: {  	v55 =	vshll.u32 v49, $0x7  }
0x55b: {  	v49 =	vand.u32 $0x7, v49;
	v50 =	vand.u32 $0xFFFFFC00, v55  }
0x55c: {  	v49 =	vor.u32 v49, v50  }
0x55d: {  	v50 =	vperm.xlane v49, v0;
	_ =	sdelay $0x1  }
0x55e: {  	v56 =	vperm.xlane v49, v4;
	v50 =	vadd.s32 v3, v50;
	_ =	sdelay $0x1  }
0x55f: {  	s1 =	sld [smem:$0x6DD];
	v57 =	vperm.xlane v49, v5;
	v51 =	vadd.s32 v3, v56;
	_ =	sdelay $0x1  }
0x560: {  	s10 =	sld [smem:$0x6DE];
	v58 =	vperm.xlane v49, v6;
	v52 =	vadd.s32 v3, v57  }
0x561: {  	[tilespmem:s1], [sflag:$0x1] =	stream.indirect_vreg.gather [hbm4b:s4+s2], $0x80, v50, vm0, $0xb8;
	[tilespmem:$0x11500] =	vst v63  }
0x562: {  	v60 =	vperm.xlane v49, v7;
	v59 =	vadd.s32 v3, v58;
	s1 =	sld [smem:$0x6DF]  }
0x563: {  	[tilespmem:s10], [sflag:$0x1] =	stream.indirect_vreg.gather [hbm4b:s4+s2], $0x80, v51, vm0, $0xb8;
	[tilespmem:$0x11500] =	vst v63  }
0x564: {  	v62 =	vperm.xlane v49, v8;
	v61 =	vadd.s32 v3, v60;
	s10 =	sld [smem:$0x6E0]  }
0x565: {  	[tilespmem:s1], [sflag:$0x1] =	stream.indirect_vreg.gather [hbm4b:s4+s2], $0x80, v52, vm0, $0xb8;
	[tilespmem:$0x11500] =	vst v63  }
0x566: {  	v63 =	vadd.s32 v3, v62;
	v56 =	vperm.xlane v49, v1;
	s1 =	sld [smem:$0x6E1]  }
0x567: {  	[tilespmem:s10], [sflag:$0x1] =	stream.indirect_vreg.gather [hbm4b:s4+s2], $0x80, v59, vm0, $0xb8;
	[tilespmem:$0x11500] =	vst v63  }
0x568: {  	v58 =	vperm.xlane v49, v2;
	v57 =	vadd.s32 v3, v56;
	s10 =	sld [smem:$0x6E2]  }
0x569: {  	[tilespmem:s1], [sflag:$0x1] =	stream.indirect_vreg.gather [hbm4b:s4+s2], $0x80, v61, vm0, $0xb8;
	[tilespmem:$0x11500] =	vst v63  }
0x56a: {  	v60 =	vperm.xlane v49, v9;
	v59 =	vadd.s32 v3, v58;
	s1 =	sld [smem:$0x6E3]  }
0x56b: {  	[tilespmem:s10], [sflag:$0x1] =	stream.indirect_vreg.gather [hbm4b:s4+s2], $0x80, v63, vm0, $0xb8;
	[tilespmem:$0x11500] =	vst v63  }
0x56c: {  	v62 =	vperm.xlane v49, v10;
	v61 =	vadd.s32 v3, v60;
	s10 =	sld [smem:$0x6E4]  }
0x56d: {  	[tilespmem:s1], [sflag:$0x1] =	stream.indirect_vreg.gather [hbm4b:s4+s2], $0x80, v57, vm0, $0xb8;
	[tilespmem:$0x11500] =	vst v63  }
0x56e: {  	v56 =	vperm.xlane v49, v11;
	v63 =	vadd.s32 v3, v62;
	s1 =	sld [smem:$0x6E5]  }
0x56f: {  	[tilespmem:s10], [sflag:$0x1] =	stream.indirect_vreg.gather [hbm4b:s4+s2], $0x80, v59, vm0, $0xb8;
	[tilespmem:$0x11500] =	vst v63  }
0x570: {  	v58 =	vperm.xlane v49, v13;
	v57 =	vadd.s32 v3, v56;
	s10 =	sld [smem:$0x6E6]  }
0x571: {  	[tilespmem:s1], [sflag:$0x1] =	stream.indirect_vreg.gather [hbm4b:s4+s2], $0x80, v61, vm0, $0xb8;
	[tilespmem:$0x11500] =	vst v63  }
0x572: {  	v60 =	vperm.xlane v49, v14;
	v59 =	vadd.s32 v3, v58;
	s1 =	sld [smem:$0x6E7]  }
0x573: {  	[tilespmem:s10], [sflag:$0x1] =	stream.indirect_vreg.gather [hbm4b:s4+s2], $0x80, v63, vm0, $0xb8;
	[tilespmem:$0x11500] =	vst v63  }
0x574: {  	v62 =	vperm.xlane v49, v15;
	v61 =	vadd.s32 v3, v60;
	s10 =	sld [smem:$0x6E8]  }
0x575: {  	[tilespmem:s1], [sflag:$0x1] =	stream.indirect_vreg.gather [hbm4b:s4+s2], $0x80, v57, vm0, $0xb8;
	[tilespmem:$0x11500] =	vst v63  }
0x576: {  	v56 =	vperm.xlane v49, v16;
	v63 =	vadd.s32 v3, v62;
	s1 =	sld [smem:$0x6E9]  }
0x577: {  	[tilespmem:s10], [sflag:$0x1] =	stream.indirect_vreg.gather [hbm4b:s4+s2], $0x80, v59, vm0, $0xb8;
	[tilespmem:$0x11500] =	vst v63  }
0x578: {  	v49 =	vperm.xlane v49, v39;
	v57 =	vadd.s32 v3, v56;
	s10 =	sld [smem:$0x6EA]  }
0x579: {  	[tilespmem:s1], [sflag:$0x1] =	stream.indirect_vreg.gather [hbm4b:s4+s2], $0x80, v61, vm0, $0xb8;
	[tilespmem:$0x11500] =	vst v63  }
0x57a: {  	v49 =	vadd.s32 v3, v49;
	s1 =	sld [smem:$0x6EB]  }
0x57b: {  	[tilespmem:s10], [sflag:$0x1] =	stream.indirect_vreg.gather [hbm4b:s4+s2], $0x80, v63, vm0, $0xb8;
	[tilespmem:$0x11500] =	vst v63  }
0x57c: {  	s10 =	sld [smem:$0x6EC]  }
0x57d: {  	[tilespmem:s1], [sflag:$0x1] =	stream.indirect_vreg.gather [hbm4b:s4+s2], $0x80, v57, vm0, $0xb8;
	[tilespmem:$0x11500] =	vst v63  }
0x57e: {  	_ = 	snop  }
0x57f: {  	[tilespmem:s10], [sflag:$0x1] =	stream.indirect_vreg.gather [hbm4b:s4+s2], $0x80, v49, vm0, $0xb8;
	[tilespmem:$0x11500] =	vst v63  }
0x580: {  	v49 =	vld [tilespmem:$0xBE0];
	_ =	sdelay $0x4  }
0x581: {  	v58 =	vshll.u32 v49, $0x7  }
0x582: {  	v49 =	vand.u32 $0x7, v49;
	v50 =	vand.u32 $0xFFFFFC00, v58  }
0x583: {  	v49 =	vor.u32 v49, v50  }
0x584: {  	v50 =	vperm.xlane v49, v0;
	_ =	sdelay $0x1  }
0x585: {  	v59 =	vperm.xlane v49, v4;
	v50 =	vadd.s32 v3, v50;
	_ =	sdelay $0x1  }
0x586: {  	s1 =	sld [smem:$0x6ED];
	v60 =	vperm.xlane v49, v5;
	v51 =	vadd.s32 v3, v59;
	_ =	sdelay $0x1  }
0x587: {  	s10 =	sld [smem:$0x6EE];
	v61 =	vperm.xlane v49, v6;
	v52 =	vadd.s32 v3, v60  }
0x588: {  	[tilespmem:s1], [sflag:$0x1] =	stream.indirect_vreg.gather [hbm4b:s4+s2], $0x80, v50, vm0, $0xb8;
	[tilespmem:$0x11500] =	vst v63  }
0x589: {  	v63 =	vperm.xlane v49, v7;
	v62 =	vadd.s32 v3, v61;
	s1 =	sld [smem:$0x6EF]  }
0x58a: {  	[tilespmem:s10], [sflag:$0x1] =	stream.indirect_vreg.gather [hbm4b:s4+s2], $0x80, v51, vm0, $0xb8;
	[tilespmem:$0x11500] =	vst v63  }
0x58b: {  	v57 =	vperm.xlane v49, v8;
	v56 =	vadd.s32 v3, v63;
	s10 =	sld [smem:$0x6F0]  }
0x58c: {  	[tilespmem:s1], [sflag:$0x1] =	stream.indirect_vreg.gather [hbm4b:s4+s2], $0x80, v52, vm0, $0xb8;
	[tilespmem:$0x11500] =	vst v63  }
0x58d: {  	v58 =	vadd.s32 v3, v57;
	v59 =	vperm.xlane v49, v1;
	s1 =	sld [smem:$0x6F1]  }
0x58e: {  	[tilespmem:s10], [sflag:$0x1] =	stream.indirect_vreg.gather [hbm4b:s4+s2], $0x80, v62, vm0, $0xb8;
	[tilespmem:$0x11500] =	vst v63  }
0x58f: {  	v61 =	vperm.xlane v49, v2;
	v60 =	vadd.s32 v3, v59;
	s10 =	sld [smem:$0x6F2]  }
0x590: {  	[tilespmem:s1], [sflag:$0x1] =	stream.indirect_vreg.gather [hbm4b:s4+s2], $0x80, v56, vm0, $0xb8;
	[tilespmem:$0x11500] =	vst v63  }
0x591: {  	v63 =	vperm.xlane v49, v9;
	v62 =	vadd.s32 v3, v61;
	s1 =	sld [smem:$0x6F3]  }
0x592: {  	[tilespmem:s10], [sflag:$0x1] =	stream.indirect_vreg.gather [hbm4b:s4+s2], $0x80, v58, vm0, $0xb8;
	[tilespmem:$0x11500] =	vst v63  }
0x593: {  	v57 =	vperm.xlane v49, v10;
	v56 =	vadd.s32 v3, v63;
	s10 =	sld [smem:$0x6F4]  }
0x594: {  	[tilespmem:s1], [sflag:$0x1] =	stream.indirect_vreg.gather [hbm4b:s4+s2], $0x80, v60, vm0, $0xb8;
	[tilespmem:$0x11500] =	vst v63  }
0x595: {  	v59 =	vperm.xlane v49, v11;
	v58 =	vadd.s32 v3, v57;
	s1 =	sld [smem:$0x6F5]  }
0x596: {  	[tilespmem:s10], [sflag:$0x1] =	stream.indirect_vreg.gather [hbm4b:s4+s2], $0x80, v62, vm0, $0xb8;
	[tilespmem:$0x11500] =	vst v63  }
0x597: {  	v61 =	vperm.xlane v49, v13;
	v60 =	vadd.s32 v3, v59;
	s10 =	sld [smem:$0x6F6]  }
0x598: {  	[tilespmem:s1], [sflag:$0x1] =	stream.indirect_vreg.gather [hbm4b:s4+s2], $0x80, v56, vm0, $0xb8;
	[tilespmem:$0x11500] =	vst v63  }
0x599: {  	v63 =	vperm.xlane v49, v14;
	v62 =	vadd.s32 v3, v61;
	s1 =	sld [smem:$0x6F7]  }
0x59a: {  	[tilespmem:s10], [sflag:$0x1] =	stream.indirect_vreg.gather [hbm4b:s4+s2], $0x80, v58, vm0, $0xb8;
	[tilespmem:$0x11500] =	vst v63  }
0x59b: {  	v57 =	vperm.xlane v49, v15;
	v56 =	vadd.s32 v3, v63;
	s10 =	sld [smem:$0x6F8]  }
0x59c: {  	[tilespmem:s1], [sflag:$0x1] =	stream.indirect_vreg.gather [hbm4b:s4+s2], $0x80, v60, vm0, $0xb8;
	[tilespmem:$0x11500] =	vst v63  }
0x59d: {  	v59 =	vperm.xlane v49, v16;
	v58 =	vadd.s32 v3, v57;
	s1 =	sld [smem:$0x6F9]  }
0x59e: {  	[tilespmem:s10], [sflag:$0x1] =	stream.indirect_vreg.gather [hbm4b:s4+s2], $0x80, v62, vm0, $0xb8;
	[tilespmem:$0x11500] =	vst v63  }
0x59f: {  	v49 =	vperm.xlane v49, v39;
	v60 =	vadd.s32 v3, v59;
	s10 =	sld [smem:$0x6FA]  }
0x5a0: {  	[tilespmem:s1], [sflag:$0x1] =	stream.indirect_vreg.gather [hbm4b:s4+s2], $0x80, v56, vm0, $0xb8;
	[tilespmem:$0x11500] =	vst v63  }
0x5a1: {  	v49 =	vadd.s32 v3, v49;
	s1 =	sld [smem:$0x6FB]  }
0x5a2: {  	[tilespmem:s10], [sflag:$0x1] =	stream.indirect_vreg.gather [hbm4b:s4+s2], $0x80, v58, vm0, $0xb8;
	[tilespmem:$0x11500] =	vst v63  }
0x5a3: {  	s10 =	sld [smem:$0x6FC]  }
0x5a4: {  	[tilespmem:s1], [sflag:$0x1] =	stream.indirect_vreg.gather [hbm4b:s4+s2], $0x80, v60, vm0, $0xb8;
	[tilespmem:$0x11500] =	vst v63  }
0x5a5: {  	_ = 	snop  }
0x5a6: {  	[tilespmem:s10], [sflag:$0x1] =	stream.indirect_vreg.gather [hbm4b:s4+s2], $0x80, v49, vm0, $0xb8;
	[tilespmem:$0x11500] =	vst v63  }
0x5a7: {  	v49 =	vld [tilespmem:$0xBF0];
	_ =	sdelay $0x4  }
0x5a8: {  	v61 =	vshll.u32 v49, $0x7  }
0x5a9: {  	v49 =	vand.u32 $0x7, v49;
	v50 =	vand.u32 $0xFFFFFC00, v61  }
0x5aa: {  	v49 =	vor.u32 v49, v50  }
0x5ab: {  	v50 =	vperm.xlane v49, v0;
	_ =	sdelay $0x1  }
0x5ac: {  	v62 =	vperm.xlane v49, v4;
	v50 =	vadd.s32 v3, v50;
	_ =	sdelay $0x1  }
0x5ad: {  	s1 =	sld [smem:$0x6FD];
	v63 =	vperm.xlane v49, v5;
	v51 =	vadd.s32 v3, v62;
	_ =	sdelay $0x1  }
0x5ae: {  	s10 =	sld [smem:$0x6FE];
	v56 =	vperm.xlane v49, v6;
	v52 =	vadd.s32 v3, v63  }
0x5af: {  	[tilespmem:s1], [sflag:$0x1] =	stream.indirect_vreg.gather [hbm4b:s4+s2], $0x80, v50, vm0, $0xb8;
	[tilespmem:$0x11500] =	vst v63  }
0x5b0: {  	v58 =	vperm.xlane v49, v7;
	v57 =	vadd.s32 v3, v56;
	s1 =	sld [smem:$0x6FF]  }
0x5b1: {  	[tilespmem:s10], [sflag:$0x1] =	stream.indirect_vreg.gather [hbm4b:s4+s2], $0x80, v51, vm0, $0xb8;
	[tilespmem:$0x11500] =	vst v63  }
0x5b2: {  	v60 =	vperm.xlane v49, v8;
	v59 =	vadd.s32 v3, v58;
	s10 =	sld [smem:$0x700]  }
0x5b3: {  	[tilespmem:s1], [sflag:$0x1] =	stream.indirect_vreg.gather [hbm4b:s4+s2], $0x80, v52, vm0, $0xb8;
	[tilespmem:$0x11500] =	vst v63  }
0x5b4: {  	v61 =	vadd.s32 v3, v60;
	v62 =	vperm.xlane v49, v1;
	s1 =	sld [smem:$0x701]  }
0x5b5: {  	[tilespmem:s10], [sflag:$0x1] =	stream.indirect_vreg.gather [hbm4b:s4+s2], $0x80, v57, vm0, $0xb8;
	[tilespmem:$0x11500] =	vst v63  }
0x5b6: {  	v56 =	vperm.xlane v49, v2;
	v63 =	vadd.s32 v3, v62;
	s10 =	sld [smem:$0x702]  }
0x5b7: {  	[tilespmem:s1], [sflag:$0x1] =	stream.indirect_vreg.gather [hbm4b:s4+s2], $0x80, v59, vm0, $0xb8;
	[tilespmem:$0x11500] =	vst v63  }
0x5b8: {  	v58 =	vperm.xlane v49, v9;
	v57 =	vadd.s32 v3, v56;
	s1 =	sld [smem:$0x703]  }
0x5b9: {  	[tilespmem:s10], [sflag:$0x1] =	stream.indirect_vreg.gather [hbm4b:s4+s2], $0x80, v61, vm0, $0xb8;
	[tilespmem:$0x11500] =	vst v63  }
0x5ba: {  	v60 =	vperm.xlane v49, v10;
	v59 =	vadd.s32 v3, v58;
	s10 =	sld [smem:$0x704]  }
0x5bb: {  	[tilespmem:s1], [sflag:$0x1] =	stream.indirect_vreg.gather [hbm4b:s4+s2], $0x80, v63, vm0, $0xb8;
	[tilespmem:$0x11500] =	vst v63  }
0x5bc: {  	v62 =	vperm.xlane v49, v11;
	v61 =	vadd.s32 v3, v60;
	s1 =	sld [smem:$0x705]  }
0x5bd: {  	[tilespmem:s10], [sflag:$0x1] =	stream.indirect_vreg.gather [hbm4b:s4+s2], $0x80, v57, vm0, $0xb8;
	[tilespmem:$0x11500] =	vst v63  }
0x5be: {  	v56 =	vperm.xlane v49, v13;
	v63 =	vadd.s32 v3, v62;
	s10 =	sld [smem:$0x706]  }
0x5bf: {  	[tilespmem:s1], [sflag:$0x1] =	stream.indirect_vreg.gather [hbm4b:s4+s2], $0x80, v59, vm0, $0xb8;
	[tilespmem:$0x11500] =	vst v63  }
0x5c0: {  	v58 =	vperm.xlane v49, v14;
	v57 =	vadd.s32 v3, v56;
	s1 =	sld [smem:$0x707]  }
0x5c1: {  	[tilespmem:s10], [sflag:$0x1] =	stream.indirect_vreg.gather [hbm4b:s4+s2], $0x80, v61, vm0, $0xb8;
	[tilespmem:$0x11500] =	vst v63  }
0x5c2: {  	v60 =	vperm.xlane v49, v15;
	v59 =	vadd.s32 v3, v58;
	s10 =	sld [smem:$0x708]  }
0x5c3: {  	[tilespmem:s1], [sflag:$0x1] =	stream.indirect_vreg.gather [hbm4b:s4+s2], $0x80, v63, vm0, $0xb8;
	[tilespmem:$0x11500] =	vst v63  }
0x5c4: {  	v62 =	vperm.xlane v49, v16;
	v61 =	vadd.s32 v3, v60;
	s1 =	sld [smem:$0x709]  }
0x5c5: {  	[tilespmem:s10], [sflag:$0x1] =	stream.indirect_vreg.gather [hbm4b:s4+s2], $0x80, v57, vm0, $0xb8;
	[tilespmem:$0x11500] =	vst v63  }
0x5c6: {  	v49 =	vperm.xlane v49, v39;
	v63 =	vadd.s32 v3, v62;
	s10 =	sld [smem:$0x70A]  }
0x5c7: {  	[tilespmem:s1], [sflag:$0x1] =	stream.indirect_vreg.gather [hbm4b:s4+s2], $0x80, v59, vm0, $0xb8;
	[tilespmem:$0x11500] =	vst v63  }
0x5c8: {  	v49 =	vadd.s32 v3, v49;
	s1 =	sld [smem:$0x70F]  }
0x5c9: {  	[tilespmem:s10], [sflag:$0x1] =	stream.indirect_vreg.gather [hbm4b:s4+s2], $0x80, v61, vm0, $0xb8;
	[tilespmem:$0x11500] =	vst v63  }
0x5ca: {  	s10 =	sld [smem:$0x710]  }
0x5cb: {  	[tilespmem:s1], [sflag:$0x1] =	stream.indirect_vreg.gather [hbm4b:s4+s2], $0x80, v63, vm0, $0xb8;
	[tilespmem:$0x11500] =	vst v63  }
0x5cc: {  	_ = 	snop  }
0x5cd: {  	[tilespmem:s10], [sflag:$0x1] =	stream.indirect_vreg.gather [hbm4b:s4+s2], $0x80, v49, vm0, $0xb8;
	[tilespmem:$0x11500] =	vst v63  }
0x5ce: {  	v49 =	vld [tilespmem:$0xC00];
	_ =	sdelay $0x4  }
0x5cf: {  	v55 =	vshll.u32 v49, $0x7  }
0x5d0: {  	v49 =	vand.u32 $0x7, v49;
	v50 =	vand.u32 $0xFFFFFC00, v55  }
0x5d1: {  	v49 =	vor.u32 v49, v50  }
0x5d2: {  	v50 =	vperm.xlane v49, v0;
	_ =	sdelay $0x1  }
0x5d3: {  	v56 =	vperm.xlane v49, v4;
	v50 =	vadd.s32 v3, v50;
	_ =	sdelay $0x1  }
0x5d4: {  	s1 =	sld [smem:$0x715];
	v57 =	vperm.xlane v49, v5;
	v51 =	vadd.s32 v3, v56;
	_ =	sdelay $0x1  }
0x5d5: {  	s10 =	sld [smem:$0x717];
	v58 =	vperm.xlane v49, v6;
	v52 =	vadd.s32 v3, v57  }
0x5d6: {  	[tilespmem:s1], [sflag:$0x1] =	stream.indirect_vreg.gather [hbm4b:s26+s2], $0x80, v50, vm0, $0xb8;
	[tilespmem:$0x11500] =	vst v63  }
0x5d7: {  	v60 =	vperm.xlane v49, v7;
	v59 =	vadd.s32 v3, v58;
	s1 =	sld [smem:$0x718]  }
0x5d8: {  	[tilespmem:s10], [sflag:$0x1] =	stream.indirect_vreg.gather [hbm4b:s26+s2], $0x80, v51, vm0, $0xb8;
	[tilespmem:$0x11500] =	vst v63  }
0x5d9: {  	v62 =	vperm.xlane v49, v8;
	v61 =	vadd.s32 v3, v60;
	s10 =	sld [smem:$0x71A]  }
0x5da: {  	[tilespmem:s1], [sflag:$0x1] =	stream.indirect_vreg.gather [hbm4b:s26+s2], $0x80, v52, vm0, $0xb8;
	[tilespmem:$0x11500] =	vst v63  }
0x5db: {  	v63 =	vadd.s32 v3, v62;
	v56 =	vperm.xlane v49, v1;
	s1 =	sld [smem:$0x71B]  }
0x5dc: {  	[tilespmem:s10], [sflag:$0x1] =	stream.indirect_vreg.gather [hbm4b:s26+s2], $0x80, v59, vm0, $0xb8;
	[tilespmem:$0x11500] =	vst v63  }
0x5dd: {  	v58 =	vperm.xlane v49, v2;
	v57 =	vadd.s32 v3, v56;
	s10 =	sld [smem:$0x724]  }
0x5de: {  	[tilespmem:s1], [sflag:$0x1] =	stream.indirect_vreg.gather [hbm4b:s26+s2], $0x80, v61, vm0, $0xb8;
	[tilespmem:$0x11500] =	vst v63  }
0x5df: {  	v60 =	vperm.xlane v49, v9;
	v59 =	vadd.s32 v3, v58;
	s1 =	sld [smem:$0x70B]  }
0x5e0: {  	[tilespmem:s10], [sflag:$0x1] =	stream.indirect_vreg.gather [hbm4b:s26+s2], $0x80, v63, vm0, $0xb8;
	[tilespmem:$0x11500] =	vst v63  }
0x5e1: {  	v62 =	vperm.xlane v49, v10;
	v61 =	vadd.s32 v3, v60;
	s10 =	sld [smem:$0x731]  }
0x5e2: {  	[tilespmem:s1], [sflag:$0x1] =	stream.indirect_vreg.gather [hbm4b:s26+s2], $0x80, v57, vm0, $0xb8;
	[tilespmem:$0x11500] =	vst v63  }
0x5e3: {  	v56 =	vperm.xlane v49, v11;
	v63 =	vadd.s32 v3, v62;
	s1 =	sld [smem:$0x732]  }
0x5e4: {  	[tilespmem:s10], [sflag:$0x1] =	stream.indirect_vreg.gather [hbm4b:s26+s2], $0x80, v59, vm0, $0xb8;
	[tilespmem:$0x11500] =	vst v63  }
0x5e5: {  	v58 =	vperm.xlane v49, v13;
	v57 =	vadd.s32 v3, v56;
	s10 =	sld [smem:$0x733]  }
0x5e6: {  	[tilespmem:s1], [sflag:$0x1] =	stream.indirect_vreg.gather [hbm4b:s26+s2], $0x80, v61, vm0, $0xb8;
	[tilespmem:$0x11500] =	vst v63  }
0x5e7: {  	v60 =	vperm.xlane v49, v14;
	v59 =	vadd.s32 v3, v58;
	s1 =	sld [smem:$0x734]  }
0x5e8: {  	[tilespmem:s10], [sflag:$0x1] =	stream.indirect_vreg.gather [hbm4b:s26+s2], $0x80, v63, vm0, $0xb8;
	[tilespmem:$0x11500] =	vst v63  }
0x5e9: {  	v62 =	vperm.xlane v49, v15;
	v61 =	vadd.s32 v3, v60;
	s10 =	sld [smem:$0x735]  }
0x5ea: {  	[tilespmem:s1], [sflag:$0x1] =	stream.indirect_vreg.gather [hbm4b:s26+s2], $0x80, v57, vm0, $0xb8;
	[tilespmem:$0x11500] =	vst v63  }
0x5eb: {  	v56 =	vperm.xlane v49, v16;
	v63 =	vadd.s32 v3, v62;
	s1 =	sld [smem:$0x736]  }
0x5ec: {  	[tilespmem:s10], [sflag:$0x1] =	stream.indirect_vreg.gather [hbm4b:s26+s2], $0x80, v59, vm0, $0xb8;
	[tilespmem:$0x11500] =	vst v63  }
0x5ed: {  	v49 =	vperm.xlane v49, v39;
	v57 =	vadd.s32 v3, v56;
	s10 =	sld [smem:$0x737]  }
0x5ee: {  	[tilespmem:s1], [sflag:$0x1] =	stream.indirect_vreg.gather [hbm4b:s26+s2], $0x80, v61, vm0, $0xb8;
	[tilespmem:$0x11500] =	vst v63  }
0x5ef: {  	v49 =	vadd.s32 v3, v49;
	s1 =	sld [smem:$0x738]  }
0x5f0: {  	[tilespmem:s10], [sflag:$0x1] =	stream.indirect_vreg.gather [hbm4b:s26+s2], $0x80, v63, vm0, $0xb8;
	[tilespmem:$0x11500] =	vst v63  }
0x5f1: {  	s10 =	sld [smem:$0x739]  }
0x5f2: {  	[tilespmem:s1], [sflag:$0x1] =	stream.indirect_vreg.gather [hbm4b:s26+s2], $0x80, v57, vm0, $0xb8;
	[tilespmem:$0x11500] =	vst v63  }
0x5f3: {  	_ = 	snop  }
0x5f4: {  	[tilespmem:s10], [sflag:$0x1] =	stream.indirect_vreg.gather [hbm4b:s26+s2], $0x80, v49, vm0, $0xb8;
	[tilespmem:$0x11500] =	vst v63  }
0x5f5: {  	v49 =	vld [tilespmem:$0xC10];
	_ =	sdelay $0x4  }
0x5f6: {  	v58 =	vshll.u32 v49, $0x7  }
0x5f7: {  	v49 =	vand.u32 $0x7, v49;
	v50 =	vand.u32 $0xFFFFFC00, v58  }
0x5f8: {  	v49 =	vor.u32 v49, v50  }
0x5f9: {  	v50 =	vperm.xlane v49, v0;
	_ =	sdelay $0x1  }
0x5fa: {  	v59 =	vperm.xlane v49, v4;
	v50 =	vadd.s32 v3, v50;
	_ =	sdelay $0x1  }
0x5fb: {  	s1 =	sld [smem:$0x73A];
	v60 =	vperm.xlane v49, v5;
	v51 =	vadd.s32 v3, v59;
	_ =	sdelay $0x1  }
0x5fc: {  	s10 =	sld [smem:$0x73B];
	v61 =	vperm.xlane v49, v6;
	v52 =	vadd.s32 v3, v60  }
0x5fd: {  	[tilespmem:s1], [sflag:$0x1] =	stream.indirect_vreg.gather [hbm4b:s26+s2], $0x80, v50, vm0, $0xb8;
	[tilespmem:$0x11500] =	vst v63  }
0x5fe: {  	v63 =	vperm.xlane v49, v7;
	v62 =	vadd.s32 v3, v61;
	s1 =	sld [smem:$0x73C]  }
0x5ff: {  	[tilespmem:s10], [sflag:$0x1] =	stream.indirect_vreg.gather [hbm4b:s26+s2], $0x80, v51, vm0, $0xb8;
	[tilespmem:$0x11500] =	vst v63  }
0x600: {  	v57 =	vperm.xlane v49, v8;
	v56 =	vadd.s32 v3, v63;
	s10 =	sld [smem:$0x73D]  }
0x601: {  	[tilespmem:s1], [sflag:$0x1] =	stream.indirect_vreg.gather [hbm4b:s26+s2], $0x80, v52, vm0, $0xb8;
	[tilespmem:$0x11500] =	vst v63  }
0x602: {  	v58 =	vadd.s32 v3, v57;
	v59 =	vperm.xlane v49, v1;
	s1 =	sld [smem:$0x73E]  }
0x603: {  	[tilespmem:s10], [sflag:$0x1] =	stream.indirect_vreg.gather [hbm4b:s26+s2], $0x80, v62, vm0, $0xb8;
	[tilespmem:$0x11500] =	vst v63  }
0x604: {  	v61 =	vperm.xlane v49, v2;
	v60 =	vadd.s32 v3, v59;
	s10 =	sld [smem:$0x712]  }
0x605: {  	[tilespmem:s1], [sflag:$0x1] =	stream.indirect_vreg.gather [hbm4b:s26+s2], $0x80, v56, vm0, $0xb8;
	[tilespmem:$0x11500] =	vst v63  }
0x606: {  	v63 =	vperm.xlane v49, v9;
	v62 =	vadd.s32 v3, v61;
	s1 =	sld [smem:$0x725]  }
0x607: {  	[tilespmem:s10], [sflag:$0x1] =	stream.indirect_vreg.gather [hbm4b:s26+s2], $0x80, v58, vm0, $0xb8;
	[tilespmem:$0x11500] =	vst v63  }
0x608: {  	v57 =	vperm.xlane v49, v10;
	v56 =	vadd.s32 v3, v63;
	s10 =	sld [smem:$0x726]  }
0x609: {  	[tilespmem:s1], [sflag:$0x1] =	stream.indirect_vreg.gather [hbm4b:s26+s2], $0x80, v60, vm0, $0xb8;
	[tilespmem:$0x11500] =	vst v63  }
0x60a: {  	v59 =	vperm.xlane v49, v11;
	v58 =	vadd.s32 v3, v57;
	s1 =	sld [smem:$0x727]  }
0x60b: {  	[tilespmem:s10], [sflag:$0x1] =	stream.indirect_vreg.gather [hbm4b:s26+s2], $0x80, v62, vm0, $0xb8;
	[tilespmem:$0x11500] =	vst v63  }
0x60c: {  	v61 =	vperm.xlane v49, v13;
	v60 =	vadd.s32 v3, v59;
	s10 =	sld [smem:$0x728]  }
0x60d: {  	[tilespmem:s1], [sflag:$0x1] =	stream.indirect_vreg.gather [hbm4b:s26+s2], $0x80, v56, vm0, $0xb8;
	[tilespmem:$0x11500] =	vst v63  }
0x60e: {  	v63 =	vperm.xlane v49, v14;
	v62 =	vadd.s32 v3, v61;
	s1 =	sld [smem:$0x73F]  }
0x60f: {  	[tilespmem:s10], [sflag:$0x1] =	stream.indirect_vreg.gather [hbm4b:s26+s2], $0x80, v58, vm0, $0xb8;
	[tilespmem:$0x11500] =	vst v63  }
0x610: {  	v57 =	vperm.xlane v49, v15;
	v56 =	vadd.s32 v3, v63;
	s10 =	sld [smem:$0x740]  }
0x611: {  	[tilespmem:s1], [sflag:$0x1] =	stream.indirect_vreg.gather [hbm4b:s26+s2], $0x80, v60, vm0, $0xb8;
	[tilespmem:$0x11500] =	vst v63  }
0x612: {  	v59 =	vperm.xlane v49, v16;
	v58 =	vadd.s32 v3, v57;
	s1 =	sld [smem:$0x741]  }
0x613: {  	[tilespmem:s10], [sflag:$0x1] =	stream.indirect_vreg.gather [hbm4b:s26+s2], $0x80, v62, vm0, $0xb8;
	[tilespmem:$0x11500] =	vst v63  }
0x614: {  	v49 =	vperm.xlane v49, v39;
	v60 =	vadd.s32 v3, v59;
	s10 =	sld [smem:$0x742]  }
0x615: {  	[tilespmem:s1], [sflag:$0x1] =	stream.indirect_vreg.gather [hbm4b:s26+s2], $0x80, v56, vm0, $0xb8;
	[tilespmem:$0x11500] =	vst v63  }
0x616: {  	v49 =	vadd.s32 v3, v49;
	s1 =	sld [smem:$0x743]  }
0x617: {  	[tilespmem:s10], [sflag:$0x1] =	stream.indirect_vreg.gather [hbm4b:s26+s2], $0x80, v58, vm0, $0xb8;
	[tilespmem:$0x11500] =	vst v63  }
0x618: {  	s10 =	sld [smem:$0x744]  }
0x619: {  	[tilespmem:s1], [sflag:$0x1] =	stream.indirect_vreg.gather [hbm4b:s26+s2], $0x80, v60, vm0, $0xb8;
	[tilespmem:$0x11500] =	vst v63  }
0x61a: {  	_ = 	snop  }
0x61b: {  	[tilespmem:s10], [sflag:$0x1] =	stream.indirect_vreg.gather [hbm4b:s26+s2], $0x80, v49, vm0, $0xb8;
	[tilespmem:$0x11500] =	vst v63  }
0x61c: {  	v49 =	vld [tilespmem:$0xC20];
	_ =	sdelay $0x4  }
0x61d: {  	v61 =	vshll.u32 v49, $0x7  }
0x61e: {  	v49 =	vand.u32 $0x7, v49;
	v50 =	vand.u32 $0xFFFFFC00, v61  }
0x61f: {  	v49 =	vor.u32 v49, v50  }
0x620: {  	v50 =	vperm.xlane v49, v0;
	_ =	sdelay $0x1  }
0x621: {  	v62 =	vperm.xlane v49, v4;
	v50 =	vadd.s32 v3, v50;
	_ =	sdelay $0x1  }
0x622: {  	s1 =	sld [smem:$0x745];
	v63 =	vperm.xlane v49, v5;
	v51 =	vadd.s32 v3, v62;
	_ =	sdelay $0x1  }
0x623: {  	s10 =	sld [smem:$0x746];
	v56 =	vperm.xlane v49, v6;
	v52 =	vadd.s32 v3, v63  }
0x624: {  	[tilespmem:s1], [sflag:$0x1] =	stream.indirect_vreg.gather [hbm4b:s26+s2], $0x80, v50, vm0, $0xb8;
	[tilespmem:$0x11500] =	vst v63  }
0x625: {  	v58 =	vperm.xlane v49, v7;
	v57 =	vadd.s32 v3, v56;
	s1 =	sld [smem:$0x747]  }
0x626: {  	[tilespmem:s10], [sflag:$0x1] =	stream.indirect_vreg.gather [hbm4b:s26+s2], $0x80, v51, vm0, $0xb8;
	[tilespmem:$0x11500] =	vst v63  }
0x627: {  	v60 =	vperm.xlane v49, v8;
	v59 =	vadd.s32 v3, v58;
	s10 =	sld [smem:$0x748]  }
0x628: {  	[tilespmem:s1], [sflag:$0x1] =	stream.indirect_vreg.gather [hbm4b:s26+s2], $0x80, v52, vm0, $0xb8;
	[tilespmem:$0x11500] =	vst v63  }
0x629: {  	v61 =	vadd.s32 v3, v60;
	v62 =	vperm.xlane v49, v1;
	s1 =	sld [smem:$0x749]  }
0x62a: {  	[tilespmem:s10], [sflag:$0x1] =	stream.indirect_vreg.gather [hbm4b:s26+s2], $0x80, v57, vm0, $0xb8;
	[tilespmem:$0x11500] =	vst v63  }
0x62b: {  	v56 =	vperm.xlane v49, v2;
	v63 =	vadd.s32 v3, v62;
	s10 =	sld [smem:$0x74A]  }
0x62c: {  	[tilespmem:s1], [sflag:$0x1] =	stream.indirect_vreg.gather [hbm4b:s26+s2], $0x80, v59, vm0, $0xb8;
	[tilespmem:$0x11500] =	vst v63  }
0x62d: {  	v58 =	vperm.xlane v49, v9;
	v57 =	vadd.s32 v3, v56;
	s1 =	sld [smem:$0x74B]  }
0x62e: {  	[tilespmem:s10], [sflag:$0x1] =	stream.indirect_vreg.gather [hbm4b:s26+s2], $0x80, v61, vm0, $0xb8;
	[tilespmem:$0x11500] =	vst v63  }
0x62f: {  	v60 =	vperm.xlane v49, v10;
	v59 =	vadd.s32 v3, v58;
	s10 =	sld [smem:$0x74C]  }
0x630: {  	[tilespmem:s1], [sflag:$0x1] =	stream.indirect_vreg.gather [hbm4b:s26+s2], $0x80, v63, vm0, $0xb8;
	[tilespmem:$0x11500] =	vst v63  }
0x631: {  	v62 =	vperm.xlane v49, v11;
	v61 =	vadd.s32 v3, v60;
	s1 =	sld [smem:$0x74D]  }
0x632: {  	[tilespmem:s10], [sflag:$0x1] =	stream.indirect_vreg.gather [hbm4b:s26+s2], $0x80, v57, vm0, $0xb8;
	[tilespmem:$0x11500] =	vst v63  }
0x633: {  	v56 =	vperm.xlane v49, v13;
	v63 =	vadd.s32 v3, v62;
	s10 =	sld [smem:$0x74E]  }
0x634: {  	[tilespmem:s1], [sflag:$0x1] =	stream.indirect_vreg.gather [hbm4b:s26+s2], $0x80, v59, vm0, $0xb8;
	[tilespmem:$0x11500] =	vst v63  }
0x635: {  	v58 =	vperm.xlane v49, v14;
	v57 =	vadd.s32 v3, v56;
	s1 =	sld [smem:$0x74F]  }
0x636: {  	[tilespmem:s10], [sflag:$0x1] =	stream.indirect_vreg.gather [hbm4b:s26+s2], $0x80, v61, vm0, $0xb8;
	[tilespmem:$0x11500] =	vst v63  }
0x637: {  	v60 =	vperm.xlane v49, v15;
	v59 =	vadd.s32 v3, v58;
	s10 =	sld [smem:$0x750]  }
0x638: {  	[tilespmem:s1], [sflag:$0x1] =	stream.indirect_vreg.gather [hbm4b:s26+s2], $0x80, v63, vm0, $0xb8;
	[tilespmem:$0x11500] =	vst v63  }
0x639: {  	v62 =	vperm.xlane v49, v16;
	v61 =	vadd.s32 v3, v60;
	s1 =	sld [smem:$0x751]  }
0x63a: {  	[tilespmem:s10], [sflag:$0x1] =	stream.indirect_vreg.gather [hbm4b:s26+s2], $0x80, v57, vm0, $0xb8;
	[tilespmem:$0x11500] =	vst v63  }
0x63b: {  	v49 =	vperm.xlane v49, v39;
	v63 =	vadd.s32 v3, v62;
	s10 =	sld [smem:$0x752]  }
0x63c: {  	[tilespmem:s1], [sflag:$0x1] =	stream.indirect_vreg.gather [hbm4b:s26+s2], $0x80, v59, vm0, $0xb8;
	[tilespmem:$0x11500] =	vst v63  }
0x63d: {  	v49 =	vadd.s32 v3, v49;
	s1 =	sld [smem:$0x753]  }
0x63e: {  	[tilespmem:s10], [sflag:$0x1] =	stream.indirect_vreg.gather [hbm4b:s26+s2], $0x80, v61, vm0, $0xb8;
	[tilespmem:$0x11500] =	vst v63  }
0x63f: {  	s10 =	sld [smem:$0x754]  }
0x640: {  	[tilespmem:s1], [sflag:$0x1] =	stream.indirect_vreg.gather [hbm4b:s26+s2], $0x80, v63, vm0, $0xb8;
	[tilespmem:$0x11500] =	vst v63  }
0x641: {  	_ = 	snop  }
0x642: {  	[tilespmem:s10], [sflag:$0x1] =	stream.indirect_vreg.gather [hbm4b:s26+s2], $0x80, v49, vm0, $0xb8;
	[tilespmem:$0x11500] =	vst v63  }
0x643: {  	v49 =	vld [tilespmem:$0xC30];
	_ =	sdelay $0x4  }
0x644: {  	v55 =	vshll.u32 v49, $0x7  }
0x645: {  	v49 =	vand.u32 $0x7, v49;
	v50 =	vand.u32 $0xFFFFFC00, v55  }
0x646: {  	v49 =	vor.u32 v49, v50  }
0x647: {  	v50 =	vperm.xlane v49, v0;
	_ =	sdelay $0x1  }
0x648: {  	v56 =	vperm.xlane v49, v4;
	v50 =	vadd.s32 v3, v50;
	_ =	sdelay $0x1  }
0x649: {  	s1 =	sld [smem:$0x755];
	v57 =	vperm.xlane v49, v5;
	v51 =	vadd.s32 v3, v56;
	_ =	sdelay $0x1  }
0x64a: {  	s10 =	sld [smem:$0x756];
	v58 =	vperm.xlane v49, v6;
	v52 =	vadd.s32 v3, v57  }
0x64b: {  	[tilespmem:s1], [sflag:$0x1] =	stream.indirect_vreg.gather [hbm4b:s26+s2], $0x80, v50, vm0, $0xb8;
	[tilespmem:$0x11500] =	vst v63  }
0x64c: {  	v60 =	vperm.xlane v49, v7;
	v59 =	vadd.s32 v3, v58;
	s1 =	sld [smem:$0x757]  }
0x64d: {  	[tilespmem:s10], [sflag:$0x1] =	stream.indirect_vreg.gather [hbm4b:s26+s2], $0x80, v51, vm0, $0xb8;
	[tilespmem:$0x11500] =	vst v63  }
0x64e: {  	v62 =	vperm.xlane v49, v8;
	v61 =	vadd.s32 v3, v60;
	s10 =	sld [smem:$0x70E]  }
0x64f: {  	[tilespmem:s1], [sflag:$0x1] =	stream.indirect_vreg.gather [hbm4b:s26+s2], $0x80, v52, vm0, $0xb8;
	[tilespmem:$0x11500] =	vst v63  }
0x650: {  	v63 =	vadd.s32 v3, v62;
	v56 =	vperm.xlane v49, v1;
	s1 =	sld [smem:$0x70C]  }
0x651: {  	[tilespmem:s10], [sflag:$0x1] =	stream.indirect_vreg.gather [hbm4b:s26+s2], $0x80, v59, vm0, $0xb8;
	[tilespmem:$0x11500] =	vst v63  }
0x652: {  	v58 =	vperm.xlane v49, v2;
	v57 =	vadd.s32 v3, v56;
	s10 =	sld [smem:$0x723]  }
0x653: {  	[tilespmem:s1], [sflag:$0x1] =	stream.indirect_vreg.gather [hbm4b:s26+s2], $0x80, v61, vm0, $0xb8;
	[tilespmem:$0x11500] =	vst v63  }
0x654: {  	v60 =	vperm.xlane v49, v9;
	v59 =	vadd.s32 v3, v58;
	s1 =	sld [smem:$0x722]  }
0x655: {  	[tilespmem:s10], [sflag:$0x1] =	stream.indirect_vreg.gather [hbm4b:s26+s2], $0x80, v63, vm0, $0xb8;
	[tilespmem:$0x11500] =	vst v63  }
0x656: {  	v62 =	vperm.xlane v49, v10;
	v61 =	vadd.s32 v3, v60;
	s10 =	sld [smem:$0x721]  }
0x657: {  	[tilespmem:s1], [sflag:$0x1] =	stream.indirect_vreg.gather [hbm4b:s26+s2], $0x80, v57, vm0, $0xb8;
	[tilespmem:$0x11500] =	vst v63  }
0x658: {  	v56 =	vperm.xlane v49, v11;
	v63 =	vadd.s32 v3, v62;
	s1 =	sld [smem:$0x720]  }
0x659: {  	[tilespmem:s10], [sflag:$0x1] =	stream.indirect_vreg.gather [hbm4b:s26+s2], $0x80, v59, vm0, $0xb8;
	[tilespmem:$0x11500] =	vst v63  }
0x65a: {  	v58 =	vperm.xlane v49, v13;
	v57 =	vadd.s32 v3, v56;
	s10 =	sld [smem:$0x71F]  }
0x65b: {  	[tilespmem:s1], [sflag:$0x1] =	stream.indirect_vreg.gather [hbm4b:s26+s2], $0x80, v61, vm0, $0xb8;
	[tilespmem:$0x11500] =	vst v63  }
0x65c: {  	v60 =	vperm.xlane v49, v14;
	v59 =	vadd.s32 v3, v58;
	s1 =	sld [smem:$0x71E]  }
0x65d: {  	[tilespmem:s10], [sflag:$0x1] =	stream.indirect_vreg.gather [hbm4b:s26+s2], $0x80, v63, vm0, $0xb8;
	[tilespmem:$0x11500] =	vst v63  }
0x65e: {  	v62 =	vperm.xlane v49, v15;
	v61 =	vadd.s32 v3, v60;
	s10 =	sld [smem:$0x71D]  }
0x65f: {  	[tilespmem:s1], [sflag:$0x1] =	stream.indirect_vreg.gather [hbm4b:s26+s2], $0x80, v57, vm0, $0xb8;
	[tilespmem:$0x11500] =	vst v63  }
0x660: {  	v56 =	vperm.xlane v49, v16;
	v63 =	vadd.s32 v3, v62;
	s1 =	sld [smem:$0x71C]  }
0x661: {  	[tilespmem:s10], [sflag:$0x1] =	stream.indirect_vreg.gather [hbm4b:s26+s2], $0x80, v59, vm0, $0xb8;
	[tilespmem:$0x11500] =	vst v63  }
0x662: {  	v49 =	vperm.xlane v49, v39;
	v57 =	vadd.s32 v3, v56;
	s10 =	sld [smem:$0x758]  }
0x663: {  	[tilespmem:s1], [sflag:$0x1] =	stream.indirect_vreg.gather [hbm4b:s26+s2], $0x80, v61, vm0, $0xb8;
	[tilespmem:$0x11500] =	vst v63  }
0x664: {  	v49 =	vadd.s32 v3, v49;
	s1 =	sld [smem:$0x72B]  }
0x665: {  	[tilespmem:s10], [sflag:$0x1] =	stream.indirect_vreg.gather [hbm4b:s26+s2], $0x80, v63, vm0, $0xb8;
	[tilespmem:$0x11500] =	vst v63  }
0x666: {  	s10 =	sld [smem:$0x72C]  }
0x667: {  	[tilespmem:s1], [sflag:$0x1] =	stream.indirect_vreg.gather [hbm4b:s26+s2], $0x80, v57, vm0, $0xb8;
	[tilespmem:$0x11500] =	vst v63  }
0x668: {  	_ = 	snop  }
0x669: {  	[tilespmem:s10], [sflag:$0x1] =	stream.indirect_vreg.gather [hbm4b:s26+s2], $0x80, v49, vm0, $0xb8;
	[tilespmem:$0x11500] =	vst v63  }
0x66a: {  	v49 =	vld [tilespmem:$0xC40];
	_ =	sdelay $0x4  }
0x66b: {  	v58 =	vshll.u32 v49, $0x7  }
0x66c: {  	v49 =	vand.u32 $0x7, v49;
	v50 =	vand.u32 $0xFFFFFC00, v58  }
0x66d: {  	v49 =	vor.u32 v49, v50  }
0x66e: {  	v50 =	vperm.xlane v49, v0;
	_ =	sdelay $0x1  }
0x66f: {  	v59 =	vperm.xlane v49, v4;
	v50 =	vadd.s32 v3, v50;
	_ =	sdelay $0x1  }
0x670: {  	s1 =	sld [smem:$0x72D];
	v60 =	vperm.xlane v49, v5;
	v51 =	vadd.s32 v3, v59;
	_ =	sdelay $0x1  }
0x671: {  	s10 =	sld [smem:$0x72E];
	v61 =	vperm.xlane v49, v6;
	v52 =	vadd.s32 v3, v60  }
0x672: {  	[tilespmem:s1], [sflag:$0x1] =	stream.indirect_vreg.gather [hbm4b:s26+s2], $0x80, v50, vm0, $0xb8;
	[tilespmem:$0x11500] =	vst v63  }
0x673: {  	v63 =	vperm.xlane v49, v7;
	v62 =	vadd.s32 v3, v61;
	s1 =	sld [smem:$0x72F]  }
0x674: {  	[tilespmem:s10], [sflag:$0x1] =	stream.indirect_vreg.gather [hbm4b:s26+s2], $0x80, v51, vm0, $0xb8;
	[tilespmem:$0x11500] =	vst v63  }
0x675: {  	v57 =	vperm.xlane v49, v8;
	v56 =	vadd.s32 v3, v63;
	s10 =	sld [smem:$0x729]  }
0x676: {  	[tilespmem:s1], [sflag:$0x1] =	stream.indirect_vreg.gather [hbm4b:s26+s2], $0x80, v52, vm0, $0xb8;
	[tilespmem:$0x11500] =	vst v63  }
0x677: {  	v58 =	vadd.s32 v3, v57;
	v59 =	vperm.xlane v49, v1;
	s1 =	sld [smem:$0x72A]  }
0x678: {  	[tilespmem:s10], [sflag:$0x1] =	stream.indirect_vreg.gather [hbm4b:s26+s2], $0x80, v62, vm0, $0xb8;
	[tilespmem:$0x11500] =	vst v63  }
0x679: {  	v61 =	vperm.xlane v49, v2;
	v60 =	vadd.s32 v3, v59;
	s10 =	sld [smem:$0x730]  }
0x67a: {  	[tilespmem:s1], [sflag:$0x1] =	stream.indirect_vreg.gather [hbm4b:s26+s2], $0x80, v56, vm0, $0xb8;
	[tilespmem:$0x11500] =	vst v63  }
0x67b: {  	v63 =	vperm.xlane v49, v9;
	v62 =	vadd.s32 v3, v61;
	s1 =	sld [smem:$0x711]  }
0x67c: {  	[tilespmem:s10], [sflag:$0x1] =	stream.indirect_vreg.gather [hbm4b:s26+s2], $0x80, v58, vm0, $0xb8;
	[tilespmem:$0x11500] =	vst v63  }
0x67d: {  	v57 =	vperm.xlane v49, v10;
	v56 =	vadd.s32 v3, v63;
	s10 =	sld [smem:$0x759]  }
0x67e: {  	[tilespmem:s1], [sflag:$0x1] =	stream.indirect_vreg.gather [hbm4b:s26+s2], $0x80, v60, vm0, $0xb8;
	[tilespmem:$0x11500] =	vst v63  }
0x67f: {  	v59 =	vperm.xlane v49, v11;
	v58 =	vadd.s32 v3, v57;
	s1 =	sld [smem:$0x75A]  }
0x680: {  	[tilespmem:s10], [sflag:$0x1] =	stream.indirect_vreg.gather [hbm4b:s26+s2], $0x80, v62, vm0, $0xb8;
	[tilespmem:$0x11500] =	vst v63  }
0x681: {  	v61 =	vperm.xlane v49, v13;
	v60 =	vadd.s32 v3, v59;
	s10 =	sld [smem:$0x75B]  }
0x682: {  	[tilespmem:s1], [sflag:$0x1] =	stream.indirect_vreg.gather [hbm4b:s26+s2], $0x80, v56, vm0, $0xb8;
	[tilespmem:$0x11500] =	vst v63  }
0x683: {  	v63 =	vperm.xlane v49, v14;
	v62 =	vadd.s32 v3, v61;
	s1 =	sld [smem:$0x75C]  }
0x684: {  	[tilespmem:s10], [sflag:$0x1] =	stream.indirect_vreg.gather [hbm4b:s26+s2], $0x80, v58, vm0, $0xb8;
	[tilespmem:$0x11500] =	vst v63  }
0x685: {  	v57 =	vperm.xlane v49, v15;
	v56 =	vadd.s32 v3, v63;
	s10 =	sld [smem:$0x75D]  }
0x686: {  	[tilespmem:s1], [sflag:$0x1] =	stream.indirect_vreg.gather [hbm4b:s26+s2], $0x80, v60, vm0, $0xb8;
	[tilespmem:$0x11500] =	vst v63  }
0x687: {  	v59 =	vperm.xlane v49, v16;
	v58 =	vadd.s32 v3, v57;
	s1 =	sld [smem:$0x75E]  }
0x688: {  	[tilespmem:s10], [sflag:$0x1] =	stream.indirect_vreg.gather [hbm4b:s26+s2], $0x80, v62, vm0, $0xb8;
	[tilespmem:$0x11500] =	vst v63  }
0x689: {  	v49 =	vperm.xlane v49, v39;
	v60 =	vadd.s32 v3, v59;
	s10 =	sld [smem:$0x75F]  }
0x68a: {  	[tilespmem:s1], [sflag:$0x1] =	stream.indirect_vreg.gather [hbm4b:s26+s2], $0x80, v56, vm0, $0xb8;
	[tilespmem:$0x11500] =	vst v63  }
0x68b: {  	v49 =	vadd.s32 v3, v49;
	s1 =	sld [smem:$0x760]  }
0x68c: {  	[tilespmem:s10], [sflag:$0x1] =	stream.indirect_vreg.gather [hbm4b:s26+s2], $0x80, v58, vm0, $0xb8;
	[tilespmem:$0x11500] =	vst v63  }
0x68d: {  	s10 =	sld [smem:$0x761]  }
0x68e: {  	[tilespmem:s1], [sflag:$0x1] =	stream.indirect_vreg.gather [hbm4b:s26+s2], $0x80, v60, vm0, $0xb8;
	[tilespmem:$0x11500] =	vst v63  }
0x68f: {  	_ = 	snop  }
0x690: {  	[tilespmem:s10], [sflag:$0x1] =	stream.indirect_vreg.gather [hbm4b:s26+s2], $0x80, v49, vm0, $0xb8;
	[tilespmem:$0x11500] =	vst v63  }
0x691: {  	v49 =	vld [tilespmem:$0xC50];
	_ =	sdelay $0x4  }
0x692: {  	v61 =	vshll.u32 v49, $0x7  }
0x693: {  	v49 =	vand.u32 $0x7, v49;
	v50 =	vand.u32 $0xFFFFFC00, v61  }
0x694: {  	v49 =	vor.u32 v49, v50  }
0x695: {  	v50 =	vperm.xlane v49, v0;
	_ =	sdelay $0x1  }
0x696: {  	v62 =	vperm.xlane v49, v4;
	v50 =	vadd.s32 v3, v50;
	_ =	sdelay $0x1  }
0x697: {  	s1 =	sld [smem:$0x762];
	v63 =	vperm.xlane v49, v5;
	v51 =	vadd.s32 v3, v62;
	_ =	sdelay $0x1  }
0x698: {  	s10 =	sld [smem:$0x763];
	v56 =	vperm.xlane v49, v6;
	v52 =	vadd.s32 v3, v63  }
0x699: {  	[tilespmem:s1], [sflag:$0x1] =	stream.indirect_vreg.gather [hbm4b:s26+s2], $0x80, v50, vm0, $0xb8;
	[tilespmem:$0x11500] =	vst v63  }
0x69a: {  	v58 =	vperm.xlane v49, v7;
	v57 =	vadd.s32 v3, v56;
	s1 =	sld [smem:$0x764]  }
0x69b: {  	[tilespmem:s10], [sflag:$0x1] =	stream.indirect_vreg.gather [hbm4b:s26+s2], $0x80, v51, vm0, $0xb8;
	[tilespmem:$0x11500] =	vst v63  }
0x69c: {  	v60 =	vperm.xlane v49, v8;
	v59 =	vadd.s32 v3, v58;
	s10 =	sld [smem:$0x765]  }
0x69d: {  	[tilespmem:s1], [sflag:$0x1] =	stream.indirect_vreg.gather [hbm4b:s26+s2], $0x80, v52, vm0, $0xb8;
	[tilespmem:$0x11500] =	vst v63  }
0x69e: {  	v61 =	vadd.s32 v3, v60;
	v62 =	vperm.xlane v49, v1;
	s1 =	sld [smem:$0x766]  }
0x69f: {  	[tilespmem:s10], [sflag:$0x1] =	stream.indirect_vreg.gather [hbm4b:s26+s2], $0x80, v57, vm0, $0xb8;
	[tilespmem:$0x11500] =	vst v63  }
0x6a0: {  	v56 =	vperm.xlane v49, v2;
	v63 =	vadd.s32 v3, v62;
	s10 =	sld [smem:$0x767]  }
0x6a1: {  	[tilespmem:s1], [sflag:$0x1] =	stream.indirect_vreg.gather [hbm4b:s26+s2], $0x80, v59, vm0, $0xb8;
	[tilespmem:$0x11500] =	vst v63  }
0x6a2: {  	v58 =	vperm.xlane v49, v9;
	v57 =	vadd.s32 v3, v56;
	s1 =	sld [smem:$0x768]  }
0x6a3: {  	[tilespmem:s10], [sflag:$0x1] =	stream.indirect_vreg.gather [hbm4b:s26+s2], $0x80, v61, vm0, $0xb8;
	[tilespmem:$0x11500] =	vst v63  }
0x6a4: {  	v60 =	vperm.xlane v49, v10;
	v59 =	vadd.s32 v3, v58;
	s10 =	sld [smem:$0x769]  }
0x6a5: {  	[tilespmem:s1], [sflag:$0x1] =	stream.indirect_vreg.gather [hbm4b:s26+s2], $0x80, v63, vm0, $0xb8;
	[tilespmem:$0x11500] =	vst v63  }
0x6a6: {  	v62 =	vperm.xlane v49, v11;
	v61 =	vadd.s32 v3, v60;
	s1 =	sld [smem:$0x76A]  }
0x6a7: {  	[tilespmem:s10], [sflag:$0x1] =	stream.indirect_vreg.gather [hbm4b:s26+s2], $0x80, v57, vm0, $0xb8;
	[tilespmem:$0x11500] =	vst v63  }
0x6a8: {  	v56 =	vperm.xlane v49, v13;
	v63 =	vadd.s32 v3, v62;
	s10 =	sld [smem:$0x76B]  }
0x6a9: {  	[tilespmem:s1], [sflag:$0x1] =	stream.indirect_vreg.gather [hbm4b:s26+s2], $0x80, v59, vm0, $0xb8;
	[tilespmem:$0x11500] =	vst v63  }
0x6aa: {  	v58 =	vperm.xlane v49, v14;
	v57 =	vadd.s32 v3, v56;
	s1 =	sld [smem:$0x76C]  }
0x6ab: {  	[tilespmem:s10], [sflag:$0x1] =	stream.indirect_vreg.gather [hbm4b:s26+s2], $0x80, v61, vm0, $0xb8;
	[tilespmem:$0x11500] =	vst v63  }
0x6ac: {  	v60 =	vperm.xlane v49, v15;
	v59 =	vadd.s32 v3, v58;
	s10 =	sld [smem:$0x76D]  }
0x6ad: {  	[tilespmem:s1], [sflag:$0x1] =	stream.indirect_vreg.gather [hbm4b:s26+s2], $0x80, v63, vm0, $0xb8;
	[tilespmem:$0x11500] =	vst v63  }
0x6ae: {  	v62 =	vperm.xlane v49, v16;
	v61 =	vadd.s32 v3, v60;
	s1 =	sld [smem:$0x76E]  }
0x6af: {  	[tilespmem:s10], [sflag:$0x1] =	stream.indirect_vreg.gather [hbm4b:s26+s2], $0x80, v57, vm0, $0xb8;
	[tilespmem:$0x11500] =	vst v63  }
0x6b0: {  	v49 =	vperm.xlane v49, v39;
	v63 =	vadd.s32 v3, v62;
	s10 =	sld [smem:$0x76F]  }
0x6b1: {  	[tilespmem:s1], [sflag:$0x1] =	stream.indirect_vreg.gather [hbm4b:s26+s2], $0x80, v59, vm0, $0xb8;
	[tilespmem:$0x11500] =	vst v63  }
0x6b2: {  	v49 =	vadd.s32 v3, v49;
	s1 =	sld [smem:$0x770]  }
0x6b3: {  	[tilespmem:s10], [sflag:$0x1] =	stream.indirect_vreg.gather [hbm4b:s26+s2], $0x80, v61, vm0, $0xb8;
	[tilespmem:$0x11500] =	vst v63  }
0x6b4: {  	s10 =	sld [smem:$0x771]  }
0x6b5: {  	[tilespmem:s1], [sflag:$0x1] =	stream.indirect_vreg.gather [hbm4b:s26+s2], $0x80, v63, vm0, $0xb8;
	[tilespmem:$0x11500] =	vst v63  }
0x6b6: {  	_ = 	snop  }
0x6b7: {  	[tilespmem:s10], [sflag:$0x1] =	stream.indirect_vreg.gather [hbm4b:s26+s2], $0x80, v49, vm0, $0xb8;
	[tilespmem:$0x11500] =	vst v63  }
0x6b8: {  	v49 =	vld [tilespmem:$0xC60];
	_ =	sdelay $0x4  }
0x6b9: {  	v55 =	vshll.u32 v49, $0x7  }
0x6ba: {  	v49 =	vand.u32 $0x7, v49;
	v50 =	vand.u32 $0xFFFFFC00, v55  }
0x6bb: {  	v49 =	vor.u32 v49, v50  }
0x6bc: {  	v50 =	vperm.xlane v49, v0;
	_ =	sdelay $0x1  }
0x6bd: {  	v56 =	vperm.xlane v49, v4;
	v50 =	vadd.s32 v3, v50;
	_ =	sdelay $0x1  }
0x6be: {  	s1 =	sld [smem:$0x772];
	v57 =	vperm.xlane v49, v5;
	v51 =	vadd.s32 v3, v56;
	_ =	sdelay $0x1  }
0x6bf: {  	s10 =	sld [smem:$0x773];
	v58 =	vperm.xlane v49, v6;
	v52 =	vadd.s32 v3, v57  }
0x6c0: {  	[tilespmem:s1], [sflag:$0x1] =	stream.indirect_vreg.gather [hbm4b:s26+s2], $0x80, v50, vm0, $0xb8;
	[tilespmem:$0x11500] =	vst v63  }
0x6c1: {  	v60 =	vperm.xlane v49, v7;
	v59 =	vadd.s32 v3, v58;
	s1 =	sld [smem:$0x774]  }
0x6c2: {  	[tilespmem:s10], [sflag:$0x1] =	stream.indirect_vreg.gather [hbm4b:s26+s2], $0x80, v51, vm0, $0xb8;
	[tilespmem:$0x11500] =	vst v63  }
0x6c3: {  	v62 =	vperm.xlane v49, v8;
	v61 =	vadd.s32 v3, v60;
	s10 =	sld [smem:$0x775]  }
0x6c4: {  	[tilespmem:s1], [sflag:$0x1] =	stream.indirect_vreg.gather [hbm4b:s26+s2], $0x80, v52, vm0, $0xb8;
	[tilespmem:$0x11500] =	vst v63  }
0x6c5: {  	v63 =	vadd.s32 v3, v62;
	v56 =	vperm.xlane v49, v1;
	s1 =	sld [smem:$0x776]  }
0x6c6: {  	[tilespmem:s10], [sflag:$0x1] =	stream.indirect_vreg.gather [hbm4b:s26+s2], $0x80, v59, vm0, $0xb8;
	[tilespmem:$0x11500] =	vst v63  }
0x6c7: {  	v58 =	vperm.xlane v49, v2;
	v57 =	vadd.s32 v3, v56;
	s10 =	sld [smem:$0x777]  }
0x6c8: {  	[tilespmem:s1], [sflag:$0x1] =	stream.indirect_vreg.gather [hbm4b:s26+s2], $0x80, v61, vm0, $0xb8;
	[tilespmem:$0x11500] =	vst v63  }
0x6c9: {  	v60 =	vperm.xlane v49, v9;
	v59 =	vadd.s32 v3, v58;
	s1 =	sld [smem:$0x778]  }
0x6ca: {  	[tilespmem:s10], [sflag:$0x1] =	stream.indirect_vreg.gather [hbm4b:s26+s2], $0x80, v63, vm0, $0xb8;
	[tilespmem:$0x11500] =	vst v63  }
0x6cb: {  	v62 =	vperm.xlane v49, v10;
	v61 =	vadd.s32 v3, v60;
	s10 =	sld [smem:$0x779]  }
0x6cc: {  	[tilespmem:s1], [sflag:$0x1] =	stream.indirect_vreg.gather [hbm4b:s26+s2], $0x80, v57, vm0, $0xb8;
	[tilespmem:$0x11500] =	vst v63  }
0x6cd: {  	v56 =	vperm.xlane v49, v11;
	v63 =	vadd.s32 v3, v62;
	s1 =	sld [smem:$0x77A]  }
0x6ce: {  	[tilespmem:s10], [sflag:$0x1] =	stream.indirect_vreg.gather [hbm4b:s26+s2], $0x80, v59, vm0, $0xb8;
	[tilespmem:$0x11500] =	vst v63  }
0x6cf: {  	v58 =	vperm.xlane v49, v13;
	v57 =	vadd.s32 v3, v56;
	s10 =	sld [smem:$0x77B]  }
0x6d0: {  	[tilespmem:s1], [sflag:$0x1] =	stream.indirect_vreg.gather [hbm4b:s26+s2], $0x80, v61, vm0, $0xb8;
	[tilespmem:$0x11500] =	vst v63  }
0x6d1: {  	v60 =	vperm.xlane v49, v14;
	v59 =	vadd.s32 v3, v58;
	s1 =	sld [smem:$0x77C]  }
0x6d2: {  	[tilespmem:s10], [sflag:$0x1] =	stream.indirect_vreg.gather [hbm4b:s26+s2], $0x80, v63, vm0, $0xb8;
	[tilespmem:$0x11500] =	vst v63  }
0x6d3: {  	v62 =	vperm.xlane v49, v15;
	v61 =	vadd.s32 v3, v60;
	s10 =	sld [smem:$0x77D]  }
0x6d4: {  	[tilespmem:s1], [sflag:$0x1] =	stream.indirect_vreg.gather [hbm4b:s26+s2], $0x80, v57, vm0, $0xb8;
	[tilespmem:$0x11500] =	vst v63  }
0x6d5: {  	v56 =	vperm.xlane v49, v16;
	v63 =	vadd.s32 v3, v62;
	s1 =	sld [smem:$0x77E]  }
0x6d6: {  	[tilespmem:s10], [sflag:$0x1] =	stream.indirect_vreg.gather [hbm4b:s26+s2], $0x80, v59, vm0, $0xb8;
	[tilespmem:$0x11500] =	vst v63  }
0x6d7: {  	v49 =	vperm.xlane v49, v39;
	v57 =	vadd.s32 v3, v56;
	s10 =	sld [smem:$0x77F]  }
0x6d8: {  	[tilespmem:s1], [sflag:$0x1] =	stream.indirect_vreg.gather [hbm4b:s26+s2], $0x80, v61, vm0, $0xb8;
	[tilespmem:$0x11500] =	vst v63  }
0x6d9: {  	v49 =	vadd.s32 v3, v49;
	s1 =	sld [smem:$0x780]  }
0x6da: {  	[tilespmem:s10], [sflag:$0x1] =	stream.indirect_vreg.gather [hbm4b:s26+s2], $0x80, v63, vm0, $0xb8;
	[tilespmem:$0x11500] =	vst v63  }
0x6db: {  	s10 =	sld [smem:$0x781]  }
0x6dc: {  	[tilespmem:s1], [sflag:$0x1] =	stream.indirect_vreg.gather [hbm4b:s26+s2], $0x80, v57, vm0, $0xb8;
	[tilespmem:$0x11500] =	vst v63  }
0x6dd: {  	_ = 	snop  }
0x6de: {  	[tilespmem:s10], [sflag:$0x1] =	stream.indirect_vreg.gather [hbm4b:s26+s2], $0x80, v49, vm0, $0xb8;
	[tilespmem:$0x11500] =	vst v63  }
0x6df: {  	v49 =	vld [tilespmem:$0xC70];
	_ =	sdelay $0x4  }
0x6e0: {  	v58 =	vshll.u32 v49, $0x7  }
0x6e1: {  	v49 =	vand.u32 $0x7, v49;
	v50 =	vand.u32 $0xFFFFFC00, v58  }
0x6e2: {  	v49 =	vor.u32 v49, v50  }
0x6e3: {  	v50 =	vperm.xlane v49, v0;
	_ =	sdelay $0x1  }
0x6e4: {  	v59 =	vperm.xlane v49, v4;
	v50 =	vadd.s32 v3, v50;
	_ =	sdelay $0x1  }
0x6e5: {  	s1 =	sld [smem:$0x782];
	v60 =	vperm.xlane v49, v5;
	v51 =	vadd.s32 v3, v59;
	_ =	sdelay $0x1  }
0x6e6: {  	s10 =	sld [smem:$0x783];
	v61 =	vperm.xlane v49, v6;
	v52 =	vadd.s32 v3, v60  }
0x6e7: {  	[tilespmem:s1], [sflag:$0x1] =	stream.indirect_vreg.gather [hbm4b:s26+s2], $0x80, v50, vm0, $0xb8;
	[tilespmem:$0x11500] =	vst v63  }
0x6e8: {  	v63 =	vperm.xlane v49, v7;
	v62 =	vadd.s32 v3, v61;
	s1 =	sld [smem:$0x784]  }
0x6e9: {  	[tilespmem:s10], [sflag:$0x1] =	stream.indirect_vreg.gather [hbm4b:s26+s2], $0x80, v51, vm0, $0xb8;
	[tilespmem:$0x11500] =	vst v63  }
0x6ea: {  	v57 =	vperm.xlane v49, v8;
	v56 =	vadd.s32 v3, v63;
	s10 =	sld [smem:$0x785]  }
0x6eb: {  	[tilespmem:s1], [sflag:$0x1] =	stream.indirect_vreg.gather [hbm4b:s26+s2], $0x80, v52, vm0, $0xb8;
	[tilespmem:$0x11500] =	vst v63  }
0x6ec: {  	v58 =	vadd.s32 v3, v57;
	v59 =	vperm.xlane v49, v1;
	s1 =	sld [smem:$0x786]  }
0x6ed: {  	[tilespmem:s10], [sflag:$0x1] =	stream.indirect_vreg.gather [hbm4b:s26+s2], $0x80, v62, vm0, $0xb8;
	[tilespmem:$0x11500] =	vst v63  }
0x6ee: {  	v61 =	vperm.xlane v49, v2;
	v60 =	vadd.s32 v3, v59;
	s10 =	sld [smem:$0x787]  }
0x6ef: {  	[tilespmem:s1], [sflag:$0x1] =	stream.indirect_vreg.gather [hbm4b:s26+s2], $0x80, v56, vm0, $0xb8;
	[tilespmem:$0x11500] =	vst v63  }
0x6f0: {  	v63 =	vperm.xlane v49, v9;
	v62 =	vadd.s32 v3, v61;
	s1 =	sld [smem:$0x788]  }
0x6f1: {  	[tilespmem:s10], [sflag:$0x1] =	stream.indirect_vreg.gather [hbm4b:s26+s2], $0x80, v58, vm0, $0xb8;
	[tilespmem:$0x11500] =	vst v63  }
0x6f2: {  	v57 =	vperm.xlane v49, v10;
	v56 =	vadd.s32 v3, v63;
	s10 =	sld [smem:$0x789]  }
0x6f3: {  	[tilespmem:s1], [sflag:$0x1] =	stream.indirect_vreg.gather [hbm4b:s26+s2], $0x80, v60, vm0, $0xb8;
	[tilespmem:$0x11500] =	vst v63  }
0x6f4: {  	v59 =	vperm.xlane v49, v11;
	v58 =	vadd.s32 v3, v57;
	s1 =	sld [smem:$0x78A]  }
0x6f5: {  	[tilespmem:s10], [sflag:$0x1] =	stream.indirect_vreg.gather [hbm4b:s26+s2], $0x80, v62, vm0, $0xb8;
	[tilespmem:$0x11500] =	vst v63  }
0x6f6: {  	v61 =	vperm.xlane v49, v13;
	v60 =	vadd.s32 v3, v59;
	s10 =	sld [smem:$0x78B]  }
0x6f7: {  	[tilespmem:s1], [sflag:$0x1] =	stream.indirect_vreg.gather [hbm4b:s26+s2], $0x80, v56, vm0, $0xb8;
	[tilespmem:$0x11500] =	vst v63  }
0x6f8: {  	v63 =	vperm.xlane v49, v14;
	v62 =	vadd.s32 v3, v61;
	s1 =	sld [smem:$0x78C]  }
0x6f9: {  	[tilespmem:s10], [sflag:$0x1] =	stream.indirect_vreg.gather [hbm4b:s26+s2], $0x80, v58, vm0, $0xb8;
	[tilespmem:$0x11500] =	vst v63  }
0x6fa: {  	v57 =	vperm.xlane v49, v15;
	v56 =	vadd.s32 v3, v63;
	s10 =	sld [smem:$0x78D]  }
0x6fb: {  	[tilespmem:s1], [sflag:$0x1] =	stream.indirect_vreg.gather [hbm4b:s26+s2], $0x80, v60, vm0, $0xb8;
	[tilespmem:$0x11500] =	vst v63  }
0x6fc: {  	v59 =	vperm.xlane v49, v16;
	v58 =	vadd.s32 v3, v57;
	s1 =	sld [smem:$0x78E]  }
0x6fd: {  	[tilespmem:s10], [sflag:$0x1] =	stream.indirect_vreg.gather [hbm4b:s26+s2], $0x80, v62, vm0, $0xb8;
	[tilespmem:$0x11500] =	vst v63  }
0x6fe: {  	v49 =	vperm.xlane v49, v39;
	v60 =	vadd.s32 v3, v59;
	s10 =	sld [smem:$0x78F]  }
0x6ff: {  	[tilespmem:s1], [sflag:$0x1] =	stream.indirect_vreg.gather [hbm4b:s26+s2], $0x80, v56, vm0, $0xb8;
	[tilespmem:$0x11500] =	vst v63  }
0x700: {  	v49 =	vadd.s32 v3, v49;
	s1 =	sld [smem:$0x790]  }
0x701: {  	[tilespmem:s10], [sflag:$0x1] =	stream.indirect_vreg.gather [hbm4b:s26+s2], $0x80, v58, vm0, $0xb8;
	[tilespmem:$0x11500] =	vst v63  }
0x702: {  	s10 =	sld [smem:$0x791]  }
0x703: {  	[tilespmem:s1], [sflag:$0x1] =	stream.indirect_vreg.gather [hbm4b:s26+s2], $0x80, v60, vm0, $0xb8;
	[tilespmem:$0x11500] =	vst v63  }
0x704: {  	_ = 	snop  }
0x705: {  	[tilespmem:s10], [sflag:$0x1] =	stream.indirect_vreg.gather [hbm4b:s26+s2], $0x80, v49, vm0, $0xb8;
	[tilespmem:$0x11500] =	vst v63  }
0x706: {  	v49 =	vld [tilespmem:$0xC80];
	_ =	sdelay $0x4  }
0x707: {  	v61 =	vshll.u32 v49, $0x7  }
0x708: {  	v49 =	vand.u32 $0x7, v49;
	v50 =	vand.u32 $0xFFFFFC00, v61  }
0x709: {  	v49 =	vor.u32 v49, v50  }
0x70a: {  	v50 =	vperm.xlane v49, v0;
	_ =	sdelay $0x1  }
0x70b: {  	v62 =	vperm.xlane v49, v4;
	v50 =	vadd.s32 v3, v50;
	_ =	sdelay $0x1  }
0x70c: {  	s1 =	sld [smem:$0x792];
	v63 =	vperm.xlane v49, v5;
	v51 =	vadd.s32 v3, v62;
	_ =	sdelay $0x1  }
0x70d: {  	s10 =	sld [smem:$0x793];
	v56 =	vperm.xlane v49, v6;
	v52 =	vadd.s32 v3, v63  }
0x70e: {  	[tilespmem:s1], [sflag:$0x1] =	stream.indirect_vreg.gather [hbm4b:s5+s2], $0x80, v50, vm0, $0xb8;
	[tilespmem:$0x11500] =	vst v63  }
0x70f: {  	v58 =	vperm.xlane v49, v7;
	v57 =	vadd.s32 v3, v56;
	s1 =	sld [smem:$0x794]  }
0x710: {  	[tilespmem:s10], [sflag:$0x1] =	stream.indirect_vreg.gather [hbm4b:s5+s2], $0x80, v51, vm0, $0xb8;
	[tilespmem:$0x11500] =	vst v63  }
0x711: {  	v60 =	vperm.xlane v49, v8;
	v59 =	vadd.s32 v3, v58;
	s10 =	sld [smem:$0x795]  }
0x712: {  	[tilespmem:s1], [sflag:$0x1] =	stream.indirect_vreg.gather [hbm4b:s5+s2], $0x80, v52, vm0, $0xb8;
	[tilespmem:$0x11500] =	vst v63  }
0x713: {  	v61 =	vadd.s32 v3, v60;
	v62 =	vperm.xlane v49, v1;
	s1 =	sld [smem:$0x796]  }
0x714: {  	[tilespmem:s10], [sflag:$0x1] =	stream.indirect_vreg.gather [hbm4b:s5+s2], $0x80, v57, vm0, $0xb8;
	[tilespmem:$0x11500] =	vst v63  }
0x715: {  	v56 =	vperm.xlane v49, v2;
	v63 =	vadd.s32 v3, v62;
	s10 =	sld [smem:$0x797]  }
0x716: {  	[tilespmem:s1], [sflag:$0x1] =	stream.indirect_vreg.gather [hbm4b:s5+s2], $0x80, v59, vm0, $0xb8;
	[tilespmem:$0x11500] =	vst v63  }
0x717: {  	v58 =	vperm.xlane v49, v9;
	v57 =	vadd.s32 v3, v56;
	s1 =	sld [smem:$0x798]  }
0x718: {  	[tilespmem:s10], [sflag:$0x1] =	stream.indirect_vreg.gather [hbm4b:s5+s2], $0x80, v61, vm0, $0xb8;
	[tilespmem:$0x11500] =	vst v63  }
0x719: {  	v60 =	vperm.xlane v49, v10;
	v59 =	vadd.s32 v3, v58;
	s10 =	sld [smem:$0x799]  }
0x71a: {  	[tilespmem:s1], [sflag:$0x1] =	stream.indirect_vreg.gather [hbm4b:s5+s2], $0x80, v63, vm0, $0xb8;
	[tilespmem:$0x11500] =	vst v63  }
0x71b: {  	v62 =	vperm.xlane v49, v11;
	v61 =	vadd.s32 v3, v60;
	s1 =	sld [smem:$0x79A]  }
0x71c: {  	[tilespmem:s10], [sflag:$0x1] =	stream.indirect_vreg.gather [hbm4b:s5+s2], $0x80, v57, vm0, $0xb8;
	[tilespmem:$0x11500] =	vst v63  }
0x71d: {  	v56 =	vperm.xlane v49, v13;
	v63 =	vadd.s32 v3, v62;
	s10 =	sld [smem:$0x79B]  }
0x71e: {  	[tilespmem:s1], [sflag:$0x1] =	stream.indirect_vreg.gather [hbm4b:s5+s2], $0x80, v59, vm0, $0xb8;
	[tilespmem:$0x11500] =	vst v63  }
0x71f: {  	v58 =	vperm.xlane v49, v14;
	v57 =	vadd.s32 v3, v56;
	s1 =	sld [smem:$0x79C]  }
0x720: {  	[tilespmem:s10], [sflag:$0x1] =	stream.indirect_vreg.gather [hbm4b:s5+s2], $0x80, v61, vm0, $0xb8;
	[tilespmem:$0x11500] =	vst v63  }
0x721: {  	v60 =	vperm.xlane v49, v15;
	v59 =	vadd.s32 v3, v58;
	s10 =	sld [smem:$0x79D]  }
0x722: {  	[tilespmem:s1], [sflag:$0x1] =	stream.indirect_vreg.gather [hbm4b:s5+s2], $0x80, v63, vm0, $0xb8;
	[tilespmem:$0x11500] =	vst v63  }
0x723: {  	v62 =	vperm.xlane v49, v16;
	v61 =	vadd.s32 v3, v60;
	s1 =	sld [smem:$0x79E]  }
0x724: {  	[tilespmem:s10], [sflag:$0x1] =	stream.indirect_vreg.gather [hbm4b:s5+s2], $0x80, v57, vm0, $0xb8;
	[tilespmem:$0x11500] =	vst v63  }
0x725: {  	v49 =	vperm.xlane v49, v39;
	v63 =	vadd.s32 v3, v62;
	s10 =	sld [smem:$0x79F]  }
0x726: {  	[tilespmem:s1], [sflag:$0x1] =	stream.indirect_vreg.gather [hbm4b:s5+s2], $0x80, v59, vm0, $0xb8;
	[tilespmem:$0x11500] =	vst v63  }
0x727: {  	v49 =	vadd.s32 v3, v49;
	s1 =	sld [smem:$0x7A0]  }
0x728: {  	[tilespmem:s10], [sflag:$0x1] =	stream.indirect_vreg.gather [hbm4b:s5+s2], $0x80, v61, vm0, $0xb8;
	[tilespmem:$0x11500] =	vst v63  }
0x729: {  	s10 =	sld [smem:$0x7A1]  }
0x72a: {  	[tilespmem:s1], [sflag:$0x1] =	stream.indirect_vreg.gather [hbm4b:s5+s2], $0x80, v63, vm0, $0xb8;
	[tilespmem:$0x11500] =	vst v63  }
0x72b: {  	_ = 	snop  }
0x72c: {  	[tilespmem:s10], [sflag:$0x1] =	stream.indirect_vreg.gather [hbm4b:s5+s2], $0x80, v49, vm0, $0xb8;
	[tilespmem:$0x11500] =	vst v63  }
0x72d: {  	v49 =	vld [tilespmem:$0xC90];
	_ =	sdelay $0x4  }
0x72e: {  	v55 =	vshll.u32 v49, $0x7  }
0x72f: {  	v49 =	vand.u32 $0x7, v49;
	v50 =	vand.u32 $0xFFFFFC00, v55  }
0x730: {  	v49 =	vor.u32 v49, v50  }
0x731: {  	v50 =	vperm.xlane v49, v0;
	_ =	sdelay $0x1  }
0x732: {  	v56 =	vperm.xlane v49, v4;
	v50 =	vadd.s32 v3, v50;
	_ =	sdelay $0x1  }
0x733: {  	s1 =	sld [smem:$0x7A2];
	v57 =	vperm.xlane v49, v5;
	v51 =	vadd.s32 v3, v56;
	_ =	sdelay $0x1  }
0x734: {  	s10 =	sld [smem:$0x7A3];
	v58 =	vperm.xlane v49, v6;
	v52 =	vadd.s32 v3, v57  }
0x735: {  	[tilespmem:s1], [sflag:$0x1] =	stream.indirect_vreg.gather [hbm4b:s5+s2], $0x80, v50, vm0, $0xb8;
	[tilespmem:$0x11500] =	vst v63  }
0x736: {  	v60 =	vperm.xlane v49, v7;
	v59 =	vadd.s32 v3, v58;
	s1 =	sld [smem:$0x7A4]  }
0x737: {  	[tilespmem:s10], [sflag:$0x1] =	stream.indirect_vreg.gather [hbm4b:s5+s2], $0x80, v51, vm0, $0xb8;
	[tilespmem:$0x11500] =	vst v63  }
0x738: {  	v62 =	vperm.xlane v49, v8;
	v61 =	vadd.s32 v3, v60;
	s10 =	sld [smem:$0x7A5]  }
0x739: {  	[tilespmem:s1], [sflag:$0x1] =	stream.indirect_vreg.gather [hbm4b:s5+s2], $0x80, v52, vm0, $0xb8;
	[tilespmem:$0x11500] =	vst v63  }
0x73a: {  	v63 =	vadd.s32 v3, v62;
	v56 =	vperm.xlane v49, v1;
	s1 =	sld [smem:$0x7A6]  }
0x73b: {  	[tilespmem:s10], [sflag:$0x1] =	stream.indirect_vreg.gather [hbm4b:s5+s2], $0x80, v59, vm0, $0xb8;
	[tilespmem:$0x11500] =	vst v63  }
0x73c: {  	v58 =	vperm.xlane v49, v2;
	v57 =	vadd.s32 v3, v56;
	s10 =	sld [smem:$0x7A7]  }
0x73d: {  	[tilespmem:s1], [sflag:$0x1] =	stream.indirect_vreg.gather [hbm4b:s5+s2], $0x80, v61, vm0, $0xb8;
	[tilespmem:$0x11500] =	vst v63  }
0x73e: {  	v60 =	vperm.xlane v49, v9;
	v59 =	vadd.s32 v3, v58;
	s1 =	sld [smem:$0x7A8]  }
0x73f: {  	[tilespmem:s10], [sflag:$0x1] =	stream.indirect_vreg.gather [hbm4b:s5+s2], $0x80, v63, vm0, $0xb8;
	[tilespmem:$0x11500] =	vst v63  }
0x740: {  	v62 =	vperm.xlane v49, v10;
	v61 =	vadd.s32 v3, v60;
	s10 =	sld [smem:$0x7A9]  }
0x741: {  	[tilespmem:s1], [sflag:$0x1] =	stream.indirect_vreg.gather [hbm4b:s5+s2], $0x80, v57, vm0, $0xb8;
	[tilespmem:$0x11500] =	vst v63  }
0x742: {  	v56 =	vperm.xlane v49, v11;
	v63 =	vadd.s32 v3, v62;
	s1 =	sld [smem:$0x7AA]  }
0x743: {  	[tilespmem:s10], [sflag:$0x1] =	stream.indirect_vreg.gather [hbm4b:s5+s2], $0x80, v59, vm0, $0xb8;
	[tilespmem:$0x11500] =	vst v63  }
0x744: {  	v58 =	vperm.xlane v49, v13;
	v57 =	vadd.s32 v3, v56;
	s10 =	sld [smem:$0x7AB]  }
0x745: {  	[tilespmem:s1], [sflag:$0x1] =	stream.indirect_vreg.gather [hbm4b:s5+s2], $0x80, v61, vm0, $0xb8;
	[tilespmem:$0x11500] =	vst v63  }
0x746: {  	v60 =	vperm.xlane v49, v14;
	v59 =	vadd.s32 v3, v58;
	s1 =	sld [smem:$0x7AC]  }
0x747: {  	[tilespmem:s10], [sflag:$0x1] =	stream.indirect_vreg.gather [hbm4b:s5+s2], $0x80, v63, vm0, $0xb8;
	[tilespmem:$0x11500] =	vst v63  }
0x748: {  	v62 =	vperm.xlane v49, v15;
	v61 =	vadd.s32 v3, v60;
	s10 =	sld [smem:$0x7AD]  }
0x749: {  	[tilespmem:s1], [sflag:$0x1] =	stream.indirect_vreg.gather [hbm4b:s5+s2], $0x80, v57, vm0, $0xb8;
	[tilespmem:$0x11500] =	vst v63  }
0x74a: {  	v63 =	vadd.s32 v3, v62;
	s1 =	sld [smem:$0x7AE]  }
0x74b: {  	[tilespmem:s10], [sflag:$0x1] =	stream.indirect_vreg.gather [hbm4b:s5+s2], $0x80, v59, vm0, $0xb8;
	[tilespmem:$0x11500] =	vst v63  }
0x74c: {  	v56 =	vperm.xlane v49, v16;
	s10 =	sld [smem:$0x7AF]  }
0x74d: {  	[tilespmem:s1], [sflag:$0x1] =	stream.indirect_vreg.gather [hbm4b:s5+s2], $0x80, v61, vm0, $0xb8;
	[tilespmem:$0x11500] =	vst v63  }
0x74e: {  	v49 =	vperm.xlane v49, v39;
	v57 =	vadd.s32 v3, v56  }
0x74f: {  	[tilespmem:s10], [sflag:$0x1] =	stream.indirect_vreg.gather [hbm4b:s5+s2], $0x80, v63, vm0, $0xb8;
	[tilespmem:$0x11500] =	vst v63  }
0x750: {  	v49 =	vadd.s32 v3, v49;
	s1 =	sld [smem:$0x7B0];
	_ =	sdelay $0x1  }
0x751: {  	s10 =	sld [smem:$0x7B1]  }
0x752: {  	[tilespmem:s1], [sflag:$0x1] =	stream.indirect_vreg.gather [hbm4b:s5+s2], $0x80, v57, vm0, $0xb8;
	[tilespmem:$0x11500] =	vst v63  }
0x753: {  	_ = 	snop  }
0x754: {  	[tilespmem:s10], [sflag:$0x1] =	stream.indirect_vreg.gather [hbm4b:s5+s2], $0x80, v49, vm0, $0xb8;
	[tilespmem:$0x11500] =	vst v63  }
0x755: {  	v49 =	vld [tilespmem:$0xCA0];
	_ =	sdelay $0x4  }
0x756: {  	v58 =	vshll.u32 v49, $0x7  }
0x757: {  	v49 =	vand.u32 $0x7, v49;
	v50 =	vand.u32 $0xFFFFFC00, v58  }
0x758: {  	v49 =	vor.u32 v49, v50  }
0x759: {  	v50 =	vperm.xlane v49, v0;
	_ =	sdelay $0x1  }
0x75a: {  	v59 =	vperm.xlane v49, v4;
	v50 =	vadd.s32 v3, v50;
	_ =	sdelay $0x1  }
0x75b: {  	s1 =	sld [smem:$0x7B2];
	v60 =	vperm.xlane v49, v5;
	v51 =	vadd.s32 v3, v59;
	_ =	sdelay $0x1  }
0x75c: {  	s10 =	sld [smem:$0x7B3];
	v61 =	vperm.xlane v49, v6;
	v52 =	vadd.s32 v3, v60  }
0x75d: {  	[tilespmem:s1], [sflag:$0x1] =	stream.indirect_vreg.gather [hbm4b:s5+s2], $0x80, v50, vm0, $0xb8;
	[tilespmem:$0x11500] =	vst v63  }
0x75e: {  	v63 =	vperm.xlane v49, v7;
	v62 =	vadd.s32 v3, v61;
	s1 =	sld [smem:$0x7B4]  }
0x75f: {  	[tilespmem:s10], [sflag:$0x1] =	stream.indirect_vreg.gather [hbm4b:s5+s2], $0x80, v51, vm0, $0xb8;
	[tilespmem:$0x11500] =	vst v63  }
0x760: {  	v57 =	vperm.xlane v49, v8;
	v56 =	vadd.s32 v3, v63;
	s10 =	sld [smem:$0x7B5]  }
0x761: {  	[tilespmem:s1], [sflag:$0x1] =	stream.indirect_vreg.gather [hbm4b:s5+s2], $0x80, v52, vm0, $0xb8;
	[tilespmem:$0x11500] =	vst v63  }
0x762: {  	v58 =	vadd.s32 v3, v57;
	v59 =	vperm.xlane v49, v1;
	s1 =	sld [smem:$0x7B6]  }
0x763: {  	[tilespmem:s10], [sflag:$0x1] =	stream.indirect_vreg.gather [hbm4b:s5+s2], $0x80, v62, vm0, $0xb8;
	[tilespmem:$0x11500] =	vst v63  }
0x764: {  	v61 =	vperm.xlane v49, v2;
	v60 =	vadd.s32 v3, v59;
	s10 =	sld [smem:$0x7B7]  }
0x765: {  	[tilespmem:s1], [sflag:$0x1] =	stream.indirect_vreg.gather [hbm4b:s5+s2], $0x80, v56, vm0, $0xb8;
	[tilespmem:$0x11500] =	vst v63  }
0x766: {  	v63 =	vperm.xlane v49, v9;
	v62 =	vadd.s32 v3, v61;
	s1 =	sld [smem:$0x7B8]  }
0x767: {  	[tilespmem:s10], [sflag:$0x1] =	stream.indirect_vreg.gather [hbm4b:s5+s2], $0x80, v58, vm0, $0xb8;
	[tilespmem:$0x11500] =	vst v63  }
0x768: {  	v57 =	vperm.xlane v49, v10;
	v56 =	vadd.s32 v3, v63;
	s10 =	sld [smem:$0x7B9]  }
0x769: {  	[tilespmem:s1], [sflag:$0x1] =	stream.indirect_vreg.gather [hbm4b:s5+s2], $0x80, v60, vm0, $0xb8;
	[tilespmem:$0x11500] =	vst v63  }
0x76a: {  	v59 =	vperm.xlane v49, v11;
	v58 =	vadd.s32 v3, v57;
	s1 =	sld [smem:$0x7BA]  }
0x76b: {  	[tilespmem:s10], [sflag:$0x1] =	stream.indirect_vreg.gather [hbm4b:s5+s2], $0x80, v62, vm0, $0xb8;
	[tilespmem:$0x11500] =	vst v63  }
0x76c: {  	v61 =	vperm.xlane v49, v13;
	v60 =	vadd.s32 v3, v59;
	s10 =	sld [smem:$0x7BB]  }
0x76d: {  	[tilespmem:s1], [sflag:$0x1] =	stream.indirect_vreg.gather [hbm4b:s5+s2], $0x80, v56, vm0, $0xb8;
	[tilespmem:$0x11500] =	vst v63  }
0x76e: {  	v63 =	vperm.xlane v49, v14;
	v62 =	vadd.s32 v3, v61;
	s1 =	sld [smem:$0x7BC]  }
0x76f: {  	[tilespmem:s10], [sflag:$0x1] =	stream.indirect_vreg.gather [hbm4b:s5+s2], $0x80, v58, vm0, $0xb8;
	[tilespmem:$0x11500] =	vst v63  }
0x770: {  	v57 =	vperm.xlane v49, v15;
	v56 =	vadd.s32 v3, v63;
	s10 =	sld [smem:$0x7BD]  }
0x771: {  	[tilespmem:s1], [sflag:$0x1] =	stream.indirect_vreg.gather [hbm4b:s5+s2], $0x80, v60, vm0, $0xb8;
	[tilespmem:$0x11500] =	vst v63  }
0x772: {  	v59 =	vperm.xlane v49, v16;
	v58 =	vadd.s32 v3, v57;
	s1 =	sld [smem:$0x7BE]  }
0x773: {  	[tilespmem:s10], [sflag:$0x1] =	stream.indirect_vreg.gather [hbm4b:s5+s2], $0x80, v62, vm0, $0xb8;
	[tilespmem:$0x11500] =	vst v63  }
0x774: {  	v49 =	vperm.xlane v49, v39;
	v60 =	vadd.s32 v3, v59;
	s10 =	sld [smem:$0x7BF]  }
0x775: {  	[tilespmem:s1], [sflag:$0x1] =	stream.indirect_vreg.gather [hbm4b:s5+s2], $0x80, v56, vm0, $0xb8;
	[tilespmem:$0x11500] =	vst v63  }
0x776: {  	v49 =	vadd.s32 v3, v49;
	s1 =	sld [smem:$0x7C0]  }
0x777: {  	[tilespmem:s10], [sflag:$0x1] =	stream.indirect_vreg.gather [hbm4b:s5+s2], $0x80, v58, vm0, $0xb8;
	[tilespmem:$0x11500] =	vst v63  }
0x778: {  	s10 =	sld [smem:$0x7C1]  }
0x779: {  	[tilespmem:s1], [sflag:$0x1] =	stream.indirect_vreg.gather [hbm4b:s5+s2], $0x80, v60, vm0, $0xb8;
	[tilespmem:$0x11500] =	vst v63  }
0x77a: {  	_ = 	snop  }
0x77b: {  	[tilespmem:s10], [sflag:$0x1] =	stream.indirect_vreg.gather [hbm4b:s5+s2], $0x80, v49, vm0, $0xb8;
	[tilespmem:$0x11500] =	vst v63  }
0x77c: {  	v49 =	vld [tilespmem:$0xCB0];
	_ =	sdelay $0x4  }
0x77d: {  	v61 =	vshll.u32 v49, $0x7  }
0x77e: {  	v49 =	vand.u32 $0x7, v49;
	v50 =	vand.u32 $0xFFFFFC00, v61  }
0x77f: {  	v49 =	vor.u32 v49, v50  }
0x780: {  	v50 =	vperm.xlane v49, v0;
	_ =	sdelay $0x1  }
0x781: {  	v62 =	vperm.xlane v49, v4;
	v50 =	vadd.s32 v3, v50;
	_ =	sdelay $0x1  }
0x782: {  	s1 =	sld [smem:$0x7C2];
	v63 =	vperm.xlane v49, v5;
	v51 =	vadd.s32 v3, v62;
	_ =	sdelay $0x1  }
0x783: {  	s10 =	sld [smem:$0x7C3];
	v56 =	vperm.xlane v49, v6;
	v52 =	vadd.s32 v3, v63  }
0x784: {  	[tilespmem:s1], [sflag:$0x1] =	stream.indirect_vreg.gather [hbm4b:s5+s2], $0x80, v50, vm0, $0xb8;
	[tilespmem:$0x11500] =	vst v63  }
0x785: {  	v58 =	vperm.xlane v49, v7;
	v57 =	vadd.s32 v3, v56;
	s1 =	sld [smem:$0x7C4]  }
0x786: {  	[tilespmem:s10], [sflag:$0x1] =	stream.indirect_vreg.gather [hbm4b:s5+s2], $0x80, v51, vm0, $0xb8;
	[tilespmem:$0x11500] =	vst v63  }
0x787: {  	v60 =	vperm.xlane v49, v8;
	v59 =	vadd.s32 v3, v58;
	s10 =	sld [smem:$0x7C5]  }
0x788: {  	[tilespmem:s1], [sflag:$0x1] =	stream.indirect_vreg.gather [hbm4b:s5+s2], $0x80, v52, vm0, $0xb8;
	[tilespmem:$0x11500] =	vst v63  }
0x789: {  	v61 =	vadd.s32 v3, v60;
	v62 =	vperm.xlane v49, v1;
	s1 =	sld [smem:$0x7C6]  }
0x78a: {  	[tilespmem:s10], [sflag:$0x1] =	stream.indirect_vreg.gather [hbm4b:s5+s2], $0x80, v57, vm0, $0xb8;
	[tilespmem:$0x11500] =	vst v63  }
0x78b: {  	v56 =	vperm.xlane v49, v2;
	v63 =	vadd.s32 v3, v62;
	s10 =	sld [smem:$0x7C7]  }
0x78c: {  	[tilespmem:s1], [sflag:$0x1] =	stream.indirect_vreg.gather [hbm4b:s5+s2], $0x80, v59, vm0, $0xb8;
	[tilespmem:$0x11500] =	vst v63  }
0x78d: {  	v58 =	vperm.xlane v49, v9;
	v57 =	vadd.s32 v3, v56;
	s1 =	sld [smem:$0x7C8]  }
0x78e: {  	[tilespmem:s10], [sflag:$0x1] =	stream.indirect_vreg.gather [hbm4b:s5+s2], $0x80, v61, vm0, $0xb8;
	[tilespmem:$0x11500] =	vst v63  }
0x78f: {  	v60 =	vperm.xlane v49, v10;
	v59 =	vadd.s32 v3, v58;
	s10 =	sld [smem:$0x7C9]  }
0x790: {  	[tilespmem:s1], [sflag:$0x1] =	stream.indirect_vreg.gather [hbm4b:s5+s2], $0x80, v63, vm0, $0xb8;
	[tilespmem:$0x11500] =	vst v63  }
0x791: {  	v62 =	vperm.xlane v49, v11;
	v61 =	vadd.s32 v3, v60;
	s1 =	sld [smem:$0x7CA]  }
0x792: {  	[tilespmem:s10], [sflag:$0x1] =	stream.indirect_vreg.gather [hbm4b:s5+s2], $0x80, v57, vm0, $0xb8;
	[tilespmem:$0x11500] =	vst v63  }
0x793: {  	v56 =	vperm.xlane v49, v13;
	v63 =	vadd.s32 v3, v62;
	s10 =	sld [smem:$0x7CB]  }
0x794: {  	[tilespmem:s1], [sflag:$0x1] =	stream.indirect_vreg.gather [hbm4b:s5+s2], $0x80, v59, vm0, $0xb8;
	[tilespmem:$0x11500] =	vst v63  }
0x795: {  	v58 =	vperm.xlane v49, v14;
	v57 =	vadd.s32 v3, v56;
	s1 =	sld [smem:$0x7CC]  }
0x796: {  	[tilespmem:s10], [sflag:$0x1] =	stream.indirect_vreg.gather [hbm4b:s5+s2], $0x80, v61, vm0, $0xb8;
	[tilespmem:$0x11500] =	vst v63  }
0x797: {  	v60 =	vperm.xlane v49, v15;
	v59 =	vadd.s32 v3, v58;
	s10 =	sld [smem:$0x7CD]  }
0x798: {  	[tilespmem:s1], [sflag:$0x1] =	stream.indirect_vreg.gather [hbm4b:s5+s2], $0x80, v63, vm0, $0xb8;
	[tilespmem:$0x11500] =	vst v63  }
0x799: {  	v62 =	vperm.xlane v49, v16;
	v61 =	vadd.s32 v3, v60;
	s1 =	sld [smem:$0x7CE]  }
0x79a: {  	[tilespmem:s10], [sflag:$0x1] =	stream.indirect_vreg.gather [hbm4b:s5+s2], $0x80, v57, vm0, $0xb8;
	[tilespmem:$0x11500] =	vst v63  }
0x79b: {  	v49 =	vperm.xlane v49, v39;
	v63 =	vadd.s32 v3, v62;
	s10 =	sld [smem:$0x7CF]  }
0x79c: {  	[tilespmem:s1], [sflag:$0x1] =	stream.indirect_vreg.gather [hbm4b:s5+s2], $0x80, v59, vm0, $0xb8;
	[tilespmem:$0x11500] =	vst v63  }
0x79d: {  	v49 =	vadd.s32 v3, v49;
	s1 =	sld [smem:$0x7D0]  }
0x79e: {  	[tilespmem:s10], [sflag:$0x1] =	stream.indirect_vreg.gather [hbm4b:s5+s2], $0x80, v61, vm0, $0xb8;
	[tilespmem:$0x11500] =	vst v63  }
0x79f: {  	s10 =	sld [smem:$0x7D1]  }
0x7a0: {  	[tilespmem:s1], [sflag:$0x1] =	stream.indirect_vreg.gather [hbm4b:s5+s2], $0x80, v63, vm0, $0xb8;
	[tilespmem:$0x11500] =	vst v63  }
0x7a1: {  	_ = 	snop  }
0x7a2: {  	[tilespmem:s10], [sflag:$0x1] =	stream.indirect_vreg.gather [hbm4b:s5+s2], $0x80, v49, vm0, $0xb8;
	[tilespmem:$0x11500] =	vst v63  }
0x7a3: {  	v49 =	vld [tilespmem:$0xCC0];
	_ =	sdelay $0x4  }
0x7a4: {  	v55 =	vshll.u32 v49, $0x7  }
0x7a5: {  	v49 =	vand.u32 $0x7, v49;
	v50 =	vand.u32 $0xFFFFFC00, v55  }
0x7a6: {  	v49 =	vor.u32 v49, v50  }
0x7a7: {  	v50 =	vperm.xlane v49, v0;
	_ =	sdelay $0x1  }
0x7a8: {  	v56 =	vperm.xlane v49, v4;
	v50 =	vadd.s32 v3, v50;
	_ =	sdelay $0x1  }
0x7a9: {  	s1 =	sld [smem:$0x7D2];
	v57 =	vperm.xlane v49, v5;
	v51 =	vadd.s32 v3, v56;
	_ =	sdelay $0x1  }
0x7aa: {  	s10 =	sld [smem:$0x7D3];
	v58 =	vperm.xlane v49, v6;
	v52 =	vadd.s32 v3, v57  }
0x7ab: {  	[tilespmem:s1], [sflag:$0x1] =	stream.indirect_vreg.gather [hbm4b:s5+s2], $0x80, v50, vm0, $0xb8;
	[tilespmem:$0x11500] =	vst v63  }
0x7ac: {  	v60 =	vperm.xlane v49, v7;
	v59 =	vadd.s32 v3, v58;
	s1 =	sld [smem:$0x7D4]  }
0x7ad: {  	[tilespmem:s10], [sflag:$0x1] =	stream.indirect_vreg.gather [hbm4b:s5+s2], $0x80, v51, vm0, $0xb8;
	[tilespmem:$0x11500] =	vst v63  }
0x7ae: {  	v62 =	vperm.xlane v49, v8;
	v61 =	vadd.s32 v3, v60;
	s10 =	sld [smem:$0x7D5]  }
0x7af: {  	[tilespmem:s1], [sflag:$0x1] =	stream.indirect_vreg.gather [hbm4b:s5+s2], $0x80, v52, vm0, $0xb8;
	[tilespmem:$0x11500] =	vst v63  }
0x7b0: {  	v63 =	vadd.s32 v3, v62;
	v56 =	vperm.xlane v49, v1;
	s1 =	sld [smem:$0x7D6]  }
0x7b1: {  	[tilespmem:s10], [sflag:$0x1] =	stream.indirect_vreg.gather [hbm4b:s5+s2], $0x80, v59, vm0, $0xb8;
	[tilespmem:$0x11500] =	vst v63  }
0x7b2: {  	v58 =	vperm.xlane v49, v2;
	v57 =	vadd.s32 v3, v56;
	s10 =	sld [smem:$0x7D7]  }
0x7b3: {  	[tilespmem:s1], [sflag:$0x1] =	stream.indirect_vreg.gather [hbm4b:s5+s2], $0x80, v61, vm0, $0xb8;
	[tilespmem:$0x11500] =	vst v63  }
0x7b4: {  	v60 =	vperm.xlane v49, v9;
	v59 =	vadd.s32 v3, v58;
	s1 =	sld [smem:$0x7D8]  }
0x7b5: {  	[tilespmem:s10], [sflag:$0x1] =	stream.indirect_vreg.gather [hbm4b:s5+s2], $0x80, v63, vm0, $0xb8;
	[tilespmem:$0x11500] =	vst v63  }
0x7b6: {  	v62 =	vperm.xlane v49, v10;
	v61 =	vadd.s32 v3, v60;
	s10 =	sld [smem:$0x7D9]  }
0x7b7: {  	[tilespmem:s1], [sflag:$0x1] =	stream.indirect_vreg.gather [hbm4b:s5+s2], $0x80, v57, vm0, $0xb8;
	[tilespmem:$0x11500] =	vst v63  }
0x7b8: {  	v56 =	vperm.xlane v49, v11;
	v63 =	vadd.s32 v3, v62;
	s1 =	sld [smem:$0x7DA]  }
0x7b9: {  	[tilespmem:s10], [sflag:$0x1] =	stream.indirect_vreg.gather [hbm4b:s5+s2], $0x80, v59, vm0, $0xb8;
	[tilespmem:$0x11500] =	vst v63  }
0x7ba: {  	v58 =	vperm.xlane v49, v13;
	v57 =	vadd.s32 v3, v56;
	s10 =	sld [smem:$0x7DB]  }
0x7bb: {  	[tilespmem:s1], [sflag:$0x1] =	stream.indirect_vreg.gather [hbm4b:s5+s2], $0x80, v61, vm0, $0xb8;
	[tilespmem:$0x11500] =	vst v63  }
0x7bc: {  	v60 =	vperm.xlane v49, v14;
	v59 =	vadd.s32 v3, v58;
	s1 =	sld [smem:$0x7DC]  }
0x7bd: {  	[tilespmem:s10], [sflag:$0x1] =	stream.indirect_vreg.gather [hbm4b:s5+s2], $0x80, v63, vm0, $0xb8;
	[tilespmem:$0x11500] =	vst v63  }
0x7be: {  	v62 =	vperm.xlane v49, v15;
	v61 =	vadd.s32 v3, v60;
	s10 =	sld [smem:$0x7DD]  }
0x7bf: {  	[tilespmem:s1], [sflag:$0x1] =	stream.indirect_vreg.gather [hbm4b:s5+s2], $0x80, v57, vm0, $0xb8;
	[tilespmem:$0x11500] =	vst v63  }
0x7c0: {  	v56 =	vperm.xlane v49, v16;
	v63 =	vadd.s32 v3, v62;
	s1 =	sld [smem:$0x7DE]  }
0x7c1: {  	[tilespmem:s10], [sflag:$0x1] =	stream.indirect_vreg.gather [hbm4b:s5+s2], $0x80, v59, vm0, $0xb8;
	[tilespmem:$0x11500] =	vst v63  }
0x7c2: {  	v49 =	vperm.xlane v49, v39;
	v57 =	vadd.s32 v3, v56;
	s10 =	sld [smem:$0x7DF]  }
0x7c3: {  	[tilespmem:s1], [sflag:$0x1] =	stream.indirect_vreg.gather [hbm4b:s5+s2], $0x80, v61, vm0, $0xb8;
	[tilespmem:$0x11500] =	vst v63  }
0x7c4: {  	v49 =	vadd.s32 v3, v49;
	s1 =	sld [smem:$0x7E0]  }
0x7c5: {  	[tilespmem:s10], [sflag:$0x1] =	stream.indirect_vreg.gather [hbm4b:s5+s2], $0x80, v63, vm0, $0xb8;
	[tilespmem:$0x11500] =	vst v63  }
0x7c6: {  	s10 =	sld [smem:$0x7E1]  }
0x7c7: {  	[tilespmem:s1], [sflag:$0x1] =	stream.indirect_vreg.gather [hbm4b:s5+s2], $0x80, v57, vm0, $0xb8;
	[tilespmem:$0x11500] =	vst v63  }
0x7c8: {  	_ = 	snop  }
0x7c9: {  	[tilespmem:s10], [sflag:$0x1] =	stream.indirect_vreg.gather [hbm4b:s5+s2], $0x80, v49, vm0, $0xb8;
	[tilespmem:$0x11500] =	vst v63  }
0x7ca: {  	v49 =	vld [tilespmem:$0xCD0];
	_ =	sdelay $0x4  }
0x7cb: {  	v58 =	vshll.u32 v49, $0x7  }
0x7cc: {  	v49 =	vand.u32 $0x7, v49;
	v50 =	vand.u32 $0xFFFFFC00, v58  }
0x7cd: {  	v49 =	vor.u32 v49, v50  }
0x7ce: {  	v50 =	vperm.xlane v49, v0;
	_ =	sdelay $0x1  }
0x7cf: {  	v59 =	vperm.xlane v49, v4;
	v50 =	vadd.s32 v3, v50;
	_ =	sdelay $0x1  }
0x7d0: {  	s1 =	sld [smem:$0x7E2];
	v60 =	vperm.xlane v49, v5;
	v51 =	vadd.s32 v3, v59;
	_ =	sdelay $0x1  }
0x7d1: {  	s10 =	sld [smem:$0x7E3];
	v61 =	vperm.xlane v49, v6;
	v52 =	vadd.s32 v3, v60  }
0x7d2: {  	[tilespmem:s1], [sflag:$0x1] =	stream.indirect_vreg.gather [hbm4b:s5+s2], $0x80, v50, vm0, $0xb8;
	[tilespmem:$0x11500] =	vst v63  }
0x7d3: {  	v63 =	vperm.xlane v49, v7;
	v62 =	vadd.s32 v3, v61;
	s1 =	sld [smem:$0x7E4]  }
0x7d4: {  	[tilespmem:s10], [sflag:$0x1] =	stream.indirect_vreg.gather [hbm4b:s5+s2], $0x80, v51, vm0, $0xb8;
	[tilespmem:$0x11500] =	vst v63  }
0x7d5: {  	v57 =	vperm.xlane v49, v8;
	v56 =	vadd.s32 v3, v63;
	s10 =	sld [smem:$0x7E5]  }
0x7d6: {  	[tilespmem:s1], [sflag:$0x1] =	stream.indirect_vreg.gather [hbm4b:s5+s2], $0x80, v52, vm0, $0xb8;
	[tilespmem:$0x11500] =	vst v63  }
0x7d7: {  	v58 =	vadd.s32 v3, v57;
	v59 =	vperm.xlane v49, v1;
	s1 =	sld [smem:$0x7E6]  }
0x7d8: {  	[tilespmem:s10], [sflag:$0x1] =	stream.indirect_vreg.gather [hbm4b:s5+s2], $0x80, v62, vm0, $0xb8;
	[tilespmem:$0x11500] =	vst v63  }
0x7d9: {  	v61 =	vperm.xlane v49, v2;
	v60 =	vadd.s32 v3, v59;
	s10 =	sld [smem:$0x7E7]  }
0x7da: {  	[tilespmem:s1], [sflag:$0x1] =	stream.indirect_vreg.gather [hbm4b:s5+s2], $0x80, v56, vm0, $0xb8;
	[tilespmem:$0x11500] =	vst v63  }
0x7db: {  	v63 =	vperm.xlane v49, v9;
	v62 =	vadd.s32 v3, v61;
	s1 =	sld [smem:$0x7E8]  }
0x7dc: {  	[tilespmem:s10], [sflag:$0x1] =	stream.indirect_vreg.gather [hbm4b:s5+s2], $0x80, v58, vm0, $0xb8;
	[tilespmem:$0x11500] =	vst v63  }
0x7dd: {  	v57 =	vperm.xlane v49, v10;
	v56 =	vadd.s32 v3, v63;
	s10 =	sld [smem:$0x7E9]  }
0x7de: {  	[tilespmem:s1], [sflag:$0x1] =	stream.indirect_vreg.gather [hbm4b:s5+s2], $0x80, v60, vm0, $0xb8;
	[tilespmem:$0x11500] =	vst v63  }
0x7df: {  	v59 =	vperm.xlane v49, v11;
	v58 =	vadd.s32 v3, v57;
	s1 =	sld [smem:$0x7EA]  }
0x7e0: {  	[tilespmem:s10], [sflag:$0x1] =	stream.indirect_vreg.gather [hbm4b:s5+s2], $0x80, v62, vm0, $0xb8;
	[tilespmem:$0x11500] =	vst v63  }
0x7e1: {  	v61 =	vperm.xlane v49, v13;
	v60 =	vadd.s32 v3, v59;
	s10 =	sld [smem:$0x7EB]  }
0x7e2: {  	[tilespmem:s1], [sflag:$0x1] =	stream.indirect_vreg.gather [hbm4b:s5+s2], $0x80, v56, vm0, $0xb8;
	[tilespmem:$0x11500] =	vst v63  }
0x7e3: {  	v63 =	vperm.xlane v49, v14;
	v62 =	vadd.s32 v3, v61;
	s1 =	sld [smem:$0x7EC]  }
0x7e4: {  	[tilespmem:s10], [sflag:$0x1] =	stream.indirect_vreg.gather [hbm4b:s5+s2], $0x80, v58, vm0, $0xb8;
	[tilespmem:$0x11500] =	vst v63  }
0x7e5: {  	v57 =	vperm.xlane v49, v15;
	v56 =	vadd.s32 v3, v63;
	s10 =	sld [smem:$0x7ED]  }
0x7e6: {  	[tilespmem:s1], [sflag:$0x1] =	stream.indirect_vreg.gather [hbm4b:s5+s2], $0x80, v60, vm0, $0xb8;
	[tilespmem:$0x11500] =	vst v63  }
0x7e7: {  	v59 =	vperm.xlane v49, v16;
	v58 =	vadd.s32 v3, v57;
	s1 =	sld [smem:$0x7EE]  }
0x7e8: {  	[tilespmem:s10], [sflag:$0x1] =	stream.indirect_vreg.gather [hbm4b:s5+s2], $0x80, v62, vm0, $0xb8;
	[tilespmem:$0x11500] =	vst v63  }
0x7e9: {  	v49 =	vperm.xlane v49, v39;
	v60 =	vadd.s32 v3, v59;
	s10 =	sld [smem:$0x7EF]  }
0x7ea: {  	[tilespmem:s1], [sflag:$0x1] =	stream.indirect_vreg.gather [hbm4b:s5+s2], $0x80, v56, vm0, $0xb8;
	[tilespmem:$0x11500] =	vst v63  }
0x7eb: {  	v49 =	vadd.s32 v3, v49;
	s1 =	sld [smem:$0x7F0]  }
0x7ec: {  	[tilespmem:s10], [sflag:$0x1] =	stream.indirect_vreg.gather [hbm4b:s5+s2], $0x80, v58, vm0, $0xb8;
	[tilespmem:$0x11500] =	vst v63  }
0x7ed: {  	s10 =	sld [smem:$0x7F1]  }
0x7ee: {  	[tilespmem:s1], [sflag:$0x1] =	stream.indirect_vreg.gather [hbm4b:s5+s2], $0x80, v60, vm0, $0xb8;
	[tilespmem:$0x11500] =	vst v63  }
0x7ef: {  	_ = 	snop  }
0x7f0: {  	[tilespmem:s10], [sflag:$0x1] =	stream.indirect_vreg.gather [hbm4b:s5+s2], $0x80, v49, vm0, $0xb8;
	[tilespmem:$0x11500] =	vst v63  }
0x7f1: {  	v49 =	vld [tilespmem:$0xCE0];
	_ =	sdelay $0x4  }
0x7f2: {  	v61 =	vshll.u32 v49, $0x7  }
0x7f3: {  	v49 =	vand.u32 $0x7, v49;
	v50 =	vand.u32 $0xFFFFFC00, v61  }
0x7f4: {  	v49 =	vor.u32 v49, v50  }
0x7f5: {  	v50 =	vperm.xlane v49, v0;
	_ =	sdelay $0x1  }
0x7f6: {  	v62 =	vperm.xlane v49, v4;
	v50 =	vadd.s32 v3, v50;
	_ =	sdelay $0x1  }
0x7f7: {  	s1 =	sld [smem:$0x7F2];
	v63 =	vperm.xlane v49, v5;
	v51 =	vadd.s32 v3, v62;
	_ =	sdelay $0x1  }
0x7f8: {  	s10 =	sld [smem:$0x7F3];
	v56 =	vperm.xlane v49, v6;
	v52 =	vadd.s32 v3, v63  }
0x7f9: {  	[tilespmem:s1], [sflag:$0x1] =	stream.indirect_vreg.gather [hbm4b:s5+s2], $0x80, v50, vm0, $0xb8;
	[tilespmem:$0x11500] =	vst v63  }
0x7fa: {  	v58 =	vperm.xlane v49, v7;
	v57 =	vadd.s32 v3, v56;
	s1 =	sld [smem:$0x7F4]  }
0x7fb: {  	[tilespmem:s10], [sflag:$0x1] =	stream.indirect_vreg.gather [hbm4b:s5+s2], $0x80, v51, vm0, $0xb8;
	[tilespmem:$0x11500] =	vst v63  }
0x7fc: {  	v60 =	vperm.xlane v49, v8;
	v59 =	vadd.s32 v3, v58;
	s10 =	sld [smem:$0x7F5]  }
0x7fd: {  	[tilespmem:s1], [sflag:$0x1] =	stream.indirect_vreg.gather [hbm4b:s5+s2], $0x80, v52, vm0, $0xb8;
	[tilespmem:$0x11500] =	vst v63  }
0x7fe: {  	v61 =	vadd.s32 v3, v60;
	v62 =	vperm.xlane v49, v1;
	s1 =	sld [smem:$0x7F6]  }
0x7ff: {  	[tilespmem:s10], [sflag:$0x1] =	stream.indirect_vreg.gather [hbm4b:s5+s2], $0x80, v57, vm0, $0xb8;
	[tilespmem:$0x11500] =	vst v63  }
0x800: {  	v56 =	vperm.xlane v49, v2;
	v63 =	vadd.s32 v3, v62;
	s10 =	sld [smem:$0x7F7]  }
0x801: {  	[tilespmem:s1], [sflag:$0x1] =	stream.indirect_vreg.gather [hbm4b:s5+s2], $0x80, v59, vm0, $0xb8;
	[tilespmem:$0x11500] =	vst v63  }
0x802: {  	v58 =	vperm.xlane v49, v9;
	v57 =	vadd.s32 v3, v56;
	s1 =	sld [smem:$0x7F8]  }
0x803: {  	[tilespmem:s10], [sflag:$0x1] =	stream.indirect_vreg.gather [hbm4b:s5+s2], $0x80, v61, vm0, $0xb8;
	[tilespmem:$0x11500] =	vst v63  }
0x804: {  	v60 =	vperm.xlane v49, v10;
	v59 =	vadd.s32 v3, v58;
	s10 =	sld [smem:$0x7F9]  }
0x805: {  	[tilespmem:s1], [sflag:$0x1] =	stream.indirect_vreg.gather [hbm4b:s5+s2], $0x80, v63, vm0, $0xb8;
	[tilespmem:$0x11500] =	vst v63  }
0x806: {  	v62 =	vperm.xlane v49, v11;
	v61 =	vadd.s32 v3, v60;
	s1 =	sld [smem:$0x7FA]  }
0x807: {  	[tilespmem:s10], [sflag:$0x1] =	stream.indirect_vreg.gather [hbm4b:s5+s2], $0x80, v57, vm0, $0xb8;
	[tilespmem:$0x11500] =	vst v63  }
0x808: {  	v56 =	vperm.xlane v49, v13;
	v63 =	vadd.s32 v3, v62;
	s10 =	sld [smem:$0x7FB]  }
0x809: {  	[tilespmem:s1], [sflag:$0x1] =	stream.indirect_vreg.gather [hbm4b:s5+s2], $0x80, v59, vm0, $0xb8;
	[tilespmem:$0x11500] =	vst v63  }
0x80a: {  	v58 =	vperm.xlane v49, v14;
	v57 =	vadd.s32 v3, v56;
	s1 =	sld [smem:$0x7FC]  }
0x80b: {  	[tilespmem:s10], [sflag:$0x1] =	stream.indirect_vreg.gather [hbm4b:s5+s2], $0x80, v61, vm0, $0xb8;
	[tilespmem:$0x11500] =	vst v63  }
0x80c: {  	v60 =	vperm.xlane v49, v15;
	v59 =	vadd.s32 v3, v58;
	s10 =	sld [smem:$0x719]  }
0x80d: {  	[tilespmem:s1], [sflag:$0x1] =	stream.indirect_vreg.gather [hbm4b:s5+s2], $0x80, v63, vm0, $0xb8;
	[tilespmem:$0x11500] =	vst v63  }
0x80e: {  	v62 =	vperm.xlane v49, v16;
	v61 =	vadd.s32 v3, v60;
	s1 =	sld [smem:$0x714]  }
0x80f: {  	[tilespmem:s10], [sflag:$0x1] =	stream.indirect_vreg.gather [hbm4b:s5+s2], $0x80, v57, vm0, $0xb8;
	[tilespmem:$0x11500] =	vst v63  }
0x810: {  	v49 =	vperm.xlane v49, v39;
	v63 =	vadd.s32 v3, v62;
	s10 =	sld [smem:$0x716]  }
0x811: {  	[tilespmem:s1], [sflag:$0x1] =	stream.indirect_vreg.gather [hbm4b:s5+s2], $0x80, v59, vm0, $0xb8;
	[tilespmem:$0x11500] =	vst v63  }
0x812: {  	v49 =	vadd.s32 v3, v49;
	s1 =	sld [smem:$0x713]  }
0x813: {  	[tilespmem:s10], [sflag:$0x1] =	stream.indirect_vreg.gather [hbm4b:s5+s2], $0x80, v61, vm0, $0xb8;
	[tilespmem:$0x11500] =	vst v63  }
0x814: {  	s10 =	sld [smem:$0x70D]  }
0x815: {  	[tilespmem:s1], [sflag:$0x1] =	stream.indirect_vreg.gather [hbm4b:s5+s2], $0x80, v63, vm0, $0xb8;
	[tilespmem:$0x11500] =	vst v63  }
0x816: {  	_ = 	snop  }
0x817: {  	[tilespmem:s10], [sflag:$0x1] =	stream.indirect_vreg.gather [hbm4b:s5+s2], $0x80, v49, vm0, $0xb8;
	[tilespmem:$0x11500] =	vst v63  }
0x818: {  	v49 =	vld [tilespmem:$0xCF0];
	_ =	sdelay $0x4  }
0x819: {  	v56 =	vshll.u32 v49, $0x7  }
0x81a: {  	v49 =	vand.u32 $0x7, v49;
	v50 =	vand.u32 $0xFFFFFC00, v56  }
0x81b: {  	v49 =	vor.u32 v49, v50  }
0x81c: {  	v50 =	vperm.xlane v49, v0;
	_ =	sdelay $0x1  }
0x81d: {  	v57 =	vperm.xlane v49, v4;
	v50 =	vadd.s32 v3, v50;
	_ =	sdelay $0x1  }
0x81e: {  	s10 =	sld [smem:$0x7FD];
	v58 =	vperm.xlane v49, v5;
	v51 =	vadd.s32 v3, v57;
	_ =	sdelay $0x1  }
0x81f: {  	v59 =	vperm.xlane v49, v6;
	v52 =	vadd.s32 v3, v58  }
0x820: {  	[tilespmem:s10], [sflag:$0x1] =	stream.indirect_vreg.gather [hbm4b:s5+s2], $0x80, v50, vm0, $0xb8;
	[tilespmem:$0x11500] =	vst v63  }
0x821: {  	v61 =	vperm.xlane v49, v7;
	v60 =	vadd.s32 v3, v59  }
0x822: {  	[tilespmem:s29], [sflag:$0x1] =	stream.indirect_vreg.gather [hbm4b:s5+s2], $0x80, v51, vm0, $0xb8;
	[tilespmem:$0x11500] =	vst v63  }
0x823: {  	v63 =	vperm.xlane v49, v8;
	v62 =	vadd.s32 v3, v61  }
0x824: {  	[tilespmem:s21], [sflag:$0x1] =	stream.indirect_vreg.gather [hbm4b:s5+s2], $0x80, v52, vm0, $0xb8;
	[tilespmem:$0x11500] =	vst v63  }
0x825: {  	v56 =	vadd.s32 v3, v63;
	v57 =	vperm.xlane v49, v1  }
0x826: {  	[tilespmem:s22], [sflag:$0x1] =	stream.indirect_vreg.gather [hbm4b:s5+s2], $0x80, v60, vm0, $0xb8;
	[tilespmem:$0x11500] =	vst v63  }
0x827: {  	v59 =	vperm.xlane v49, v2;
	v58 =	vadd.s32 v3, v57  }
0x828: {  	[tilespmem:s23], [sflag:$0x1] =	stream.indirect_vreg.gather [hbm4b:s5+s2], $0x80, v62, vm0, $0xb8;
	[tilespmem:$0x11500] =	vst v63  }
0x829: {  	v61 =	vperm.xlane v49, v9;
	v60 =	vadd.s32 v3, v59  }
0x82a: {  	[tilespmem:s25], [sflag:$0x1] =	stream.indirect_vreg.gather [hbm4b:s5+s2], $0x80, v56, vm0, $0xb8;
	[tilespmem:$0x11500] =	vst v63  }
0x82b: {  	v63 =	vperm.xlane v49, v10;
	v62 =	vadd.s32 v3, v61  }
0x82c: {  	[tilespmem:s24], [sflag:$0x1] =	stream.indirect_vreg.gather [hbm4b:s5+s2], $0x80, v58, vm0, $0xb8;
	[tilespmem:$0x11500] =	vst v63  }
0x82d: {  	v57 =	vperm.xlane v49, v11;
	s10 =	simm.s32 $0x10880;
	v56 =	vadd.s32 v3, v63  }
0x82e: {  	[tilespmem:s10], [sflag:$0x1] =	stream.indirect_vreg.gather [hbm4b:s5+s2], $0x80, v60, vm0, $0xb8;
	[tilespmem:$0x11500] =	vst v63  }
0x82f: {  	v59 =	vperm.xlane v49, v13;
	v58 =	vadd.s32 v3, v57  }
0x830: {  	[tilespmem:s20], [sflag:$0x1] =	stream.indirect_vreg.gather [hbm4b:s5+s2], $0x80, v62, vm0, $0xb8;
	[tilespmem:$0x11500] =	vst v63  }
0x831: {  	v61 =	vperm.xlane v49, v14;
	v60 =	vadd.s32 v3, v59  }
0x832: {  	[tilespmem:s17], [sflag:$0x1] =	stream.indirect_vreg.gather [hbm4b:s5+s2], $0x80, v56, vm0, $0xb8;
	[tilespmem:$0x11500] =	vst v63  }
0x833: {  	v63 =	vperm.xlane v49, v15;
	v62 =	vadd.s32 v3, v61  }
0x834: {  	[tilespmem:s18], [sflag:$0x1] =	stream.indirect_vreg.gather [hbm4b:s5+s2], $0x80, v58, vm0, $0xb8;
	[tilespmem:$0x11500] =	vst v63  }
0x835: {  	v57 =	vperm.xlane v49, v16;
	v56 =	vadd.s32 v3, v63  }
0x836: {  	[tilespmem:s19], [sflag:$0x1] =	stream.indirect_vreg.gather [hbm4b:s5+s2], $0x80, v60, vm0, $0xb8;
	[tilespmem:$0x11500] =	vst v63  }
0x837: {  	v49 =	vperm.xlane v49, v39;
	v58 =	vadd.s32 v3, v57  }
0x838: {  	[tilespmem:s11], [sflag:$0x1] =	stream.indirect_vreg.gather [hbm4b:s5+s2], $0x80, v62, vm0, $0xb8;
	[tilespmem:$0x11500] =	vst v63  }
0x839: {  	v49 =	vadd.s32 v3, v49  }
0x83a: {  	[tilespmem:s12], [sflag:$0x1] =	stream.indirect_vreg.gather [hbm4b:s5+s2], $0x80, v56, vm0, $0xb8;
	[tilespmem:$0x11500] =	vst v63  }
0x83b: {  	_ = 	snop  }
0x83c: {  	[tilespmem:s13], [sflag:$0x1] =	stream.indirect_vreg.gather [hbm4b:s5+s2], $0x80, v58, vm0, $0xb8;
	[tilespmem:$0x11500] =	vst v63  }
0x83d: {  	_ = 	snop  }
0x83e: {  	[tilespmem:s14], [sflag:$0x1] =	stream.indirect_vreg.gather [hbm4b:s5+s2], $0x80, v49, vm0, $0xb8;
	[tilespmem:$0x11500] =	vst v63  }
0x83f: {  	_ =	swait.ge [sflag:s15], $0x4000  }
0x840: {  	[sflag:s15] =	ssyncset.done $0x0  }
0x841: {  	[sflag:s15] =	ssyncadd.s32 $0xFFFFC000  }
0x842: {  	_ =	swait.ge [sflag:s15], $0x4000  }
0x843: {  	[sflag:s15] =	ssyncset.done $0x0  }
0x844: {  	[sflag:s15] =	ssyncadd.s32 $0xFFFFC000  }
0x845: {  	_ =	swait.ge [sflag:s15], $0x4000  }
0x846: {  	[sflag:s15] =	ssyncset.done $0x0  }
0x847: {  	[sflag:s15] =	ssyncadd.s32 $0xFFFFC000  }
0x848: {  	_ =	swait.ge [sflag:s15], $0x4000  }
0x849: {  	[sflag:s15] =	ssyncset.done $0x0  }
0x84a: {  	[sflag:s15] =	ssyncadd.s32 $0xFFFFC000  }
0x84b: {  	v59 =	vld.idx.msk [tilespmem:v12+s9+$0x0], $0xffff  }
0x84c: {  	v60 =	vld [tilespmem:$0x200]  }
0x84d: {  	v61 =	vld [tilespmem:$0x700]  }
0x84e: {  	v62 =	vld [tilespmem:$0x400]  }
0x84f: {  	v63 =	vld [tilespmem:$0x900];
	_ =	sdelay $0x2  }
0x850: {  	vm1 =	veq.f32 v59, $1.000000000e+00  }
0x851: {  	v50 =	vsel vm1, v60, v61  }
0x852: {  	v56 =	vsel vm1, v62, v63;
	vm1 =	veq.f32 v59, $2.000000000e+00;
	[tilespmem:$0x10D00] =	vst v50  }
0x853: {  	v50 =	vshll.u32 v50, $0x6;
	[tilespmem:$0x10F00] =	vst v56;
	v58 =	vsel vm1, $0x1, v0  }
0x854: {  	v59 =	vld [tilespmem:$0x210];
	v57 =	vadd.s32 v50, v56;
	[tilespmem:$0x11300] =	vst v58  }
0x855: {  	v60 =	vld [tilespmem:$0x710];
	[tilespmem:$0x11100] =	vst v57  }
0x856: {  	v49 =	vld.idx.msk [tilespmem:v17+s9+$0x0], $0xffff  }
0x857: {  	v61 =	vld [tilespmem:$0x410]  }
0x858: {  	v62 =	vld [tilespmem:$0x910];
	_ =	sdelay $0x2  }
0x859: {  	vm1 =	veq.f32 v49, $1.000000000e+00  }
0x85a: {  	v50 =	vsel vm1, v59, v60  }
0x85b: {  	v63 =	vsel vm1, v61, v62;
	vm1 =	veq.f32 v49, $2.000000000e+00;
	[tilespmem:$0x10D10] =	vst v50  }
0x85c: {  	v50 =	vshll.u32 v50, $0x6;
	[tilespmem:$0x10F10] =	vst v63;
	v55 =	vsel vm1, $0x1, v0  }
0x85d: {  	v56 =	vld [tilespmem:$0x220];
	v54 =	vadd.s32 v50, v63;
	[tilespmem:$0x11310] =	vst v55  }
0x85e: {  	v58 =	vld [tilespmem:$0x420];
	[tilespmem:$0x11110] =	vst v54  }
0x85f: {  	v49 =	vld.idx.msk [tilespmem:v18+s9+$0x0], $0xffff  }
0x860: {  	v57 =	vld [tilespmem:$0x720]  }
0x861: {  	v59 =	vld [tilespmem:$0x920];
	_ =	sdelay $0x2  }
0x862: {  	vm1 =	veq.f32 v49, $1.000000000e+00  }
0x863: {  	v50 =	vsel vm1, v56, v57  }
0x864: {  	v60 =	vsel vm1, v58, v59;
	vm1 =	veq.f32 v49, $2.000000000e+00;
	[tilespmem:$0x10D20] =	vst v50  }
0x865: {  	v50 =	vshll.u32 v50, $0x6;
	[tilespmem:$0x10F20] =	vst v60;
	v62 =	vsel vm1, $0x1, v0  }
0x866: {  	v63 =	vld [tilespmem:$0x230];
	v61 =	vadd.s32 v50, v60;
	[tilespmem:$0x11320] =	vst v62  }
0x867: {  	v56 =	vld [tilespmem:$0x730];
	[tilespmem:$0x11120] =	vst v61  }
0x868: {  	v49 =	vld.idx.msk [tilespmem:v33+s9+$0x0], $0xffff  }
0x869: {  	v57 =	vld [tilespmem:$0x430]  }
0x86a: {  	v58 =	vld [tilespmem:$0x930];
	_ =	sdelay $0x2  }
0x86b: {  	vm1 =	veq.f32 v49, $1.000000000e+00  }
0x86c: {  	v50 =	vsel vm1, v63, v56  }
0x86d: {  	v59 =	vsel vm1, v57, v58;
	vm1 =	veq.f32 v49, $2.000000000e+00;
	[tilespmem:$0x10D30] =	vst v50  }
0x86e: {  	v50 =	vshll.u32 v50, $0x6;
	[tilespmem:$0x10F30] =	vst v59;
	v61 =	vsel vm1, $0x1, v0  }
0x86f: {  	v62 =	vld [tilespmem:$0x240];
	v60 =	vadd.s32 v50, v59;
	[tilespmem:$0x11330] =	vst v61  }
0x870: {  	v63 =	vld [tilespmem:$0x740];
	[tilespmem:$0x11130] =	vst v60  }
0x871: {  	v49 =	vld.idx.msk [tilespmem:v27+s9+$0x0], $0xffff  }
0x872: {  	v56 =	vld [tilespmem:$0x440]  }
0x873: {  	v57 =	vld [tilespmem:$0x940];
	_ =	sdelay $0x2  }
0x874: {  	vm1 =	veq.f32 v49, $1.000000000e+00  }
0x875: {  	v50 =	vsel vm1, v62, v63  }
0x876: {  	v58 =	vsel vm1, v56, v57;
	vm1 =	veq.f32 v49, $2.000000000e+00;
	[tilespmem:$0x10D40] =	vst v50  }
0x877: {  	v50 =	vshll.u32 v50, $0x6;
	[tilespmem:$0x10F40] =	vst v58;
	v60 =	vsel vm1, $0x1, v0  }
0x878: {  	v61 =	vld [tilespmem:$0x250];
	v59 =	vadd.s32 v50, v58;
	[tilespmem:$0x11340] =	vst v60  }
0x879: {  	v62 =	vld [tilespmem:$0x750];
	[tilespmem:$0x11140] =	vst v59  }
0x87a: {  	v49 =	vld.idx.msk [tilespmem:v19+s9+$0x0], $0xffff  }
0x87b: {  	v63 =	vld [tilespmem:$0x450]  }
0x87c: {  	v56 =	vld [tilespmem:$0x950];
	_ =	sdelay $0x2  }
0x87d: {  	vm1 =	veq.f32 v49, $1.000000000e+00  }
0x87e: {  	v50 =	vsel vm1, v61, v62  }
0x87f: {  	v57 =	vsel vm1, v63, v56;
	vm1 =	veq.f32 v49, $2.000000000e+00;
	[tilespmem:$0x10D50] =	vst v50  }
0x880: {  	v50 =	vshll.u32 v50, $0x6;
	[tilespmem:$0x10F50] =	vst v57;
	v59 =	vsel vm1, $0x1, v0  }
0x881: {  	v60 =	vld [tilespmem:$0x260];
	v58 =	vadd.s32 v50, v57;
	[tilespmem:$0x11350] =	vst v59  }
0x882: {  	v61 =	vld [tilespmem:$0x760];
	[tilespmem:$0x11150] =	vst v58  }
0x883: {  	v49 =	vld.idx.msk [tilespmem:v20+s9+$0x0], $0xffff  }
0x884: {  	v62 =	vld [tilespmem:$0x460]  }
0x885: {  	v63 =	vld [tilespmem:$0x960];
	_ =	sdelay $0x2  }
0x886: {  	vm1 =	veq.f32 v49, $1.000000000e+00  }
0x887: {  	v50 =	vsel vm1, v60, v61  }
0x888: {  	v56 =	vsel vm1, v62, v63;
	vm1 =	veq.f32 v49, $2.000000000e+00;
	[tilespmem:$0x10D60] =	vst v50  }
0x889: {  	v50 =	vshll.u32 v50, $0x6;
	[tilespmem:$0x10F60] =	vst v56;
	v58 =	vsel vm1, $0x1, v0  }
0x88a: {  	v59 =	vld [tilespmem:$0x270];
	v57 =	vadd.s32 v50, v56;
	[tilespmem:$0x11360] =	vst v58  }
0x88b: {  	v60 =	vld [tilespmem:$0x770];
	[tilespmem:$0x11160] =	vst v57  }
0x88c: {  	v49 =	vld.idx.msk [tilespmem:v21+s9+$0x0], $0xffff  }
0x88d: {  	v61 =	vld [tilespmem:$0x470]  }
0x88e: {  	v62 =	vld [tilespmem:$0x970];
	_ =	sdelay $0x2  }
0x88f: {  	vm1 =	veq.f32 v49, $1.000000000e+00  }
0x890: {  	v50 =	vsel vm1, v59, v60  }
0x891: {  	v63 =	vsel vm1, v61, v62;
	vm1 =	veq.f32 v49, $2.000000000e+00;
	[tilespmem:$0x10D70] =	vst v50  }
0x892: {  	v50 =	vshll.u32 v50, $0x6;
	[tilespmem:$0x10F70] =	vst v63;
	v55 =	vsel vm1, $0x1, v0  }
0x893: {  	v56 =	vld [tilespmem:$0x280];
	v54 =	vadd.s32 v50, v63;
	[tilespmem:$0x11370] =	vst v55  }
0x894: {  	v58 =	vld [tilespmem:$0x480];
	[tilespmem:$0x11170] =	vst v54  }
0x895: {  	v49 =	vld.idx.msk [tilespmem:v22+s9+$0x0], $0xffff  }
0x896: {  	v57 =	vld [tilespmem:$0x780]  }
0x897: {  	v59 =	vld [tilespmem:$0x980];
	_ =	sdelay $0x2  }
0x898: {  	vm1 =	veq.f32 v49, $1.000000000e+00  }
0x899: {  	v50 =	vsel vm1, v56, v57  }
0x89a: {  	v60 =	vsel vm1, v58, v59;
	vm1 =	veq.f32 v49, $2.000000000e+00;
	[tilespmem:$0x10D80] =	vst v50  }
0x89b: {  	v50 =	vshll.u32 v50, $0x6;
	[tilespmem:$0x10F80] =	vst v60;
	v62 =	vsel vm1, $0x1, v0  }
0x89c: {  	v63 =	vld [tilespmem:$0x290];
	v61 =	vadd.s32 v50, v60;
	[tilespmem:$0x11380] =	vst v62  }
0x89d: {  	v56 =	vld [tilespmem:$0x790];
	[tilespmem:$0x11180] =	vst v61  }
0x89e: {  	v49 =	vld.idx.msk [tilespmem:v23+s9+$0x0], $0xffff  }
0x89f: {  	v57 =	vld [tilespmem:$0x490]  }
0x8a0: {  	v58 =	vld [tilespmem:$0x990];
	_ =	sdelay $0x2  }
0x8a1: {  	vm1 =	veq.f32 v49, $1.000000000e+00  }
0x8a2: {  	v50 =	vsel vm1, v63, v56  }
0x8a3: {  	v59 =	vsel vm1, v57, v58;
	vm1 =	veq.f32 v49, $2.000000000e+00;
	[tilespmem:$0x10D90] =	vst v50  }
0x8a4: {  	v50 =	vshll.u32 v50, $0x6;
	[tilespmem:$0x10F90] =	vst v59;
	v61 =	vsel vm1, $0x1, v0  }
0x8a5: {  	v62 =	vld [tilespmem:$0x2A0];
	v60 =	vadd.s32 v50, v59;
	[tilespmem:$0x11390] =	vst v61  }
0x8a6: {  	v63 =	vld [tilespmem:$0x7A0];
	[tilespmem:$0x11190] =	vst v60  }
0x8a7: {  	v49 =	vld.idx.msk [tilespmem:v24+s9+$0x0], $0xffff  }
0x8a8: {  	v56 =	vld [tilespmem:$0x4A0]  }
0x8a9: {  	v57 =	vld [tilespmem:$0x9A0];
	_ =	sdelay $0x2  }
0x8aa: {  	vm1 =	veq.f32 v49, $1.000000000e+00  }
0x8ab: {  	v50 =	vsel vm1, v62, v63  }
0x8ac: {  	v58 =	vsel vm1, v56, v57;
	vm1 =	veq.f32 v49, $2.000000000e+00;
	[tilespmem:$0x10DA0] =	vst v50  }
0x8ad: {  	v50 =	vshll.u32 v50, $0x6;
	[tilespmem:$0x10FA0] =	vst v58;
	v60 =	vsel vm1, $0x1, v0  }
0x8ae: {  	v61 =	vld [tilespmem:$0x2B0];
	v59 =	vadd.s32 v50, v58;
	[tilespmem:$0x113A0] =	vst v60  }
0x8af: {  	v62 =	vld [tilespmem:$0x7B0];
	[tilespmem:$0x111A0] =	vst v59  }
0x8b0: {  	v49 =	vld.idx.msk [tilespmem:v25+s9+$0x0], $0xffff  }
0x8b1: {  	v63 =	vld [tilespmem:$0x4B0]  }
0x8b2: {  	v56 =	vld [tilespmem:$0x9B0];
	_ =	sdelay $0x2  }
0x8b3: {  	vm1 =	veq.f32 v49, $1.000000000e+00  }
0x8b4: {  	v50 =	vsel vm1, v61, v62  }
0x8b5: {  	v57 =	vsel vm1, v63, v56;
	vm1 =	veq.f32 v49, $2.000000000e+00;
	[tilespmem:$0x10DB0] =	vst v50  }
0x8b6: {  	v50 =	vshll.u32 v50, $0x6;
	[tilespmem:$0x10FB0] =	vst v57;
	v59 =	vsel vm1, $0x1, v0  }
0x8b7: {  	v60 =	vld [tilespmem:$0x2C0];
	v58 =	vadd.s32 v50, v57;
	[tilespmem:$0x113B0] =	vst v59  }
0x8b8: {  	v61 =	vld [tilespmem:$0x7C0];
	[tilespmem:$0x111B0] =	vst v58  }
0x8b9: {  	v49 =	vld.idx.msk [tilespmem:v26+s9+$0x0], $0xffff  }
0x8ba: {  	v62 =	vld [tilespmem:$0x4C0]  }
0x8bb: {  	v63 =	vld [tilespmem:$0x9C0];
	_ =	sdelay $0x2  }
0x8bc: {  	vm1 =	veq.f32 v49, $1.000000000e+00  }
0x8bd: {  	v50 =	vsel vm1, v60, v61  }
0x8be: {  	v56 =	vsel vm1, v62, v63;
	vm1 =	veq.f32 v49, $2.000000000e+00;
	[tilespmem:$0x10DC0] =	vst v50  }
0x8bf: {  	v50 =	vshll.u32 v50, $0x6;
	[tilespmem:$0x10FC0] =	vst v56;
	v58 =	vsel vm1, $0x1, v0  }
0x8c0: {  	v59 =	vld [tilespmem:$0x2D0];
	v57 =	vadd.s32 v50, v56;
	[tilespmem:$0x113C0] =	vst v58  }
0x8c1: {  	v60 =	vld [tilespmem:$0x7D0];
	[tilespmem:$0x111C0] =	vst v57  }
0x8c2: {  	v49 =	vld.idx.msk [tilespmem:v28+s9+$0x0], $0xffff  }
0x8c3: {  	v61 =	vld [tilespmem:$0x4D0]  }
0x8c4: {  	v62 =	vld [tilespmem:$0x9D0];
	_ =	sdelay $0x2  }
0x8c5: {  	vm1 =	veq.f32 v49, $1.000000000e+00  }
0x8c6: {  	v50 =	vsel vm1, v59, v60  }
0x8c7: {  	v63 =	vsel vm1, v61, v62;
	vm1 =	veq.f32 v49, $2.000000000e+00;
	[tilespmem:$0x10DD0] =	vst v50  }
0x8c8: {  	v50 =	vshll.u32 v50, $0x6;
	[tilespmem:$0x10FD0] =	vst v63;
	v55 =	vsel vm1, $0x1, v0  }
0x8c9: {  	v56 =	vld [tilespmem:$0x2E0];
	v54 =	vadd.s32 v50, v63;
	[tilespmem:$0x113D0] =	vst v55  }
0x8ca: {  	v58 =	vld [tilespmem:$0x4E0];
	[tilespmem:$0x111D0] =	vst v54  }
0x8cb: {  	v49 =	vld.idx.msk [tilespmem:v29+s9+$0x0], $0xffff  }
0x8cc: {  	v57 =	vld [tilespmem:$0x7E0]  }
0x8cd: {  	v59 =	vld [tilespmem:$0x9E0];
	_ =	sdelay $0x2  }
0x8ce: {  	vm1 =	veq.f32 v49, $1.000000000e+00  }
0x8cf: {  	v50 =	vsel vm1, v56, v57  }
0x8d0: {  	v60 =	vsel vm1, v58, v59;
	vm1 =	veq.f32 v49, $2.000000000e+00;
	[tilespmem:$0x10DE0] =	vst v50  }
0x8d1: {  	v50 =	vshll.u32 v50, $0x6;
	[tilespmem:$0x10FE0] =	vst v60;
	v62 =	vsel vm1, $0x1, v0  }
0x8d2: {  	v63 =	vld [tilespmem:$0x2F0];
	v61 =	vadd.s32 v50, v60;
	[tilespmem:$0x113E0] =	vst v62  }
0x8d3: {  	v56 =	vld [tilespmem:$0x7F0];
	[tilespmem:$0x111E0] =	vst v61  }
0x8d4: {  	v49 =	vld.idx.msk [tilespmem:v30+s9+$0x0], $0xffff  }
0x8d5: {  	v57 =	vld [tilespmem:$0x4F0]  }
0x8d6: {  	v58 =	vld [tilespmem:$0x9F0];
	_ =	sdelay $0x2  }
0x8d7: {  	vm1 =	veq.f32 v49, $1.000000000e+00  }
0x8d8: {  	v50 =	vsel vm1, v63, v56  }
0x8d9: {  	v59 =	vsel vm1, v57, v58;
	vm1 =	veq.f32 v49, $2.000000000e+00;
	[tilespmem:$0x10DF0] =	vst v50  }
0x8da: {  	v50 =	vshll.u32 v50, $0x6;
	[tilespmem:$0x10FF0] =	vst v59;
	v61 =	vsel vm1, $0x1, v0  }
0x8db: {  	v62 =	vld [tilespmem:$0x300];
	v60 =	vadd.s32 v50, v59;
	[tilespmem:$0x113F0] =	vst v61  }
0x8dc: {  	v63 =	vld [tilespmem:$0x800];
	[tilespmem:$0x111F0] =	vst v60  }
0x8dd: {  	v49 =	vld.idx.msk [tilespmem:v31+s9+$0x0], $0xffff  }
0x8de: {  	v56 =	vld [tilespmem:$0x500]  }
0x8df: {  	v57 =	vld [tilespmem:$0xA00];
	_ =	sdelay $0x2  }
0x8e0: {  	vm1 =	veq.f32 v49, $1.000000000e+00  }
0x8e1: {  	v50 =	vsel vm1, v62, v63  }
0x8e2: {  	v58 =	vsel vm1, v56, v57;
	vm1 =	veq.f32 v49, $2.000000000e+00;
	[tilespmem:$0x10E00] =	vst v50  }
0x8e3: {  	v50 =	vshll.u32 v50, $0x6;
	[tilespmem:$0x11000] =	vst v58;
	v60 =	vsel vm1, $0x1, v0  }
0x8e4: {  	v61 =	vld [tilespmem:$0x310];
	v59 =	vadd.s32 v50, v58;
	[tilespmem:$0x11400] =	vst v60  }
0x8e5: {  	v62 =	vld [tilespmem:$0x810];
	[tilespmem:$0x11200] =	vst v59  }
0x8e6: {  	v49 =	vld.idx.msk [tilespmem:v32+s9+$0x0], $0xffff  }
0x8e7: {  	v63 =	vld [tilespmem:$0x510]  }
0x8e8: {  	v56 =	vld [tilespmem:$0xA10];
	_ =	sdelay $0x2  }
0x8e9: {  	vm1 =	veq.f32 v49, $1.000000000e+00  }
0x8ea: {  	v50 =	vsel vm1, v61, v62  }
0x8eb: {  	v57 =	vsel vm1, v63, v56;
	vm1 =	veq.f32 v49, $2.000000000e+00;
	[tilespmem:$0x10E10] =	vst v50  }
0x8ec: {  	v50 =	vshll.u32 v50, $0x6;
	[tilespmem:$0x11010] =	vst v57;
	v59 =	vsel vm1, $0x1, v0  }
0x8ed: {  	v60 =	vld [tilespmem:$0x320];
	v58 =	vadd.s32 v50, v57;
	[tilespmem:$0x11410] =	vst v59  }
0x8ee: {  	v61 =	vld [tilespmem:$0x820];
	[tilespmem:$0x11210] =	vst v58  }
0x8ef: {  	v49 =	vld.idx.msk [tilespmem:v34+s9+$0x0], $0xffff  }
0x8f0: {  	v62 =	vld [tilespmem:$0x520]  }
0x8f1: {  	v63 =	vld [tilespmem:$0xA20];
	_ =	sdelay $0x2  }
0x8f2: {  	vm1 =	veq.f32 v49, $1.000000000e+00  }
0x8f3: {  	v50 =	vsel vm1, v60, v61  }
0x8f4: {  	v56 =	vsel vm1, v62, v63;
	vm1 =	veq.f32 v49, $2.000000000e+00;
	[tilespmem:$0x10E20] =	vst v50  }
0x8f5: {  	v50 =	vshll.u32 v50, $0x6;
	[tilespmem:$0x11020] =	vst v56;
	v58 =	vsel vm1, $0x1, v0  }
0x8f6: {  	v59 =	vld [tilespmem:$0x330];
	v57 =	vadd.s32 v50, v56;
	[tilespmem:$0x11420] =	vst v58  }
0x8f7: {  	v60 =	vld [tilespmem:$0x830];
	[tilespmem:$0x11220] =	vst v57  }
0x8f8: {  	v49 =	vld.idx.msk [tilespmem:v35+s9+$0x0], $0xffff  }
0x8f9: {  	v61 =	vld [tilespmem:$0x530]  }
0x8fa: {  	v62 =	vld [tilespmem:$0xA30];
	_ =	sdelay $0x2  }
0x8fb: {  	vm1 =	veq.f32 v49, $1.000000000e+00  }
0x8fc: {  	v50 =	vsel vm1, v59, v60  }
0x8fd: {  	v63 =	vsel vm1, v61, v62;
	vm1 =	veq.f32 v49, $2.000000000e+00;
	[tilespmem:$0x10E30] =	vst v50  }
0x8fe: {  	v50 =	vshll.u32 v50, $0x6;
	[tilespmem:$0x11030] =	vst v63;
	v55 =	vsel vm1, $0x1, v0  }
0x8ff: {  	v56 =	vld [tilespmem:$0x340];
	v54 =	vadd.s32 v50, v63;
	[tilespmem:$0x11430] =	vst v55  }
0x900: {  	v58 =	vld [tilespmem:$0x540];
	[tilespmem:$0x11230] =	vst v54  }
0x901: {  	v49 =	vld.idx.msk [tilespmem:v36+s9+$0x0], $0xffff  }
0x902: {  	v57 =	vld [tilespmem:$0x840]  }
0x903: {  	v59 =	vld [tilespmem:$0xA40];
	_ =	sdelay $0x2  }
0x904: {  	vm1 =	veq.f32 v49, $1.000000000e+00  }
0x905: {  	v50 =	vsel vm1, v56, v57  }
0x906: {  	v60 =	vsel vm1, v58, v59;
	vm1 =	veq.f32 v49, $2.000000000e+00;
	[tilespmem:$0x10E40] =	vst v50  }
0x907: {  	v50 =	vshll.u32 v50, $0x6;
	[tilespmem:$0x11040] =	vst v60;
	v62 =	vsel vm1, $0x1, v0  }
0x908: {  	v63 =	vld [tilespmem:$0x350];
	v61 =	vadd.s32 v50, v60;
	[tilespmem:$0x11440] =	vst v62  }
0x909: {  	v56 =	vld [tilespmem:$0x850];
	[tilespmem:$0x11240] =	vst v61  }
0x90a: {  	v49 =	vld.idx.msk [tilespmem:v37+s9+$0x0], $0xffff  }
0x90b: {  	v57 =	vld [tilespmem:$0x550]  }
0x90c: {  	v58 =	vld [tilespmem:$0xA50];
	_ =	sdelay $0x2  }
0x90d: {  	vm1 =	veq.f32 v49, $1.000000000e+00  }
0x90e: {  	v50 =	vsel vm1, v63, v56  }
0x90f: {  	v59 =	vsel vm1, v57, v58;
	vm1 =	veq.f32 v49, $2.000000000e+00;
	[tilespmem:$0x10E50] =	vst v50  }
0x910: {  	v50 =	vshll.u32 v50, $0x6;
	[tilespmem:$0x11050] =	vst v59;
	v61 =	vsel vm1, $0x1, v0  }
0x911: {  	v62 =	vld [tilespmem:$0x360];
	v60 =	vadd.s32 v50, v59;
	[tilespmem:$0x11450] =	vst v61  }
0x912: {  	v63 =	vld [tilespmem:$0x860];
	[tilespmem:$0x11250] =	vst v60  }
0x913: {  	v49 =	vld.idx.msk [tilespmem:v38+s9+$0x0], $0xffff  }
0x914: {  	v56 =	vld [tilespmem:$0x560]  }
0x915: {  	v57 =	vld [tilespmem:$0xA60];
	_ =	sdelay $0x2  }
0x916: {  	vm1 =	veq.f32 v49, $1.000000000e+00  }
0x917: {  	v50 =	vsel vm1, v62, v63  }
0x918: {  	v58 =	vsel vm1, v56, v57;
	vm1 =	veq.f32 v49, $2.000000000e+00;
	[tilespmem:$0x10E60] =	vst v50  }
0x919: {  	v50 =	vshll.u32 v50, $0x6;
	[tilespmem:$0x11060] =	vst v58;
	v60 =	vsel vm1, $0x1, v0  }
0x91a: {  	v61 =	vld [tilespmem:$0x370];
	v59 =	vadd.s32 v50, v58;
	[tilespmem:$0x11460] =	vst v60  }
0x91b: {  	v62 =	vld [tilespmem:$0x870];
	[tilespmem:$0x11260] =	vst v59  }
0x91c: {  	v49 =	vld.idx.msk [tilespmem:v40+s9+$0x0], $0xffff  }
0x91d: {  	v63 =	vld [tilespmem:$0x570]  }
0x91e: {  	v56 =	vld [tilespmem:$0xA70];
	_ =	sdelay $0x2  }
0x91f: {  	vm1 =	veq.f32 v49, $1.000000000e+00  }
0x920: {  	v50 =	vsel vm1, v61, v62  }
0x921: {  	v57 =	vsel vm1, v63, v56;
	vm1 =	veq.f32 v49, $2.000000000e+00;
	[tilespmem:$0x10E70] =	vst v50  }
0x922: {  	v50 =	vshll.u32 v50, $0x6;
	[tilespmem:$0x11070] =	vst v57;
	v59 =	vsel vm1, $0x1, v0  }
0x923: {  	v60 =	vld [tilespmem:$0x380];
	v58 =	vadd.s32 v50, v57;
	[tilespmem:$0x11470] =	vst v59  }
0x924: {  	v61 =	vld [tilespmem:$0x880];
	[tilespmem:$0x11270] =	vst v58  }
0x925: {  	v49 =	vld.idx.msk [tilespmem:v41+s9+$0x0], $0xffff  }
0x926: {  	v62 =	vld [tilespmem:$0x580]  }
0x927: {  	v63 =	vld [tilespmem:$0xA80];
	_ =	sdelay $0x2  }
0x928: {  	vm1 =	veq.f32 v49, $1.000000000e+00  }
0x929: {  	v50 =	vsel vm1, v60, v61  }
0x92a: {  	v56 =	vsel vm1, v62, v63;
	vm1 =	veq.f32 v49, $2.000000000e+00;
	[tilespmem:$0x10E80] =	vst v50  }
0x92b: {  	v50 =	vshll.u32 v50, $0x6;
	[tilespmem:$0x11080] =	vst v56;
	v58 =	vsel vm1, $0x1, v0  }
0x92c: {  	v59 =	vld [tilespmem:$0x390];
	v57 =	vadd.s32 v50, v56;
	[tilespmem:$0x11480] =	vst v58  }
0x92d: {  	v60 =	vld [tilespmem:$0x890];
	[tilespmem:$0x11280] =	vst v57  }
0x92e: {  	v49 =	vld.idx.msk [tilespmem:v42+s9+$0x0], $0xffff  }
0x92f: {  	v61 =	vld [tilespmem:$0x590]  }
0x930: {  	v62 =	vld [tilespmem:$0xA90];
	_ =	sdelay $0x2  }
0x931: {  	vm1 =	veq.f32 v49, $1.000000000e+00  }
0x932: {  	v50 =	vsel vm1, v59, v60  }
0x933: {  	v63 =	vsel vm1, v61, v62;
	vm1 =	veq.f32 v49, $2.000000000e+00;
	[tilespmem:$0x10E90] =	vst v50  }
0x934: {  	v50 =	vshll.u32 v50, $0x6;
	[tilespmem:$0x11090] =	vst v63;
	v55 =	vsel vm1, $0x1, v0  }
0x935: {  	v56 =	vld [tilespmem:$0x3A0];
	v54 =	vadd.s32 v50, v63;
	[tilespmem:$0x11490] =	vst v55  }
0x936: {  	v58 =	vld [tilespmem:$0x5A0];
	[tilespmem:$0x11290] =	vst v54  }
0x937: {  	v49 =	vld.idx.msk [tilespmem:v43+s9+$0x0], $0xffff  }
0x938: {  	v57 =	vld [tilespmem:$0x8A0]  }
0x939: {  	v59 =	vld [tilespmem:$0xAA0];
	_ =	sdelay $0x2  }
0x93a: {  	vm1 =	veq.f32 v49, $1.000000000e+00  }
0x93b: {  	v50 =	vsel vm1, v56, v57  }
0x93c: {  	v60 =	vsel vm1, v58, v59;
	vm1 =	veq.f32 v49, $2.000000000e+00;
	[tilespmem:$0x10EA0] =	vst v50  }
0x93d: {  	v50 =	vshll.u32 v50, $0x6;
	[tilespmem:$0x110A0] =	vst v60;
	v62 =	vsel vm1, $0x1, v0  }
0x93e: {  	v63 =	vld [tilespmem:$0x3B0];
	v61 =	vadd.s32 v50, v60;
	[tilespmem:$0x114A0] =	vst v62  }
0x93f: {  	v56 =	vld [tilespmem:$0x8B0];
	[tilespmem:$0x112A0] =	vst v61  }
0x940: {  	v49 =	vld.idx.msk [tilespmem:v44+s9+$0x0], $0xffff  }
0x941: {  	v57 =	vld [tilespmem:$0x5B0]  }
0x942: {  	v58 =	vld [tilespmem:$0xAB0];
	_ =	sdelay $0x2  }
0x943: {  	vm1 =	veq.f32 v49, $1.000000000e+00  }
0x944: {  	v50 =	vsel vm1, v63, v56  }
0x945: {  	v59 =	vsel vm1, v57, v58;
	vm1 =	veq.f32 v49, $2.000000000e+00;
	[tilespmem:$0x10EB0] =	vst v50  }
0x946: {  	v50 =	vshll.u32 v50, $0x6;
	[tilespmem:$0x110B0] =	vst v59;
	v61 =	vsel vm1, $0x1, v0  }
0x947: {  	v62 =	vld [tilespmem:$0x3C0];
	v60 =	vadd.s32 v50, v59;
	[tilespmem:$0x114B0] =	vst v61  }
0x948: {  	v63 =	vld [tilespmem:$0x8C0];
	[tilespmem:$0x112B0] =	vst v60  }
0x949: {  	v49 =	vld.idx.msk [tilespmem:v45+s9+$0x0], $0xffff  }
0x94a: {  	v56 =	vld [tilespmem:$0x5C0]  }
0x94b: {  	v57 =	vld [tilespmem:$0xAC0];
	_ =	sdelay $0x2  }
0x94c: {  	vm1 =	veq.f32 v49, $1.000000000e+00  }
0x94d: {  	v50 =	vsel vm1, v62, v63  }
0x94e: {  	v58 =	vsel vm1, v56, v57;
	vm1 =	veq.f32 v49, $2.000000000e+00;
	[tilespmem:$0x10EC0] =	vst v50  }
0x94f: {  	v50 =	vshll.u32 v50, $0x6;
	[tilespmem:$0x110C0] =	vst v58;
	v60 =	vsel vm1, $0x1, v0  }
0x950: {  	v61 =	vld [tilespmem:$0x3D0];
	v59 =	vadd.s32 v50, v58;
	[tilespmem:$0x114C0] =	vst v60  }
0x951: {  	v62 =	vld [tilespmem:$0x8D0];
	[tilespmem:$0x112C0] =	vst v59  }
0x952: {  	v49 =	vld.idx.msk [tilespmem:v46+s9+$0x0], $0xffff  }
0x953: {  	v63 =	vld [tilespmem:$0x5D0]  }
0x954: {  	v56 =	vld [tilespmem:$0xAD0];
	_ =	sdelay $0x2  }
0x955: {  	vm1 =	veq.f32 v49, $1.000000000e+00  }
0x956: {  	v50 =	vsel vm1, v61, v62  }
0x957: {  	v57 =	vsel vm1, v63, v56;
	vm1 =	veq.f32 v49, $2.000000000e+00;
	[tilespmem:$0x10ED0] =	vst v50  }
0x958: {  	v50 =	vshll.u32 v50, $0x6;
	[tilespmem:$0x110D0] =	vst v57;
	v59 =	vsel vm1, $0x1, v0  }
0x959: {  	v60 =	vld [tilespmem:$0x3E0];
	v58 =	vadd.s32 v50, v57;
	[tilespmem:$0x114D0] =	vst v59  }
0x95a: {  	v61 =	vld [tilespmem:$0x8E0];
	[tilespmem:$0x112D0] =	vst v58  }
0x95b: {  	v49 =	vld.idx.msk [tilespmem:v47+s9+$0x0], $0xffff  }
0x95c: {  	v62 =	vld [tilespmem:$0x5E0]  }
0x95d: {  	v63 =	vld [tilespmem:$0xAE0];
	_ =	sdelay $0x2  }
0x95e: {  	vm1 =	veq.f32 v49, $1.000000000e+00  }
0x95f: {  	v50 =	vsel vm1, v60, v61  }
0x960: {  	v54 =	vsel vm1, v62, v63;
	vm1 =	veq.f32 v49, $2.000000000e+00;
	[tilespmem:$0x10EE0] =	vst v50  }
0x961: {  	v50 =	vshll.u32 v50, $0x6;
	[tilespmem:$0x110E0] =	vst v54;
	v56 =	vsel vm1, $0x1, v0  }
0x962: {  	v57 =	vld [tilespmem:$0x3F0];
	v55 =	vadd.s32 v50, v54;
	[tilespmem:$0x114E0] =	vst v56  }
0x963: {  	v59 =	vld [tilespmem:$0x5F0];
	[tilespmem:$0x112E0] =	vst v55  }
0x964: {  	v49 =	vld.idx.msk [tilespmem:v48+s9+$0x0], $0xffff  }
0x965: {  	v58 =	vld [tilespmem:$0x8F0]  }
0x966: {  	v60 =	vld [tilespmem:$0xAF0];
	_ =	sdelay $0x2  }
0x967: {  	vm1 =	veq.f32 v49, $1.000000000e+00  }
0x968: {  	v50 =	vsel vm1, v57, v58  }
0x969: {  	v61 =	vsel vm1, v59, v60;
	vm1 =	veq.f32 v49, $2.000000000e+00;
	[tilespmem:$0x10EF0] =	vst v50  }
0x96a: {  	v50 =	vshll.u32 v50, $0x6;
	[tilespmem:$0x110F0] =	vst v61;
	v63 =	vsel vm1, $0x1, v0  }
0x96b: {  	v62 =	vadd.s32 v50, v61;
	[tilespmem:$0x114F0] =	vst v63  }
0x96c: {  	s10 =	rddreg [dreg:$0xf];
	[tilespmem:$0x112F0] =	vst v62  }
0x96d: {  	[hbm4b:s10+s2] =	stream.linear.scatter [tilespmem:s16], [sflag:$0x2], $0x200, $0x38;
	[tilespmem:$0x11500] =	vst v63  }
0x96e: {  	_ =	swait.ge [sflag:s28], $0x200  }
0x96f: {  	[sflag:s28] =	ssyncset.done $0x0  }
0x970: {  	s10 =	rddreg [dreg:$0x10];
	[sflag:s28] =	ssyncadd.s32 $0xFFFFFE00  }
0x971: {  	[hbm4b:s10+s2] =	stream.linear.scatter [tilespmem:s30], [sflag:$0x2], $0x200, $0x38;
	[tilespmem:$0x11500] =	vst v63  }
0x972: {  	_ =	swait.ge [sflag:s28], $0x200  }
0x973: {  	[sflag:s28] =	ssyncset.done $0x0  }
0x974: {  	s10 =	rddreg [dreg:$0x11];
	[sflag:s28] =	ssyncadd.s32 $0xFFFFFE00  }
0x975: {  	[hbm4b:s10+s2] =	stream.linear.scatter [tilespmem:s31], [sflag:$0x2], $0x200, $0x38;
	[tilespmem:$0x11500] =	vst v63  }
0x976: {  	_ =	swait.ge [sflag:s28], $0x200  }
0x977: {  	p0 =	sne.s32 s6, $0x1;
	[sflag:s28] =	ssyncset.done $0x0  }
.Ltmp0:
0x978: {  	s10 =	rddreg [dreg:$0x12];
	[sflag:s28] =	ssyncadd.s32 $0xFFFFFE00;
	(pc) =	sbr.rel @p0 .LBB2_1-.Ltmp0, $4  }
0x979: {  	[hbm4b:s10+s2] =	stream.linear.scatter [tilespmem:s0], [sflag:$0x2], $0x200, $0x38;
	[tilespmem:$0x11500] =	vst v63  }
0x97a: {  	_ =	swait.ge [sflag:s28], $0x200  }
0x97b: {  	[sflag:s28] =	ssyncset.done $0x0  }
0x97c: {  	s6 =	sadd.s32 $0xFFFFFFFF, s6;
	[sflag:s28] =	ssyncadd.s32 $0xFFFFFE00  }
0x97d: {  	_ =	sfence.sel $0x180000  }
0x97e: {  	[bflag:$0x0] =	sbarrier.arrive $0xFFFF  }
0x97f: {  	_ =	strace $0x90000047  }
0x980: {  	s0 =	stileid.u32;
	[bflag:$0x2] =	sbarrier.arrive $0xFFFF  }
0x981: {  	p0 =	sne.s32 s0, $0x0;
	s0 =	rddreg [dreg:$0x9]  }
0x982: {  	s0 =	sadd.s32 @!p0 $0x100000, s0  }
0x983: {  	[sflag:s0] =	ssyncadd.tile.s32 @!p0 $0x1;
	_ =	shalt  }
.Lfunc_end2:
_tile_overlayer_lowered:
.L_overlay_start_2:
0x984: {  	(tag) =	ssettag $0x2  }
0x985: {  	s0 =	rddreg [dreg:$0x0];
	s2 =	stileid.u32  }
0x986: {  	s1 =	rddreg [dreg:$0x1];
	p0 =	sne.s32 s2, $0x0  }
0x987: {  	s3 =	rddreg [dreg:$0x2];
	[bflag:$0x3] =	sbarrier.arrive $0xFFFF;
	s2 =	simm.s32 @!p0 $0x1C02  }
0x988: {  	[timem:s3], [sflag:s2] =	dma.local @!p0 [hbm:s0], s1  }
0x989: {  	s0 =	simm.s32 @!p0 $0x2  }
0x98a: {  	_ =	swait.ge @!p0 [sflag:s0], s1  }
0x98b: {  	s1 =	ssub.s32 @!p0 $0x0, s1;
	[sflag:s0] =	ssyncset.done @!p0 $0x0  }
0x98c: {  	[sflag:s0] =	ssyncadd.s32 @!p0 s1  }
0x98d: {  	[bflag:$0x3] =	sbarrier.arrive $0xFFFF  }
0x98e: {  	_ =	shalt  }

</sc_bundles>
